<compile_context>
chip_gen: v7x
topology: tpu7x:2x2x1
jax: 0.10.2.dev20260603
libtpu: 0.0.44.dev20260713+nightly
codegen_flags: <defaults>
</compile_context>

<pallas_src>
import dataclasses
import functools

import jax
import jax.numpy as jnp
from jax import lax
from jax.experimental import pallas as pl
from jax.experimental.pallas import tpu as pltpu
from jax.experimental.pallas import tpu_sc as plsc

BATCH = 16384
FIELDS = 100
EDIM = 16
EMBED = FIELDS * EDIM
K = 160
NC = 2
NS = 16
L = 16
NW = NC * NS
LANES_PER_TILE = BATCH // NW
G = 128
NGRP = LANES_PER_TILE // G
NB = 4
BAND = EMBED // NB
NBUF = 2
CHUNKS = G // L
NSLAB = NGRP * NB


def _sc_mask_copy(ev, iv):
  mesh = plsc.VectorSubcoreMesh(core_axis_name="c", subcore_axis_name="s")
  cp = pltpu.CompilerParams()
  if "needs_layout_passes" in pltpu.CompilerParams.__dataclass_fields__:
    cp = dataclasses.replace(cp, needs_layout_passes=False)

  @functools.partial(
      pl.kernel,
      compiler_params=cp,
      out_type=jax.ShapeDtypeStruct((EMBED, BATCH), jnp.float32),
      mesh=mesh,
      scratch_types=(
          [pltpu.VMEM((BAND + 1, G), jnp.float32) for _ in range(NBUF)]
          + [pltpu.VMEM((K, G), jnp.int32)]
          + [pltpu.SemaphoreType.DMA] * (2 * NBUF + 1)
      ),
  )
  def k(ev_hbm, iv_hbm, out_hbm, d0, d1, ibuf, sd0, sd1, so0, so1, si):
    dbufs = (d0, d1)
    sds, sos = (sd0, sd1), (so0, so1)
    wid = lax.axis_index("s") * NC + lax.axis_index("c")
    lane0 = wid * LANES_PER_TILE

    def slab(s):
      grp, band = s // NB, s % NB
      return lane0 + grp * G, band * BAND

    def in_copy(s, b):
      base, p0 = slab(s)
      return pltpu.make_async_copy(
          ev_hbm.at[pl.ds(p0, BAND), pl.ds(base, G)],
          dbufs[b].at[pl.ds(0, BAND)], sds[b])

    def out_copy(s, b):
      base, p0 = slab(s)
      return pltpu.make_async_copy(
          dbufs[b].at[pl.ds(0, BAND)],
          out_hbm.at[pl.ds(p0, BAND), pl.ds(base, G)], sos[b])

    def idx_copy(grp):
      return pltpu.make_async_copy(
          iv_hbm.at[:, pl.ds(lane0 + grp * G, G)], ibuf, si)

    def scatter_zeros(b, band):
      zeros = jnp.zeros((L,), jnp.float32)
      p0 = jnp.uint32(band * BAND)
      cap = jnp.uint32(BAND)
      lanes = [lax.iota(jnp.int32, L) + c * L for c in range(CHUNKS)]

      @pl.loop(0, K)
      def _(r):
        rows = [ibuf[r, pl.ds(c * L, L)] for c in range(CHUNKS)]
        us = [lax.bitcast_convert_type(rv, jnp.uint32) - p0 for rv in rows]
        for c in range(CHUNKS):
          local = lax.bitcast_convert_type(us[c], jnp.int32)
          plsc.store_scatter(dbufs[b], [local, lanes[c]], zeros,
                             mask=us[c] < cap)

    idx_copy(0).start()
    in_copy(0, 0).start()
    in_copy(1, 1).start()
    for s0 in range(0, NSLAB, NBUF):
      for b in range(NBUF):
        s = s0 + b
        in_copy(s, b).wait()
        if s % NB == 0:
          idx_copy(s // NB).wait()
        scatter_zeros(b, s % NB)
        if s % NB == NB - 1 and s // NB + 1 < NGRP:
          idx_copy(s // NB + 1).start()
        out_copy(s, b).start()
      for b in range(NBUF):
        s = s0 + b
        out_copy(s, b).wait()
        if s + NBUF < NSLAB:
          in_copy(s + NBUF, b).start()

  return k(ev, iv)


def kernel(embed, indexes, mask_num):
  del mask_num
  ev = jnp.transpose(embed, (1, 2, 0)).reshape(EMBED, BATCH)
  iv = jnp.transpose(indexes.astype(jnp.int32), (1, 0))
  ov = _sc_mask_copy(ev, iv)
  return jnp.transpose(ov.reshape(FIELDS, EDIM, BATCH), (2, 0, 1))

# --- scband reference (transcript-rebuilt; emitter-appended) ---
"""Pipeline reference for scband-basic-super-87299505259037 (READ-ONLY COPY).

The authoritative reference and input builder live on the scoring server;
editing this copy changes nothing except your own understanding.
"""

import jax, jax.numpy as jnp
import numpy as np

FIELD_NUM = 100
EMBED_DIM = 16
EMBEDDING_SIZE = FIELD_NUM * EMBED_DIM  # 1600
BATCH = 16384
MASK_NUM = 160

def setup_inputs(seed: int = 0) -> dict:
    key = jax.random.key(seed)
    k1, k2 = jax.random.split(key)
    embed = jax.random.normal(k1, (BATCH, FIELD_NUM, EMBED_DIM), dtype=jnp.float32)
    indexes = jax.random.randint(k2, (BATCH, MASK_NUM), 0, EMBEDDING_SIZE, dtype=jnp.int64 if jax.config.jax_enable_x64 else jnp.int32)
    return {"embed": embed, "indexes": indexes, "mask_num": MASK_NUM}

def reference(embed, indexes, mask_num):
    # Faithful translation of calculate_ele_input(embed, phase='random_train', mask_num):
    #   element_masks = ones(B, embedding_size); element_masks.scatter_(1, indexes, 0)
    #   element_masks = element_masks.reshape(B, field_num, -1)
    #   xe = element_masks * embed
    B = embed.shape[0]
    element_masks = jnp.ones((B, EMBEDDING_SIZE), dtype=embed.dtype)
    row_idx = jnp.arange(B)[:, None]
    # scatter-overwrite: set masked positions to 0 (duplicate indexes are fine, all write 0)
    element_masks = element_masks.at[row_idx, indexes].set(0.0)
    element_masks = element_masks.reshape(B, FIELD_NUM, -1)
    xe = element_masks * embed
    return xe

if __name__ == "__main__":
    import jax
    _d = setup_inputs()
    print(jax.jit(kernel)(*tuple(_d.values())))

</pallas_src>

<mosaic_0001>
#map = affine_map<(d0, d1) -> (0, 0)>
module attributes {stable_mosaic.version = 14 : i64} {
  func.func @k(%arg0: i32, %arg1: i32, %arg2: memref<1600x16384xf32, #tpu.memory_space<hbm>>, %arg3: memref<160x16384xi32, #tpu.memory_space<hbm>>, %arg4: memref<1600x16384xf32, #tpu.memory_space<hbm>>, %arg5: memref<401x128xf32, #tpu.memory_space<vmem>>, %arg6: memref<401x128xf32, #tpu.memory_space<vmem>>, %arg7: memref<160x128xi32, #tpu.memory_space<vmem>>, %arg8: memref<!tpu.dma_semaphore, #tpu.memory_space<semaphore_mem>>, %arg9: memref<!tpu.dma_semaphore, #tpu.memory_space<semaphore_mem>>, %arg10: memref<!tpu.dma_semaphore, #tpu.memory_space<semaphore_mem>>, %arg11: memref<!tpu.dma_semaphore, #tpu.memory_space<semaphore_mem>>, %arg12: memref<!tpu.dma_semaphore, #tpu.memory_space<semaphore_mem>>) attributes {dimension_semantics = [#tpu.dimension_semantics<core_parallel>, #tpu.dimension_semantics<subcore_parallel>], iteration_bounds = array<i64: 2, 16>, scalar_prefetch = 0 : i64, scratch_operands = 8 : i64, tpu.core_type = #tpu.core_type<sc_vector_subcore>, window_params = [{transform_indices = #map}, {transform_indices = #map}, {transform_indices = #map}]} {
    %mul3A = arith.constant 2 : i32
    %mul3A_0 = arith.muli %arg1, %mul3A : i32
    %add3A = arith.addi %mul3A_0, %arg0 : i32
    %mul3A_1 = arith.constant 512 : i32
    %mul3A_2 = arith.muli %add3A, %mul3A_1 : i32
    %add3A_3 = arith.constant 0 : i32
    %add3A_4 = arith.addi %mul3A_2, %add3A_3 : i32
    %dma_start3A = arith.constant 0 : i32
    %dma_start3A_5 = tpu.memref_slice %arg3[%dma_start3A, %add3A_4] : memref<160x16384xi32, #tpu.memory_space<hbm>> -> memref<160x128xi32, #tpu.memory_space<hbm>>
    %dma_start3A_6 = arith.constant 0 : i32
    %dma_start3A_7 = tpu.memref_slice %arg3[%dma_start3A_6, %add3A_4] : memref<160x16384xi32, #tpu.memory_space<hbm>> -> memref<160x128xi32, #tpu.memory_space<hbm>>
    tpu.enqueue_dma source(%dma_start3A_7 : memref<160x128xi32, #tpu.memory_space<hbm>>) target(%arg7 : memref<160x128xi32, #tpu.memory_space<vmem>>) target_semaphore(%arg12 : memref<!tpu.dma_semaphore, #tpu.memory_space<semaphore_mem>>)
    %add3A_8 = arith.constant 0 : i32
    %add3A_9 = arith.addi %mul3A_2, %add3A_8 : i32
    %dma_start3A_10 = arith.constant 0 : i32
    %dma_start3A_11 = arith.constant 0 : i32
    %dma_start3A_12 = tpu.memref_slice %arg5[%dma_start3A_10, %dma_start3A_11] : memref<401x128xf32, #tpu.memory_space<vmem>> -> memref<400x128xf32, #tpu.memory_space<vmem>>
    %dma_start3A_13 = arith.constant 0 : i32
    %dma_start3A_14 = tpu.memref_slice %arg2[%dma_start3A_13, %add3A_9] : memref<1600x16384xf32, #tpu.memory_space<hbm>> -> memref<400x128xf32, #tpu.memory_space<hbm>>
    %dma_start3A_15 = arith.constant 0 : i32
    %dma_start3A_16 = arith.constant 0 : i32
    %dma_start3A_17 = tpu.memref_slice %arg5[%dma_start3A_15, %dma_start3A_16] : memref<401x128xf32, #tpu.memory_space<vmem>> -> memref<400x128xf32, #tpu.memory_space<vmem>>
    %dma_start3A_18 = arith.constant 0 : i32
    %dma_start3A_19 = tpu.memref_slice %arg2[%dma_start3A_18, %add3A_9] : memref<1600x16384xf32, #tpu.memory_space<hbm>> -> memref<400x128xf32, #tpu.memory_space<hbm>>
    tpu.enqueue_dma source(%dma_start3A_19 : memref<400x128xf32, #tpu.memory_space<hbm>>) target(%dma_start3A_17 : memref<400x128xf32, #tpu.memory_space<vmem>>) target_semaphore(%arg8 : memref<!tpu.dma_semaphore, #tpu.memory_space<semaphore_mem>>)
    %add3A_20 = arith.constant 0 : i32
    %add3A_21 = arith.addi %mul3A_2, %add3A_20 : i32
    %dma_start3A_22 = arith.constant 0 : i32
    %dma_start3A_23 = arith.constant 0 : i32
    %dma_start3A_24 = tpu.memref_slice %arg6[%dma_start3A_22, %dma_start3A_23] : memref<401x128xf32, #tpu.memory_space<vmem>> -> memref<400x128xf32, #tpu.memory_space<vmem>>
    %dma_start3A_25 = arith.constant 400 : i32
    %dma_start3A_26 = tpu.memref_slice %arg2[%dma_start3A_25, %add3A_21] : memref<1600x16384xf32, #tpu.memory_space<hbm>> -> memref<400x128xf32, #tpu.memory_space<hbm>>
    %dma_start3A_27 = arith.constant 0 : i32
    %dma_start3A_28 = arith.constant 0 : i32
    %dma_start3A_29 = tpu.memref_slice %arg6[%dma_start3A_27, %dma_start3A_28] : memref<401x128xf32, #tpu.memory_space<vmem>> -> memref<400x128xf32, #tpu.memory_space<vmem>>
    %dma_start3A_30 = arith.constant 400 : i32
    %dma_start3A_31 = tpu.memref_slice %arg2[%dma_start3A_30, %add3A_21] : memref<1600x16384xf32, #tpu.memory_space<hbm>> -> memref<400x128xf32, #tpu.memory_space<hbm>>
    tpu.enqueue_dma source(%dma_start3A_31 : memref<400x128xf32, #tpu.memory_space<hbm>>) target(%dma_start3A_29 : memref<400x128xf32, #tpu.memory_space<vmem>>) target_semaphore(%arg9 : memref<!tpu.dma_semaphore, #tpu.memory_space<semaphore_mem>>)
    %add3A_32 = arith.constant 0 : i32
    %add3A_33 = arith.addi %mul3A_2, %add3A_32 : i32
    %dma_wait3A = arith.constant 0 : i32
    %dma_wait3A_34 = arith.constant 0 : i32
    %dma_wait3A_35 = tpu.memref_slice %arg5[%dma_wait3A, %dma_wait3A_34] : memref<401x128xf32, #tpu.memory_space<vmem>> -> memref<400x128xf32, #tpu.memory_space<vmem>>
    %dma_wait3A_36 = arith.constant 0 : i32
    %dma_wait3A_37 = tpu.memref_slice %arg2[%dma_wait3A_36, %add3A_33] : memref<1600x16384xf32, #tpu.memory_space<hbm>> -> memref<400x128xf32, #tpu.memory_space<hbm>>
    %dma_wait3A_38 = arith.constant 0 : i32
    %dma_wait3A_39 = arith.constant 0 : i32
    %dma_wait3A_40 = tpu.memref_slice %arg5[%dma_wait3A_38, %dma_wait3A_39] : memref<401x128xf32, #tpu.memory_space<vmem>> -> memref<400x128xf32, #tpu.memory_space<vmem>>
    %dma_wait3A_41 = arith.constant 0 : i32
    %dma_wait3A_42 = tpu.memref_slice %arg2[%dma_wait3A_41, %add3A_33] : memref<1600x16384xf32, #tpu.memory_space<hbm>> -> memref<400x128xf32, #tpu.memory_space<hbm>>
    tpu.wait_dma2 semaphore(%arg8 : memref<!tpu.dma_semaphore, #tpu.memory_space<semaphore_mem>>) src(%dma_wait3A_42 : memref<400x128xf32, #tpu.memory_space<hbm>>) dst(%dma_wait3A_40 : memref<400x128xf32, #tpu.memory_space<vmem>>)
    %add3A_43 = arith.constant 0 : i32
    %add3A_44 = arith.addi %mul3A_2, %add3A_43 : i32
    %dma_wait3A_45 = arith.constant 0 : i32
    %dma_wait3A_46 = tpu.memref_slice %arg3[%dma_wait3A_45, %add3A_44] : memref<160x16384xi32, #tpu.memory_space<hbm>> -> memref<160x128xi32, #tpu.memory_space<hbm>>
    %dma_wait3A_47 = arith.constant 0 : i32
    %dma_wait3A_48 = tpu.memref_slice %arg3[%dma_wait3A_47, %add3A_44] : memref<160x16384xi32, #tpu.memory_space<hbm>> -> memref<160x128xi32, #tpu.memory_space<hbm>>
    tpu.wait_dma2 semaphore(%arg12 : memref<!tpu.dma_semaphore, #tpu.memory_space<semaphore_mem>>) src(%dma_wait3A_48 : memref<160x128xi32, #tpu.memory_space<hbm>>) dst(%arg7 : memref<160x128xi32, #tpu.memory_space<vmem>>)
    %broadcast_in_dim3A = arith.constant 0.000000e+00 : f32
    %broadcast_in_dim3A_49 = vector.broadcast %broadcast_in_dim3A : f32 to vector<16xf32>
    %iota3A = tpu.iota {dimensions = array<i32: 0>} : vector<16xi32>
    %add3A_50 = arith.constant 0 : i32
    %add3A_51 = vector.broadcast %add3A_50 : i32 to vector<16xi32>
    %add3A_52 = arith.addi %iota3A, %add3A_51 : vector<16xi32>
    %iota3A_53 = tpu.iota {dimensions = array<i32: 0>} : vector<16xi32>
    %add3A_54 = arith.constant 16 : i32
    %add3A_55 = vector.broadcast %add3A_54 : i32 to vector<16xi32>
    %add3A_56 = arith.addi %iota3A_53, %add3A_55 : vector<16xi32>
    %iota3A_57 = tpu.iota {dimensions = array<i32: 0>} : vector<16xi32>
    %add3A_58 = arith.constant 32 : i32
    %add3A_59 = vector.broadcast %add3A_58 : i32 to vector<16xi32>
    %add3A_60 = arith.addi %iota3A_57, %add3A_59 : vector<16xi32>
    %iota3A_61 = tpu.iota {dimensions = array<i32: 0>} : vector<16xi32>
    %add3A_62 = arith.constant 48 : i32
    %add3A_63 = vector.broadcast %add3A_62 : i32 to vector<16xi32>
    %add3A_64 = arith.addi %iota3A_61, %add3A_63 : vector<16xi32>
    %iota3A_65 = tpu.iota {dimensions = array<i32: 0>} : vector<16xi32>
    %add3A_66 = arith.constant 64 : i32
    %add3A_67 = vector.broadcast %add3A_66 : i32 to vector<16xi32>
    %add3A_68 = arith.addi %iota3A_65, %add3A_67 : vector<16xi32>
    %iota3A_69 = tpu.iota {dimensions = array<i32: 0>} : vector<16xi32>
    %add3A_70 = arith.constant 80 : i32
    %add3A_71 = vector.broadcast %add3A_70 : i32 to vector<16xi32>
    %add3A_72 = arith.addi %iota3A_69, %add3A_71 : vector<16xi32>
    %iota3A_73 = tpu.iota {dimensions = array<i32: 0>} : vector<16xi32>
    %add3A_74 = arith.constant 96 : i32
    %add3A_75 = vector.broadcast %add3A_74 : i32 to vector<16xi32>
    %add3A_76 = arith.addi %iota3A_73, %add3A_75 : vector<16xi32>
    %iota3A_77 = tpu.iota {dimensions = array<i32: 0>} : vector<16xi32>
    %add3A_78 = arith.constant 112 : i32
    %add3A_79 = vector.broadcast %add3A_78 : i32 to vector<16xi32>
    %add3A_80 = arith.addi %iota3A_77, %add3A_79 : vector<16xi32>
    %scan3A = arith.constant 0 : i32
    %scan3A_81 = arith.constant 400 : i32
    %scan3A_82 = arith.constant 0 : i32
    %scan3A_83 = arith.constant 160 : i32
    %scan3A_84 = arith.addi %scan3A_82, %scan3A_83 : i32
    %scan3A_85 = arith.constant 1 : i32
    scf.for %scan3A_1470 = %scan3A_82 to %scan3A_84 step %scan3A_85  : i32 {
      %mul3A_1471 = arith.constant 1 : i32
      %mul3A_1472 = arith.muli %scan3A_1470, %mul3A_1471 : i32
      %add3A_1473 = arith.constant 0 : i32
      %add3A_1474 = arith.addi %add3A_1473, %mul3A_1472 : i32
      %get3A = arith.index_cast %add3A_1474 : i32 to index
      %get3A_1475 = arith.constant 0 : index
      %get3A_1476 = tpu.vector_load %arg7[%get3A, %get3A_1475] {strides = array<i32>} : memref<160x128xi32, #tpu.memory_space<vmem>>, vector<16xi32>,
      %get3A_1477 = arith.index_cast %add3A_1474 : i32 to index
      %get3A_1478 = arith.constant 16 : index
      %get3A_1479 = tpu.vector_load %arg7[%get3A_1477, %get3A_1478] {strides = array<i32>} : memref<160x128xi32, #tpu.memory_space<vmem>>, vector<16xi32>,
      %get3A_1480 = arith.index_cast %add3A_1474 : i32 to index
      %get3A_1481 = arith.constant 32 : index
      %get3A_1482 = tpu.vector_load %arg7[%get3A_1480, %get3A_1481] {strides = array<i32>} : memref<160x128xi32, #tpu.memory_space<vmem>>, vector<16xi32>,
      %get3A_1483 = arith.index_cast %add3A_1474 : i32 to index
      %get3A_1484 = arith.constant 48 : index
      %get3A_1485 = tpu.vector_load %arg7[%get3A_1483, %get3A_1484] {strides = array<i32>} : memref<160x128xi32, #tpu.memory_space<vmem>>, vector<16xi32>,
      %get3A_1486 = arith.index_cast %add3A_1474 : i32 to index
      %get3A_1487 = arith.constant 64 : index
      %get3A_1488 = tpu.vector_load %arg7[%get3A_1486, %get3A_1487] {strides = array<i32>} : memref<160x128xi32, #tpu.memory_space<vmem>>, vector<16xi32>,
      %get3A_1489 = arith.index_cast %add3A_1474 : i32 to index
      %get3A_1490 = arith.constant 80 : index
      %get3A_1491 = tpu.vector_load %arg7[%get3A_1489, %get3A_1490] {strides = array<i32>} : memref<160x128xi32, #tpu.memory_space<vmem>>, vector<16xi32>,
      %get3A_1492 = arith.index_cast %add3A_1474 : i32 to index
      %get3A_1493 = arith.constant 96 : index
      %get3A_1494 = tpu.vector_load %arg7[%get3A_1492, %get3A_1493] {strides = array<i32>} : memref<160x128xi32, #tpu.memory_space<vmem>>, vector<16xi32>,
      %get3A_1495 = arith.index_cast %add3A_1474 : i32 to index
      %get3A_1496 = arith.constant 112 : index
      %get3A_1497 = tpu.vector_load %arg7[%get3A_1495, %get3A_1496] {strides = array<i32>} : memref<160x128xi32, #tpu.memory_space<vmem>>, vector<16xi32>,
      %bitcast_convert_type3A = tpu.bitcast %get3A_1476 : vector<16xi32> -> vector<16xi32>
      %sub3A = vector.broadcast %scan3A : i32 to vector<16xi32>
      %sub3A_1498 = arith.subi %bitcast_convert_type3A, %sub3A : vector<16xi32>
      %bitcast_convert_type3A_1499 = tpu.bitcast %get3A_1479 : vector<16xi32> -> vector<16xi32>
      %sub3A_1500 = vector.broadcast %scan3A : i32 to vector<16xi32>
      %sub3A_1501 = arith.subi %bitcast_convert_type3A_1499, %sub3A_1500 : vector<16xi32>
      %bitcast_convert_type3A_1502 = tpu.bitcast %get3A_1482 : vector<16xi32> -> vector<16xi32>
      %sub3A_1503 = vector.broadcast %scan3A : i32 to vector<16xi32>
      %sub3A_1504 = arith.subi %bitcast_convert_type3A_1502, %sub3A_1503 : vector<16xi32>
      %bitcast_convert_type3A_1505 = tpu.bitcast %get3A_1485 : vector<16xi32> -> vector<16xi32>
      %sub3A_1506 = vector.broadcast %scan3A : i32 to vector<16xi32>
      %sub3A_1507 = arith.subi %bitcast_convert_type3A_1505, %sub3A_1506 : vector<16xi32>
      %bitcast_convert_type3A_1508 = tpu.bitcast %get3A_1488 : vector<16xi32> -> vector<16xi32>
      %sub3A_1509 = vector.broadcast %scan3A : i32 to vector<16xi32>
      %sub3A_1510 = arith.subi %bitcast_convert_type3A_1508, %sub3A_1509 : vector<16xi32>
      %bitcast_convert_type3A_1511 = tpu.bitcast %get3A_1491 : vector<16xi32> -> vector<16xi32>
      %sub3A_1512 = vector.broadcast %scan3A : i32 to vector<16xi32>
      %sub3A_1513 = arith.subi %bitcast_convert_type3A_1511, %sub3A_1512 : vector<16xi32>
      %bitcast_convert_type3A_1514 = tpu.bitcast %get3A_1494 : vector<16xi32> -> vector<16xi32>
      %sub3A_1515 = vector.broadcast %scan3A : i32 to vector<16xi32>
      %sub3A_1516 = arith.subi %bitcast_convert_type3A_1514, %sub3A_1515 : vector<16xi32>
      %bitcast_convert_type3A_1517 = tpu.bitcast %get3A_1497 : vector<16xi32> -> vector<16xi32>
      %sub3A_1518 = vector.broadcast %scan3A : i32 to vector<16xi32>
      %sub3A_1519 = arith.subi %bitcast_convert_type3A_1517, %sub3A_1518 : vector<16xi32>
      %bitcast_convert_type3A_1520 = tpu.bitcast %sub3A_1498 : vector<16xi32> -> vector<16xi32>
      %lt3A = vector.broadcast %scan3A_81 : i32 to vector<16xi32>
      %lt3A_1521 = arith.cmpi ult, %sub3A_1498, %lt3A : vector<16xi32>
      tpu.vector_store_idx %arg5[%bitcast_convert_type3A_1520, %add3A_52], %broadcast_in_dim3A_49 masked %lt3A_1521 : memref<401x128xf32, #tpu.memory_space<vmem>>[vector<16xi32>, vector<16xi32>], vector<16xf32>, vector<16xi1>
      %bitcast_convert_type3A_1522 = tpu.bitcast %sub3A_1501 : vector<16xi32> -> vector<16xi32>
      %lt3A_1523 = vector.broadcast %scan3A_81 : i32 to vector<16xi32>
      %lt3A_1524 = arith.cmpi ult, %sub3A_1501, %lt3A_1523 : vector<16xi32>
      tpu.vector_store_idx %arg5[%bitcast_convert_type3A_1522, %add3A_56], %broadcast_in_dim3A_49 masked %lt3A_1524 : memref<401x128xf32, #tpu.memory_space<vmem>>[vector<16xi32>, vector<16xi32>], vector<16xf32>, vector<16xi1>
      %bitcast_convert_type3A_1525 = tpu.bitcast %sub3A_1504 : vector<16xi32> -> vector<16xi32>
      %lt3A_1526 = vector.broadcast %scan3A_81 : i32 to vector<16xi32>
      %lt3A_1527 = arith.cmpi ult, %sub3A_1504, %lt3A_1526 : vector<16xi32>
      tpu.vector_store_idx %arg5[%bitcast_convert_type3A_1525, %add3A_60], %broadcast_in_dim3A_49 masked %lt3A_1527 : memref<401x128xf32, #tpu.memory_space<vmem>>[vector<16xi32>, vector<16xi32>], vector<16xf32>, vector<16xi1>
      %bitcast_convert_type3A_1528 = tpu.bitcast %sub3A_1507 : vector<16xi32> -> vector<16xi32>
      %lt3A_1529 = vector.broadcast %scan3A_81 : i32 to vector<16xi32>
      %lt3A_1530 = arith.cmpi ult, %sub3A_1507, %lt3A_1529 : vector<16xi32>
      tpu.vector_store_idx %arg5[%bitcast_convert_type3A_1528, %add3A_64], %broadcast_in_dim3A_49 masked %lt3A_1530 : memref<401x128xf32, #tpu.memory_space<vmem>>[vector<16xi32>, vector<16xi32>], vector<16xf32>, vector<16xi1>
      %bitcast_convert_type3A_1531 = tpu.bitcast %sub3A_1510 : vector<16xi32> -> vector<16xi32>
      %lt3A_1532 = vector.broadcast %scan3A_81 : i32 to vector<16xi32>
      %lt3A_1533 = arith.cmpi ult, %sub3A_1510, %lt3A_1532 : vector<16xi32>
      tpu.vector_store_idx %arg5[%bitcast_convert_type3A_1531, %add3A_68], %broadcast_in_dim3A_49 masked %lt3A_1533 : memref<401x128xf32, #tpu.memory_space<vmem>>[vector<16xi32>, vector<16xi32>], vector<16xf32>, vector<16xi1>
      %bitcast_convert_type3A_1534 = tpu.bitcast %sub3A_1513 : vector<16xi32> -> vector<16xi32>
      %lt3A_1535 = vector.broadcast %scan3A_81 : i32 to vector<16xi32>
      %lt3A_1536 = arith.cmpi ult, %sub3A_1513, %lt3A_1535 : vector<16xi32>
      tpu.vector_store_idx %arg5[%bitcast_convert_type3A_1534, %add3A_72], %broadcast_in_dim3A_49 masked %lt3A_1536 : memref<401x128xf32, #tpu.memory_space<vmem>>[vector<16xi32>, vector<16xi32>], vector<16xf32>, vector<16xi1>
      %bitcast_convert_type3A_1537 = tpu.bitcast %sub3A_1516 : vector<16xi32> -> vector<16xi32>
      %lt3A_1538 = vector.broadcast %scan3A_81 : i32 to vector<16xi32>
      %lt3A_1539 = arith.cmpi ult, %sub3A_1516, %lt3A_1538 : vector<16xi32>
      tpu.vector_store_idx %arg5[%bitcast_convert_type3A_1537, %add3A_76], %broadcast_in_dim3A_49 masked %lt3A_1539 : memref<401x128xf32, #tpu.memory_space<vmem>>[vector<16xi32>, vector<16xi32>], vector<16xf32>, vector<16xi1>
      %bitcast_convert_type3A_1540 = tpu.bitcast %sub3A_1519 : vector<16xi32> -> vector<16xi32>
      %lt3A_1541 = vector.broadcast %scan3A_81 : i32 to vector<16xi32>
      %lt3A_1542 = arith.cmpi ult, %sub3A_1519, %lt3A_1541 : vector<16xi32>
      tpu.vector_store_idx %arg5[%bitcast_convert_type3A_1540, %add3A_80], %broadcast_in_dim3A_49 masked %lt3A_1542 : memref<401x128xf32, #tpu.memory_space<vmem>>[vector<16xi32>, vector<16xi32>], vector<16xf32>, vector<16xi1>
    }
    %scan3A_86 = arith.constant 160 : i32
    %add3A_87 = arith.constant 0 : i32
    %add3A_88 = arith.addi %mul3A_2, %add3A_87 : i32
    %dma_start3A_89 = arith.constant 0 : i32
    %dma_start3A_90 = arith.constant 0 : i32
    %dma_start3A_91 = tpu.memref_slice %arg5[%dma_start3A_89, %dma_start3A_90] : memref<401x128xf32, #tpu.memory_space<vmem>> -> memref<400x128xf32, #tpu.memory_space<vmem>>
    %dma_start3A_92 = arith.constant 0 : i32
    %dma_start3A_93 = tpu.memref_slice %arg4[%dma_start3A_92, %add3A_88] : memref<1600x16384xf32, #tpu.memory_space<hbm>> -> memref<400x128xf32, #tpu.memory_space<hbm>>
    %dma_start3A_94 = arith.constant 0 : i32
    %dma_start3A_95 = tpu.memref_slice %arg4[%dma_start3A_94, %add3A_88] : memref<1600x16384xf32, #tpu.memory_space<hbm>> -> memref<400x128xf32, #tpu.memory_space<hbm>>
    %dma_start3A_96 = arith.constant 0 : i32
    %dma_start3A_97 = arith.constant 0 : i32
    %dma_start3A_98 = tpu.memref_slice %arg5[%dma_start3A_96, %dma_start3A_97] : memref<401x128xf32, #tpu.memory_space<vmem>> -> memref<400x128xf32, #tpu.memory_space<vmem>>
    tpu.enqueue_dma source(%dma_start3A_98 : memref<400x128xf32, #tpu.memory_space<vmem>>) target(%dma_start3A_95 : memref<400x128xf32, #tpu.memory_space<hbm>>) target_semaphore(%arg10 : memref<!tpu.dma_semaphore, #tpu.memory_space<semaphore_mem>>)
    %add3A_99 = arith.constant 0 : i32
    %add3A_100 = arith.addi %mul3A_2, %add3A_99 : i32
    %dma_wait3A_101 = arith.constant 0 : i32
    %dma_wait3A_102 = arith.constant 0 : i32
    %dma_wait3A_103 = tpu.memref_slice %arg6[%dma_wait3A_101, %dma_wait3A_102] : memref<401x128xf32, #tpu.memory_space<vmem>> -> memref<400x128xf32, #tpu.memory_space<vmem>>
    %dma_wait3A_104 = arith.constant 400 : i32
    %dma_wait3A_105 = tpu.memref_slice %arg2[%dma_wait3A_104, %add3A_100] : memref<1600x16384xf32, #tpu.memory_space<hbm>> -> memref<400x128xf32, #tpu.memory_space<hbm>>
    %dma_wait3A_106 = arith.constant 0 : i32
    %dma_wait3A_107 = arith.constant 0 : i32
    %dma_wait3A_108 = tpu.memref_slice %arg6[%dma_wait3A_106, %dma_wait3A_107] : memref<401x128xf32, #tpu.memory_space<vmem>> -> memref<400x128xf32, #tpu.memory_space<vmem>>
    %dma_wait3A_109 = arith.constant 400 : i32
    %dma_wait3A_110 = tpu.memref_slice %arg2[%dma_wait3A_109, %add3A_100] : memref<1600x16384xf32, #tpu.memory_space<hbm>> -> memref<400x128xf32, #tpu.memory_space<hbm>>
    tpu.wait_dma2 semaphore(%arg9 : memref<!tpu.dma_semaphore, #tpu.memory_space<semaphore_mem>>) src(%dma_wait3A_110 : memref<400x128xf32, #tpu.memory_space<hbm>>) dst(%dma_wait3A_108 : memref<400x128xf32, #tpu.memory_space<vmem>>)
    %broadcast_in_dim3A_111 = arith.constant 0.000000e+00 : f32
    %broadcast_in_dim3A_112 = vector.broadcast %broadcast_in_dim3A_111 : f32 to vector<16xf32>
    %iota3A_113 = tpu.iota {dimensions = array<i32: 0>} : vector<16xi32>
    %add3A_114 = arith.constant 0 : i32
    %add3A_115 = vector.broadcast %add3A_114 : i32 to vector<16xi32>
    %add3A_116 = arith.addi %iota3A_113, %add3A_115 : vector<16xi32>
    %iota3A_117 = tpu.iota {dimensions = array<i32: 0>} : vector<16xi32>
    %add3A_118 = arith.constant 16 : i32
    %add3A_119 = vector.broadcast %add3A_118 : i32 to vector<16xi32>
    %add3A_120 = arith.addi %iota3A_117, %add3A_119 : vector<16xi32>
    %iota3A_121 = tpu.iota {dimensions = array<i32: 0>} : vector<16xi32>
    %add3A_122 = arith.constant 32 : i32
    %add3A_123 = vector.broadcast %add3A_122 : i32 to vector<16xi32>
    %add3A_124 = arith.addi %iota3A_121, %add3A_123 : vector<16xi32>
    %iota3A_125 = tpu.iota {dimensions = array<i32: 0>} : vector<16xi32>
    %add3A_126 = arith.constant 48 : i32
    %add3A_127 = vector.broadcast %add3A_126 : i32 to vector<16xi32>
    %add3A_128 = arith.addi %iota3A_125, %add3A_127 : vector<16xi32>
    %iota3A_129 = tpu.iota {dimensions = array<i32: 0>} : vector<16xi32>
    %add3A_130 = arith.constant 64 : i32
    %add3A_131 = vector.broadcast %add3A_130 : i32 to vector<16xi32>
    %add3A_132 = arith.addi %iota3A_129, %add3A_131 : vector<16xi32>
    %iota3A_133 = tpu.iota {dimensions = array<i32: 0>} : vector<16xi32>
    %add3A_134 = arith.constant 80 : i32
    %add3A_135 = vector.broadcast %add3A_134 : i32 to vector<16xi32>
    %add3A_136 = arith.addi %iota3A_133, %add3A_135 : vector<16xi32>
    %iota3A_137 = tpu.iota {dimensions = array<i32: 0>} : vector<16xi32>
    %add3A_138 = arith.constant 96 : i32
    %add3A_139 = vector.broadcast %add3A_138 : i32 to vector<16xi32>
    %add3A_140 = arith.addi %iota3A_137, %add3A_139 : vector<16xi32>
    %iota3A_141 = tpu.iota {dimensions = array<i32: 0>} : vector<16xi32>
    %add3A_142 = arith.constant 112 : i32
    %add3A_143 = vector.broadcast %add3A_142 : i32 to vector<16xi32>
    %add3A_144 = arith.addi %iota3A_141, %add3A_143 : vector<16xi32>
    %scan3A_145 = arith.constant 400 : i32
    %scan3A_146 = arith.constant 400 : i32
    %scan3A_147 = arith.constant 0 : i32
    %scan3A_148 = arith.constant 160 : i32
    %scan3A_149 = arith.addi %scan3A_147, %scan3A_148 : i32
    %scan3A_150 = arith.constant 1 : i32
    scf.for %scan3A_1470 = %scan3A_147 to %scan3A_149 step %scan3A_150  : i32 {
      %mul3A_1471 = arith.constant 1 : i32
      %mul3A_1472 = arith.muli %scan3A_1470, %mul3A_1471 : i32
      %add3A_1473 = arith.constant 0 : i32
      %add3A_1474 = arith.addi %add3A_1473, %mul3A_1472 : i32
      %get3A = arith.index_cast %add3A_1474 : i32 to index
      %get3A_1475 = arith.constant 0 : index
      %get3A_1476 = tpu.vector_load %arg7[%get3A, %get3A_1475] {strides = array<i32>} : memref<160x128xi32, #tpu.memory_space<vmem>>, vector<16xi32>,
      %get3A_1477 = arith.index_cast %add3A_1474 : i32 to index
      %get3A_1478 = arith.constant 16 : index
      %get3A_1479 = tpu.vector_load %arg7[%get3A_1477, %get3A_1478] {strides = array<i32>} : memref<160x128xi32, #tpu.memory_space<vmem>>, vector<16xi32>,
      %get3A_1480 = arith.index_cast %add3A_1474 : i32 to index
      %get3A_1481 = arith.constant 32 : index
      %get3A_1482 = tpu.vector_load %arg7[%get3A_1480, %get3A_1481] {strides = array<i32>} : memref<160x128xi32, #tpu.memory_space<vmem>>, vector<16xi32>,
      %get3A_1483 = arith.index_cast %add3A_1474 : i32 to index
      %get3A_1484 = arith.constant 48 : index
      %get3A_1485 = tpu.vector_load %arg7[%get3A_1483, %get3A_1484] {strides = array<i32>} : memref<160x128xi32, #tpu.memory_space<vmem>>, vector<16xi32>,
      %get3A_1486 = arith.index_cast %add3A_1474 : i32 to index
      %get3A_1487 = arith.constant 64 : index
      %get3A_1488 = tpu.vector_load %arg7[%get3A_1486, %get3A_1487] {strides = array<i32>} : memref<160x128xi32, #tpu.memory_space<vmem>>, vector<16xi32>,
      %get3A_1489 = arith.index_cast %add3A_1474 : i32 to index
      %get3A_1490 = arith.constant 80 : index
      %get3A_1491 = tpu.vector_load %arg7[%get3A_1489, %get3A_1490] {strides = array<i32>} : memref<160x128xi32, #tpu.memory_space<vmem>>, vector<16xi32>,
      %get3A_1492 = arith.index_cast %add3A_1474 : i32 to index
      %get3A_1493 = arith.constant 96 : index
      %get3A_1494 = tpu.vector_load %arg7[%get3A_1492, %get3A_1493] {strides = array<i32>} : memref<160x128xi32, #tpu.memory_space<vmem>>, vector<16xi32>,
      %get3A_1495 = arith.index_cast %add3A_1474 : i32 to index
      %get3A_1496 = arith.constant 112 : index
      %get3A_1497 = tpu.vector_load %arg7[%get3A_1495, %get3A_1496] {strides = array<i32>} : memref<160x128xi32, #tpu.memory_space<vmem>>, vector<16xi32>,
      %bitcast_convert_type3A = tpu.bitcast %get3A_1476 : vector<16xi32> -> vector<16xi32>
      %sub3A = vector.broadcast %scan3A_145 : i32 to vector<16xi32>
      %sub3A_1498 = arith.subi %bitcast_convert_type3A, %sub3A : vector<16xi32>
      %bitcast_convert_type3A_1499 = tpu.bitcast %get3A_1479 : vector<16xi32> -> vector<16xi32>
      %sub3A_1500 = vector.broadcast %scan3A_145 : i32 to vector<16xi32>
      %sub3A_1501 = arith.subi %bitcast_convert_type3A_1499, %sub3A_1500 : vector<16xi32>
      %bitcast_convert_type3A_1502 = tpu.bitcast %get3A_1482 : vector<16xi32> -> vector<16xi32>
      %sub3A_1503 = vector.broadcast %scan3A_145 : i32 to vector<16xi32>
      %sub3A_1504 = arith.subi %bitcast_convert_type3A_1502, %sub3A_1503 : vector<16xi32>
      %bitcast_convert_type3A_1505 = tpu.bitcast %get3A_1485 : vector<16xi32> -> vector<16xi32>
      %sub3A_1506 = vector.broadcast %scan3A_145 : i32 to vector<16xi32>
      %sub3A_1507 = arith.subi %bitcast_convert_type3A_1505, %sub3A_1506 : vector<16xi32>
      %bitcast_convert_type3A_1508 = tpu.bitcast %get3A_1488 : vector<16xi32> -> vector<16xi32>
      %sub3A_1509 = vector.broadcast %scan3A_145 : i32 to vector<16xi32>
      %sub3A_1510 = arith.subi %bitcast_convert_type3A_1508, %sub3A_1509 : vector<16xi32>
      %bitcast_convert_type3A_1511 = tpu.bitcast %get3A_1491 : vector<16xi32> -> vector<16xi32>
      %sub3A_1512 = vector.broadcast %scan3A_145 : i32 to vector<16xi32>
      %sub3A_1513 = arith.subi %bitcast_convert_type3A_1511, %sub3A_1512 : vector<16xi32>
      %bitcast_convert_type3A_1514 = tpu.bitcast %get3A_1494 : vector<16xi32> -> vector<16xi32>
      %sub3A_1515 = vector.broadcast %scan3A_145 : i32 to vector<16xi32>
      %sub3A_1516 = arith.subi %bitcast_convert_type3A_1514, %sub3A_1515 : vector<16xi32>
      %bitcast_convert_type3A_1517 = tpu.bitcast %get3A_1497 : vector<16xi32> -> vector<16xi32>
      %sub3A_1518 = vector.broadcast %scan3A_145 : i32 to vector<16xi32>
      %sub3A_1519 = arith.subi %bitcast_convert_type3A_1517, %sub3A_1518 : vector<16xi32>
      %bitcast_convert_type3A_1520 = tpu.bitcast %sub3A_1498 : vector<16xi32> -> vector<16xi32>
      %lt3A = vector.broadcast %scan3A_146 : i32 to vector<16xi32>
      %lt3A_1521 = arith.cmpi ult, %sub3A_1498, %lt3A : vector<16xi32>
      tpu.vector_store_idx %arg6[%bitcast_convert_type3A_1520, %add3A_116], %broadcast_in_dim3A_112 masked %lt3A_1521 : memref<401x128xf32, #tpu.memory_space<vmem>>[vector<16xi32>, vector<16xi32>], vector<16xf32>, vector<16xi1>
      %bitcast_convert_type3A_1522 = tpu.bitcast %sub3A_1501 : vector<16xi32> -> vector<16xi32>
      %lt3A_1523 = vector.broadcast %scan3A_146 : i32 to vector<16xi32>
      %lt3A_1524 = arith.cmpi ult, %sub3A_1501, %lt3A_1523 : vector<16xi32>
      tpu.vector_store_idx %arg6[%bitcast_convert_type3A_1522, %add3A_120], %broadcast_in_dim3A_112 masked %lt3A_1524 : memref<401x128xf32, #tpu.memory_space<vmem>>[vector<16xi32>, vector<16xi32>], vector<16xf32>, vector<16xi1>
      %bitcast_convert_type3A_1525 = tpu.bitcast %sub3A_1504 : vector<16xi32> -> vector<16xi32>
      %lt3A_1526 = vector.broadcast %scan3A_146 : i32 to vector<16xi32>
      %lt3A_1527 = arith.cmpi ult, %sub3A_1504, %lt3A_1526 : vector<16xi32>
      tpu.vector_store_idx %arg6[%bitcast_convert_type3A_1525, %add3A_124], %broadcast_in_dim3A_112 masked %lt3A_1527 : memref<401x128xf32, #tpu.memory_space<vmem>>[vector<16xi32>, vector<16xi32>], vector<16xf32>, vector<16xi1>
      %bitcast_convert_type3A_1528 = tpu.bitcast %sub3A_1507 : vector<16xi32> -> vector<16xi32>
      %lt3A_1529 = vector.broadcast %scan3A_146 : i32 to vector<16xi32>
      %lt3A_1530 = arith.cmpi ult, %sub3A_1507, %lt3A_1529 : vector<16xi32>
      tpu.vector_store_idx %arg6[%bitcast_convert_type3A_1528, %add3A_128], %broadcast_in_dim3A_112 masked %lt3A_1530 : memref<401x128xf32, #tpu.memory_space<vmem>>[vector<16xi32>, vector<16xi32>], vector<16xf32>, vector<16xi1>
      %bitcast_convert_type3A_1531 = tpu.bitcast %sub3A_1510 : vector<16xi32> -> vector<16xi32>
      %lt3A_1532 = vector.broadcast %scan3A_146 : i32 to vector<16xi32>
      %lt3A_1533 = arith.cmpi ult, %sub3A_1510, %lt3A_1532 : vector<16xi32>
      tpu.vector_store_idx %arg6[%bitcast_convert_type3A_1531, %add3A_132], %broadcast_in_dim3A_112 masked %lt3A_1533 : memref<401x128xf32, #tpu.memory_space<vmem>>[vector<16xi32>, vector<16xi32>], vector<16xf32>, vector<16xi1>
      %bitcast_convert_type3A_1534 = tpu.bitcast %sub3A_1513 : vector<16xi32> -> vector<16xi32>
      %lt3A_1535 = vector.broadcast %scan3A_146 : i32 to vector<16xi32>
      %lt3A_1536 = arith.cmpi ult, %sub3A_1513, %lt3A_1535 : vector<16xi32>
      tpu.vector_store_idx %arg6[%bitcast_convert_type3A_1534, %add3A_136], %broadcast_in_dim3A_112 masked %lt3A_1536 : memref<401x128xf32, #tpu.memory_space<vmem>>[vector<16xi32>, vector<16xi32>], vector<16xf32>, vector<16xi1>
      %bitcast_convert_type3A_1537 = tpu.bitcast %sub3A_1516 : vector<16xi32> -> vector<16xi32>
      %lt3A_1538 = vector.broadcast %scan3A_146 : i32 to vector<16xi32>
      %lt3A_1539 = arith.cmpi ult, %sub3A_1516, %lt3A_1538 : vector<16xi32>
      tpu.vector_store_idx %arg6[%bitcast_convert_type3A_1537, %add3A_140], %broadcast_in_dim3A_112 masked %lt3A_1539 : memref<401x128xf32, #tpu.memory_space<vmem>>[vector<16xi32>, vector<16xi32>], vector<16xf32>, vector<16xi1>
      %bitcast_convert_type3A_1540 = tpu.bitcast %sub3A_1519 : vector<16xi32> -> vector<16xi32>
      %lt3A_1541 = vector.broadcast %scan3A_146 : i32 to vector<16xi32>
      %lt3A_1542 = arith.cmpi ult, %sub3A_1519, %lt3A_1541 : vector<16xi32>
      tpu.vector_store_idx %arg6[%bitcast_convert_type3A_1540, %add3A_144], %broadcast_in_dim3A_112 masked %lt3A_1542 : memref<401x128xf32, #tpu.memory_space<vmem>>[vector<16xi32>, vector<16xi32>], vector<16xf32>, vector<16xi1>
    }
    %scan3A_151 = arith.constant 160 : i32
    %add3A_152 = arith.constant 0 : i32
    %add3A_153 = arith.addi %mul3A_2, %add3A_152 : i32
    %dma_start3A_154 = arith.constant 0 : i32
    %dma_start3A_155 = arith.constant 0 : i32
    %dma_start3A_156 = tpu.memref_slice %arg6[%dma_start3A_154, %dma_start3A_155] : memref<401x128xf32, #tpu.memory_space<vmem>> -> memref<400x128xf32, #tpu.memory_space<vmem>>
    %dma_start3A_157 = arith.constant 400 : i32
    %dma_start3A_158 = tpu.memref_slice %arg4[%dma_start3A_157, %add3A_153] : memref<1600x16384xf32, #tpu.memory_space<hbm>> -> memref<400x128xf32, #tpu.memory_space<hbm>>
    %dma_start3A_159 = arith.constant 400 : i32
    %dma_start3A_160 = tpu.memref_slice %arg4[%dma_start3A_159, %add3A_153] : memref<1600x16384xf32, #tpu.memory_space<hbm>> -> memref<400x128xf32, #tpu.memory_space<hbm>>
    %dma_start3A_161 = arith.constant 0 : i32
    %dma_start3A_162 = arith.constant 0 : i32
    %dma_start3A_163 = tpu.memref_slice %arg6[%dma_start3A_161, %dma_start3A_162] : memref<401x128xf32, #tpu.memory_space<vmem>> -> memref<400x128xf32, #tpu.memory_space<vmem>>
    tpu.enqueue_dma source(%dma_start3A_163 : memref<400x128xf32, #tpu.memory_space<vmem>>) target(%dma_start3A_160 : memref<400x128xf32, #tpu.memory_space<hbm>>) target_semaphore(%arg11 : memref<!tpu.dma_semaphore, #tpu.memory_space<semaphore_mem>>)
    %add3A_164 = arith.constant 0 : i32
    %add3A_165 = arith.addi %mul3A_2, %add3A_164 : i32
    %dma_wait3A_166 = arith.constant 0 : i32
    %dma_wait3A_167 = arith.constant 0 : i32
    %dma_wait3A_168 = tpu.memref_slice %arg5[%dma_wait3A_166, %dma_wait3A_167] : memref<401x128xf32, #tpu.memory_space<vmem>> -> memref<400x128xf32, #tpu.memory_space<vmem>>
    %dma_wait3A_169 = arith.constant 0 : i32
    %dma_wait3A_170 = tpu.memref_slice %arg4[%dma_wait3A_169, %add3A_165] : memref<1600x16384xf32, #tpu.memory_space<hbm>> -> memref<400x128xf32, #tpu.memory_space<hbm>>
    %dma_wait3A_171 = arith.constant 0 : i32
    %dma_wait3A_172 = tpu.memref_slice %arg4[%dma_wait3A_171, %add3A_165] : memref<1600x16384xf32, #tpu.memory_space<hbm>> -> memref<400x128xf32, #tpu.memory_space<hbm>>
    %dma_wait3A_173 = arith.constant 0 : i32
    %dma_wait3A_174 = arith.constant 0 : i32
    %dma_wait3A_175 = tpu.memref_slice %arg5[%dma_wait3A_173, %dma_wait3A_174] : memref<401x128xf32, #tpu.memory_space<vmem>> -> memref<400x128xf32, #tpu.memory_space<vmem>>
    tpu.wait_dma2 semaphore(%arg10 : memref<!tpu.dma_semaphore, #tpu.memory_space<semaphore_mem>>) src(%dma_wait3A_175 : memref<400x128xf32, #tpu.memory_space<vmem>>) dst(%dma_wait3A_172 : memref<400x128xf32, #tpu.memory_space<hbm>>)
    %add3A_176 = arith.constant 0 : i32
    %add3A_177 = arith.addi %mul3A_2, %add3A_176 : i32
    %dma_start3A_178 = arith.constant 0 : i32
    %dma_start3A_179 = arith.constant 0 : i32
    %dma_start3A_180 = tpu.memref_slice %arg5[%dma_start3A_178, %dma_start3A_179] : memref<401x128xf32, #tpu.memory_space<vmem>> -> memref<400x128xf32, #tpu.memory_space<vmem>>
    %dma_start3A_181 = arith.constant 800 : i32
    %dma_start3A_182 = tpu.memref_slice %arg2[%dma_start3A_181, %add3A_177] : memref<1600x16384xf32, #tpu.memory_space<hbm>> -> memref<400x128xf32, #tpu.memory_space<hbm>>
    %dma_start3A_183 = arith.constant 0 : i32
    %dma_start3A_184 = arith.constant 0 : i32
    %dma_start3A_185 = tpu.memref_slice %arg5[%dma_start3A_183, %dma_start3A_184] : memref<401x128xf32, #tpu.memory_space<vmem>> -> memref<400x128xf32, #tpu.memory_space<vmem>>
    %dma_start3A_186 = arith.constant 800 : i32
    %dma_start3A_187 = tpu.memref_slice %arg2[%dma_start3A_186, %add3A_177] : memref<1600x16384xf32, #tpu.memory_space<hbm>> -> memref<400x128xf32, #tpu.memory_space<hbm>>
    tpu.enqueue_dma source(%dma_start3A_187 : memref<400x128xf32, #tpu.memory_space<hbm>>) target(%dma_start3A_185 : memref<400x128xf32, #tpu.memory_space<vmem>>) target_semaphore(%arg8 : memref<!tpu.dma_semaphore, #tpu.memory_space<semaphore_mem>>)
    %add3A_188 = arith.constant 0 : i32
    %add3A_189 = arith.addi %mul3A_2, %add3A_188 : i32
    %dma_wait3A_190 = arith.constant 0 : i32
    %dma_wait3A_191 = arith.constant 0 : i32
    %dma_wait3A_192 = tpu.memref_slice %arg6[%dma_wait3A_190, %dma_wait3A_191] : memref<401x128xf32, #tpu.memory_space<vmem>> -> memref<400x128xf32, #tpu.memory_space<vmem>>
    %dma_wait3A_193 = arith.constant 400 : i32
    %dma_wait3A_194 = tpu.memref_slice %arg4[%dma_wait3A_193, %add3A_189] : memref<1600x16384xf32, #tpu.memory_space<hbm>> -> memref<400x128xf32, #tpu.memory_space<hbm>>
    %dma_wait3A_195 = arith.constant 400 : i32
    %dma_wait3A_196 = tpu.memref_slice %arg4[%dma_wait3A_195, %add3A_189] : memref<1600x16384xf32, #tpu.memory_space<hbm>> -> memref<400x128xf32, #tpu.memory_space<hbm>>
    %dma_wait3A_197 = arith.constant 0 : i32
    %dma_wait3A_198 = arith.constant 0 : i32
    %dma_wait3A_199 = tpu.memref_slice %arg6[%dma_wait3A_197, %dma_wait3A_198] : memref<401x128xf32, #tpu.memory_space<vmem>> -> memref<400x128xf32, #tpu.memory_space<vmem>>
    tpu.wait_dma2 semaphore(%arg11 : memref<!tpu.dma_semaphore, #tpu.memory_space<semaphore_mem>>) src(%dma_wait3A_199 : memref<400x128xf32, #tpu.memory_space<vmem>>) dst(%dma_wait3A_196 : memref<400x128xf32, #tpu.memory_space<hbm>>)
    %add3A_200 = arith.constant 0 : i32
    %add3A_201 = arith.addi %mul3A_2, %add3A_200 : i32
    %dma_start3A_202 = arith.constant 0 : i32
    %dma_start3A_203 = arith.constant 0 : i32
    %dma_start3A_204 = tpu.memref_slice %arg6[%dma_start3A_202, %dma_start3A_203] : memref<401x128xf32, #tpu.memory_space<vmem>> -> memref<400x128xf32, #tpu.memory_space<vmem>>
    %dma_start3A_205 = arith.constant 1200 : i32
    %dma_start3A_206 = tpu.memref_slice %arg2[%dma_start3A_205, %add3A_201] : memref<1600x16384xf32, #tpu.memory_space<hbm>> -> memref<400x128xf32, #tpu.memory_space<hbm>>
    %dma_start3A_207 = arith.constant 0 : i32
    %dma_start3A_208 = arith.constant 0 : i32
    %dma_start3A_209 = tpu.memref_slice %arg6[%dma_start3A_207, %dma_start3A_208] : memref<401x128xf32, #tpu.memory_space<vmem>> -> memref<400x128xf32, #tpu.memory_space<vmem>>
    %dma_start3A_210 = arith.constant 1200 : i32
    %dma_start3A_211 = tpu.memref_slice %arg2[%dma_start3A_210, %add3A_201] : memref<1600x16384xf32, #tpu.memory_space<hbm>> -> memref<400x128xf32, #tpu.memory_space<hbm>>
    tpu.enqueue_dma source(%dma_start3A_211 : memref<400x128xf32, #tpu.memory_space<hbm>>) target(%dma_start3A_209 : memref<400x128xf32, #tpu.memory_space<vmem>>) target_semaphore(%arg9 : memref<!tpu.dma_semaphore, #tpu.memory_space<semaphore_mem>>)
    %add3A_212 = arith.constant 0 : i32
    %add3A_213 = arith.addi %mul3A_2, %add3A_212 : i32
    %dma_wait3A_214 = arith.constant 0 : i32
    %dma_wait3A_215 = arith.constant 0 : i32
    %dma_wait3A_216 = tpu.memref_slice %arg5[%dma_wait3A_214, %dma_wait3A_215] : memref<401x128xf32, #tpu.memory_space<vmem>> -> memref<400x128xf32, #tpu.memory_space<vmem>>
    %dma_wait3A_217 = arith.constant 800 : i32
    %dma_wait3A_218 = tpu.memref_slice %arg2[%dma_wait3A_217, %add3A_213] : memref<1600x16384xf32, #tpu.memory_space<hbm>> -> memref<400x128xf32, #tpu.memory_space<hbm>>
    %dma_wait3A_219 = arith.constant 0 : i32
    %dma_wait3A_220 = arith.constant 0 : i32
    %dma_wait3A_221 = tpu.memref_slice %arg5[%dma_wait3A_219, %dma_wait3A_220] : memref<401x128xf32, #tpu.memory_space<vmem>> -> memref<400x128xf32, #tpu.memory_space<vmem>>
    %dma_wait3A_222 = arith.constant 800 : i32
    %dma_wait3A_223 = tpu.memref_slice %arg2[%dma_wait3A_222, %add3A_213] : memref<1600x16384xf32, #tpu.memory_space<hbm>> -> memref<400x128xf32, #tpu.memory_space<hbm>>
    tpu.wait_dma2 semaphore(%arg8 : memref<!tpu.dma_semaphore, #tpu.memory_space<semaphore_mem>>) src(%dma_wait3A_223 : memref<400x128xf32, #tpu.memory_space<hbm>>) dst(%dma_wait3A_221 : memref<400x128xf32, #tpu.memory_space<vmem>>)
    %broadcast_in_dim3A_224 = arith.constant 0.000000e+00 : f32
    %broadcast_in_dim3A_225 = vector.broadcast %broadcast_in_dim3A_224 : f32 to vector<16xf32>
    %iota3A_226 = tpu.iota {dimensions = array<i32: 0>} : vector<16xi32>
    %add3A_227 = arith.constant 0 : i32
    %add3A_228 = vector.broadcast %add3A_227 : i32 to vector<16xi32>
    %add3A_229 = arith.addi %iota3A_226, %add3A_228 : vector<16xi32>
    %iota3A_230 = tpu.iota {dimensions = array<i32: 0>} : vector<16xi32>
    %add3A_231 = arith.constant 16 : i32
    %add3A_232 = vector.broadcast %add3A_231 : i32 to vector<16xi32>
    %add3A_233 = arith.addi %iota3A_230, %add3A_232 : vector<16xi32>
    %iota3A_234 = tpu.iota {dimensions = array<i32: 0>} : vector<16xi32>
    %add3A_235 = arith.constant 32 : i32
    %add3A_236 = vector.broadcast %add3A_235 : i32 to vector<16xi32>
    %add3A_237 = arith.addi %iota3A_234, %add3A_236 : vector<16xi32>
    %iota3A_238 = tpu.iota {dimensions = array<i32: 0>} : vector<16xi32>
    %add3A_239 = arith.constant 48 : i32
    %add3A_240 = vector.broadcast %add3A_239 : i32 to vector<16xi32>
    %add3A_241 = arith.addi %iota3A_238, %add3A_240 : vector<16xi32>
    %iota3A_242 = tpu.iota {dimensions = array<i32: 0>} : vector<16xi32>
    %add3A_243 = arith.constant 64 : i32
    %add3A_244 = vector.broadcast %add3A_243 : i32 to vector<16xi32>
    %add3A_245 = arith.addi %iota3A_242, %add3A_244 : vector<16xi32>
    %iota3A_246 = tpu.iota {dimensions = array<i32: 0>} : vector<16xi32>
    %add3A_247 = arith.constant 80 : i32
    %add3A_248 = vector.broadcast %add3A_247 : i32 to vector<16xi32>
    %add3A_249 = arith.addi %iota3A_246, %add3A_248 : vector<16xi32>
    %iota3A_250 = tpu.iota {dimensions = array<i32: 0>} : vector<16xi32>
    %add3A_251 = arith.constant 96 : i32
    %add3A_252 = vector.broadcast %add3A_251 : i32 to vector<16xi32>
    %add3A_253 = arith.addi %iota3A_250, %add3A_252 : vector<16xi32>
    %iota3A_254 = tpu.iota {dimensions = array<i32: 0>} : vector<16xi32>
    %add3A_255 = arith.constant 112 : i32
    %add3A_256 = vector.broadcast %add3A_255 : i32 to vector<16xi32>
    %add3A_257 = arith.addi %iota3A_254, %add3A_256 : vector<16xi32>
    %scan3A_258 = arith.constant 800 : i32
    %scan3A_259 = arith.constant 400 : i32
    %scan3A_260 = arith.constant 0 : i32
    %scan3A_261 = arith.constant 160 : i32
    %scan3A_262 = arith.addi %scan3A_260, %scan3A_261 : i32
    %scan3A_263 = arith.constant 1 : i32
    scf.for %scan3A_1470 = %scan3A_260 to %scan3A_262 step %scan3A_263  : i32 {
      %mul3A_1471 = arith.constant 1 : i32
      %mul3A_1472 = arith.muli %scan3A_1470, %mul3A_1471 : i32
      %add3A_1473 = arith.constant 0 : i32
      %add3A_1474 = arith.addi %add3A_1473, %mul3A_1472 : i32
      %get3A = arith.index_cast %add3A_1474 : i32 to index
      %get3A_1475 = arith.constant 0 : index
      %get3A_1476 = tpu.vector_load %arg7[%get3A, %get3A_1475] {strides = array<i32>} : memref<160x128xi32, #tpu.memory_space<vmem>>, vector<16xi32>,
      %get3A_1477 = arith.index_cast %add3A_1474 : i32 to index
      %get3A_1478 = arith.constant 16 : index
      %get3A_1479 = tpu.vector_load %arg7[%get3A_1477, %get3A_1478] {strides = array<i32>} : memref<160x128xi32, #tpu.memory_space<vmem>>, vector<16xi32>,
      %get3A_1480 = arith.index_cast %add3A_1474 : i32 to index
      %get3A_1481 = arith.constant 32 : index
      %get3A_1482 = tpu.vector_load %arg7[%get3A_1480, %get3A_1481] {strides = array<i32>} : memref<160x128xi32, #tpu.memory_space<vmem>>, vector<16xi32>,
      %get3A_1483 = arith.index_cast %add3A_1474 : i32 to index
      %get3A_1484 = arith.constant 48 : index
      %get3A_1485 = tpu.vector_load %arg7[%get3A_1483, %get3A_1484] {strides = array<i32>} : memref<160x128xi32, #tpu.memory_space<vmem>>, vector<16xi32>,
      %get3A_1486 = arith.index_cast %add3A_1474 : i32 to index
      %get3A_1487 = arith.constant 64 : index
      %get3A_1488 = tpu.vector_load %arg7[%get3A_1486, %get3A_1487] {strides = array<i32>} : memref<160x128xi32, #tpu.memory_space<vmem>>, vector<16xi32>,
      %get3A_1489 = arith.index_cast %add3A_1474 : i32 to index
      %get3A_1490 = arith.constant 80 : index
      %get3A_1491 = tpu.vector_load %arg7[%get3A_1489, %get3A_1490] {strides = array<i32>} : memref<160x128xi32, #tpu.memory_space<vmem>>, vector<16xi32>,
      %get3A_1492 = arith.index_cast %add3A_1474 : i32 to index
      %get3A_1493 = arith.constant 96 : index
      %get3A_1494 = tpu.vector_load %arg7[%get3A_1492, %get3A_1493] {strides = array<i32>} : memref<160x128xi32, #tpu.memory_space<vmem>>, vector<16xi32>,
      %get3A_1495 = arith.index_cast %add3A_1474 : i32 to index
      %get3A_1496 = arith.constant 112 : index
      %get3A_1497 = tpu.vector_load %arg7[%get3A_1495, %get3A_1496] {strides = array<i32>} : memref<160x128xi32, #tpu.memory_space<vmem>>, vector<16xi32>,
      %bitcast_convert_type3A = tpu.bitcast %get3A_1476 : vector<16xi32> -> vector<16xi32>
      %sub3A = vector.broadcast %scan3A_258 : i32 to vector<16xi32>
      %sub3A_1498 = arith.subi %bitcast_convert_type3A, %sub3A : vector<16xi32>
      %bitcast_convert_type3A_1499 = tpu.bitcast %get3A_1479 : vector<16xi32> -> vector<16xi32>
      %sub3A_1500 = vector.broadcast %scan3A_258 : i32 to vector<16xi32>
      %sub3A_1501 = arith.subi %bitcast_convert_type3A_1499, %sub3A_1500 : vector<16xi32>
      %bitcast_convert_type3A_1502 = tpu.bitcast %get3A_1482 : vector<16xi32> -> vector<16xi32>
      %sub3A_1503 = vector.broadcast %scan3A_258 : i32 to vector<16xi32>
      %sub3A_1504 = arith.subi %bitcast_convert_type3A_1502, %sub3A_1503 : vector<16xi32>
      %bitcast_convert_type3A_1505 = tpu.bitcast %get3A_1485 : vector<16xi32> -> vector<16xi32>
      %sub3A_1506 = vector.broadcast %scan3A_258 : i32 to vector<16xi32>
      %sub3A_1507 = arith.subi %bitcast_convert_type3A_1505, %sub3A_1506 : vector<16xi32>
      %bitcast_convert_type3A_1508 = tpu.bitcast %get3A_1488 : vector<16xi32> -> vector<16xi32>
      %sub3A_1509 = vector.broadcast %scan3A_258 : i32 to vector<16xi32>
      %sub3A_1510 = arith.subi %bitcast_convert_type3A_1508, %sub3A_1509 : vector<16xi32>
      %bitcast_convert_type3A_1511 = tpu.bitcast %get3A_1491 : vector<16xi32> -> vector<16xi32>
      %sub3A_1512 = vector.broadcast %scan3A_258 : i32 to vector<16xi32>
      %sub3A_1513 = arith.subi %bitcast_convert_type3A_1511, %sub3A_1512 : vector<16xi32>
      %bitcast_convert_type3A_1514 = tpu.bitcast %get3A_1494 : vector<16xi32> -> vector<16xi32>
      %sub3A_1515 = vector.broadcast %scan3A_258 : i32 to vector<16xi32>
      %sub3A_1516 = arith.subi %bitcast_convert_type3A_1514, %sub3A_1515 : vector<16xi32>
      %bitcast_convert_type3A_1517 = tpu.bitcast %get3A_1497 : vector<16xi32> -> vector<16xi32>
      %sub3A_1518 = vector.broadcast %scan3A_258 : i32 to vector<16xi32>
      %sub3A_1519 = arith.subi %bitcast_convert_type3A_1517, %sub3A_1518 : vector<16xi32>
      %bitcast_convert_type3A_1520 = tpu.bitcast %sub3A_1498 : vector<16xi32> -> vector<16xi32>
      %lt3A = vector.broadcast %scan3A_259 : i32 to vector<16xi32>
      %lt3A_1521 = arith.cmpi ult, %sub3A_1498, %lt3A : vector<16xi32>
      tpu.vector_store_idx %arg5[%bitcast_convert_type3A_1520, %add3A_229], %broadcast_in_dim3A_225 masked %lt3A_1521 : memref<401x128xf32, #tpu.memory_space<vmem>>[vector<16xi32>, vector<16xi32>], vector<16xf32>, vector<16xi1>
      %bitcast_convert_type3A_1522 = tpu.bitcast %sub3A_1501 : vector<16xi32> -> vector<16xi32>
      %lt3A_1523 = vector.broadcast %scan3A_259 : i32 to vector<16xi32>
      %lt3A_1524 = arith.cmpi ult, %sub3A_1501, %lt3A_1523 : vector<16xi32>
      tpu.vector_store_idx %arg5[%bitcast_convert_type3A_1522, %add3A_233], %broadcast_in_dim3A_225 masked %lt3A_1524 : memref<401x128xf32, #tpu.memory_space<vmem>>[vector<16xi32>, vector<16xi32>], vector<16xf32>, vector<16xi1>
      %bitcast_convert_type3A_1525 = tpu.bitcast %sub3A_1504 : vector<16xi32> -> vector<16xi32>
      %lt3A_1526 = vector.broadcast %scan3A_259 : i32 to vector<16xi32>
      %lt3A_1527 = arith.cmpi ult, %sub3A_1504, %lt3A_1526 : vector<16xi32>
      tpu.vector_store_idx %arg5[%bitcast_convert_type3A_1525, %add3A_237], %broadcast_in_dim3A_225 masked %lt3A_1527 : memref<401x128xf32, #tpu.memory_space<vmem>>[vector<16xi32>, vector<16xi32>], vector<16xf32>, vector<16xi1>
      %bitcast_convert_type3A_1528 = tpu.bitcast %sub3A_1507 : vector<16xi32> -> vector<16xi32>
      %lt3A_1529 = vector.broadcast %scan3A_259 : i32 to vector<16xi32>
      %lt3A_1530 = arith.cmpi ult, %sub3A_1507, %lt3A_1529 : vector<16xi32>
      tpu.vector_store_idx %arg5[%bitcast_convert_type3A_1528, %add3A_241], %broadcast_in_dim3A_225 masked %lt3A_1530 : memref<401x128xf32, #tpu.memory_space<vmem>>[vector<16xi32>, vector<16xi32>], vector<16xf32>, vector<16xi1>
      %bitcast_convert_type3A_1531 = tpu.bitcast %sub3A_1510 : vector<16xi32> -> vector<16xi32>
      %lt3A_1532 = vector.broadcast %scan3A_259 : i32 to vector<16xi32>
      %lt3A_1533 = arith.cmpi ult, %sub3A_1510, %lt3A_1532 : vector<16xi32>
      tpu.vector_store_idx %arg5[%bitcast_convert_type3A_1531, %add3A_245], %broadcast_in_dim3A_225 masked %lt3A_1533 : memref<401x128xf32, #tpu.memory_space<vmem>>[vector<16xi32>, vector<16xi32>], vector<16xf32>, vector<16xi1>
      %bitcast_convert_type3A_1534 = tpu.bitcast %sub3A_1513 : vector<16xi32> -> vector<16xi32>
      %lt3A_1535 = vector.broadcast %scan3A_259 : i32 to vector<16xi32>
      %lt3A_1536 = arith.cmpi ult, %sub3A_1513, %lt3A_1535 : vector<16xi32>
      tpu.vector_store_idx %arg5[%bitcast_convert_type3A_1534, %add3A_249], %broadcast_in_dim3A_225 masked %lt3A_1536 : memref<401x128xf32, #tpu.memory_space<vmem>>[vector<16xi32>, vector<16xi32>], vector<16xf32>, vector<16xi1>
      %bitcast_convert_type3A_1537 = tpu.bitcast %sub3A_1516 : vector<16xi32> -> vector<16xi32>
      %lt3A_1538 = vector.broadcast %scan3A_259 : i32 to vector<16xi32>
      %lt3A_1539 = arith.cmpi ult, %sub3A_1516, %lt3A_1538 : vector<16xi32>
      tpu.vector_store_idx %arg5[%bitcast_convert_type3A_1537, %add3A_253], %broadcast_in_dim3A_225 masked %lt3A_1539 : memref<401x128xf32, #tpu.memory_space<vmem>>[vector<16xi32>, vector<16xi32>], vector<16xf32>, vector<16xi1>
      %bitcast_convert_type3A_1540 = tpu.bitcast %sub3A_1519 : vector<16xi32> -> vector<16xi32>
      %lt3A_1541 = vector.broadcast %scan3A_259 : i32 to vector<16xi32>
      %lt3A_1542 = arith.cmpi ult, %sub3A_1519, %lt3A_1541 : vector<16xi32>
      tpu.vector_store_idx %arg5[%bitcast_convert_type3A_1540, %add3A_257], %broadcast_in_dim3A_225 masked %lt3A_1542 : memref<401x128xf32, #tpu.memory_space<vmem>>[vector<16xi32>, vector<16xi32>], vector<16xf32>, vector<16xi1>
    }
    %scan3A_264 = arith.constant 160 : i32
    %add3A_265 = arith.constant 0 : i32
    %add3A_266 = arith.addi %mul3A_2, %add3A_265 : i32
    %dma_start3A_267 = arith.constant 0 : i32
    %dma_start3A_268 = arith.constant 0 : i32
    %dma_start3A_269 = tpu.memref_slice %arg5[%dma_start3A_267, %dma_start3A_268] : memref<401x128xf32, #tpu.memory_space<vmem>> -> memref<400x128xf32, #tpu.memory_space<vmem>>
    %dma_start3A_270 = arith.constant 800 : i32
    %dma_start3A_271 = tpu.memref_slice %arg4[%dma_start3A_270, %add3A_266] : memref<1600x16384xf32, #tpu.memory_space<hbm>> -> memref<400x128xf32, #tpu.memory_space<hbm>>
    %dma_start3A_272 = arith.constant 800 : i32
    %dma_start3A_273 = tpu.memref_slice %arg4[%dma_start3A_272, %add3A_266] : memref<1600x16384xf32, #tpu.memory_space<hbm>> -> memref<400x128xf32, #tpu.memory_space<hbm>>
    %dma_start3A_274 = arith.constant 0 : i32
    %dma_start3A_275 = arith.constant 0 : i32
    %dma_start3A_276 = tpu.memref_slice %arg5[%dma_start3A_274, %dma_start3A_275] : memref<401x128xf32, #tpu.memory_space<vmem>> -> memref<400x128xf32, #tpu.memory_space<vmem>>
    tpu.enqueue_dma source(%dma_start3A_276 : memref<400x128xf32, #tpu.memory_space<vmem>>) target(%dma_start3A_273 : memref<400x128xf32, #tpu.memory_space<hbm>>) target_semaphore(%arg10 : memref<!tpu.dma_semaphore, #tpu.memory_space<semaphore_mem>>)
    %add3A_277 = arith.constant 0 : i32
    %add3A_278 = arith.addi %mul3A_2, %add3A_277 : i32
    %dma_wait3A_279 = arith.constant 0 : i32
    %dma_wait3A_280 = arith.constant 0 : i32
    %dma_wait3A_281 = tpu.memref_slice %arg6[%dma_wait3A_279, %dma_wait3A_280] : memref<401x128xf32, #tpu.memory_space<vmem>> -> memref<400x128xf32, #tpu.memory_space<vmem>>
    %dma_wait3A_282 = arith.constant 1200 : i32
    %dma_wait3A_283 = tpu.memref_slice %arg2[%dma_wait3A_282, %add3A_278] : memref<1600x16384xf32, #tpu.memory_space<hbm>> -> memref<400x128xf32, #tpu.memory_space<hbm>>
    %dma_wait3A_284 = arith.constant 0 : i32
    %dma_wait3A_285 = arith.constant 0 : i32
    %dma_wait3A_286 = tpu.memref_slice %arg6[%dma_wait3A_284, %dma_wait3A_285] : memref<401x128xf32, #tpu.memory_space<vmem>> -> memref<400x128xf32, #tpu.memory_space<vmem>>
    %dma_wait3A_287 = arith.constant 1200 : i32
    %dma_wait3A_288 = tpu.memref_slice %arg2[%dma_wait3A_287, %add3A_278] : memref<1600x16384xf32, #tpu.memory_space<hbm>> -> memref<400x128xf32, #tpu.memory_space<hbm>>
    tpu.wait_dma2 semaphore(%arg9 : memref<!tpu.dma_semaphore, #tpu.memory_space<semaphore_mem>>) src(%dma_wait3A_288 : memref<400x128xf32, #tpu.memory_space<hbm>>) dst(%dma_wait3A_286 : memref<400x128xf32, #tpu.memory_space<vmem>>)
    %broadcast_in_dim3A_289 = arith.constant 0.000000e+00 : f32
    %broadcast_in_dim3A_290 = vector.broadcast %broadcast_in_dim3A_289 : f32 to vector<16xf32>
    %iota3A_291 = tpu.iota {dimensions = array<i32: 0>} : vector<16xi32>
    %add3A_292 = arith.constant 0 : i32
    %add3A_293 = vector.broadcast %add3A_292 : i32 to vector<16xi32>
    %add3A_294 = arith.addi %iota3A_291, %add3A_293 : vector<16xi32>
    %iota3A_295 = tpu.iota {dimensions = array<i32: 0>} : vector<16xi32>
    %add3A_296 = arith.constant 16 : i32
    %add3A_297 = vector.broadcast %add3A_296 : i32 to vector<16xi32>
    %add3A_298 = arith.addi %iota3A_295, %add3A_297 : vector<16xi32>
    %iota3A_299 = tpu.iota {dimensions = array<i32: 0>} : vector<16xi32>
    %add3A_300 = arith.constant 32 : i32
    %add3A_301 = vector.broadcast %add3A_300 : i32 to vector<16xi32>
    %add3A_302 = arith.addi %iota3A_299, %add3A_301 : vector<16xi32>
    %iota3A_303 = tpu.iota {dimensions = array<i32: 0>} : vector<16xi32>
    %add3A_304 = arith.constant 48 : i32
    %add3A_305 = vector.broadcast %add3A_304 : i32 to vector<16xi32>
    %add3A_306 = arith.addi %iota3A_303, %add3A_305 : vector<16xi32>
    %iota3A_307 = tpu.iota {dimensions = array<i32: 0>} : vector<16xi32>
    %add3A_308 = arith.constant 64 : i32
    %add3A_309 = vector.broadcast %add3A_308 : i32 to vector<16xi32>
    %add3A_310 = arith.addi %iota3A_307, %add3A_309 : vector<16xi32>
    %iota3A_311 = tpu.iota {dimensions = array<i32: 0>} : vector<16xi32>
    %add3A_312 = arith.constant 80 : i32
    %add3A_313 = vector.broadcast %add3A_312 : i32 to vector<16xi32>
    %add3A_314 = arith.addi %iota3A_311, %add3A_313 : vector<16xi32>
    %iota3A_315 = tpu.iota {dimensions = array<i32: 0>} : vector<16xi32>
    %add3A_316 = arith.constant 96 : i32
    %add3A_317 = vector.broadcast %add3A_316 : i32 to vector<16xi32>
    %add3A_318 = arith.addi %iota3A_315, %add3A_317 : vector<16xi32>
    %iota3A_319 = tpu.iota {dimensions = array<i32: 0>} : vector<16xi32>
    %add3A_320 = arith.constant 112 : i32
    %add3A_321 = vector.broadcast %add3A_320 : i32 to vector<16xi32>
    %add3A_322 = arith.addi %iota3A_319, %add3A_321 : vector<16xi32>
    %scan3A_323 = arith.constant 1200 : i32
    %scan3A_324 = arith.constant 400 : i32
    %scan3A_325 = arith.constant 0 : i32
    %scan3A_326 = arith.constant 160 : i32
    %scan3A_327 = arith.addi %scan3A_325, %scan3A_326 : i32
    %scan3A_328 = arith.constant 1 : i32
    scf.for %scan3A_1470 = %scan3A_325 to %scan3A_327 step %scan3A_328  : i32 {
      %mul3A_1471 = arith.constant 1 : i32
      %mul3A_1472 = arith.muli %scan3A_1470, %mul3A_1471 : i32
      %add3A_1473 = arith.constant 0 : i32
      %add3A_1474 = arith.addi %add3A_1473, %mul3A_1472 : i32
      %get3A = arith.index_cast %add3A_1474 : i32 to index
      %get3A_1475 = arith.constant 0 : index
      %get3A_1476 = tpu.vector_load %arg7[%get3A, %get3A_1475] {strides = array<i32>} : memref<160x128xi32, #tpu.memory_space<vmem>>, vector<16xi32>,
      %get3A_1477 = arith.index_cast %add3A_1474 : i32 to index
      %get3A_1478 = arith.constant 16 : index
      %get3A_1479 = tpu.vector_load %arg7[%get3A_1477, %get3A_1478] {strides = array<i32>} : memref<160x128xi32, #tpu.memory_space<vmem>>, vector<16xi32>,
      %get3A_1480 = arith.index_cast %add3A_1474 : i32 to index
      %get3A_1481 = arith.constant 32 : index
      %get3A_1482 = tpu.vector_load %arg7[%get3A_1480, %get3A_1481] {strides = array<i32>} : memref<160x128xi32, #tpu.memory_space<vmem>>, vector<16xi32>,
      %get3A_1483 = arith.index_cast %add3A_1474 : i32 to index
      %get3A_1484 = arith.constant 48 : index
      %get3A_1485 = tpu.vector_load %arg7[%get3A_1483, %get3A_1484] {strides = array<i32>} : memref<160x128xi32, #tpu.memory_space<vmem>>, vector<16xi32>,
      %get3A_1486 = arith.index_cast %add3A_1474 : i32 to index
      %get3A_1487 = arith.constant 64 : index
      %get3A_1488 = tpu.vector_load %arg7[%get3A_1486, %get3A_1487] {strides = array<i32>} : memref<160x128xi32, #tpu.memory_space<vmem>>, vector<16xi32>,
      %get3A_1489 = arith.index_cast %add3A_1474 : i32 to index
      %get3A_1490 = arith.constant 80 : index
      %get3A_1491 = tpu.vector_load %arg7[%get3A_1489, %get3A_1490] {strides = array<i32>} : memref<160x128xi32, #tpu.memory_space<vmem>>, vector<16xi32>,
      %get3A_1492 = arith.index_cast %add3A_1474 : i32 to index
      %get3A_1493 = arith.constant 96 : index
      %get3A_1494 = tpu.vector_load %arg7[%get3A_1492, %get3A_1493] {strides = array<i32>} : memref<160x128xi32, #tpu.memory_space<vmem>>, vector<16xi32>,
      %get3A_1495 = arith.index_cast %add3A_1474 : i32 to index
      %get3A_1496 = arith.constant 112 : index
      %get3A_1497 = tpu.vector_load %arg7[%get3A_1495, %get3A_1496] {strides = array<i32>} : memref<160x128xi32, #tpu.memory_space<vmem>>, vector<16xi32>,
      %bitcast_convert_type3A = tpu.bitcast %get3A_1476 : vector<16xi32> -> vector<16xi32>
      %sub3A = vector.broadcast %scan3A_323 : i32 to vector<16xi32>
      %sub3A_1498 = arith.subi %bitcast_convert_type3A, %sub3A : vector<16xi32>
      %bitcast_convert_type3A_1499 = tpu.bitcast %get3A_1479 : vector<16xi32> -> vector<16xi32>
      %sub3A_1500 = vector.broadcast %scan3A_323 : i32 to vector<16xi32>
      %sub3A_1501 = arith.subi %bitcast_convert_type3A_1499, %sub3A_1500 : vector<16xi32>
      %bitcast_convert_type3A_1502 = tpu.bitcast %get3A_1482 : vector<16xi32> -> vector<16xi32>
      %sub3A_1503 = vector.broadcast %scan3A_323 : i32 to vector<16xi32>
      %sub3A_1504 = arith.subi %bitcast_convert_type3A_1502, %sub3A_1503 : vector<16xi32>
      %bitcast_convert_type3A_1505 = tpu.bitcast %get3A_1485 : vector<16xi32> -> vector<16xi32>
      %sub3A_1506 = vector.broadcast %scan3A_323 : i32 to vector<16xi32>
      %sub3A_1507 = arith.subi %bitcast_convert_type3A_1505, %sub3A_1506 : vector<16xi32>
      %bitcast_convert_type3A_1508 = tpu.bitcast %get3A_1488 : vector<16xi32> -> vector<16xi32>
      %sub3A_1509 = vector.broadcast %scan3A_323 : i32 to vector<16xi32>
      %sub3A_1510 = arith.subi %bitcast_convert_type3A_1508, %sub3A_1509 : vector<16xi32>
      %bitcast_convert_type3A_1511 = tpu.bitcast %get3A_1491 : vector<16xi32> -> vector<16xi32>
      %sub3A_1512 = vector.broadcast %scan3A_323 : i32 to vector<16xi32>
      %sub3A_1513 = arith.subi %bitcast_convert_type3A_1511, %sub3A_1512 : vector<16xi32>
      %bitcast_convert_type3A_1514 = tpu.bitcast %get3A_1494 : vector<16xi32> -> vector<16xi32>
      %sub3A_1515 = vector.broadcast %scan3A_323 : i32 to vector<16xi32>
      %sub3A_1516 = arith.subi %bitcast_convert_type3A_1514, %sub3A_1515 : vector<16xi32>
      %bitcast_convert_type3A_1517 = tpu.bitcast %get3A_1497 : vector<16xi32> -> vector<16xi32>
      %sub3A_1518 = vector.broadcast %scan3A_323 : i32 to vector<16xi32>
      %sub3A_1519 = arith.subi %bitcast_convert_type3A_1517, %sub3A_1518 : vector<16xi32>
      %bitcast_convert_type3A_1520 = tpu.bitcast %sub3A_1498 : vector<16xi32> -> vector<16xi32>
      %lt3A = vector.broadcast %scan3A_324 : i32 to vector<16xi32>
      %lt3A_1521 = arith.cmpi ult, %sub3A_1498, %lt3A : vector<16xi32>
      tpu.vector_store_idx %arg6[%bitcast_convert_type3A_1520, %add3A_294], %broadcast_in_dim3A_290 masked %lt3A_1521 : memref<401x128xf32, #tpu.memory_space<vmem>>[vector<16xi32>, vector<16xi32>], vector<16xf32>, vector<16xi1>
      %bitcast_convert_type3A_1522 = tpu.bitcast %sub3A_1501 : vector<16xi32> -> vector<16xi32>
      %lt3A_1523 = vector.broadcast %scan3A_324 : i32 to vector<16xi32>
      %lt3A_1524 = arith.cmpi ult, %sub3A_1501, %lt3A_1523 : vector<16xi32>
      tpu.vector_store_idx %arg6[%bitcast_convert_type3A_1522, %add3A_298], %broadcast_in_dim3A_290 masked %lt3A_1524 : memref<401x128xf32, #tpu.memory_space<vmem>>[vector<16xi32>, vector<16xi32>], vector<16xf32>, vector<16xi1>
      %bitcast_convert_type3A_1525 = tpu.bitcast %sub3A_1504 : vector<16xi32> -> vector<16xi32>
      %lt3A_1526 = vector.broadcast %scan3A_324 : i32 to vector<16xi32>
      %lt3A_1527 = arith.cmpi ult, %sub3A_1504, %lt3A_1526 : vector<16xi32>
      tpu.vector_store_idx %arg6[%bitcast_convert_type3A_1525, %add3A_302], %broadcast_in_dim3A_290 masked %lt3A_1527 : memref<401x128xf32, #tpu.memory_space<vmem>>[vector<16xi32>, vector<16xi32>], vector<16xf32>, vector<16xi1>
      %bitcast_convert_type3A_1528 = tpu.bitcast %sub3A_1507 : vector<16xi32> -> vector<16xi32>
      %lt3A_1529 = vector.broadcast %scan3A_324 : i32 to vector<16xi32>
      %lt3A_1530 = arith.cmpi ult, %sub3A_1507, %lt3A_1529 : vector<16xi32>
      tpu.vector_store_idx %arg6[%bitcast_convert_type3A_1528, %add3A_306], %broadcast_in_dim3A_290 masked %lt3A_1530 : memref<401x128xf32, #tpu.memory_space<vmem>>[vector<16xi32>, vector<16xi32>], vector<16xf32>, vector<16xi1>
      %bitcast_convert_type3A_1531 = tpu.bitcast %sub3A_1510 : vector<16xi32> -> vector<16xi32>
      %lt3A_1532 = vector.broadcast %scan3A_324 : i32 to vector<16xi32>
      %lt3A_1533 = arith.cmpi ult, %sub3A_1510, %lt3A_1532 : vector<16xi32>
      tpu.vector_store_idx %arg6[%bitcast_convert_type3A_1531, %add3A_310], %broadcast_in_dim3A_290 masked %lt3A_1533 : memref<401x128xf32, #tpu.memory_space<vmem>>[vector<16xi32>, vector<16xi32>], vector<16xf32>, vector<16xi1>
      %bitcast_convert_type3A_1534 = tpu.bitcast %sub3A_1513 : vector<16xi32> -> vector<16xi32>
      %lt3A_1535 = vector.broadcast %scan3A_324 : i32 to vector<16xi32>
      %lt3A_1536 = arith.cmpi ult, %sub3A_1513, %lt3A_1535 : vector<16xi32>
      tpu.vector_store_idx %arg6[%bitcast_convert_type3A_1534, %add3A_314], %broadcast_in_dim3A_290 masked %lt3A_1536 : memref<401x128xf32, #tpu.memory_space<vmem>>[vector<16xi32>, vector<16xi32>], vector<16xf32>, vector<16xi1>
      %bitcast_convert_type3A_1537 = tpu.bitcast %sub3A_1516 : vector<16xi32> -> vector<16xi32>
      %lt3A_1538 = vector.broadcast %scan3A_324 : i32 to vector<16xi32>
      %lt3A_1539 = arith.cmpi ult, %sub3A_1516, %lt3A_1538 : vector<16xi32>
      tpu.vector_store_idx %arg6[%bitcast_convert_type3A_1537, %add3A_318], %broadcast_in_dim3A_290 masked %lt3A_1539 : memref<401x128xf32, #tpu.memory_space<vmem>>[vector<16xi32>, vector<16xi32>], vector<16xf32>, vector<16xi1>
      %bitcast_convert_type3A_1540 = tpu.bitcast %sub3A_1519 : vector<16xi32> -> vector<16xi32>
      %lt3A_1541 = vector.broadcast %scan3A_324 : i32 to vector<16xi32>
      %lt3A_1542 = arith.cmpi ult, %sub3A_1519, %lt3A_1541 : vector<16xi32>
      tpu.vector_store_idx %arg6[%bitcast_convert_type3A_1540, %add3A_322], %broadcast_in_dim3A_290 masked %lt3A_1542 : memref<401x128xf32, #tpu.memory_space<vmem>>[vector<16xi32>, vector<16xi32>], vector<16xf32>, vector<16xi1>
    }
    %scan3A_329 = arith.constant 160 : i32
    %add3A_330 = arith.constant 128 : i32
    %add3A_331 = arith.addi %mul3A_2, %add3A_330 : i32
    %dma_start3A_332 = arith.constant 0 : i32
    %dma_start3A_333 = tpu.memref_slice %arg3[%dma_start3A_332, %add3A_331] : memref<160x16384xi32, #tpu.memory_space<hbm>> -> memref<160x128xi32, #tpu.memory_space<hbm>>
    %dma_start3A_334 = arith.constant 0 : i32
    %dma_start3A_335 = tpu.memref_slice %arg3[%dma_start3A_334, %add3A_331] : memref<160x16384xi32, #tpu.memory_space<hbm>> -> memref<160x128xi32, #tpu.memory_space<hbm>>
    tpu.enqueue_dma source(%dma_start3A_335 : memref<160x128xi32, #tpu.memory_space<hbm>>) target(%arg7 : memref<160x128xi32, #tpu.memory_space<vmem>>) target_semaphore(%arg12 : memref<!tpu.dma_semaphore, #tpu.memory_space<semaphore_mem>>)
    %add3A_336 = arith.constant 0 : i32
    %add3A_337 = arith.addi %mul3A_2, %add3A_336 : i32
    %dma_start3A_338 = arith.constant 0 : i32
    %dma_start3A_339 = arith.constant 0 : i32
    %dma_start3A_340 = tpu.memref_slice %arg6[%dma_start3A_338, %dma_start3A_339] : memref<401x128xf32, #tpu.memory_space<vmem>> -> memref<400x128xf32, #tpu.memory_space<vmem>>
    %dma_start3A_341 = arith.constant 1200 : i32
    %dma_start3A_342 = tpu.memref_slice %arg4[%dma_start3A_341, %add3A_337] : memref<1600x16384xf32, #tpu.memory_space<hbm>> -> memref<400x128xf32, #tpu.memory_space<hbm>>
    %dma_start3A_343 = arith.constant 1200 : i32
    %dma_start3A_344 = tpu.memref_slice %arg4[%dma_start3A_343, %add3A_337] : memref<1600x16384xf32, #tpu.memory_space<hbm>> -> memref<400x128xf32, #tpu.memory_space<hbm>>
    %dma_start3A_345 = arith.constant 0 : i32
    %dma_start3A_346 = arith.constant 0 : i32
    %dma_start3A_347 = tpu.memref_slice %arg6[%dma_start3A_345, %dma_start3A_346] : memref<401x128xf32, #tpu.memory_space<vmem>> -> memref<400x128xf32, #tpu.memory_space<vmem>>
    tpu.enqueue_dma source(%dma_start3A_347 : memref<400x128xf32, #tpu.memory_space<vmem>>) target(%dma_start3A_344 : memref<400x128xf32, #tpu.memory_space<hbm>>) target_semaphore(%arg11 : memref<!tpu.dma_semaphore, #tpu.memory_space<semaphore_mem>>)
    %add3A_348 = arith.constant 0 : i32
    %add3A_349 = arith.addi %mul3A_2, %add3A_348 : i32
    %dma_wait3A_350 = arith.constant 0 : i32
    %dma_wait3A_351 = arith.constant 0 : i32
    %dma_wait3A_352 = tpu.memref_slice %arg5[%dma_wait3A_350, %dma_wait3A_351] : memref<401x128xf32, #tpu.memory_space<vmem>> -> memref<400x128xf32, #tpu.memory_space<vmem>>
    %dma_wait3A_353 = arith.constant 800 : i32
    %dma_wait3A_354 = tpu.memref_slice %arg4[%dma_wait3A_353, %add3A_349] : memref<1600x16384xf32, #tpu.memory_space<hbm>> -> memref<400x128xf32, #tpu.memory_space<hbm>>
    %dma_wait3A_355 = arith.constant 800 : i32
    %dma_wait3A_356 = tpu.memref_slice %arg4[%dma_wait3A_355, %add3A_349] : memref<1600x16384xf32, #tpu.memory_space<hbm>> -> memref<400x128xf32, #tpu.memory_space<hbm>>
    %dma_wait3A_357 = arith.constant 0 : i32
    %dma_wait3A_358 = arith.constant 0 : i32
    %dma_wait3A_359 = tpu.memref_slice %arg5[%dma_wait3A_357, %dma_wait3A_358] : memref<401x128xf32, #tpu.memory_space<vmem>> -> memref<400x128xf32, #tpu.memory_space<vmem>>
    tpu.wait_dma2 semaphore(%arg10 : memref<!tpu.dma_semaphore, #tpu.memory_space<semaphore_mem>>) src(%dma_wait3A_359 : memref<400x128xf32, #tpu.memory_space<vmem>>) dst(%dma_wait3A_356 : memref<400x128xf32, #tpu.memory_space<hbm>>)
    %add3A_360 = arith.constant 128 : i32
    %add3A_361 = arith.addi %mul3A_2, %add3A_360 : i32
    %dma_start3A_362 = arith.constant 0 : i32
    %dma_start3A_363 = arith.constant 0 : i32
    %dma_start3A_364 = tpu.memref_slice %arg5[%dma_start3A_362, %dma_start3A_363] : memref<401x128xf32, #tpu.memory_space<vmem>> -> memref<400x128xf32, #tpu.memory_space<vmem>>
    %dma_start3A_365 = arith.constant 0 : i32
    %dma_start3A_366 = tpu.memref_slice %arg2[%dma_start3A_365, %add3A_361] : memref<1600x16384xf32, #tpu.memory_space<hbm>> -> memref<400x128xf32, #tpu.memory_space<hbm>>
    %dma_start3A_367 = arith.constant 0 : i32
    %dma_start3A_368 = arith.constant 0 : i32
    %dma_start3A_369 = tpu.memref_slice %arg5[%dma_start3A_367, %dma_start3A_368] : memref<401x128xf32, #tpu.memory_space<vmem>> -> memref<400x128xf32, #tpu.memory_space<vmem>>
    %dma_start3A_370 = arith.constant 0 : i32
    %dma_start3A_371 = tpu.memref_slice %arg2[%dma_start3A_370, %add3A_361] : memref<1600x16384xf32, #tpu.memory_space<hbm>> -> memref<400x128xf32, #tpu.memory_space<hbm>>
    tpu.enqueue_dma source(%dma_start3A_371 : memref<400x128xf32, #tpu.memory_space<hbm>>) target(%dma_start3A_369 : memref<400x128xf32, #tpu.memory_space<vmem>>) target_semaphore(%arg8 : memref<!tpu.dma_semaphore, #tpu.memory_space<semaphore_mem>>)
    %add3A_372 = arith.constant 0 : i32
    %add3A_373 = arith.addi %mul3A_2, %add3A_372 : i32
    %dma_wait3A_374 = arith.constant 0 : i32
    %dma_wait3A_375 = arith.constant 0 : i32
    %dma_wait3A_376 = tpu.memref_slice %arg6[%dma_wait3A_374, %dma_wait3A_375] : memref<401x128xf32, #tpu.memory_space<vmem>> -> memref<400x128xf32, #tpu.memory_space<vmem>>
    %dma_wait3A_377 = arith.constant 1200 : i32
    %dma_wait3A_378 = tpu.memref_slice %arg4[%dma_wait3A_377, %add3A_373] : memref<1600x16384xf32, #tpu.memory_space<hbm>> -> memref<400x128xf32, #tpu.memory_space<hbm>>
    %dma_wait3A_379 = arith.constant 1200 : i32
    %dma_wait3A_380 = tpu.memref_slice %arg4[%dma_wait3A_379, %add3A_373] : memref<1600x16384xf32, #tpu.memory_space<hbm>> -> memref<400x128xf32, #tpu.memory_space<hbm>>
    %dma_wait3A_381 = arith.constant 0 : i32
    %dma_wait3A_382 = arith.constant 0 : i32
    %dma_wait3A_383 = tpu.memref_slice %arg6[%dma_wait3A_381, %dma_wait3A_382] : memref<401x128xf32, #tpu.memory_space<vmem>> -> memref<400x128xf32, #tpu.memory_space<vmem>>
    tpu.wait_dma2 semaphore(%arg11 : memref<!tpu.dma_semaphore, #tpu.memory_space<semaphore_mem>>) src(%dma_wait3A_383 : memref<400x128xf32, #tpu.memory_space<vmem>>) dst(%dma_wait3A_380 : memref<400x128xf32, #tpu.memory_space<hbm>>)
    %add3A_384 = arith.constant 128 : i32
    %add3A_385 = arith.addi %mul3A_2, %add3A_384 : i32
    %dma_start3A_386 = arith.constant 0 : i32
    %dma_start3A_387 = arith.constant 0 : i32
    %dma_start3A_388 = tpu.memref_slice %arg6[%dma_start3A_386, %dma_start3A_387] : memref<401x128xf32, #tpu.memory_space<vmem>> -> memref<400x128xf32, #tpu.memory_space<vmem>>
    %dma_start3A_389 = arith.constant 400 : i32
    %dma_start3A_390 = tpu.memref_slice %arg2[%dma_start3A_389, %add3A_385] : memref<1600x16384xf32, #tpu.memory_space<hbm>> -> memref<400x128xf32, #tpu.memory_space<hbm>>
    %dma_start3A_391 = arith.constant 0 : i32
    %dma_start3A_392 = arith.constant 0 : i32
    %dma_start3A_393 = tpu.memref_slice %arg6[%dma_start3A_391, %dma_start3A_392] : memref<401x128xf32, #tpu.memory_space<vmem>> -> memref<400x128xf32, #tpu.memory_space<vmem>>
    %dma_start3A_394 = arith.constant 400 : i32
    %dma_start3A_395 = tpu.memref_slice %arg2[%dma_start3A_394, %add3A_385] : memref<1600x16384xf32, #tpu.memory_space<hbm>> -> memref<400x128xf32, #tpu.memory_space<hbm>>
    tpu.enqueue_dma source(%dma_start3A_395 : memref<400x128xf32, #tpu.memory_space<hbm>>) target(%dma_start3A_393 : memref<400x128xf32, #tpu.memory_space<vmem>>) target_semaphore(%arg9 : memref<!tpu.dma_semaphore, #tpu.memory_space<semaphore_mem>>)
    %add3A_396 = arith.constant 128 : i32
    %add3A_397 = arith.addi %mul3A_2, %add3A_396 : i32
    %dma_wait3A_398 = arith.constant 0 : i32
    %dma_wait3A_399 = arith.constant 0 : i32
    %dma_wait3A_400 = tpu.memref_slice %arg5[%dma_wait3A_398, %dma_wait3A_399] : memref<401x128xf32, #tpu.memory_space<vmem>> -> memref<400x128xf32, #tpu.memory_space<vmem>>
    %dma_wait3A_401 = arith.constant 0 : i32
    %dma_wait3A_402 = tpu.memref_slice %arg2[%dma_wait3A_401, %add3A_397] : memref<1600x16384xf32, #tpu.memory_space<hbm>> -> memref<400x128xf32, #tpu.memory_space<hbm>>
    %dma_wait3A_403 = arith.constant 0 : i32
    %dma_wait3A_404 = arith.constant 0 : i32
    %dma_wait3A_405 = tpu.memref_slice %arg5[%dma_wait3A_403, %dma_wait3A_404] : memref<401x128xf32, #tpu.memory_space<vmem>> -> memref<400x128xf32, #tpu.memory_space<vmem>>
    %dma_wait3A_406 = arith.constant 0 : i32
    %dma_wait3A_407 = tpu.memref_slice %arg2[%dma_wait3A_406, %add3A_397] : memref<1600x16384xf32, #tpu.memory_space<hbm>> -> memref<400x128xf32, #tpu.memory_space<hbm>>
    tpu.wait_dma2 semaphore(%arg8 : memref<!tpu.dma_semaphore, #tpu.memory_space<semaphore_mem>>) src(%dma_wait3A_407 : memref<400x128xf32, #tpu.memory_space<hbm>>) dst(%dma_wait3A_405 : memref<400x128xf32, #tpu.memory_space<vmem>>)
    %add3A_408 = arith.constant 128 : i32
    %add3A_409 = arith.addi %mul3A_2, %add3A_408 : i32
    %dma_wait3A_410 = arith.constant 0 : i32
    %dma_wait3A_411 = tpu.memref_slice %arg3[%dma_wait3A_410, %add3A_409] : memref<160x16384xi32, #tpu.memory_space<hbm>> -> memref<160x128xi32, #tpu.memory_space<hbm>>
    %dma_wait3A_412 = arith.constant 0 : i32
    %dma_wait3A_413 = tpu.memref_slice %arg3[%dma_wait3A_412, %add3A_409] : memref<160x16384xi32, #tpu.memory_space<hbm>> -> memref<160x128xi32, #tpu.memory_space<hbm>>
    tpu.wait_dma2 semaphore(%arg12 : memref<!tpu.dma_semaphore, #tpu.memory_space<semaphore_mem>>) src(%dma_wait3A_413 : memref<160x128xi32, #tpu.memory_space<hbm>>) dst(%arg7 : memref<160x128xi32, #tpu.memory_space<vmem>>)
    %broadcast_in_dim3A_414 = arith.constant 0.000000e+00 : f32
    %broadcast_in_dim3A_415 = vector.broadcast %broadcast_in_dim3A_414 : f32 to vector<16xf32>
    %iota3A_416 = tpu.iota {dimensions = array<i32: 0>} : vector<16xi32>
    %add3A_417 = arith.constant 0 : i32
    %add3A_418 = vector.broadcast %add3A_417 : i32 to vector<16xi32>
    %add3A_419 = arith.addi %iota3A_416, %add3A_418 : vector<16xi32>
    %iota3A_420 = tpu.iota {dimensions = array<i32: 0>} : vector<16xi32>
    %add3A_421 = arith.constant 16 : i32
    %add3A_422 = vector.broadcast %add3A_421 : i32 to vector<16xi32>
    %add3A_423 = arith.addi %iota3A_420, %add3A_422 : vector<16xi32>
    %iota3A_424 = tpu.iota {dimensions = array<i32: 0>} : vector<16xi32>
    %add3A_425 = arith.constant 32 : i32
    %add3A_426 = vector.broadcast %add3A_425 : i32 to vector<16xi32>
    %add3A_427 = arith.addi %iota3A_424, %add3A_426 : vector<16xi32>
    %iota3A_428 = tpu.iota {dimensions = array<i32: 0>} : vector<16xi32>
    %add3A_429 = arith.constant 48 : i32
    %add3A_430 = vector.broadcast %add3A_429 : i32 to vector<16xi32>
    %add3A_431 = arith.addi %iota3A_428, %add3A_430 : vector<16xi32>
    %iota3A_432 = tpu.iota {dimensions = array<i32: 0>} : vector<16xi32>
    %add3A_433 = arith.constant 64 : i32
    %add3A_434 = vector.broadcast %add3A_433 : i32 to vector<16xi32>
    %add3A_435 = arith.addi %iota3A_432, %add3A_434 : vector<16xi32>
    %iota3A_436 = tpu.iota {dimensions = array<i32: 0>} : vector<16xi32>
    %add3A_437 = arith.constant 80 : i32
    %add3A_438 = vector.broadcast %add3A_437 : i32 to vector<16xi32>
    %add3A_439 = arith.addi %iota3A_436, %add3A_438 : vector<16xi32>
    %iota3A_440 = tpu.iota {dimensions = array<i32: 0>} : vector<16xi32>
    %add3A_441 = arith.constant 96 : i32
    %add3A_442 = vector.broadcast %add3A_441 : i32 to vector<16xi32>
    %add3A_443 = arith.addi %iota3A_440, %add3A_442 : vector<16xi32>
    %iota3A_444 = tpu.iota {dimensions = array<i32: 0>} : vector<16xi32>
    %add3A_445 = arith.constant 112 : i32
    %add3A_446 = vector.broadcast %add3A_445 : i32 to vector<16xi32>
    %add3A_447 = arith.addi %iota3A_444, %add3A_446 : vector<16xi32>
    %scan3A_448 = arith.constant 0 : i32
    %scan3A_449 = arith.constant 400 : i32
    %scan3A_450 = arith.constant 0 : i32
    %scan3A_451 = arith.constant 160 : i32
    %scan3A_452 = arith.addi %scan3A_450, %scan3A_451 : i32
    %scan3A_453 = arith.constant 1 : i32
    scf.for %scan3A_1470 = %scan3A_450 to %scan3A_452 step %scan3A_453  : i32 {
      %mul3A_1471 = arith.constant 1 : i32
      %mul3A_1472 = arith.muli %scan3A_1470, %mul3A_1471 : i32
      %add3A_1473 = arith.constant 0 : i32
      %add3A_1474 = arith.addi %add3A_1473, %mul3A_1472 : i32
      %get3A = arith.index_cast %add3A_1474 : i32 to index
      %get3A_1475 = arith.constant 0 : index
      %get3A_1476 = tpu.vector_load %arg7[%get3A, %get3A_1475] {strides = array<i32>} : memref<160x128xi32, #tpu.memory_space<vmem>>, vector<16xi32>,
      %get3A_1477 = arith.index_cast %add3A_1474 : i32 to index
      %get3A_1478 = arith.constant 16 : index
      %get3A_1479 = tpu.vector_load %arg7[%get3A_1477, %get3A_1478] {strides = array<i32>} : memref<160x128xi32, #tpu.memory_space<vmem>>, vector<16xi32>,
      %get3A_1480 = arith.index_cast %add3A_1474 : i32 to index
      %get3A_1481 = arith.constant 32 : index
      %get3A_1482 = tpu.vector_load %arg7[%get3A_1480, %get3A_1481] {strides = array<i32>} : memref<160x128xi32, #tpu.memory_space<vmem>>, vector<16xi32>,
      %get3A_1483 = arith.index_cast %add3A_1474 : i32 to index
      %get3A_1484 = arith.constant 48 : index
      %get3A_1485 = tpu.vector_load %arg7[%get3A_1483, %get3A_1484] {strides = array<i32>} : memref<160x128xi32, #tpu.memory_space<vmem>>, vector<16xi32>,
      %get3A_1486 = arith.index_cast %add3A_1474 : i32 to index
      %get3A_1487 = arith.constant 64 : index
      %get3A_1488 = tpu.vector_load %arg7[%get3A_1486, %get3A_1487] {strides = array<i32>} : memref<160x128xi32, #tpu.memory_space<vmem>>, vector<16xi32>,
      %get3A_1489 = arith.index_cast %add3A_1474 : i32 to index
      %get3A_1490 = arith.constant 80 : index
      %get3A_1491 = tpu.vector_load %arg7[%get3A_1489, %get3A_1490] {strides = array<i32>} : memref<160x128xi32, #tpu.memory_space<vmem>>, vector<16xi32>,
      %get3A_1492 = arith.index_cast %add3A_1474 : i32 to index
      %get3A_1493 = arith.constant 96 : index
      %get3A_1494 = tpu.vector_load %arg7[%get3A_1492, %get3A_1493] {strides = array<i32>} : memref<160x128xi32, #tpu.memory_space<vmem>>, vector<16xi32>,
      %get3A_1495 = arith.index_cast %add3A_1474 : i32 to index
      %get3A_1496 = arith.constant 112 : index
      %get3A_1497 = tpu.vector_load %arg7[%get3A_1495, %get3A_1496] {strides = array<i32>} : memref<160x128xi32, #tpu.memory_space<vmem>>, vector<16xi32>,
      %bitcast_convert_type3A = tpu.bitcast %get3A_1476 : vector<16xi32> -> vector<16xi32>
      %sub3A = vector.broadcast %scan3A_448 : i32 to vector<16xi32>
      %sub3A_1498 = arith.subi %bitcast_convert_type3A, %sub3A : vector<16xi32>
      %bitcast_convert_type3A_1499 = tpu.bitcast %get3A_1479 : vector<16xi32> -> vector<16xi32>
      %sub3A_1500 = vector.broadcast %scan3A_448 : i32 to vector<16xi32>
      %sub3A_1501 = arith.subi %bitcast_convert_type3A_1499, %sub3A_1500 : vector<16xi32>
      %bitcast_convert_type3A_1502 = tpu.bitcast %get3A_1482 : vector<16xi32> -> vector<16xi32>
      %sub3A_1503 = vector.broadcast %scan3A_448 : i32 to vector<16xi32>
      %sub3A_1504 = arith.subi %bitcast_convert_type3A_1502, %sub3A_1503 : vector<16xi32>
      %bitcast_convert_type3A_1505 = tpu.bitcast %get3A_1485 : vector<16xi32> -> vector<16xi32>
      %sub3A_1506 = vector.broadcast %scan3A_448 : i32 to vector<16xi32>
      %sub3A_1507 = arith.subi %bitcast_convert_type3A_1505, %sub3A_1506 : vector<16xi32>
      %bitcast_convert_type3A_1508 = tpu.bitcast %get3A_1488 : vector<16xi32> -> vector<16xi32>
      %sub3A_1509 = vector.broadcast %scan3A_448 : i32 to vector<16xi32>
      %sub3A_1510 = arith.subi %bitcast_convert_type3A_1508, %sub3A_1509 : vector<16xi32>
      %bitcast_convert_type3A_1511 = tpu.bitcast %get3A_1491 : vector<16xi32> -> vector<16xi32>
      %sub3A_1512 = vector.broadcast %scan3A_448 : i32 to vector<16xi32>
      %sub3A_1513 = arith.subi %bitcast_convert_type3A_1511, %sub3A_1512 : vector<16xi32>
      %bitcast_convert_type3A_1514 = tpu.bitcast %get3A_1494 : vector<16xi32> -> vector<16xi32>
      %sub3A_1515 = vector.broadcast %scan3A_448 : i32 to vector<16xi32>
      %sub3A_1516 = arith.subi %bitcast_convert_type3A_1514, %sub3A_1515 : vector<16xi32>
      %bitcast_convert_type3A_1517 = tpu.bitcast %get3A_1497 : vector<16xi32> -> vector<16xi32>
      %sub3A_1518 = vector.broadcast %scan3A_448 : i32 to vector<16xi32>
      %sub3A_1519 = arith.subi %bitcast_convert_type3A_1517, %sub3A_1518 : vector<16xi32>
      %bitcast_convert_type3A_1520 = tpu.bitcast %sub3A_1498 : vector<16xi32> -> vector<16xi32>
      %lt3A = vector.broadcast %scan3A_449 : i32 to vector<16xi32>
      %lt3A_1521 = arith.cmpi ult, %sub3A_1498, %lt3A : vector<16xi32>
      tpu.vector_store_idx %arg5[%bitcast_convert_type3A_1520, %add3A_419], %broadcast_in_dim3A_415 masked %lt3A_1521 : memref<401x128xf32, #tpu.memory_space<vmem>>[vector<16xi32>, vector<16xi32>], vector<16xf32>, vector<16xi1>
      %bitcast_convert_type3A_1522 = tpu.bitcast %sub3A_1501 : vector<16xi32> -> vector<16xi32>
      %lt3A_1523 = vector.broadcast %scan3A_449 : i32 to vector<16xi32>
      %lt3A_1524 = arith.cmpi ult, %sub3A_1501, %lt3A_1523 : vector<16xi32>
      tpu.vector_store_idx %arg5[%bitcast_convert_type3A_1522, %add3A_423], %broadcast_in_dim3A_415 masked %lt3A_1524 : memref<401x128xf32, #tpu.memory_space<vmem>>[vector<16xi32>, vector<16xi32>], vector<16xf32>, vector<16xi1>
      %bitcast_convert_type3A_1525 = tpu.bitcast %sub3A_1504 : vector<16xi32> -> vector<16xi32>
      %lt3A_1526 = vector.broadcast %scan3A_449 : i32 to vector<16xi32>
      %lt3A_1527 = arith.cmpi ult, %sub3A_1504, %lt3A_1526 : vector<16xi32>
      tpu.vector_store_idx %arg5[%bitcast_convert_type3A_1525, %add3A_427], %broadcast_in_dim3A_415 masked %lt3A_1527 : memref<401x128xf32, #tpu.memory_space<vmem>>[vector<16xi32>, vector<16xi32>], vector<16xf32>, vector<16xi1>
      %bitcast_convert_type3A_1528 = tpu.bitcast %sub3A_1507 : vector<16xi32> -> vector<16xi32>
      %lt3A_1529 = vector.broadcast %scan3A_449 : i32 to vector<16xi32>
      %lt3A_1530 = arith.cmpi ult, %sub3A_1507, %lt3A_1529 : vector<16xi32>
      tpu.vector_store_idx %arg5[%bitcast_convert_type3A_1528, %add3A_431], %broadcast_in_dim3A_415 masked %lt3A_1530 : memref<401x128xf32, #tpu.memory_space<vmem>>[vector<16xi32>, vector<16xi32>], vector<16xf32>, vector<16xi1>
      %bitcast_convert_type3A_1531 = tpu.bitcast %sub3A_1510 : vector<16xi32> -> vector<16xi32>
      %lt3A_1532 = vector.broadcast %scan3A_449 : i32 to vector<16xi32>
      %lt3A_1533 = arith.cmpi ult, %sub3A_1510, %lt3A_1532 : vector<16xi32>
      tpu.vector_store_idx %arg5[%bitcast_convert_type3A_1531, %add3A_435], %broadcast_in_dim3A_415 masked %lt3A_1533 : memref<401x128xf32, #tpu.memory_space<vmem>>[vector<16xi32>, vector<16xi32>], vector<16xf32>, vector<16xi1>
      %bitcast_convert_type3A_1534 = tpu.bitcast %sub3A_1513 : vector<16xi32> -> vector<16xi32>
      %lt3A_1535 = vector.broadcast %scan3A_449 : i32 to vector<16xi32>
      %lt3A_1536 = arith.cmpi ult, %sub3A_1513, %lt3A_1535 : vector<16xi32>
      tpu.vector_store_idx %arg5[%bitcast_convert_type3A_1534, %add3A_439], %broadcast_in_dim3A_415 masked %lt3A_1536 : memref<401x128xf32, #tpu.memory_space<vmem>>[vector<16xi32>, vector<16xi32>], vector<16xf32>, vector<16xi1>
      %bitcast_convert_type3A_1537 = tpu.bitcast %sub3A_1516 : vector<16xi32> -> vector<16xi32>
      %lt3A_1538 = vector.broadcast %scan3A_449 : i32 to vector<16xi32>
      %lt3A_1539 = arith.cmpi ult, %sub3A_1516, %lt3A_1538 : vector<16xi32>
      tpu.vector_store_idx %arg5[%bitcast_convert_type3A_1537, %add3A_443], %broadcast_in_dim3A_415 masked %lt3A_1539 : memref<401x128xf32, #tpu.memory_space<vmem>>[vector<16xi32>, vector<16xi32>], vector<16xf32>, vector<16xi1>
      %bitcast_convert_type3A_1540 = tpu.bitcast %sub3A_1519 : vector<16xi32> -> vector<16xi32>
      %lt3A_1541 = vector.broadcast %scan3A_449 : i32 to vector<16xi32>
      %lt3A_1542 = arith.cmpi ult, %sub3A_1519, %lt3A_1541 : vector<16xi32>
      tpu.vector_store_idx %arg5[%bitcast_convert_type3A_1540, %add3A_447], %broadcast_in_dim3A_415 masked %lt3A_1542 : memref<401x128xf32, #tpu.memory_space<vmem>>[vector<16xi32>, vector<16xi32>], vector<16xf32>, vector<16xi1>
    }
    %scan3A_454 = arith.constant 160 : i32
    %add3A_455 = arith.constant 128 : i32
    %add3A_456 = arith.addi %mul3A_2, %add3A_455 : i32
    %dma_start3A_457 = arith.constant 0 : i32
    %dma_start3A_458 = arith.constant 0 : i32
    %dma_start3A_459 = tpu.memref_slice %arg5[%dma_start3A_457, %dma_start3A_458] : memref<401x128xf32, #tpu.memory_space<vmem>> -> memref<400x128xf32, #tpu.memory_space<vmem>>
    %dma_start3A_460 = arith.constant 0 : i32
    %dma_start3A_461 = tpu.memref_slice %arg4[%dma_start3A_460, %add3A_456] : memref<1600x16384xf32, #tpu.memory_space<hbm>> -> memref<400x128xf32, #tpu.memory_space<hbm>>
    %dma_start3A_462 = arith.constant 0 : i32
    %dma_start3A_463 = tpu.memref_slice %arg4[%dma_start3A_462, %add3A_456] : memref<1600x16384xf32, #tpu.memory_space<hbm>> -> memref<400x128xf32, #tpu.memory_space<hbm>>
    %dma_start3A_464 = arith.constant 0 : i32
    %dma_start3A_465 = arith.constant 0 : i32
    %dma_start3A_466 = tpu.memref_slice %arg5[%dma_start3A_464, %dma_start3A_465] : memref<401x128xf32, #tpu.memory_space<vmem>> -> memref<400x128xf32, #tpu.memory_space<vmem>>
    tpu.enqueue_dma source(%dma_start3A_466 : memref<400x128xf32, #tpu.memory_space<vmem>>) target(%dma_start3A_463 : memref<400x128xf32, #tpu.memory_space<hbm>>) target_semaphore(%arg10 : memref<!tpu.dma_semaphore, #tpu.memory_space<semaphore_mem>>)
    %add3A_467 = arith.constant 128 : i32
    %add3A_468 = arith.addi %mul3A_2, %add3A_467 : i32
    %dma_wait3A_469 = arith.constant 0 : i32
    %dma_wait3A_470 = arith.constant 0 : i32
    %dma_wait3A_471 = tpu.memref_slice %arg6[%dma_wait3A_469, %dma_wait3A_470] : memref<401x128xf32, #tpu.memory_space<vmem>> -> memref<400x128xf32, #tpu.memory_space<vmem>>
    %dma_wait3A_472 = arith.constant 400 : i32
    %dma_wait3A_473 = tpu.memref_slice %arg2[%dma_wait3A_472, %add3A_468] : memref<1600x16384xf32, #tpu.memory_space<hbm>> -> memref<400x128xf32, #tpu.memory_space<hbm>>
    %dma_wait3A_474 = arith.constant 0 : i32
    %dma_wait3A_475 = arith.constant 0 : i32
    %dma_wait3A_476 = tpu.memref_slice %arg6[%dma_wait3A_474, %dma_wait3A_475] : memref<401x128xf32, #tpu.memory_space<vmem>> -> memref<400x128xf32, #tpu.memory_space<vmem>>
    %dma_wait3A_477 = arith.constant 400 : i32
    %dma_wait3A_478 = tpu.memref_slice %arg2[%dma_wait3A_477, %add3A_468] : memref<1600x16384xf32, #tpu.memory_space<hbm>> -> memref<400x128xf32, #tpu.memory_space<hbm>>
    tpu.wait_dma2 semaphore(%arg9 : memref<!tpu.dma_semaphore, #tpu.memory_space<semaphore_mem>>) src(%dma_wait3A_478 : memref<400x128xf32, #tpu.memory_space<hbm>>) dst(%dma_wait3A_476 : memref<400x128xf32, #tpu.memory_space<vmem>>)
    %broadcast_in_dim3A_479 = arith.constant 0.000000e+00 : f32
    %broadcast_in_dim3A_480 = vector.broadcast %broadcast_in_dim3A_479 : f32 to vector<16xf32>
    %iota3A_481 = tpu.iota {dimensions = array<i32: 0>} : vector<16xi32>
    %add3A_482 = arith.constant 0 : i32
    %add3A_483 = vector.broadcast %add3A_482 : i32 to vector<16xi32>
    %add3A_484 = arith.addi %iota3A_481, %add3A_483 : vector<16xi32>
    %iota3A_485 = tpu.iota {dimensions = array<i32: 0>} : vector<16xi32>
    %add3A_486 = arith.constant 16 : i32
    %add3A_487 = vector.broadcast %add3A_486 : i32 to vector<16xi32>
    %add3A_488 = arith.addi %iota3A_485, %add3A_487 : vector<16xi32>
    %iota3A_489 = tpu.iota {dimensions = array<i32: 0>} : vector<16xi32>
    %add3A_490 = arith.constant 32 : i32
    %add3A_491 = vector.broadcast %add3A_490 : i32 to vector<16xi32>
    %add3A_492 = arith.addi %iota3A_489, %add3A_491 : vector<16xi32>
    %iota3A_493 = tpu.iota {dimensions = array<i32: 0>} : vector<16xi32>
    %add3A_494 = arith.constant 48 : i32
    %add3A_495 = vector.broadcast %add3A_494 : i32 to vector<16xi32>
    %add3A_496 = arith.addi %iota3A_493, %add3A_495 : vector<16xi32>
    %iota3A_497 = tpu.iota {dimensions = array<i32: 0>} : vector<16xi32>
    %add3A_498 = arith.constant 64 : i32
    %add3A_499 = vector.broadcast %add3A_498 : i32 to vector<16xi32>
    %add3A_500 = arith.addi %iota3A_497, %add3A_499 : vector<16xi32>
    %iota3A_501 = tpu.iota {dimensions = array<i32: 0>} : vector<16xi32>
    %add3A_502 = arith.constant 80 : i32
    %add3A_503 = vector.broadcast %add3A_502 : i32 to vector<16xi32>
    %add3A_504 = arith.addi %iota3A_501, %add3A_503 : vector<16xi32>
    %iota3A_505 = tpu.iota {dimensions = array<i32: 0>} : vector<16xi32>
    %add3A_506 = arith.constant 96 : i32
    %add3A_507 = vector.broadcast %add3A_506 : i32 to vector<16xi32>
    %add3A_508 = arith.addi %iota3A_505, %add3A_507 : vector<16xi32>
    %iota3A_509 = tpu.iota {dimensions = array<i32: 0>} : vector<16xi32>
    %add3A_510 = arith.constant 112 : i32
    %add3A_511 = vector.broadcast %add3A_510 : i32 to vector<16xi32>
    %add3A_512 = arith.addi %iota3A_509, %add3A_511 : vector<16xi32>
    %scan3A_513 = arith.constant 400 : i32
    %scan3A_514 = arith.constant 400 : i32
    %scan3A_515 = arith.constant 0 : i32
    %scan3A_516 = arith.constant 160 : i32
    %scan3A_517 = arith.addi %scan3A_515, %scan3A_516 : i32
    %scan3A_518 = arith.constant 1 : i32
    scf.for %scan3A_1470 = %scan3A_515 to %scan3A_517 step %scan3A_518  : i32 {
      %mul3A_1471 = arith.constant 1 : i32
      %mul3A_1472 = arith.muli %scan3A_1470, %mul3A_1471 : i32
      %add3A_1473 = arith.constant 0 : i32
      %add3A_1474 = arith.addi %add3A_1473, %mul3A_1472 : i32
      %get3A = arith.index_cast %add3A_1474 : i32 to index
      %get3A_1475 = arith.constant 0 : index
      %get3A_1476 = tpu.vector_load %arg7[%get3A, %get3A_1475] {strides = array<i32>} : memref<160x128xi32, #tpu.memory_space<vmem>>, vector<16xi32>,
      %get3A_1477 = arith.index_cast %add3A_1474 : i32 to index
      %get3A_1478 = arith.constant 16 : index
      %get3A_1479 = tpu.vector_load %arg7[%get3A_1477, %get3A_1478] {strides = array<i32>} : memref<160x128xi32, #tpu.memory_space<vmem>>, vector<16xi32>,
      %get3A_1480 = arith.index_cast %add3A_1474 : i32 to index
      %get3A_1481 = arith.constant 32 : index
      %get3A_1482 = tpu.vector_load %arg7[%get3A_1480, %get3A_1481] {strides = array<i32>} : memref<160x128xi32, #tpu.memory_space<vmem>>, vector<16xi32>,
      %get3A_1483 = arith.index_cast %add3A_1474 : i32 to index
      %get3A_1484 = arith.constant 48 : index
      %get3A_1485 = tpu.vector_load %arg7[%get3A_1483, %get3A_1484] {strides = array<i32>} : memref<160x128xi32, #tpu.memory_space<vmem>>, vector<16xi32>,
      %get3A_1486 = arith.index_cast %add3A_1474 : i32 to index
      %get3A_1487 = arith.constant 64 : index
      %get3A_1488 = tpu.vector_load %arg7[%get3A_1486, %get3A_1487] {strides = array<i32>} : memref<160x128xi32, #tpu.memory_space<vmem>>, vector<16xi32>,
      %get3A_1489 = arith.index_cast %add3A_1474 : i32 to index
      %get3A_1490 = arith.constant 80 : index
      %get3A_1491 = tpu.vector_load %arg7[%get3A_1489, %get3A_1490] {strides = array<i32>} : memref<160x128xi32, #tpu.memory_space<vmem>>, vector<16xi32>,
      %get3A_1492 = arith.index_cast %add3A_1474 : i32 to index
      %get3A_1493 = arith.constant 96 : index
      %get3A_1494 = tpu.vector_load %arg7[%get3A_1492, %get3A_1493] {strides = array<i32>} : memref<160x128xi32, #tpu.memory_space<vmem>>, vector<16xi32>,
      %get3A_1495 = arith.index_cast %add3A_1474 : i32 to index
      %get3A_1496 = arith.constant 112 : index
      %get3A_1497 = tpu.vector_load %arg7[%get3A_1495, %get3A_1496] {strides = array<i32>} : memref<160x128xi32, #tpu.memory_space<vmem>>, vector<16xi32>,
      %bitcast_convert_type3A = tpu.bitcast %get3A_1476 : vector<16xi32> -> vector<16xi32>
      %sub3A = vector.broadcast %scan3A_513 : i32 to vector<16xi32>
      %sub3A_1498 = arith.subi %bitcast_convert_type3A, %sub3A : vector<16xi32>
      %bitcast_convert_type3A_1499 = tpu.bitcast %get3A_1479 : vector<16xi32> -> vector<16xi32>
      %sub3A_1500 = vector.broadcast %scan3A_513 : i32 to vector<16xi32>
      %sub3A_1501 = arith.subi %bitcast_convert_type3A_1499, %sub3A_1500 : vector<16xi32>
      %bitcast_convert_type3A_1502 = tpu.bitcast %get3A_1482 : vector<16xi32> -> vector<16xi32>
      %sub3A_1503 = vector.broadcast %scan3A_513 : i32 to vector<16xi32>
      %sub3A_1504 = arith.subi %bitcast_convert_type3A_1502, %sub3A_1503 : vector<16xi32>
      %bitcast_convert_type3A_1505 = tpu.bitcast %get3A_1485 : vector<16xi32> -> vector<16xi32>
      %sub3A_1506 = vector.broadcast %scan3A_513 : i32 to vector<16xi32>
      %sub3A_1507 = arith.subi %bitcast_convert_type3A_1505, %sub3A_1506 : vector<16xi32>
      %bitcast_convert_type3A_1508 = tpu.bitcast %get3A_1488 : vector<16xi32> -> vector<16xi32>
      %sub3A_1509 = vector.broadcast %scan3A_513 : i32 to vector<16xi32>
      %sub3A_1510 = arith.subi %bitcast_convert_type3A_1508, %sub3A_1509 : vector<16xi32>
      %bitcast_convert_type3A_1511 = tpu.bitcast %get3A_1491 : vector<16xi32> -> vector<16xi32>
      %sub3A_1512 = vector.broadcast %scan3A_513 : i32 to vector<16xi32>
      %sub3A_1513 = arith.subi %bitcast_convert_type3A_1511, %sub3A_1512 : vector<16xi32>
      %bitcast_convert_type3A_1514 = tpu.bitcast %get3A_1494 : vector<16xi32> -> vector<16xi32>
      %sub3A_1515 = vector.broadcast %scan3A_513 : i32 to vector<16xi32>
      %sub3A_1516 = arith.subi %bitcast_convert_type3A_1514, %sub3A_1515 : vector<16xi32>
      %bitcast_convert_type3A_1517 = tpu.bitcast %get3A_1497 : vector<16xi32> -> vector<16xi32>
      %sub3A_1518 = vector.broadcast %scan3A_513 : i32 to vector<16xi32>
      %sub3A_1519 = arith.subi %bitcast_convert_type3A_1517, %sub3A_1518 : vector<16xi32>
      %bitcast_convert_type3A_1520 = tpu.bitcast %sub3A_1498 : vector<16xi32> -> vector<16xi32>
      %lt3A = vector.broadcast %scan3A_514 : i32 to vector<16xi32>
      %lt3A_1521 = arith.cmpi ult, %sub3A_1498, %lt3A : vector<16xi32>
      tpu.vector_store_idx %arg6[%bitcast_convert_type3A_1520, %add3A_484], %broadcast_in_dim3A_480 masked %lt3A_1521 : memref<401x128xf32, #tpu.memory_space<vmem>>[vector<16xi32>, vector<16xi32>], vector<16xf32>, vector<16xi1>
      %bitcast_convert_type3A_1522 = tpu.bitcast %sub3A_1501 : vector<16xi32> -> vector<16xi32>
      %lt3A_1523 = vector.broadcast %scan3A_514 : i32 to vector<16xi32>
      %lt3A_1524 = arith.cmpi ult, %sub3A_1501, %lt3A_1523 : vector<16xi32>
      tpu.vector_store_idx %arg6[%bitcast_convert_type3A_1522, %add3A_488], %broadcast_in_dim3A_480 masked %lt3A_1524 : memref<401x128xf32, #tpu.memory_space<vmem>>[vector<16xi32>, vector<16xi32>], vector<16xf32>, vector<16xi1>
      %bitcast_convert_type3A_1525 = tpu.bitcast %sub3A_1504 : vector<16xi32> -> vector<16xi32>
      %lt3A_1526 = vector.broadcast %scan3A_514 : i32 to vector<16xi32>
      %lt3A_1527 = arith.cmpi ult, %sub3A_1504, %lt3A_1526 : vector<16xi32>
      tpu.vector_store_idx %arg6[%bitcast_convert_type3A_1525, %add3A_492], %broadcast_in_dim3A_480 masked %lt3A_1527 : memref<401x128xf32, #tpu.memory_space<vmem>>[vector<16xi32>, vector<16xi32>], vector<16xf32>, vector<16xi1>
      %bitcast_convert_type3A_1528 = tpu.bitcast %sub3A_1507 : vector<16xi32> -> vector<16xi32>
      %lt3A_1529 = vector.broadcast %scan3A_514 : i32 to vector<16xi32>
      %lt3A_1530 = arith.cmpi ult, %sub3A_1507, %lt3A_1529 : vector<16xi32>
      tpu.vector_store_idx %arg6[%bitcast_convert_type3A_1528, %add3A_496], %broadcast_in_dim3A_480 masked %lt3A_1530 : memref<401x128xf32, #tpu.memory_space<vmem>>[vector<16xi32>, vector<16xi32>], vector<16xf32>, vector<16xi1>
      %bitcast_convert_type3A_1531 = tpu.bitcast %sub3A_1510 : vector<16xi32> -> vector<16xi32>
      %lt3A_1532 = vector.broadcast %scan3A_514 : i32 to vector<16xi32>
      %lt3A_1533 = arith.cmpi ult, %sub3A_1510, %lt3A_1532 : vector<16xi32>
      tpu.vector_store_idx %arg6[%bitcast_convert_type3A_1531, %add3A_500], %broadcast_in_dim3A_480 masked %lt3A_1533 : memref<401x128xf32, #tpu.memory_space<vmem>>[vector<16xi32>, vector<16xi32>], vector<16xf32>, vector<16xi1>
      %bitcast_convert_type3A_1534 = tpu.bitcast %sub3A_1513 : vector<16xi32> -> vector<16xi32>
      %lt3A_1535 = vector.broadcast %scan3A_514 : i32 to vector<16xi32>
      %lt3A_1536 = arith.cmpi ult, %sub3A_1513, %lt3A_1535 : vector<16xi32>
      tpu.vector_store_idx %arg6[%bitcast_convert_type3A_1534, %add3A_504], %broadcast_in_dim3A_480 masked %lt3A_1536 : memref<401x128xf32, #tpu.memory_space<vmem>>[vector<16xi32>, vector<16xi32>], vector<16xf32>, vector<16xi1>
      %bitcast_convert_type3A_1537 = tpu.bitcast %sub3A_1516 : vector<16xi32> -> vector<16xi32>
      %lt3A_1538 = vector.broadcast %scan3A_514 : i32 to vector<16xi32>
      %lt3A_1539 = arith.cmpi ult, %sub3A_1516, %lt3A_1538 : vector<16xi32>
      tpu.vector_store_idx %arg6[%bitcast_convert_type3A_1537, %add3A_508], %broadcast_in_dim3A_480 masked %lt3A_1539 : memref<401x128xf32, #tpu.memory_space<vmem>>[vector<16xi32>, vector<16xi32>], vector<16xf32>, vector<16xi1>
      %bitcast_convert_type3A_1540 = tpu.bitcast %sub3A_1519 : vector<16xi32> -> vector<16xi32>
      %lt3A_1541 = vector.broadcast %scan3A_514 : i32 to vector<16xi32>
      %lt3A_1542 = arith.cmpi ult, %sub3A_1519, %lt3A_1541 : vector<16xi32>
      tpu.vector_store_idx %arg6[%bitcast_convert_type3A_1540, %add3A_512], %broadcast_in_dim3A_480 masked %lt3A_1542 : memref<401x128xf32, #tpu.memory_space<vmem>>[vector<16xi32>, vector<16xi32>], vector<16xf32>, vector<16xi1>
    }
    %scan3A_519 = arith.constant 160 : i32
    %add3A_520 = arith.constant 128 : i32
    %add3A_521 = arith.addi %mul3A_2, %add3A_520 : i32
    %dma_start3A_522 = arith.constant 0 : i32
    %dma_start3A_523 = arith.constant 0 : i32
    %dma_start3A_524 = tpu.memref_slice %arg6[%dma_start3A_522, %dma_start3A_523] : memref<401x128xf32, #tpu.memory_space<vmem>> -> memref<400x128xf32, #tpu.memory_space<vmem>>
    %dma_start3A_525 = arith.constant 400 : i32
    %dma_start3A_526 = tpu.memref_slice %arg4[%dma_start3A_525, %add3A_521] : memref<1600x16384xf32, #tpu.memory_space<hbm>> -> memref<400x128xf32, #tpu.memory_space<hbm>>
    %dma_start3A_527 = arith.constant 400 : i32
    %dma_start3A_528 = tpu.memref_slice %arg4[%dma_start3A_527, %add3A_521] : memref<1600x16384xf32, #tpu.memory_space<hbm>> -> memref<400x128xf32, #tpu.memory_space<hbm>>
    %dma_start3A_529 = arith.constant 0 : i32
    %dma_start3A_530 = arith.constant 0 : i32
    %dma_start3A_531 = tpu.memref_slice %arg6[%dma_start3A_529, %dma_start3A_530] : memref<401x128xf32, #tpu.memory_space<vmem>> -> memref<400x128xf32, #tpu.memory_space<vmem>>
    tpu.enqueue_dma source(%dma_start3A_531 : memref<400x128xf32, #tpu.memory_space<vmem>>) target(%dma_start3A_528 : memref<400x128xf32, #tpu.memory_space<hbm>>) target_semaphore(%arg11 : memref<!tpu.dma_semaphore, #tpu.memory_space<semaphore_mem>>)
    %add3A_532 = arith.constant 128 : i32
    %add3A_533 = arith.addi %mul3A_2, %add3A_532 : i32
    %dma_wait3A_534 = arith.constant 0 : i32
    %dma_wait3A_535 = arith.constant 0 : i32
    %dma_wait3A_536 = tpu.memref_slice %arg5[%dma_wait3A_534, %dma_wait3A_535] : memref<401x128xf32, #tpu.memory_space<vmem>> -> memref<400x128xf32, #tpu.memory_space<vmem>>
    %dma_wait3A_537 = arith.constant 0 : i32
    %dma_wait3A_538 = tpu.memref_slice %arg4[%dma_wait3A_537, %add3A_533] : memref<1600x16384xf32, #tpu.memory_space<hbm>> -> memref<400x128xf32, #tpu.memory_space<hbm>>
    %dma_wait3A_539 = arith.constant 0 : i32
    %dma_wait3A_540 = tpu.memref_slice %arg4[%dma_wait3A_539, %add3A_533] : memref<1600x16384xf32, #tpu.memory_space<hbm>> -> memref<400x128xf32, #tpu.memory_space<hbm>>
    %dma_wait3A_541 = arith.constant 0 : i32
    %dma_wait3A_542 = arith.constant 0 : i32
    %dma_wait3A_543 = tpu.memref_slice %arg5[%dma_wait3A_541, %dma_wait3A_542] : memref<401x128xf32, #tpu.memory_space<vmem>> -> memref<400x128xf32, #tpu.memory_space<vmem>>
    tpu.wait_dma2 semaphore(%arg10 : memref<!tpu.dma_semaphore, #tpu.memory_space<semaphore_mem>>) src(%dma_wait3A_543 : memref<400x128xf32, #tpu.memory_space<vmem>>) dst(%dma_wait3A_540 : memref<400x128xf32, #tpu.memory_space<hbm>>)
    %add3A_544 = arith.constant 128 : i32
    %add3A_545 = arith.addi %mul3A_2, %add3A_544 : i32
    %dma_start3A_546 = arith.constant 0 : i32
    %dma_start3A_547 = arith.constant 0 : i32
    %dma_start3A_548 = tpu.memref_slice %arg5[%dma_start3A_546, %dma_start3A_547] : memref<401x128xf32, #tpu.memory_space<vmem>> -> memref<400x128xf32, #tpu.memory_space<vmem>>
    %dma_start3A_549 = arith.constant 800 : i32
    %dma_start3A_550 = tpu.memref_slice %arg2[%dma_start3A_549, %add3A_545] : memref<1600x16384xf32, #tpu.memory_space<hbm>> -> memref<400x128xf32, #tpu.memory_space<hbm>>
    %dma_start3A_551 = arith.constant 0 : i32
    %dma_start3A_552 = arith.constant 0 : i32
    %dma_start3A_553 = tpu.memref_slice %arg5[%dma_start3A_551, %dma_start3A_552] : memref<401x128xf32, #tpu.memory_space<vmem>> -> memref<400x128xf32, #tpu.memory_space<vmem>>
    %dma_start3A_554 = arith.constant 800 : i32
    %dma_start3A_555 = tpu.memref_slice %arg2[%dma_start3A_554, %add3A_545] : memref<1600x16384xf32, #tpu.memory_space<hbm>> -> memref<400x128xf32, #tpu.memory_space<hbm>>
    tpu.enqueue_dma source(%dma_start3A_555 : memref<400x128xf32, #tpu.memory_space<hbm>>) target(%dma_start3A_553 : memref<400x128xf32, #tpu.memory_space<vmem>>) target_semaphore(%arg8 : memref<!tpu.dma_semaphore, #tpu.memory_space<semaphore_mem>>)
    %add3A_556 = arith.constant 128 : i32
    %add3A_557 = arith.addi %mul3A_2, %add3A_556 : i32
    %dma_wait3A_558 = arith.constant 0 : i32
    %dma_wait3A_559 = arith.constant 0 : i32
    %dma_wait3A_560 = tpu.memref_slice %arg6[%dma_wait3A_558, %dma_wait3A_559] : memref<401x128xf32, #tpu.memory_space<vmem>> -> memref<400x128xf32, #tpu.memory_space<vmem>>
    %dma_wait3A_561 = arith.constant 400 : i32
    %dma_wait3A_562 = tpu.memref_slice %arg4[%dma_wait3A_561, %add3A_557] : memref<1600x16384xf32, #tpu.memory_space<hbm>> -> memref<400x128xf32, #tpu.memory_space<hbm>>
    %dma_wait3A_563 = arith.constant 400 : i32
    %dma_wait3A_564 = tpu.memref_slice %arg4[%dma_wait3A_563, %add3A_557] : memref<1600x16384xf32, #tpu.memory_space<hbm>> -> memref<400x128xf32, #tpu.memory_space<hbm>>
    %dma_wait3A_565 = arith.constant 0 : i32
    %dma_wait3A_566 = arith.constant 0 : i32
    %dma_wait3A_567 = tpu.memref_slice %arg6[%dma_wait3A_565, %dma_wait3A_566] : memref<401x128xf32, #tpu.memory_space<vmem>> -> memref<400x128xf32, #tpu.memory_space<vmem>>
    tpu.wait_dma2 semaphore(%arg11 : memref<!tpu.dma_semaphore, #tpu.memory_space<semaphore_mem>>) src(%dma_wait3A_567 : memref<400x128xf32, #tpu.memory_space<vmem>>) dst(%dma_wait3A_564 : memref<400x128xf32, #tpu.memory_space<hbm>>)
    %add3A_568 = arith.constant 128 : i32
    %add3A_569 = arith.addi %mul3A_2, %add3A_568 : i32
    %dma_start3A_570 = arith.constant 0 : i32
    %dma_start3A_571 = arith.constant 0 : i32
    %dma_start3A_572 = tpu.memref_slice %arg6[%dma_start3A_570, %dma_start3A_571] : memref<401x128xf32, #tpu.memory_space<vmem>> -> memref<400x128xf32, #tpu.memory_space<vmem>>
    %dma_start3A_573 = arith.constant 1200 : i32
    %dma_start3A_574 = tpu.memref_slice %arg2[%dma_start3A_573, %add3A_569] : memref<1600x16384xf32, #tpu.memory_space<hbm>> -> memref<400x128xf32, #tpu.memory_space<hbm>>
    %dma_start3A_575 = arith.constant 0 : i32
    %dma_start3A_576 = arith.constant 0 : i32
    %dma_start3A_577 = tpu.memref_slice %arg6[%dma_start3A_575, %dma_start3A_576] : memref<401x128xf32, #tpu.memory_space<vmem>> -> memref<400x128xf32, #tpu.memory_space<vmem>>
    %dma_start3A_578 = arith.constant 1200 : i32
    %dma_start3A_579 = tpu.memref_slice %arg2[%dma_start3A_578, %add3A_569] : memref<1600x16384xf32, #tpu.memory_space<hbm>> -> memref<400x128xf32, #tpu.memory_space<hbm>>
    tpu.enqueue_dma source(%dma_start3A_579 : memref<400x128xf32, #tpu.memory_space<hbm>>) target(%dma_start3A_577 : memref<400x128xf32, #tpu.memory_space<vmem>>) target_semaphore(%arg9 : memref<!tpu.dma_semaphore, #tpu.memory_space<semaphore_mem>>)
    %add3A_580 = arith.constant 128 : i32
    %add3A_581 = arith.addi %mul3A_2, %add3A_580 : i32
    %dma_wait3A_582 = arith.constant 0 : i32
    %dma_wait3A_583 = arith.constant 0 : i32
    %dma_wait3A_584 = tpu.memref_slice %arg5[%dma_wait3A_582, %dma_wait3A_583] : memref<401x128xf32, #tpu.memory_space<vmem>> -> memref<400x128xf32, #tpu.memory_space<vmem>>
    %dma_wait3A_585 = arith.constant 800 : i32
    %dma_wait3A_586 = tpu.memref_slice %arg2[%dma_wait3A_585, %add3A_581] : memref<1600x16384xf32, #tpu.memory_space<hbm>> -> memref<400x128xf32, #tpu.memory_space<hbm>>
    %dma_wait3A_587 = arith.constant 0 : i32
    %dma_wait3A_588 = arith.constant 0 : i32
    %dma_wait3A_589 = tpu.memref_slice %arg5[%dma_wait3A_587, %dma_wait3A_588] : memref<401x128xf32, #tpu.memory_space<vmem>> -> memref<400x128xf32, #tpu.memory_space<vmem>>
    %dma_wait3A_590 = arith.constant 800 : i32
    %dma_wait3A_591 = tpu.memref_slice %arg2[%dma_wait3A_590, %add3A_581] : memref<1600x16384xf32, #tpu.memory_space<hbm>> -> memref<400x128xf32, #tpu.memory_space<hbm>>
    tpu.wait_dma2 semaphore(%arg8 : memref<!tpu.dma_semaphore, #tpu.memory_space<semaphore_mem>>) src(%dma_wait3A_591 : memref<400x128xf32, #tpu.memory_space<hbm>>) dst(%dma_wait3A_589 : memref<400x128xf32, #tpu.memory_space<vmem>>)
    %broadcast_in_dim3A_592 = arith.constant 0.000000e+00 : f32
    %broadcast_in_dim3A_593 = vector.broadcast %broadcast_in_dim3A_592 : f32 to vector<16xf32>
    %iota3A_594 = tpu.iota {dimensions = array<i32: 0>} : vector<16xi32>
    %add3A_595 = arith.constant 0 : i32
    %add3A_596 = vector.broadcast %add3A_595 : i32 to vector<16xi32>
    %add3A_597 = arith.addi %iota3A_594, %add3A_596 : vector<16xi32>
    %iota3A_598 = tpu.iota {dimensions = array<i32: 0>} : vector<16xi32>
    %add3A_599 = arith.constant 16 : i32
    %add3A_600 = vector.broadcast %add3A_599 : i32 to vector<16xi32>
    %add3A_601 = arith.addi %iota3A_598, %add3A_600 : vector<16xi32>
    %iota3A_602 = tpu.iota {dimensions = array<i32: 0>} : vector<16xi32>
    %add3A_603 = arith.constant 32 : i32
    %add3A_604 = vector.broadcast %add3A_603 : i32 to vector<16xi32>
    %add3A_605 = arith.addi %iota3A_602, %add3A_604 : vector<16xi32>
    %iota3A_606 = tpu.iota {dimensions = array<i32: 0>} : vector<16xi32>
    %add3A_607 = arith.constant 48 : i32
    %add3A_608 = vector.broadcast %add3A_607 : i32 to vector<16xi32>
    %add3A_609 = arith.addi %iota3A_606, %add3A_608 : vector<16xi32>
    %iota3A_610 = tpu.iota {dimensions = array<i32: 0>} : vector<16xi32>
    %add3A_611 = arith.constant 64 : i32
    %add3A_612 = vector.broadcast %add3A_611 : i32 to vector<16xi32>
    %add3A_613 = arith.addi %iota3A_610, %add3A_612 : vector<16xi32>
    %iota3A_614 = tpu.iota {dimensions = array<i32: 0>} : vector<16xi32>
    %add3A_615 = arith.constant 80 : i32
    %add3A_616 = vector.broadcast %add3A_615 : i32 to vector<16xi32>
    %add3A_617 = arith.addi %iota3A_614, %add3A_616 : vector<16xi32>
    %iota3A_618 = tpu.iota {dimensions = array<i32: 0>} : vector<16xi32>
    %add3A_619 = arith.constant 96 : i32
    %add3A_620 = vector.broadcast %add3A_619 : i32 to vector<16xi32>
    %add3A_621 = arith.addi %iota3A_618, %add3A_620 : vector<16xi32>
    %iota3A_622 = tpu.iota {dimensions = array<i32: 0>} : vector<16xi32>
    %add3A_623 = arith.constant 112 : i32
    %add3A_624 = vector.broadcast %add3A_623 : i32 to vector<16xi32>
    %add3A_625 = arith.addi %iota3A_622, %add3A_624 : vector<16xi32>
    %scan3A_626 = arith.constant 800 : i32
    %scan3A_627 = arith.constant 400 : i32
    %scan3A_628 = arith.constant 0 : i32
    %scan3A_629 = arith.constant 160 : i32
    %scan3A_630 = arith.addi %scan3A_628, %scan3A_629 : i32
    %scan3A_631 = arith.constant 1 : i32
    scf.for %scan3A_1470 = %scan3A_628 to %scan3A_630 step %scan3A_631  : i32 {
      %mul3A_1471 = arith.constant 1 : i32
      %mul3A_1472 = arith.muli %scan3A_1470, %mul3A_1471 : i32
      %add3A_1473 = arith.constant 0 : i32
      %add3A_1474 = arith.addi %add3A_1473, %mul3A_1472 : i32
      %get3A = arith.index_cast %add3A_1474 : i32 to index
      %get3A_1475 = arith.constant 0 : index
      %get3A_1476 = tpu.vector_load %arg7[%get3A, %get3A_1475] {strides = array<i32>} : memref<160x128xi32, #tpu.memory_space<vmem>>, vector<16xi32>,
      %get3A_1477 = arith.index_cast %add3A_1474 : i32 to index
      %get3A_1478 = arith.constant 16 : index
      %get3A_1479 = tpu.vector_load %arg7[%get3A_1477, %get3A_1478] {strides = array<i32>} : memref<160x128xi32, #tpu.memory_space<vmem>>, vector<16xi32>,
      %get3A_1480 = arith.index_cast %add3A_1474 : i32 to index
      %get3A_1481 = arith.constant 32 : index
      %get3A_1482 = tpu.vector_load %arg7[%get3A_1480, %get3A_1481] {strides = array<i32>} : memref<160x128xi32, #tpu.memory_space<vmem>>, vector<16xi32>,
      %get3A_1483 = arith.index_cast %add3A_1474 : i32 to index
      %get3A_1484 = arith.constant 48 : index
      %get3A_1485 = tpu.vector_load %arg7[%get3A_1483, %get3A_1484] {strides = array<i32>} : memref<160x128xi32, #tpu.memory_space<vmem>>, vector<16xi32>,
      %get3A_1486 = arith.index_cast %add3A_1474 : i32 to index
      %get3A_1487 = arith.constant 64 : index
      %get3A_1488 = tpu.vector_load %arg7[%get3A_1486, %get3A_1487] {strides = array<i32>} : memref<160x128xi32, #tpu.memory_space<vmem>>, vector<16xi32>,
      %get3A_1489 = arith.index_cast %add3A_1474 : i32 to index
      %get3A_1490 = arith.constant 80 : index
      %get3A_1491 = tpu.vector_load %arg7[%get3A_1489, %get3A_1490] {strides = array<i32>} : memref<160x128xi32, #tpu.memory_space<vmem>>, vector<16xi32>,
      %get3A_1492 = arith.index_cast %add3A_1474 : i32 to index
      %get3A_1493 = arith.constant 96 : index
      %get3A_1494 = tpu.vector_load %arg7[%get3A_1492, %get3A_1493] {strides = array<i32>} : memref<160x128xi32, #tpu.memory_space<vmem>>, vector<16xi32>,
      %get3A_1495 = arith.index_cast %add3A_1474 : i32 to index
      %get3A_1496 = arith.constant 112 : index
      %get3A_1497 = tpu.vector_load %arg7[%get3A_1495, %get3A_1496] {strides = array<i32>} : memref<160x128xi32, #tpu.memory_space<vmem>>, vector<16xi32>,
      %bitcast_convert_type3A = tpu.bitcast %get3A_1476 : vector<16xi32> -> vector<16xi32>
      %sub3A = vector.broadcast %scan3A_626 : i32 to vector<16xi32>
      %sub3A_1498 = arith.subi %bitcast_convert_type3A, %sub3A : vector<16xi32>
      %bitcast_convert_type3A_1499 = tpu.bitcast %get3A_1479 : vector<16xi32> -> vector<16xi32>
      %sub3A_1500 = vector.broadcast %scan3A_626 : i32 to vector<16xi32>
      %sub3A_1501 = arith.subi %bitcast_convert_type3A_1499, %sub3A_1500 : vector<16xi32>
      %bitcast_convert_type3A_1502 = tpu.bitcast %get3A_1482 : vector<16xi32> -> vector<16xi32>
      %sub3A_1503 = vector.broadcast %scan3A_626 : i32 to vector<16xi32>
      %sub3A_1504 = arith.subi %bitcast_convert_type3A_1502, %sub3A_1503 : vector<16xi32>
      %bitcast_convert_type3A_1505 = tpu.bitcast %get3A_1485 : vector<16xi32> -> vector<16xi32>
      %sub3A_1506 = vector.broadcast %scan3A_626 : i32 to vector<16xi32>
      %sub3A_1507 = arith.subi %bitcast_convert_type3A_1505, %sub3A_1506 : vector<16xi32>
      %bitcast_convert_type3A_1508 = tpu.bitcast %get3A_1488 : vector<16xi32> -> vector<16xi32>
      %sub3A_1509 = vector.broadcast %scan3A_626 : i32 to vector<16xi32>
      %sub3A_1510 = arith.subi %bitcast_convert_type3A_1508, %sub3A_1509 : vector<16xi32>
      %bitcast_convert_type3A_1511 = tpu.bitcast %get3A_1491 : vector<16xi32> -> vector<16xi32>
      %sub3A_1512 = vector.broadcast %scan3A_626 : i32 to vector<16xi32>
      %sub3A_1513 = arith.subi %bitcast_convert_type3A_1511, %sub3A_1512 : vector<16xi32>
      %bitcast_convert_type3A_1514 = tpu.bitcast %get3A_1494 : vector<16xi32> -> vector<16xi32>
      %sub3A_1515 = vector.broadcast %scan3A_626 : i32 to vector<16xi32>
      %sub3A_1516 = arith.subi %bitcast_convert_type3A_1514, %sub3A_1515 : vector<16xi32>
      %bitcast_convert_type3A_1517 = tpu.bitcast %get3A_1497 : vector<16xi32> -> vector<16xi32>
      %sub3A_1518 = vector.broadcast %scan3A_626 : i32 to vector<16xi32>
      %sub3A_1519 = arith.subi %bitcast_convert_type3A_1517, %sub3A_1518 : vector<16xi32>
      %bitcast_convert_type3A_1520 = tpu.bitcast %sub3A_1498 : vector<16xi32> -> vector<16xi32>
      %lt3A = vector.broadcast %scan3A_627 : i32 to vector<16xi32>
      %lt3A_1521 = arith.cmpi ult, %sub3A_1498, %lt3A : vector<16xi32>
      tpu.vector_store_idx %arg5[%bitcast_convert_type3A_1520, %add3A_597], %broadcast_in_dim3A_593 masked %lt3A_1521 : memref<401x128xf32, #tpu.memory_space<vmem>>[vector<16xi32>, vector<16xi32>], vector<16xf32>, vector<16xi1>
      %bitcast_convert_type3A_1522 = tpu.bitcast %sub3A_1501 : vector<16xi32> -> vector<16xi32>
      %lt3A_1523 = vector.broadcast %scan3A_627 : i32 to vector<16xi32>
      %lt3A_1524 = arith.cmpi ult, %sub3A_1501, %lt3A_1523 : vector<16xi32>
      tpu.vector_store_idx %arg5[%bitcast_convert_type3A_1522, %add3A_601], %broadcast_in_dim3A_593 masked %lt3A_1524 : memref<401x128xf32, #tpu.memory_space<vmem>>[vector<16xi32>, vector<16xi32>], vector<16xf32>, vector<16xi1>
      %bitcast_convert_type3A_1525 = tpu.bitcast %sub3A_1504 : vector<16xi32> -> vector<16xi32>
      %lt3A_1526 = vector.broadcast %scan3A_627 : i32 to vector<16xi32>
      %lt3A_1527 = arith.cmpi ult, %sub3A_1504, %lt3A_1526 : vector<16xi32>
      tpu.vector_store_idx %arg5[%bitcast_convert_type3A_1525, %add3A_605], %broadcast_in_dim3A_593 masked %lt3A_1527 : memref<401x128xf32, #tpu.memory_space<vmem>>[vector<16xi32>, vector<16xi32>], vector<16xf32>, vector<16xi1>
      %bitcast_convert_type3A_1528 = tpu.bitcast %sub3A_1507 : vector<16xi32> -> vector<16xi32>
      %lt3A_1529 = vector.broadcast %scan3A_627 : i32 to vector<16xi32>
      %lt3A_1530 = arith.cmpi ult, %sub3A_1507, %lt3A_1529 : vector<16xi32>
      tpu.vector_store_idx %arg5[%bitcast_convert_type3A_1528, %add3A_609], %broadcast_in_dim3A_593 masked %lt3A_1530 : memref<401x128xf32, #tpu.memory_space<vmem>>[vector<16xi32>, vector<16xi32>], vector<16xf32>, vector<16xi1>
      %bitcast_convert_type3A_1531 = tpu.bitcast %sub3A_1510 : vector<16xi32> -> vector<16xi32>
      %lt3A_1532 = vector.broadcast %scan3A_627 : i32 to vector<16xi32>
      %lt3A_1533 = arith.cmpi ult, %sub3A_1510, %lt3A_1532 : vector<16xi32>
      tpu.vector_store_idx %arg5[%bitcast_convert_type3A_1531, %add3A_613], %broadcast_in_dim3A_593 masked %lt3A_1533 : memref<401x128xf32, #tpu.memory_space<vmem>>[vector<16xi32>, vector<16xi32>], vector<16xf32>, vector<16xi1>
      %bitcast_convert_type3A_1534 = tpu.bitcast %sub3A_1513 : vector<16xi32> -> vector<16xi32>
      %lt3A_1535 = vector.broadcast %scan3A_627 : i32 to vector<16xi32>
      %lt3A_1536 = arith.cmpi ult, %sub3A_1513, %lt3A_1535 : vector<16xi32>
      tpu.vector_store_idx %arg5[%bitcast_convert_type3A_1534, %add3A_617], %broadcast_in_dim3A_593 masked %lt3A_1536 : memref<401x128xf32, #tpu.memory_space<vmem>>[vector<16xi32>, vector<16xi32>], vector<16xf32>, vector<16xi1>
      %bitcast_convert_type3A_1537 = tpu.bitcast %sub3A_1516 : vector<16xi32> -> vector<16xi32>
      %lt3A_1538 = vector.broadcast %scan3A_627 : i32 to vector<16xi32>
      %lt3A_1539 = arith.cmpi ult, %sub3A_1516, %lt3A_1538 : vector<16xi32>
      tpu.vector_store_idx %arg5[%bitcast_convert_type3A_1537, %add3A_621], %broadcast_in_dim3A_593 masked %lt3A_1539 : memref<401x128xf32, #tpu.memory_space<vmem>>[vector<16xi32>, vector<16xi32>], vector<16xf32>, vector<16xi1>
      %bitcast_convert_type3A_1540 = tpu.bitcast %sub3A_1519 : vector<16xi32> -> vector<16xi32>
      %lt3A_1541 = vector.broadcast %scan3A_627 : i32 to vector<16xi32>
      %lt3A_1542 = arith.cmpi ult, %sub3A_1519, %lt3A_1541 : vector<16xi32>
      tpu.vector_store_idx %arg5[%bitcast_convert_type3A_1540, %add3A_625], %broadcast_in_dim3A_593 masked %lt3A_1542 : memref<401x128xf32, #tpu.memory_space<vmem>>[vector<16xi32>, vector<16xi32>], vector<16xf32>, vector<16xi1>
    }
    %scan3A_632 = arith.constant 160 : i32
    %add3A_633 = arith.constant 128 : i32
    %add3A_634 = arith.addi %mul3A_2, %add3A_633 : i32
    %dma_start3A_635 = arith.constant 0 : i32
    %dma_start3A_636 = arith.constant 0 : i32
    %dma_start3A_637 = tpu.memref_slice %arg5[%dma_start3A_635, %dma_start3A_636] : memref<401x128xf32, #tpu.memory_space<vmem>> -> memref<400x128xf32, #tpu.memory_space<vmem>>
    %dma_start3A_638 = arith.constant 800 : i32
    %dma_start3A_639 = tpu.memref_slice %arg4[%dma_start3A_638, %add3A_634] : memref<1600x16384xf32, #tpu.memory_space<hbm>> -> memref<400x128xf32, #tpu.memory_space<hbm>>
    %dma_start3A_640 = arith.constant 800 : i32
    %dma_start3A_641 = tpu.memref_slice %arg4[%dma_start3A_640, %add3A_634] : memref<1600x16384xf32, #tpu.memory_space<hbm>> -> memref<400x128xf32, #tpu.memory_space<hbm>>
    %dma_start3A_642 = arith.constant 0 : i32
    %dma_start3A_643 = arith.constant 0 : i32
    %dma_start3A_644 = tpu.memref_slice %arg5[%dma_start3A_642, %dma_start3A_643] : memref<401x128xf32, #tpu.memory_space<vmem>> -> memref<400x128xf32, #tpu.memory_space<vmem>>
    tpu.enqueue_dma source(%dma_start3A_644 : memref<400x128xf32, #tpu.memory_space<vmem>>) target(%dma_start3A_641 : memref<400x128xf32, #tpu.memory_space<hbm>>) target_semaphore(%arg10 : memref<!tpu.dma_semaphore, #tpu.memory_space<semaphore_mem>>)
    %add3A_645 = arith.constant 128 : i32
    %add3A_646 = arith.addi %mul3A_2, %add3A_645 : i32
    %dma_wait3A_647 = arith.constant 0 : i32
    %dma_wait3A_648 = arith.constant 0 : i32
    %dma_wait3A_649 = tpu.memref_slice %arg6[%dma_wait3A_647, %dma_wait3A_648] : memref<401x128xf32, #tpu.memory_space<vmem>> -> memref<400x128xf32, #tpu.memory_space<vmem>>
    %dma_wait3A_650 = arith.constant 1200 : i32
    %dma_wait3A_651 = tpu.memref_slice %arg2[%dma_wait3A_650, %add3A_646] : memref<1600x16384xf32, #tpu.memory_space<hbm>> -> memref<400x128xf32, #tpu.memory_space<hbm>>
    %dma_wait3A_652 = arith.constant 0 : i32
    %dma_wait3A_653 = arith.constant 0 : i32
    %dma_wait3A_654 = tpu.memref_slice %arg6[%dma_wait3A_652, %dma_wait3A_653] : memref<401x128xf32, #tpu.memory_space<vmem>> -> memref<400x128xf32, #tpu.memory_space<vmem>>
    %dma_wait3A_655 = arith.constant 1200 : i32
    %dma_wait3A_656 = tpu.memref_slice %arg2[%dma_wait3A_655, %add3A_646] : memref<1600x16384xf32, #tpu.memory_space<hbm>> -> memref<400x128xf32, #tpu.memory_space<hbm>>
    tpu.wait_dma2 semaphore(%arg9 : memref<!tpu.dma_semaphore, #tpu.memory_space<semaphore_mem>>) src(%dma_wait3A_656 : memref<400x128xf32, #tpu.memory_space<hbm>>) dst(%dma_wait3A_654 : memref<400x128xf32, #tpu.memory_space<vmem>>)
    %broadcast_in_dim3A_657 = arith.constant 0.000000e+00 : f32
    %broadcast_in_dim3A_658 = vector.broadcast %broadcast_in_dim3A_657 : f32 to vector<16xf32>
    %iota3A_659 = tpu.iota {dimensions = array<i32: 0>} : vector<16xi32>
    %add3A_660 = arith.constant 0 : i32
    %add3A_661 = vector.broadcast %add3A_660 : i32 to vector<16xi32>
    %add3A_662 = arith.addi %iota3A_659, %add3A_661 : vector<16xi32>
    %iota3A_663 = tpu.iota {dimensions = array<i32: 0>} : vector<16xi32>
    %add3A_664 = arith.constant 16 : i32
    %add3A_665 = vector.broadcast %add3A_664 : i32 to vector<16xi32>
    %add3A_666 = arith.addi %iota3A_663, %add3A_665 : vector<16xi32>
    %iota3A_667 = tpu.iota {dimensions = array<i32: 0>} : vector<16xi32>
    %add3A_668 = arith.constant 32 : i32
    %add3A_669 = vector.broadcast %add3A_668 : i32 to vector<16xi32>
    %add3A_670 = arith.addi %iota3A_667, %add3A_669 : vector<16xi32>
    %iota3A_671 = tpu.iota {dimensions = array<i32: 0>} : vector<16xi32>
    %add3A_672 = arith.constant 48 : i32
    %add3A_673 = vector.broadcast %add3A_672 : i32 to vector<16xi32>
    %add3A_674 = arith.addi %iota3A_671, %add3A_673 : vector<16xi32>
    %iota3A_675 = tpu.iota {dimensions = array<i32: 0>} : vector<16xi32>
    %add3A_676 = arith.constant 64 : i32
    %add3A_677 = vector.broadcast %add3A_676 : i32 to vector<16xi32>
    %add3A_678 = arith.addi %iota3A_675, %add3A_677 : vector<16xi32>
    %iota3A_679 = tpu.iota {dimensions = array<i32: 0>} : vector<16xi32>
    %add3A_680 = arith.constant 80 : i32
    %add3A_681 = vector.broadcast %add3A_680 : i32 to vector<16xi32>
    %add3A_682 = arith.addi %iota3A_679, %add3A_681 : vector<16xi32>
    %iota3A_683 = tpu.iota {dimensions = array<i32: 0>} : vector<16xi32>
    %add3A_684 = arith.constant 96 : i32
    %add3A_685 = vector.broadcast %add3A_684 : i32 to vector<16xi32>
    %add3A_686 = arith.addi %iota3A_683, %add3A_685 : vector<16xi32>
    %iota3A_687 = tpu.iota {dimensions = array<i32: 0>} : vector<16xi32>
    %add3A_688 = arith.constant 112 : i32
    %add3A_689 = vector.broadcast %add3A_688 : i32 to vector<16xi32>
    %add3A_690 = arith.addi %iota3A_687, %add3A_689 : vector<16xi32>
    %scan3A_691 = arith.constant 1200 : i32
    %scan3A_692 = arith.constant 400 : i32
    %scan3A_693 = arith.constant 0 : i32
    %scan3A_694 = arith.constant 160 : i32
    %scan3A_695 = arith.addi %scan3A_693, %scan3A_694 : i32
    %scan3A_696 = arith.constant 1 : i32
    scf.for %scan3A_1470 = %scan3A_693 to %scan3A_695 step %scan3A_696  : i32 {
      %mul3A_1471 = arith.constant 1 : i32
      %mul3A_1472 = arith.muli %scan3A_1470, %mul3A_1471 : i32
      %add3A_1473 = arith.constant 0 : i32
      %add3A_1474 = arith.addi %add3A_1473, %mul3A_1472 : i32
      %get3A = arith.index_cast %add3A_1474 : i32 to index
      %get3A_1475 = arith.constant 0 : index
      %get3A_1476 = tpu.vector_load %arg7[%get3A, %get3A_1475] {strides = array<i32>} : memref<160x128xi32, #tpu.memory_space<vmem>>, vector<16xi32>,
      %get3A_1477 = arith.index_cast %add3A_1474 : i32 to index
      %get3A_1478 = arith.constant 16 : index
      %get3A_1479 = tpu.vector_load %arg7[%get3A_1477, %get3A_1478] {strides = array<i32>} : memref<160x128xi32, #tpu.memory_space<vmem>>, vector<16xi32>,
      %get3A_1480 = arith.index_cast %add3A_1474 : i32 to index
      %get3A_1481 = arith.constant 32 : index
      %get3A_1482 = tpu.vector_load %arg7[%get3A_1480, %get3A_1481] {strides = array<i32>} : memref<160x128xi32, #tpu.memory_space<vmem>>, vector<16xi32>,
      %get3A_1483 = arith.index_cast %add3A_1474 : i32 to index
      %get3A_1484 = arith.constant 48 : index
      %get3A_1485 = tpu.vector_load %arg7[%get3A_1483, %get3A_1484] {strides = array<i32>} : memref<160x128xi32, #tpu.memory_space<vmem>>, vector<16xi32>,
      %get3A_1486 = arith.index_cast %add3A_1474 : i32 to index
      %get3A_1487 = arith.constant 64 : index
      %get3A_1488 = tpu.vector_load %arg7[%get3A_1486, %get3A_1487] {strides = array<i32>} : memref<160x128xi32, #tpu.memory_space<vmem>>, vector<16xi32>,
      %get3A_1489 = arith.index_cast %add3A_1474 : i32 to index
      %get3A_1490 = arith.constant 80 : index
      %get3A_1491 = tpu.vector_load %arg7[%get3A_1489, %get3A_1490] {strides = array<i32>} : memref<160x128xi32, #tpu.memory_space<vmem>>, vector<16xi32>,
      %get3A_1492 = arith.index_cast %add3A_1474 : i32 to index
      %get3A_1493 = arith.constant 96 : index
      %get3A_1494 = tpu.vector_load %arg7[%get3A_1492, %get3A_1493] {strides = array<i32>} : memref<160x128xi32, #tpu.memory_space<vmem>>, vector<16xi32>,
      %get3A_1495 = arith.index_cast %add3A_1474 : i32 to index
      %get3A_1496 = arith.constant 112 : index
      %get3A_1497 = tpu.vector_load %arg7[%get3A_1495, %get3A_1496] {strides = array<i32>} : memref<160x128xi32, #tpu.memory_space<vmem>>, vector<16xi32>,
      %bitcast_convert_type3A = tpu.bitcast %get3A_1476 : vector<16xi32> -> vector<16xi32>
      %sub3A = vector.broadcast %scan3A_691 : i32 to vector<16xi32>
      %sub3A_1498 = arith.subi %bitcast_convert_type3A, %sub3A : vector<16xi32>
      %bitcast_convert_type3A_1499 = tpu.bitcast %get3A_1479 : vector<16xi32> -> vector<16xi32>
      %sub3A_1500 = vector.broadcast %scan3A_691 : i32 to vector<16xi32>
      %sub3A_1501 = arith.subi %bitcast_convert_type3A_1499, %sub3A_1500 : vector<16xi32>
      %bitcast_convert_type3A_1502 = tpu.bitcast %get3A_1482 : vector<16xi32> -> vector<16xi32>
      %sub3A_1503 = vector.broadcast %scan3A_691 : i32 to vector<16xi32>
      %sub3A_1504 = arith.subi %bitcast_convert_type3A_1502, %sub3A_1503 : vector<16xi32>
      %bitcast_convert_type3A_1505 = tpu.bitcast %get3A_1485 : vector<16xi32> -> vector<16xi32>
      %sub3A_1506 = vector.broadcast %scan3A_691 : i32 to vector<16xi32>
      %sub3A_1507 = arith.subi %bitcast_convert_type3A_1505, %sub3A_1506 : vector<16xi32>
      %bitcast_convert_type3A_1508 = tpu.bitcast %get3A_1488 : vector<16xi32> -> vector<16xi32>
      %sub3A_1509 = vector.broadcast %scan3A_691 : i32 to vector<16xi32>
      %sub3A_1510 = arith.subi %bitcast_convert_type3A_1508, %sub3A_1509 : vector<16xi32>
      %bitcast_convert_type3A_1511 = tpu.bitcast %get3A_1491 : vector<16xi32> -> vector<16xi32>
      %sub3A_1512 = vector.broadcast %scan3A_691 : i32 to vector<16xi32>
      %sub3A_1513 = arith.subi %bitcast_convert_type3A_1511, %sub3A_1512 : vector<16xi32>
      %bitcast_convert_type3A_1514 = tpu.bitcast %get3A_1494 : vector<16xi32> -> vector<16xi32>
      %sub3A_1515 = vector.broadcast %scan3A_691 : i32 to vector<16xi32>
      %sub3A_1516 = arith.subi %bitcast_convert_type3A_1514, %sub3A_1515 : vector<16xi32>
      %bitcast_convert_type3A_1517 = tpu.bitcast %get3A_1497 : vector<16xi32> -> vector<16xi32>
      %sub3A_1518 = vector.broadcast %scan3A_691 : i32 to vector<16xi32>
      %sub3A_1519 = arith.subi %bitcast_convert_type3A_1517, %sub3A_1518 : vector<16xi32>
      %bitcast_convert_type3A_1520 = tpu.bitcast %sub3A_1498 : vector<16xi32> -> vector<16xi32>
      %lt3A = vector.broadcast %scan3A_692 : i32 to vector<16xi32>
      %lt3A_1521 = arith.cmpi ult, %sub3A_1498, %lt3A : vector<16xi32>
      tpu.vector_store_idx %arg6[%bitcast_convert_type3A_1520, %add3A_662], %broadcast_in_dim3A_658 masked %lt3A_1521 : memref<401x128xf32, #tpu.memory_space<vmem>>[vector<16xi32>, vector<16xi32>], vector<16xf32>, vector<16xi1>
      %bitcast_convert_type3A_1522 = tpu.bitcast %sub3A_1501 : vector<16xi32> -> vector<16xi32>
      %lt3A_1523 = vector.broadcast %scan3A_692 : i32 to vector<16xi32>
      %lt3A_1524 = arith.cmpi ult, %sub3A_1501, %lt3A_1523 : vector<16xi32>
      tpu.vector_store_idx %arg6[%bitcast_convert_type3A_1522, %add3A_666], %broadcast_in_dim3A_658 masked %lt3A_1524 : memref<401x128xf32, #tpu.memory_space<vmem>>[vector<16xi32>, vector<16xi32>], vector<16xf32>, vector<16xi1>
      %bitcast_convert_type3A_1525 = tpu.bitcast %sub3A_1504 : vector<16xi32> -> vector<16xi32>
      %lt3A_1526 = vector.broadcast %scan3A_692 : i32 to vector<16xi32>
      %lt3A_1527 = arith.cmpi ult, %sub3A_1504, %lt3A_1526 : vector<16xi32>
      tpu.vector_store_idx %arg6[%bitcast_convert_type3A_1525, %add3A_670], %broadcast_in_dim3A_658 masked %lt3A_1527 : memref<401x128xf32, #tpu.memory_space<vmem>>[vector<16xi32>, vector<16xi32>], vector<16xf32>, vector<16xi1>
      %bitcast_convert_type3A_1528 = tpu.bitcast %sub3A_1507 : vector<16xi32> -> vector<16xi32>
      %lt3A_1529 = vector.broadcast %scan3A_692 : i32 to vector<16xi32>
      %lt3A_1530 = arith.cmpi ult, %sub3A_1507, %lt3A_1529 : vector<16xi32>
      tpu.vector_store_idx %arg6[%bitcast_convert_type3A_1528, %add3A_674], %broadcast_in_dim3A_658 masked %lt3A_1530 : memref<401x128xf32, #tpu.memory_space<vmem>>[vector<16xi32>, vector<16xi32>], vector<16xf32>, vector<16xi1>
      %bitcast_convert_type3A_1531 = tpu.bitcast %sub3A_1510 : vector<16xi32> -> vector<16xi32>
      %lt3A_1532 = vector.broadcast %scan3A_692 : i32 to vector<16xi32>
      %lt3A_1533 = arith.cmpi ult, %sub3A_1510, %lt3A_1532 : vector<16xi32>
      tpu.vector_store_idx %arg6[%bitcast_convert_type3A_1531, %add3A_678], %broadcast_in_dim3A_658 masked %lt3A_1533 : memref<401x128xf32, #tpu.memory_space<vmem>>[vector<16xi32>, vector<16xi32>], vector<16xf32>, vector<16xi1>
      %bitcast_convert_type3A_1534 = tpu.bitcast %sub3A_1513 : vector<16xi32> -> vector<16xi32>
      %lt3A_1535 = vector.broadcast %scan3A_692 : i32 to vector<16xi32>
      %lt3A_1536 = arith.cmpi ult, %sub3A_1513, %lt3A_1535 : vector<16xi32>
      tpu.vector_store_idx %arg6[%bitcast_convert_type3A_1534, %add3A_682], %broadcast_in_dim3A_658 masked %lt3A_1536 : memref<401x128xf32, #tpu.memory_space<vmem>>[vector<16xi32>, vector<16xi32>], vector<16xf32>, vector<16xi1>
      %bitcast_convert_type3A_1537 = tpu.bitcast %sub3A_1516 : vector<16xi32> -> vector<16xi32>
      %lt3A_1538 = vector.broadcast %scan3A_692 : i32 to vector<16xi32>
      %lt3A_1539 = arith.cmpi ult, %sub3A_1516, %lt3A_1538 : vector<16xi32>
      tpu.vector_store_idx %arg6[%bitcast_convert_type3A_1537, %add3A_686], %broadcast_in_dim3A_658 masked %lt3A_1539 : memref<401x128xf32, #tpu.memory_space<vmem>>[vector<16xi32>, vector<16xi32>], vector<16xf32>, vector<16xi1>
      %bitcast_convert_type3A_1540 = tpu.bitcast %sub3A_1519 : vector<16xi32> -> vector<16xi32>
      %lt3A_1541 = vector.broadcast %scan3A_692 : i32 to vector<16xi32>
      %lt3A_1542 = arith.cmpi ult, %sub3A_1519, %lt3A_1541 : vector<16xi32>
      tpu.vector_store_idx %arg6[%bitcast_convert_type3A_1540, %add3A_690], %broadcast_in_dim3A_658 masked %lt3A_1542 : memref<401x128xf32, #tpu.memory_space<vmem>>[vector<16xi32>, vector<16xi32>], vector<16xf32>, vector<16xi1>
    }
    %scan3A_697 = arith.constant 160 : i32
    %add3A_698 = arith.constant 256 : i32
    %add3A_699 = arith.addi %mul3A_2, %add3A_698 : i32
    %dma_start3A_700 = arith.constant 0 : i32
    %dma_start3A_701 = tpu.memref_slice %arg3[%dma_start3A_700, %add3A_699] : memref<160x16384xi32, #tpu.memory_space<hbm>> -> memref<160x128xi32, #tpu.memory_space<hbm>>
    %dma_start3A_702 = arith.constant 0 : i32
    %dma_start3A_703 = tpu.memref_slice %arg3[%dma_start3A_702, %add3A_699] : memref<160x16384xi32, #tpu.memory_space<hbm>> -> memref<160x128xi32, #tpu.memory_space<hbm>>
    tpu.enqueue_dma source(%dma_start3A_703 : memref<160x128xi32, #tpu.memory_space<hbm>>) target(%arg7 : memref<160x128xi32, #tpu.memory_space<vmem>>) target_semaphore(%arg12 : memref<!tpu.dma_semaphore, #tpu.memory_space<semaphore_mem>>)
    %add3A_704 = arith.constant 128 : i32
    %add3A_705 = arith.addi %mul3A_2, %add3A_704 : i32
    %dma_start3A_706 = arith.constant 0 : i32
    %dma_start3A_707 = arith.constant 0 : i32
    %dma_start3A_708 = tpu.memref_slice %arg6[%dma_start3A_706, %dma_start3A_707] : memref<401x128xf32, #tpu.memory_space<vmem>> -> memref<400x128xf32, #tpu.memory_space<vmem>>
    %dma_start3A_709 = arith.constant 1200 : i32
    %dma_start3A_710 = tpu.memref_slice %arg4[%dma_start3A_709, %add3A_705] : memref<1600x16384xf32, #tpu.memory_space<hbm>> -> memref<400x128xf32, #tpu.memory_space<hbm>>
    %dma_start3A_711 = arith.constant 1200 : i32
    %dma_start3A_712 = tpu.memref_slice %arg4[%dma_start3A_711, %add3A_705] : memref<1600x16384xf32, #tpu.memory_space<hbm>> -> memref<400x128xf32, #tpu.memory_space<hbm>>
    %dma_start3A_713 = arith.constant 0 : i32
    %dma_start3A_714 = arith.constant 0 : i32
    %dma_start3A_715 = tpu.memref_slice %arg6[%dma_start3A_713, %dma_start3A_714] : memref<401x128xf32, #tpu.memory_space<vmem>> -> memref<400x128xf32, #tpu.memory_space<vmem>>
    tpu.enqueue_dma source(%dma_start3A_715 : memref<400x128xf32, #tpu.memory_space<vmem>>) target(%dma_start3A_712 : memref<400x128xf32, #tpu.memory_space<hbm>>) target_semaphore(%arg11 : memref<!tpu.dma_semaphore, #tpu.memory_space<semaphore_mem>>)
    %add3A_716 = arith.constant 128 : i32
    %add3A_717 = arith.addi %mul3A_2, %add3A_716 : i32
    %dma_wait3A_718 = arith.constant 0 : i32
    %dma_wait3A_719 = arith.constant 0 : i32
    %dma_wait3A_720 = tpu.memref_slice %arg5[%dma_wait3A_718, %dma_wait3A_719] : memref<401x128xf32, #tpu.memory_space<vmem>> -> memref<400x128xf32, #tpu.memory_space<vmem>>
    %dma_wait3A_721 = arith.constant 800 : i32
    %dma_wait3A_722 = tpu.memref_slice %arg4[%dma_wait3A_721, %add3A_717] : memref<1600x16384xf32, #tpu.memory_space<hbm>> -> memref<400x128xf32, #tpu.memory_space<hbm>>
    %dma_wait3A_723 = arith.constant 800 : i32
    %dma_wait3A_724 = tpu.memref_slice %arg4[%dma_wait3A_723, %add3A_717] : memref<1600x16384xf32, #tpu.memory_space<hbm>> -> memref<400x128xf32, #tpu.memory_space<hbm>>
    %dma_wait3A_725 = arith.constant 0 : i32
    %dma_wait3A_726 = arith.constant 0 : i32
    %dma_wait3A_727 = tpu.memref_slice %arg5[%dma_wait3A_725, %dma_wait3A_726] : memref<401x128xf32, #tpu.memory_space<vmem>> -> memref<400x128xf32, #tpu.memory_space<vmem>>
    tpu.wait_dma2 semaphore(%arg10 : memref<!tpu.dma_semaphore, #tpu.memory_space<semaphore_mem>>) src(%dma_wait3A_727 : memref<400x128xf32, #tpu.memory_space<vmem>>) dst(%dma_wait3A_724 : memref<400x128xf32, #tpu.memory_space<hbm>>)
    %add3A_728 = arith.constant 256 : i32
    %add3A_729 = arith.addi %mul3A_2, %add3A_728 : i32
    %dma_start3A_730 = arith.constant 0 : i32
    %dma_start3A_731 = arith.constant 0 : i32
    %dma_start3A_732 = tpu.memref_slice %arg5[%dma_start3A_730, %dma_start3A_731] : memref<401x128xf32, #tpu.memory_space<vmem>> -> memref<400x128xf32, #tpu.memory_space<vmem>>
    %dma_start3A_733 = arith.constant 0 : i32
    %dma_start3A_734 = tpu.memref_slice %arg2[%dma_start3A_733, %add3A_729] : memref<1600x16384xf32, #tpu.memory_space<hbm>> -> memref<400x128xf32, #tpu.memory_space<hbm>>
    %dma_start3A_735 = arith.constant 0 : i32
    %dma_start3A_736 = arith.constant 0 : i32
    %dma_start3A_737 = tpu.memref_slice %arg5[%dma_start3A_735, %dma_start3A_736] : memref<401x128xf32, #tpu.memory_space<vmem>> -> memref<400x128xf32, #tpu.memory_space<vmem>>
    %dma_start3A_738 = arith.constant 0 : i32
    %dma_start3A_739 = tpu.memref_slice %arg2[%dma_start3A_738, %add3A_729] : memref<1600x16384xf32, #tpu.memory_space<hbm>> -> memref<400x128xf32, #tpu.memory_space<hbm>>
    tpu.enqueue_dma source(%dma_start3A_739 : memref<400x128xf32, #tpu.memory_space<hbm>>) target(%dma_start3A_737 : memref<400x128xf32, #tpu.memory_space<vmem>>) target_semaphore(%arg8 : memref<!tpu.dma_semaphore, #tpu.memory_space<semaphore_mem>>)
    %add3A_740 = arith.constant 128 : i32
    %add3A_741 = arith.addi %mul3A_2, %add3A_740 : i32
    %dma_wait3A_742 = arith.constant 0 : i32
    %dma_wait3A_743 = arith.constant 0 : i32
    %dma_wait3A_744 = tpu.memref_slice %arg6[%dma_wait3A_742, %dma_wait3A_743] : memref<401x128xf32, #tpu.memory_space<vmem>> -> memref<400x128xf32, #tpu.memory_space<vmem>>
    %dma_wait3A_745 = arith.constant 1200 : i32
    %dma_wait3A_746 = tpu.memref_slice %arg4[%dma_wait3A_745, %add3A_741] : memref<1600x16384xf32, #tpu.memory_space<hbm>> -> memref<400x128xf32, #tpu.memory_space<hbm>>
    %dma_wait3A_747 = arith.constant 1200 : i32
    %dma_wait3A_748 = tpu.memref_slice %arg4[%dma_wait3A_747, %add3A_741] : memref<1600x16384xf32, #tpu.memory_space<hbm>> -> memref<400x128xf32, #tpu.memory_space<hbm>>
    %dma_wait3A_749 = arith.constant 0 : i32
    %dma_wait3A_750 = arith.constant 0 : i32
    %dma_wait3A_751 = tpu.memref_slice %arg6[%dma_wait3A_749, %dma_wait3A_750] : memref<401x128xf32, #tpu.memory_space<vmem>> -> memref<400x128xf32, #tpu.memory_space<vmem>>
    tpu.wait_dma2 semaphore(%arg11 : memref<!tpu.dma_semaphore, #tpu.memory_space<semaphore_mem>>) src(%dma_wait3A_751 : memref<400x128xf32, #tpu.memory_space<vmem>>) dst(%dma_wait3A_748 : memref<400x128xf32, #tpu.memory_space<hbm>>)
    %add3A_752 = arith.constant 256 : i32
    %add3A_753 = arith.addi %mul3A_2, %add3A_752 : i32
    %dma_start3A_754 = arith.constant 0 : i32
    %dma_start3A_755 = arith.constant 0 : i32
    %dma_start3A_756 = tpu.memref_slice %arg6[%dma_start3A_754, %dma_start3A_755] : memref<401x128xf32, #tpu.memory_space<vmem>> -> memref<400x128xf32, #tpu.memory_space<vmem>>
    %dma_start3A_757 = arith.constant 400 : i32
    %dma_start3A_758 = tpu.memref_slice %arg2[%dma_start3A_757, %add3A_753] : memref<1600x16384xf32, #tpu.memory_space<hbm>> -> memref<400x128xf32, #tpu.memory_space<hbm>>
    %dma_start3A_759 = arith.constant 0 : i32
    %dma_start3A_760 = arith.constant 0 : i32
    %dma_start3A_761 = tpu.memref_slice %arg6[%dma_start3A_759, %dma_start3A_760] : memref<401x128xf32, #tpu.memory_space<vmem>> -> memref<400x128xf32, #tpu.memory_space<vmem>>
    %dma_start3A_762 = arith.constant 400 : i32
    %dma_start3A_763 = tpu.memref_slice %arg2[%dma_start3A_762, %add3A_753] : memref<1600x16384xf32, #tpu.memory_space<hbm>> -> memref<400x128xf32, #tpu.memory_space<hbm>>
    tpu.enqueue_dma source(%dma_start3A_763 : memref<400x128xf32, #tpu.memory_space<hbm>>) target(%dma_start3A_761 : memref<400x128xf32, #tpu.memory_space<vmem>>) target_semaphore(%arg9 : memref<!tpu.dma_semaphore, #tpu.memory_space<semaphore_mem>>)
    %add3A_764 = arith.constant 256 : i32
    %add3A_765 = arith.addi %mul3A_2, %add3A_764 : i32
    %dma_wait3A_766 = arith.constant 0 : i32
    %dma_wait3A_767 = arith.constant 0 : i32
    %dma_wait3A_768 = tpu.memref_slice %arg5[%dma_wait3A_766, %dma_wait3A_767] : memref<401x128xf32, #tpu.memory_space<vmem>> -> memref<400x128xf32, #tpu.memory_space<vmem>>
    %dma_wait3A_769 = arith.constant 0 : i32
    %dma_wait3A_770 = tpu.memref_slice %arg2[%dma_wait3A_769, %add3A_765] : memref<1600x16384xf32, #tpu.memory_space<hbm>> -> memref<400x128xf32, #tpu.memory_space<hbm>>
    %dma_wait3A_771 = arith.constant 0 : i32
    %dma_wait3A_772 = arith.constant 0 : i32
    %dma_wait3A_773 = tpu.memref_slice %arg5[%dma_wait3A_771, %dma_wait3A_772] : memref<401x128xf32, #tpu.memory_space<vmem>> -> memref<400x128xf32, #tpu.memory_space<vmem>>
    %dma_wait3A_774 = arith.constant 0 : i32
    %dma_wait3A_775 = tpu.memref_slice %arg2[%dma_wait3A_774, %add3A_765] : memref<1600x16384xf32, #tpu.memory_space<hbm>> -> memref<400x128xf32, #tpu.memory_space<hbm>>
    tpu.wait_dma2 semaphore(%arg8 : memref<!tpu.dma_semaphore, #tpu.memory_space<semaphore_mem>>) src(%dma_wait3A_775 : memref<400x128xf32, #tpu.memory_space<hbm>>) dst(%dma_wait3A_773 : memref<400x128xf32, #tpu.memory_space<vmem>>)
    %add3A_776 = arith.constant 256 : i32
    %add3A_777 = arith.addi %mul3A_2, %add3A_776 : i32
    %dma_wait3A_778 = arith.constant 0 : i32
    %dma_wait3A_779 = tpu.memref_slice %arg3[%dma_wait3A_778, %add3A_777] : memref<160x16384xi32, #tpu.memory_space<hbm>> -> memref<160x128xi32, #tpu.memory_space<hbm>>
    %dma_wait3A_780 = arith.constant 0 : i32
    %dma_wait3A_781 = tpu.memref_slice %arg3[%dma_wait3A_780, %add3A_777] : memref<160x16384xi32, #tpu.memory_space<hbm>> -> memref<160x128xi32, #tpu.memory_space<hbm>>
    tpu.wait_dma2 semaphore(%arg12 : memref<!tpu.dma_semaphore, #tpu.memory_space<semaphore_mem>>) src(%dma_wait3A_781 : memref<160x128xi32, #tpu.memory_space<hbm>>) dst(%arg7 : memref<160x128xi32, #tpu.memory_space<vmem>>)
    %broadcast_in_dim3A_782 = arith.constant 0.000000e+00 : f32
    %broadcast_in_dim3A_783 = vector.broadcast %broadcast_in_dim3A_782 : f32 to vector<16xf32>
    %iota3A_784 = tpu.iota {dimensions = array<i32: 0>} : vector<16xi32>
    %add3A_785 = arith.constant 0 : i32
    %add3A_786 = vector.broadcast %add3A_785 : i32 to vector<16xi32>
    %add3A_787 = arith.addi %iota3A_784, %add3A_786 : vector<16xi32>
    %iota3A_788 = tpu.iota {dimensions = array<i32: 0>} : vector<16xi32>
    %add3A_789 = arith.constant 16 : i32
    %add3A_790 = vector.broadcast %add3A_789 : i32 to vector<16xi32>
    %add3A_791 = arith.addi %iota3A_788, %add3A_790 : vector<16xi32>
    %iota3A_792 = tpu.iota {dimensions = array<i32: 0>} : vector<16xi32>
    %add3A_793 = arith.constant 32 : i32
    %add3A_794 = vector.broadcast %add3A_793 : i32 to vector<16xi32>
    %add3A_795 = arith.addi %iota3A_792, %add3A_794 : vector<16xi32>
    %iota3A_796 = tpu.iota {dimensions = array<i32: 0>} : vector<16xi32>
    %add3A_797 = arith.constant 48 : i32
    %add3A_798 = vector.broadcast %add3A_797 : i32 to vector<16xi32>
    %add3A_799 = arith.addi %iota3A_796, %add3A_798 : vector<16xi32>
    %iota3A_800 = tpu.iota {dimensions = array<i32: 0>} : vector<16xi32>
    %add3A_801 = arith.constant 64 : i32
    %add3A_802 = vector.broadcast %add3A_801 : i32 to vector<16xi32>
    %add3A_803 = arith.addi %iota3A_800, %add3A_802 : vector<16xi32>
    %iota3A_804 = tpu.iota {dimensions = array<i32: 0>} : vector<16xi32>
    %add3A_805 = arith.constant 80 : i32
    %add3A_806 = vector.broadcast %add3A_805 : i32 to vector<16xi32>
    %add3A_807 = arith.addi %iota3A_804, %add3A_806 : vector<16xi32>
    %iota3A_808 = tpu.iota {dimensions = array<i32: 0>} : vector<16xi32>
    %add3A_809 = arith.constant 96 : i32
    %add3A_810 = vector.broadcast %add3A_809 : i32 to vector<16xi32>
    %add3A_811 = arith.addi %iota3A_808, %add3A_810 : vector<16xi32>
    %iota3A_812 = tpu.iota {dimensions = array<i32: 0>} : vector<16xi32>
    %add3A_813 = arith.constant 112 : i32
    %add3A_814 = vector.broadcast %add3A_813 : i32 to vector<16xi32>
    %add3A_815 = arith.addi %iota3A_812, %add3A_814 : vector<16xi32>
    %scan3A_816 = arith.constant 0 : i32
    %scan3A_817 = arith.constant 400 : i32
    %scan3A_818 = arith.constant 0 : i32
    %scan3A_819 = arith.constant 160 : i32
    %scan3A_820 = arith.addi %scan3A_818, %scan3A_819 : i32
    %scan3A_821 = arith.constant 1 : i32
    scf.for %scan3A_1470 = %scan3A_818 to %scan3A_820 step %scan3A_821  : i32 {
      %mul3A_1471 = arith.constant 1 : i32
      %mul3A_1472 = arith.muli %scan3A_1470, %mul3A_1471 : i32
      %add3A_1473 = arith.constant 0 : i32
      %add3A_1474 = arith.addi %add3A_1473, %mul3A_1472 : i32
      %get3A = arith.index_cast %add3A_1474 : i32 to index
      %get3A_1475 = arith.constant 0 : index
      %get3A_1476 = tpu.vector_load %arg7[%get3A, %get3A_1475] {strides = array<i32>} : memref<160x128xi32, #tpu.memory_space<vmem>>, vector<16xi32>,
      %get3A_1477 = arith.index_cast %add3A_1474 : i32 to index
      %get3A_1478 = arith.constant 16 : index
      %get3A_1479 = tpu.vector_load %arg7[%get3A_1477, %get3A_1478] {strides = array<i32>} : memref<160x128xi32, #tpu.memory_space<vmem>>, vector<16xi32>,
      %get3A_1480 = arith.index_cast %add3A_1474 : i32 to index
      %get3A_1481 = arith.constant 32 : index
      %get3A_1482 = tpu.vector_load %arg7[%get3A_1480, %get3A_1481] {strides = array<i32>} : memref<160x128xi32, #tpu.memory_space<vmem>>, vector<16xi32>,
      %get3A_1483 = arith.index_cast %add3A_1474 : i32 to index
      %get3A_1484 = arith.constant 48 : index
      %get3A_1485 = tpu.vector_load %arg7[%get3A_1483, %get3A_1484] {strides = array<i32>} : memref<160x128xi32, #tpu.memory_space<vmem>>, vector<16xi32>,
      %get3A_1486 = arith.index_cast %add3A_1474 : i32 to index
      %get3A_1487 = arith.constant 64 : index
      %get3A_1488 = tpu.vector_load %arg7[%get3A_1486, %get3A_1487] {strides = array<i32>} : memref<160x128xi32, #tpu.memory_space<vmem>>, vector<16xi32>,
      %get3A_1489 = arith.index_cast %add3A_1474 : i32 to index
      %get3A_1490 = arith.constant 80 : index
      %get3A_1491 = tpu.vector_load %arg7[%get3A_1489, %get3A_1490] {strides = array<i32>} : memref<160x128xi32, #tpu.memory_space<vmem>>, vector<16xi32>,
      %get3A_1492 = arith.index_cast %add3A_1474 : i32 to index
      %get3A_1493 = arith.constant 96 : index
      %get3A_1494 = tpu.vector_load %arg7[%get3A_1492, %get3A_1493] {strides = array<i32>} : memref<160x128xi32, #tpu.memory_space<vmem>>, vector<16xi32>,
      %get3A_1495 = arith.index_cast %add3A_1474 : i32 to index
      %get3A_1496 = arith.constant 112 : index
      %get3A_1497 = tpu.vector_load %arg7[%get3A_1495, %get3A_1496] {strides = array<i32>} : memref<160x128xi32, #tpu.memory_space<vmem>>, vector<16xi32>,
      %bitcast_convert_type3A = tpu.bitcast %get3A_1476 : vector<16xi32> -> vector<16xi32>
      %sub3A = vector.broadcast %scan3A_816 : i32 to vector<16xi32>
      %sub3A_1498 = arith.subi %bitcast_convert_type3A, %sub3A : vector<16xi32>
      %bitcast_convert_type3A_1499 = tpu.bitcast %get3A_1479 : vector<16xi32> -> vector<16xi32>
      %sub3A_1500 = vector.broadcast %scan3A_816 : i32 to vector<16xi32>
      %sub3A_1501 = arith.subi %bitcast_convert_type3A_1499, %sub3A_1500 : vector<16xi32>
      %bitcast_convert_type3A_1502 = tpu.bitcast %get3A_1482 : vector<16xi32> -> vector<16xi32>
      %sub3A_1503 = vector.broadcast %scan3A_816 : i32 to vector<16xi32>
      %sub3A_1504 = arith.subi %bitcast_convert_type3A_1502, %sub3A_1503 : vector<16xi32>
      %bitcast_convert_type3A_1505 = tpu.bitcast %get3A_1485 : vector<16xi32> -> vector<16xi32>
      %sub3A_1506 = vector.broadcast %scan3A_816 : i32 to vector<16xi32>
      %sub3A_1507 = arith.subi %bitcast_convert_type3A_1505, %sub3A_1506 : vector<16xi32>
      %bitcast_convert_type3A_1508 = tpu.bitcast %get3A_1488 : vector<16xi32> -> vector<16xi32>
      %sub3A_1509 = vector.broadcast %scan3A_816 : i32 to vector<16xi32>
      %sub3A_1510 = arith.subi %bitcast_convert_type3A_1508, %sub3A_1509 : vector<16xi32>
      %bitcast_convert_type3A_1511 = tpu.bitcast %get3A_1491 : vector<16xi32> -> vector<16xi32>
      %sub3A_1512 = vector.broadcast %scan3A_816 : i32 to vector<16xi32>
      %sub3A_1513 = arith.subi %bitcast_convert_type3A_1511, %sub3A_1512 : vector<16xi32>
      %bitcast_convert_type3A_1514 = tpu.bitcast %get3A_1494 : vector<16xi32> -> vector<16xi32>
      %sub3A_1515 = vector.broadcast %scan3A_816 : i32 to vector<16xi32>
      %sub3A_1516 = arith.subi %bitcast_convert_type3A_1514, %sub3A_1515 : vector<16xi32>
      %bitcast_convert_type3A_1517 = tpu.bitcast %get3A_1497 : vector<16xi32> -> vector<16xi32>
      %sub3A_1518 = vector.broadcast %scan3A_816 : i32 to vector<16xi32>
      %sub3A_1519 = arith.subi %bitcast_convert_type3A_1517, %sub3A_1518 : vector<16xi32>
      %bitcast_convert_type3A_1520 = tpu.bitcast %sub3A_1498 : vector<16xi32> -> vector<16xi32>
      %lt3A = vector.broadcast %scan3A_817 : i32 to vector<16xi32>
      %lt3A_1521 = arith.cmpi ult, %sub3A_1498, %lt3A : vector<16xi32>
      tpu.vector_store_idx %arg5[%bitcast_convert_type3A_1520, %add3A_787], %broadcast_in_dim3A_783 masked %lt3A_1521 : memref<401x128xf32, #tpu.memory_space<vmem>>[vector<16xi32>, vector<16xi32>], vector<16xf32>, vector<16xi1>
      %bitcast_convert_type3A_1522 = tpu.bitcast %sub3A_1501 : vector<16xi32> -> vector<16xi32>
      %lt3A_1523 = vector.broadcast %scan3A_817 : i32 to vector<16xi32>
      %lt3A_1524 = arith.cmpi ult, %sub3A_1501, %lt3A_1523 : vector<16xi32>
      tpu.vector_store_idx %arg5[%bitcast_convert_type3A_1522, %add3A_791], %broadcast_in_dim3A_783 masked %lt3A_1524 : memref<401x128xf32, #tpu.memory_space<vmem>>[vector<16xi32>, vector<16xi32>], vector<16xf32>, vector<16xi1>
      %bitcast_convert_type3A_1525 = tpu.bitcast %sub3A_1504 : vector<16xi32> -> vector<16xi32>
      %lt3A_1526 = vector.broadcast %scan3A_817 : i32 to vector<16xi32>
      %lt3A_1527 = arith.cmpi ult, %sub3A_1504, %lt3A_1526 : vector<16xi32>
      tpu.vector_store_idx %arg5[%bitcast_convert_type3A_1525, %add3A_795], %broadcast_in_dim3A_783 masked %lt3A_1527 : memref<401x128xf32, #tpu.memory_space<vmem>>[vector<16xi32>, vector<16xi32>], vector<16xf32>, vector<16xi1>
      %bitcast_convert_type3A_1528 = tpu.bitcast %sub3A_1507 : vector<16xi32> -> vector<16xi32>
      %lt3A_1529 = vector.broadcast %scan3A_817 : i32 to vector<16xi32>
      %lt3A_1530 = arith.cmpi ult, %sub3A_1507, %lt3A_1529 : vector<16xi32>
      tpu.vector_store_idx %arg5[%bitcast_convert_type3A_1528, %add3A_799], %broadcast_in_dim3A_783 masked %lt3A_1530 : memref<401x128xf32, #tpu.memory_space<vmem>>[vector<16xi32>, vector<16xi32>], vector<16xf32>, vector<16xi1>
      %bitcast_convert_type3A_1531 = tpu.bitcast %sub3A_1510 : vector<16xi32> -> vector<16xi32>
      %lt3A_1532 = vector.broadcast %scan3A_817 : i32 to vector<16xi32>
      %lt3A_1533 = arith.cmpi ult, %sub3A_1510, %lt3A_1532 : vector<16xi32>
      tpu.vector_store_idx %arg5[%bitcast_convert_type3A_1531, %add3A_803], %broadcast_in_dim3A_783 masked %lt3A_1533 : memref<401x128xf32, #tpu.memory_space<vmem>>[vector<16xi32>, vector<16xi32>], vector<16xf32>, vector<16xi1>
      %bitcast_convert_type3A_1534 = tpu.bitcast %sub3A_1513 : vector<16xi32> -> vector<16xi32>
      %lt3A_1535 = vector.broadcast %scan3A_817 : i32 to vector<16xi32>
      %lt3A_1536 = arith.cmpi ult, %sub3A_1513, %lt3A_1535 : vector<16xi32>
      tpu.vector_store_idx %arg5[%bitcast_convert_type3A_1534, %add3A_807], %broadcast_in_dim3A_783 masked %lt3A_1536 : memref<401x128xf32, #tpu.memory_space<vmem>>[vector<16xi32>, vector<16xi32>], vector<16xf32>, vector<16xi1>
      %bitcast_convert_type3A_1537 = tpu.bitcast %sub3A_1516 : vector<16xi32> -> vector<16xi32>
      %lt3A_1538 = vector.broadcast %scan3A_817 : i32 to vector<16xi32>
      %lt3A_1539 = arith.cmpi ult, %sub3A_1516, %lt3A_1538 : vector<16xi32>
      tpu.vector_store_idx %arg5[%bitcast_convert_type3A_1537, %add3A_811], %broadcast_in_dim3A_783 masked %lt3A_1539 : memref<401x128xf32, #tpu.memory_space<vmem>>[vector<16xi32>, vector<16xi32>], vector<16xf32>, vector<16xi1>
      %bitcast_convert_type3A_1540 = tpu.bitcast %sub3A_1519 : vector<16xi32> -> vector<16xi32>
      %lt3A_1541 = vector.broadcast %scan3A_817 : i32 to vector<16xi32>
      %lt3A_1542 = arith.cmpi ult, %sub3A_1519, %lt3A_1541 : vector<16xi32>
      tpu.vector_store_idx %arg5[%bitcast_convert_type3A_1540, %add3A_815], %broadcast_in_dim3A_783 masked %lt3A_1542 : memref<401x128xf32, #tpu.memory_space<vmem>>[vector<16xi32>, vector<16xi32>], vector<16xf32>, vector<16xi1>
    }
    %scan3A_822 = arith.constant 160 : i32
    %add3A_823 = arith.constant 256 : i32
    %add3A_824 = arith.addi %mul3A_2, %add3A_823 : i32
    %dma_start3A_825 = arith.constant 0 : i32
    %dma_start3A_826 = arith.constant 0 : i32
    %dma_start3A_827 = tpu.memref_slice %arg5[%dma_start3A_825, %dma_start3A_826] : memref<401x128xf32, #tpu.memory_space<vmem>> -> memref<400x128xf32, #tpu.memory_space<vmem>>
    %dma_start3A_828 = arith.constant 0 : i32
    %dma_start3A_829 = tpu.memref_slice %arg4[%dma_start3A_828, %add3A_824] : memref<1600x16384xf32, #tpu.memory_space<hbm>> -> memref<400x128xf32, #tpu.memory_space<hbm>>
    %dma_start3A_830 = arith.constant 0 : i32
    %dma_start3A_831 = tpu.memref_slice %arg4[%dma_start3A_830, %add3A_824] : memref<1600x16384xf32, #tpu.memory_space<hbm>> -> memref<400x128xf32, #tpu.memory_space<hbm>>
    %dma_start3A_832 = arith.constant 0 : i32
    %dma_start3A_833 = arith.constant 0 : i32
    %dma_start3A_834 = tpu.memref_slice %arg5[%dma_start3A_832, %dma_start3A_833] : memref<401x128xf32, #tpu.memory_space<vmem>> -> memref<400x128xf32, #tpu.memory_space<vmem>>
    tpu.enqueue_dma source(%dma_start3A_834 : memref<400x128xf32, #tpu.memory_space<vmem>>) target(%dma_start3A_831 : memref<400x128xf32, #tpu.memory_space<hbm>>) target_semaphore(%arg10 : memref<!tpu.dma_semaphore, #tpu.memory_space<semaphore_mem>>)
    %add3A_835 = arith.constant 256 : i32
    %add3A_836 = arith.addi %mul3A_2, %add3A_835 : i32
    %dma_wait3A_837 = arith.constant 0 : i32
    %dma_wait3A_838 = arith.constant 0 : i32
    %dma_wait3A_839 = tpu.memref_slice %arg6[%dma_wait3A_837, %dma_wait3A_838] : memref<401x128xf32, #tpu.memory_space<vmem>> -> memref<400x128xf32, #tpu.memory_space<vmem>>
    %dma_wait3A_840 = arith.constant 400 : i32
    %dma_wait3A_841 = tpu.memref_slice %arg2[%dma_wait3A_840, %add3A_836] : memref<1600x16384xf32, #tpu.memory_space<hbm>> -> memref<400x128xf32, #tpu.memory_space<hbm>>
    %dma_wait3A_842 = arith.constant 0 : i32
    %dma_wait3A_843 = arith.constant 0 : i32
    %dma_wait3A_844 = tpu.memref_slice %arg6[%dma_wait3A_842, %dma_wait3A_843] : memref<401x128xf32, #tpu.memory_space<vmem>> -> memref<400x128xf32, #tpu.memory_space<vmem>>
    %dma_wait3A_845 = arith.constant 400 : i32
    %dma_wait3A_846 = tpu.memref_slice %arg2[%dma_wait3A_845, %add3A_836] : memref<1600x16384xf32, #tpu.memory_space<hbm>> -> memref<400x128xf32, #tpu.memory_space<hbm>>
    tpu.wait_dma2 semaphore(%arg9 : memref<!tpu.dma_semaphore, #tpu.memory_space<semaphore_mem>>) src(%dma_wait3A_846 : memref<400x128xf32, #tpu.memory_space<hbm>>) dst(%dma_wait3A_844 : memref<400x128xf32, #tpu.memory_space<vmem>>)
    %broadcast_in_dim3A_847 = arith.constant 0.000000e+00 : f32
    %broadcast_in_dim3A_848 = vector.broadcast %broadcast_in_dim3A_847 : f32 to vector<16xf32>
    %iota3A_849 = tpu.iota {dimensions = array<i32: 0>} : vector<16xi32>
    %add3A_850 = arith.constant 0 : i32
    %add3A_851 = vector.broadcast %add3A_850 : i32 to vector<16xi32>
    %add3A_852 = arith.addi %iota3A_849, %add3A_851 : vector<16xi32>
    %iota3A_853 = tpu.iota {dimensions = array<i32: 0>} : vector<16xi32>
    %add3A_854 = arith.constant 16 : i32
    %add3A_855 = vector.broadcast %add3A_854 : i32 to vector<16xi32>
    %add3A_856 = arith.addi %iota3A_853, %add3A_855 : vector<16xi32>
    %iota3A_857 = tpu.iota {dimensions = array<i32: 0>} : vector<16xi32>
    %add3A_858 = arith.constant 32 : i32
    %add3A_859 = vector.broadcast %add3A_858 : i32 to vector<16xi32>
    %add3A_860 = arith.addi %iota3A_857, %add3A_859 : vector<16xi32>
    %iota3A_861 = tpu.iota {dimensions = array<i32: 0>} : vector<16xi32>
    %add3A_862 = arith.constant 48 : i32
    %add3A_863 = vector.broadcast %add3A_862 : i32 to vector<16xi32>
    %add3A_864 = arith.addi %iota3A_861, %add3A_863 : vector<16xi32>
    %iota3A_865 = tpu.iota {dimensions = array<i32: 0>} : vector<16xi32>
    %add3A_866 = arith.constant 64 : i32
    %add3A_867 = vector.broadcast %add3A_866 : i32 to vector<16xi32>
    %add3A_868 = arith.addi %iota3A_865, %add3A_867 : vector<16xi32>
    %iota3A_869 = tpu.iota {dimensions = array<i32: 0>} : vector<16xi32>
    %add3A_870 = arith.constant 80 : i32
    %add3A_871 = vector.broadcast %add3A_870 : i32 to vector<16xi32>
    %add3A_872 = arith.addi %iota3A_869, %add3A_871 : vector<16xi32>
    %iota3A_873 = tpu.iota {dimensions = array<i32: 0>} : vector<16xi32>
    %add3A_874 = arith.constant 96 : i32
    %add3A_875 = vector.broadcast %add3A_874 : i32 to vector<16xi32>
    %add3A_876 = arith.addi %iota3A_873, %add3A_875 : vector<16xi32>
    %iota3A_877 = tpu.iota {dimensions = array<i32: 0>} : vector<16xi32>
    %add3A_878 = arith.constant 112 : i32
    %add3A_879 = vector.broadcast %add3A_878 : i32 to vector<16xi32>
    %add3A_880 = arith.addi %iota3A_877, %add3A_879 : vector<16xi32>
    %scan3A_881 = arith.constant 400 : i32
    %scan3A_882 = arith.constant 400 : i32
    %scan3A_883 = arith.constant 0 : i32
    %scan3A_884 = arith.constant 160 : i32
    %scan3A_885 = arith.addi %scan3A_883, %scan3A_884 : i32
    %scan3A_886 = arith.constant 1 : i32
    scf.for %scan3A_1470 = %scan3A_883 to %scan3A_885 step %scan3A_886  : i32 {
      %mul3A_1471 = arith.constant 1 : i32
      %mul3A_1472 = arith.muli %scan3A_1470, %mul3A_1471 : i32
      %add3A_1473 = arith.constant 0 : i32
      %add3A_1474 = arith.addi %add3A_1473, %mul3A_1472 : i32
      %get3A = arith.index_cast %add3A_1474 : i32 to index
      %get3A_1475 = arith.constant 0 : index
      %get3A_1476 = tpu.vector_load %arg7[%get3A, %get3A_1475] {strides = array<i32>} : memref<160x128xi32, #tpu.memory_space<vmem>>, vector<16xi32>,
      %get3A_1477 = arith.index_cast %add3A_1474 : i32 to index
      %get3A_1478 = arith.constant 16 : index
      %get3A_1479 = tpu.vector_load %arg7[%get3A_1477, %get3A_1478] {strides = array<i32>} : memref<160x128xi32, #tpu.memory_space<vmem>>, vector<16xi32>,
      %get3A_1480 = arith.index_cast %add3A_1474 : i32 to index
      %get3A_1481 = arith.constant 32 : index
      %get3A_1482 = tpu.vector_load %arg7[%get3A_1480, %get3A_1481] {strides = array<i32>} : memref<160x128xi32, #tpu.memory_space<vmem>>, vector<16xi32>,
      %get3A_1483 = arith.index_cast %add3A_1474 : i32 to index
      %get3A_1484 = arith.constant 48 : index
      %get3A_1485 = tpu.vector_load %arg7[%get3A_1483, %get3A_1484] {strides = array<i32>} : memref<160x128xi32, #tpu.memory_space<vmem>>, vector<16xi32>,
      %get3A_1486 = arith.index_cast %add3A_1474 : i32 to index
      %get3A_1487 = arith.constant 64 : index
      %get3A_1488 = tpu.vector_load %arg7[%get3A_1486, %get3A_1487] {strides = array<i32>} : memref<160x128xi32, #tpu.memory_space<vmem>>, vector<16xi32>,
      %get3A_1489 = arith.index_cast %add3A_1474 : i32 to index
      %get3A_1490 = arith.constant 80 : index
      %get3A_1491 = tpu.vector_load %arg7[%get3A_1489, %get3A_1490] {strides = array<i32>} : memref<160x128xi32, #tpu.memory_space<vmem>>, vector<16xi32>,
      %get3A_1492 = arith.index_cast %add3A_1474 : i32 to index
      %get3A_1493 = arith.constant 96 : index
      %get3A_1494 = tpu.vector_load %arg7[%get3A_1492, %get3A_1493] {strides = array<i32>} : memref<160x128xi32, #tpu.memory_space<vmem>>, vector<16xi32>,
      %get3A_1495 = arith.index_cast %add3A_1474 : i32 to index
      %get3A_1496 = arith.constant 112 : index
      %get3A_1497 = tpu.vector_load %arg7[%get3A_1495, %get3A_1496] {strides = array<i32>} : memref<160x128xi32, #tpu.memory_space<vmem>>, vector<16xi32>,
      %bitcast_convert_type3A = tpu.bitcast %get3A_1476 : vector<16xi32> -> vector<16xi32>
      %sub3A = vector.broadcast %scan3A_881 : i32 to vector<16xi32>
      %sub3A_1498 = arith.subi %bitcast_convert_type3A, %sub3A : vector<16xi32>
      %bitcast_convert_type3A_1499 = tpu.bitcast %get3A_1479 : vector<16xi32> -> vector<16xi32>
      %sub3A_1500 = vector.broadcast %scan3A_881 : i32 to vector<16xi32>
      %sub3A_1501 = arith.subi %bitcast_convert_type3A_1499, %sub3A_1500 : vector<16xi32>
      %bitcast_convert_type3A_1502 = tpu.bitcast %get3A_1482 : vector<16xi32> -> vector<16xi32>
      %sub3A_1503 = vector.broadcast %scan3A_881 : i32 to vector<16xi32>
      %sub3A_1504 = arith.subi %bitcast_convert_type3A_1502, %sub3A_1503 : vector<16xi32>
      %bitcast_convert_type3A_1505 = tpu.bitcast %get3A_1485 : vector<16xi32> -> vector<16xi32>
      %sub3A_1506 = vector.broadcast %scan3A_881 : i32 to vector<16xi32>
      %sub3A_1507 = arith.subi %bitcast_convert_type3A_1505, %sub3A_1506 : vector<16xi32>
      %bitcast_convert_type3A_1508 = tpu.bitcast %get3A_1488 : vector<16xi32> -> vector<16xi32>
      %sub3A_1509 = vector.broadcast %scan3A_881 : i32 to vector<16xi32>
      %sub3A_1510 = arith.subi %bitcast_convert_type3A_1508, %sub3A_1509 : vector<16xi32>
      %bitcast_convert_type3A_1511 = tpu.bitcast %get3A_1491 : vector<16xi32> -> vector<16xi32>
      %sub3A_1512 = vector.broadcast %scan3A_881 : i32 to vector<16xi32>
      %sub3A_1513 = arith.subi %bitcast_convert_type3A_1511, %sub3A_1512 : vector<16xi32>
      %bitcast_convert_type3A_1514 = tpu.bitcast %get3A_1494 : vector<16xi32> -> vector<16xi32>
      %sub3A_1515 = vector.broadcast %scan3A_881 : i32 to vector<16xi32>
      %sub3A_1516 = arith.subi %bitcast_convert_type3A_1514, %sub3A_1515 : vector<16xi32>
      %bitcast_convert_type3A_1517 = tpu.bitcast %get3A_1497 : vector<16xi32> -> vector<16xi32>
      %sub3A_1518 = vector.broadcast %scan3A_881 : i32 to vector<16xi32>
      %sub3A_1519 = arith.subi %bitcast_convert_type3A_1517, %sub3A_1518 : vector<16xi32>
      %bitcast_convert_type3A_1520 = tpu.bitcast %sub3A_1498 : vector<16xi32> -> vector<16xi32>
      %lt3A = vector.broadcast %scan3A_882 : i32 to vector<16xi32>
      %lt3A_1521 = arith.cmpi ult, %sub3A_1498, %lt3A : vector<16xi32>
      tpu.vector_store_idx %arg6[%bitcast_convert_type3A_1520, %add3A_852], %broadcast_in_dim3A_848 masked %lt3A_1521 : memref<401x128xf32, #tpu.memory_space<vmem>>[vector<16xi32>, vector<16xi32>], vector<16xf32>, vector<16xi1>
      %bitcast_convert_type3A_1522 = tpu.bitcast %sub3A_1501 : vector<16xi32> -> vector<16xi32>
      %lt3A_1523 = vector.broadcast %scan3A_882 : i32 to vector<16xi32>
      %lt3A_1524 = arith.cmpi ult, %sub3A_1501, %lt3A_1523 : vector<16xi32>
      tpu.vector_store_idx %arg6[%bitcast_convert_type3A_1522, %add3A_856], %broadcast_in_dim3A_848 masked %lt3A_1524 : memref<401x128xf32, #tpu.memory_space<vmem>>[vector<16xi32>, vector<16xi32>], vector<16xf32>, vector<16xi1>
      %bitcast_convert_type3A_1525 = tpu.bitcast %sub3A_1504 : vector<16xi32> -> vector<16xi32>
      %lt3A_1526 = vector.broadcast %scan3A_882 : i32 to vector<16xi32>
      %lt3A_1527 = arith.cmpi ult, %sub3A_1504, %lt3A_1526 : vector<16xi32>
      tpu.vector_store_idx %arg6[%bitcast_convert_type3A_1525, %add3A_860], %broadcast_in_dim3A_848 masked %lt3A_1527 : memref<401x128xf32, #tpu.memory_space<vmem>>[vector<16xi32>, vector<16xi32>], vector<16xf32>, vector<16xi1>
      %bitcast_convert_type3A_1528 = tpu.bitcast %sub3A_1507 : vector<16xi32> -> vector<16xi32>
      %lt3A_1529 = vector.broadcast %scan3A_882 : i32 to vector<16xi32>
      %lt3A_1530 = arith.cmpi ult, %sub3A_1507, %lt3A_1529 : vector<16xi32>
      tpu.vector_store_idx %arg6[%bitcast_convert_type3A_1528, %add3A_864], %broadcast_in_dim3A_848 masked %lt3A_1530 : memref<401x128xf32, #tpu.memory_space<vmem>>[vector<16xi32>, vector<16xi32>], vector<16xf32>, vector<16xi1>
      %bitcast_convert_type3A_1531 = tpu.bitcast %sub3A_1510 : vector<16xi32> -> vector<16xi32>
      %lt3A_1532 = vector.broadcast %scan3A_882 : i32 to vector<16xi32>
      %lt3A_1533 = arith.cmpi ult, %sub3A_1510, %lt3A_1532 : vector<16xi32>
      tpu.vector_store_idx %arg6[%bitcast_convert_type3A_1531, %add3A_868], %broadcast_in_dim3A_848 masked %lt3A_1533 : memref<401x128xf32, #tpu.memory_space<vmem>>[vector<16xi32>, vector<16xi32>], vector<16xf32>, vector<16xi1>
      %bitcast_convert_type3A_1534 = tpu.bitcast %sub3A_1513 : vector<16xi32> -> vector<16xi32>
      %lt3A_1535 = vector.broadcast %scan3A_882 : i32 to vector<16xi32>
      %lt3A_1536 = arith.cmpi ult, %sub3A_1513, %lt3A_1535 : vector<16xi32>
      tpu.vector_store_idx %arg6[%bitcast_convert_type3A_1534, %add3A_872], %broadcast_in_dim3A_848 masked %lt3A_1536 : memref<401x128xf32, #tpu.memory_space<vmem>>[vector<16xi32>, vector<16xi32>], vector<16xf32>, vector<16xi1>
      %bitcast_convert_type3A_1537 = tpu.bitcast %sub3A_1516 : vector<16xi32> -> vector<16xi32>
      %lt3A_1538 = vector.broadcast %scan3A_882 : i32 to vector<16xi32>
      %lt3A_1539 = arith.cmpi ult, %sub3A_1516, %lt3A_1538 : vector<16xi32>
      tpu.vector_store_idx %arg6[%bitcast_convert_type3A_1537, %add3A_876], %broadcast_in_dim3A_848 masked %lt3A_1539 : memref<401x128xf32, #tpu.memory_space<vmem>>[vector<16xi32>, vector<16xi32>], vector<16xf32>, vector<16xi1>
      %bitcast_convert_type3A_1540 = tpu.bitcast %sub3A_1519 : vector<16xi32> -> vector<16xi32>
      %lt3A_1541 = vector.broadcast %scan3A_882 : i32 to vector<16xi32>
      %lt3A_1542 = arith.cmpi ult, %sub3A_1519, %lt3A_1541 : vector<16xi32>
      tpu.vector_store_idx %arg6[%bitcast_convert_type3A_1540, %add3A_880], %broadcast_in_dim3A_848 masked %lt3A_1542 : memref<401x128xf32, #tpu.memory_space<vmem>>[vector<16xi32>, vector<16xi32>], vector<16xf32>, vector<16xi1>
    }
    %scan3A_887 = arith.constant 160 : i32
    %add3A_888 = arith.constant 256 : i32
    %add3A_889 = arith.addi %mul3A_2, %add3A_888 : i32
    %dma_start3A_890 = arith.constant 0 : i32
    %dma_start3A_891 = arith.constant 0 : i32
    %dma_start3A_892 = tpu.memref_slice %arg6[%dma_start3A_890, %dma_start3A_891] : memref<401x128xf32, #tpu.memory_space<vmem>> -> memref<400x128xf32, #tpu.memory_space<vmem>>
    %dma_start3A_893 = arith.constant 400 : i32
    %dma_start3A_894 = tpu.memref_slice %arg4[%dma_start3A_893, %add3A_889] : memref<1600x16384xf32, #tpu.memory_space<hbm>> -> memref<400x128xf32, #tpu.memory_space<hbm>>
    %dma_start3A_895 = arith.constant 400 : i32
    %dma_start3A_896 = tpu.memref_slice %arg4[%dma_start3A_895, %add3A_889] : memref<1600x16384xf32, #tpu.memory_space<hbm>> -> memref<400x128xf32, #tpu.memory_space<hbm>>
    %dma_start3A_897 = arith.constant 0 : i32
    %dma_start3A_898 = arith.constant 0 : i32
    %dma_start3A_899 = tpu.memref_slice %arg6[%dma_start3A_897, %dma_start3A_898] : memref<401x128xf32, #tpu.memory_space<vmem>> -> memref<400x128xf32, #tpu.memory_space<vmem>>
    tpu.enqueue_dma source(%dma_start3A_899 : memref<400x128xf32, #tpu.memory_space<vmem>>) target(%dma_start3A_896 : memref<400x128xf32, #tpu.memory_space<hbm>>) target_semaphore(%arg11 : memref<!tpu.dma_semaphore, #tpu.memory_space<semaphore_mem>>)
    %add3A_900 = arith.constant 256 : i32
    %add3A_901 = arith.addi %mul3A_2, %add3A_900 : i32
    %dma_wait3A_902 = arith.constant 0 : i32
    %dma_wait3A_903 = arith.constant 0 : i32
    %dma_wait3A_904 = tpu.memref_slice %arg5[%dma_wait3A_902, %dma_wait3A_903] : memref<401x128xf32, #tpu.memory_space<vmem>> -> memref<400x128xf32, #tpu.memory_space<vmem>>
    %dma_wait3A_905 = arith.constant 0 : i32
    %dma_wait3A_906 = tpu.memref_slice %arg4[%dma_wait3A_905, %add3A_901] : memref<1600x16384xf32, #tpu.memory_space<hbm>> -> memref<400x128xf32, #tpu.memory_space<hbm>>
    %dma_wait3A_907 = arith.constant 0 : i32
    %dma_wait3A_908 = tpu.memref_slice %arg4[%dma_wait3A_907, %add3A_901] : memref<1600x16384xf32, #tpu.memory_space<hbm>> -> memref<400x128xf32, #tpu.memory_space<hbm>>
    %dma_wait3A_909 = arith.constant 0 : i32
    %dma_wait3A_910 = arith.constant 0 : i32
    %dma_wait3A_911 = tpu.memref_slice %arg5[%dma_wait3A_909, %dma_wait3A_910] : memref<401x128xf32, #tpu.memory_space<vmem>> -> memref<400x128xf32, #tpu.memory_space<vmem>>
    tpu.wait_dma2 semaphore(%arg10 : memref<!tpu.dma_semaphore, #tpu.memory_space<semaphore_mem>>) src(%dma_wait3A_911 : memref<400x128xf32, #tpu.memory_space<vmem>>) dst(%dma_wait3A_908 : memref<400x128xf32, #tpu.memory_space<hbm>>)
    %add3A_912 = arith.constant 256 : i32
    %add3A_913 = arith.addi %mul3A_2, %add3A_912 : i32
    %dma_start3A_914 = arith.constant 0 : i32
    %dma_start3A_915 = arith.constant 0 : i32
    %dma_start3A_916 = tpu.memref_slice %arg5[%dma_start3A_914, %dma_start3A_915] : memref<401x128xf32, #tpu.memory_space<vmem>> -> memref<400x128xf32, #tpu.memory_space<vmem>>
    %dma_start3A_917 = arith.constant 800 : i32
    %dma_start3A_918 = tpu.memref_slice %arg2[%dma_start3A_917, %add3A_913] : memref<1600x16384xf32, #tpu.memory_space<hbm>> -> memref<400x128xf32, #tpu.memory_space<hbm>>
    %dma_start3A_919 = arith.constant 0 : i32
    %dma_start3A_920 = arith.constant 0 : i32
    %dma_start3A_921 = tpu.memref_slice %arg5[%dma_start3A_919, %dma_start3A_920] : memref<401x128xf32, #tpu.memory_space<vmem>> -> memref<400x128xf32, #tpu.memory_space<vmem>>
    %dma_start3A_922 = arith.constant 800 : i32
    %dma_start3A_923 = tpu.memref_slice %arg2[%dma_start3A_922, %add3A_913] : memref<1600x16384xf32, #tpu.memory_space<hbm>> -> memref<400x128xf32, #tpu.memory_space<hbm>>
    tpu.enqueue_dma source(%dma_start3A_923 : memref<400x128xf32, #tpu.memory_space<hbm>>) target(%dma_start3A_921 : memref<400x128xf32, #tpu.memory_space<vmem>>) target_semaphore(%arg8 : memref<!tpu.dma_semaphore, #tpu.memory_space<semaphore_mem>>)
    %add3A_924 = arith.constant 256 : i32
    %add3A_925 = arith.addi %mul3A_2, %add3A_924 : i32
    %dma_wait3A_926 = arith.constant 0 : i32
    %dma_wait3A_927 = arith.constant 0 : i32
    %dma_wait3A_928 = tpu.memref_slice %arg6[%dma_wait3A_926, %dma_wait3A_927] : memref<401x128xf32, #tpu.memory_space<vmem>> -> memref<400x128xf32, #tpu.memory_space<vmem>>
    %dma_wait3A_929 = arith.constant 400 : i32
    %dma_wait3A_930 = tpu.memref_slice %arg4[%dma_wait3A_929, %add3A_925] : memref<1600x16384xf32, #tpu.memory_space<hbm>> -> memref<400x128xf32, #tpu.memory_space<hbm>>
    %dma_wait3A_931 = arith.constant 400 : i32
    %dma_wait3A_932 = tpu.memref_slice %arg4[%dma_wait3A_931, %add3A_925] : memref<1600x16384xf32, #tpu.memory_space<hbm>> -> memref<400x128xf32, #tpu.memory_space<hbm>>
    %dma_wait3A_933 = arith.constant 0 : i32
    %dma_wait3A_934 = arith.constant 0 : i32
    %dma_wait3A_935 = tpu.memref_slice %arg6[%dma_wait3A_933, %dma_wait3A_934] : memref<401x128xf32, #tpu.memory_space<vmem>> -> memref<400x128xf32, #tpu.memory_space<vmem>>
    tpu.wait_dma2 semaphore(%arg11 : memref<!tpu.dma_semaphore, #tpu.memory_space<semaphore_mem>>) src(%dma_wait3A_935 : memref<400x128xf32, #tpu.memory_space<vmem>>) dst(%dma_wait3A_932 : memref<400x128xf32, #tpu.memory_space<hbm>>)
    %add3A_936 = arith.constant 256 : i32
    %add3A_937 = arith.addi %mul3A_2, %add3A_936 : i32
    %dma_start3A_938 = arith.constant 0 : i32
    %dma_start3A_939 = arith.constant 0 : i32
    %dma_start3A_940 = tpu.memref_slice %arg6[%dma_start3A_938, %dma_start3A_939] : memref<401x128xf32, #tpu.memory_space<vmem>> -> memref<400x128xf32, #tpu.memory_space<vmem>>
    %dma_start3A_941 = arith.constant 1200 : i32
    %dma_start3A_942 = tpu.memref_slice %arg2[%dma_start3A_941, %add3A_937] : memref<1600x16384xf32, #tpu.memory_space<hbm>> -> memref<400x128xf32, #tpu.memory_space<hbm>>
    %dma_start3A_943 = arith.constant 0 : i32
    %dma_start3A_944 = arith.constant 0 : i32
    %dma_start3A_945 = tpu.memref_slice %arg6[%dma_start3A_943, %dma_start3A_944] : memref<401x128xf32, #tpu.memory_space<vmem>> -> memref<400x128xf32, #tpu.memory_space<vmem>>
    %dma_start3A_946 = arith.constant 1200 : i32
    %dma_start3A_947 = tpu.memref_slice %arg2[%dma_start3A_946, %add3A_937] : memref<1600x16384xf32, #tpu.memory_space<hbm>> -> memref<400x128xf32, #tpu.memory_space<hbm>>
    tpu.enqueue_dma source(%dma_start3A_947 : memref<400x128xf32, #tpu.memory_space<hbm>>) target(%dma_start3A_945 : memref<400x128xf32, #tpu.memory_space<vmem>>) target_semaphore(%arg9 : memref<!tpu.dma_semaphore, #tpu.memory_space<semaphore_mem>>)
    %add3A_948 = arith.constant 256 : i32
    %add3A_949 = arith.addi %mul3A_2, %add3A_948 : i32
    %dma_wait3A_950 = arith.constant 0 : i32
    %dma_wait3A_951 = arith.constant 0 : i32
    %dma_wait3A_952 = tpu.memref_slice %arg5[%dma_wait3A_950, %dma_wait3A_951] : memref<401x128xf32, #tpu.memory_space<vmem>> -> memref<400x128xf32, #tpu.memory_space<vmem>>
    %dma_wait3A_953 = arith.constant 800 : i32
    %dma_wait3A_954 = tpu.memref_slice %arg2[%dma_wait3A_953, %add3A_949] : memref<1600x16384xf32, #tpu.memory_space<hbm>> -> memref<400x128xf32, #tpu.memory_space<hbm>>
    %dma_wait3A_955 = arith.constant 0 : i32
    %dma_wait3A_956 = arith.constant 0 : i32
    %dma_wait3A_957 = tpu.memref_slice %arg5[%dma_wait3A_955, %dma_wait3A_956] : memref<401x128xf32, #tpu.memory_space<vmem>> -> memref<400x128xf32, #tpu.memory_space<vmem>>
    %dma_wait3A_958 = arith.constant 800 : i32
    %dma_wait3A_959 = tpu.memref_slice %arg2[%dma_wait3A_958, %add3A_949] : memref<1600x16384xf32, #tpu.memory_space<hbm>> -> memref<400x128xf32, #tpu.memory_space<hbm>>
    tpu.wait_dma2 semaphore(%arg8 : memref<!tpu.dma_semaphore, #tpu.memory_space<semaphore_mem>>) src(%dma_wait3A_959 : memref<400x128xf32, #tpu.memory_space<hbm>>) dst(%dma_wait3A_957 : memref<400x128xf32, #tpu.memory_space<vmem>>)
    %broadcast_in_dim3A_960 = arith.constant 0.000000e+00 : f32
    %broadcast_in_dim3A_961 = vector.broadcast %broadcast_in_dim3A_960 : f32 to vector<16xf32>
    %iota3A_962 = tpu.iota {dimensions = array<i32: 0>} : vector<16xi32>
    %add3A_963 = arith.constant 0 : i32
    %add3A_964 = vector.broadcast %add3A_963 : i32 to vector<16xi32>
    %add3A_965 = arith.addi %iota3A_962, %add3A_964 : vector<16xi32>
    %iota3A_966 = tpu.iota {dimensions = array<i32: 0>} : vector<16xi32>
    %add3A_967 = arith.constant 16 : i32
    %add3A_968 = vector.broadcast %add3A_967 : i32 to vector<16xi32>
    %add3A_969 = arith.addi %iota3A_966, %add3A_968 : vector<16xi32>
    %iota3A_970 = tpu.iota {dimensions = array<i32: 0>} : vector<16xi32>
    %add3A_971 = arith.constant 32 : i32
    %add3A_972 = vector.broadcast %add3A_971 : i32 to vector<16xi32>
    %add3A_973 = arith.addi %iota3A_970, %add3A_972 : vector<16xi32>
    %iota3A_974 = tpu.iota {dimensions = array<i32: 0>} : vector<16xi32>
    %add3A_975 = arith.constant 48 : i32
    %add3A_976 = vector.broadcast %add3A_975 : i32 to vector<16xi32>
    %add3A_977 = arith.addi %iota3A_974, %add3A_976 : vector<16xi32>
    %iota3A_978 = tpu.iota {dimensions = array<i32: 0>} : vector<16xi32>
    %add3A_979 = arith.constant 64 : i32
    %add3A_980 = vector.broadcast %add3A_979 : i32 to vector<16xi32>
    %add3A_981 = arith.addi %iota3A_978, %add3A_980 : vector<16xi32>
    %iota3A_982 = tpu.iota {dimensions = array<i32: 0>} : vector<16xi32>
    %add3A_983 = arith.constant 80 : i32
    %add3A_984 = vector.broadcast %add3A_983 : i32 to vector<16xi32>
    %add3A_985 = arith.addi %iota3A_982, %add3A_984 : vector<16xi32>
    %iota3A_986 = tpu.iota {dimensions = array<i32: 0>} : vector<16xi32>
    %add3A_987 = arith.constant 96 : i32
    %add3A_988 = vector.broadcast %add3A_987 : i32 to vector<16xi32>
    %add3A_989 = arith.addi %iota3A_986, %add3A_988 : vector<16xi32>
    %iota3A_990 = tpu.iota {dimensions = array<i32: 0>} : vector<16xi32>
    %add3A_991 = arith.constant 112 : i32
    %add3A_992 = vector.broadcast %add3A_991 : i32 to vector<16xi32>
    %add3A_993 = arith.addi %iota3A_990, %add3A_992 : vector<16xi32>
    %scan3A_994 = arith.constant 800 : i32
    %scan3A_995 = arith.constant 400 : i32
    %scan3A_996 = arith.constant 0 : i32
    %scan3A_997 = arith.constant 160 : i32
    %scan3A_998 = arith.addi %scan3A_996, %scan3A_997 : i32
    %scan3A_999 = arith.constant 1 : i32
    scf.for %scan3A_1470 = %scan3A_996 to %scan3A_998 step %scan3A_999  : i32 {
      %mul3A_1471 = arith.constant 1 : i32
      %mul3A_1472 = arith.muli %scan3A_1470, %mul3A_1471 : i32
      %add3A_1473 = arith.constant 0 : i32
      %add3A_1474 = arith.addi %add3A_1473, %mul3A_1472 : i32
      %get3A = arith.index_cast %add3A_1474 : i32 to index
      %get3A_1475 = arith.constant 0 : index
      %get3A_1476 = tpu.vector_load %arg7[%get3A, %get3A_1475] {strides = array<i32>} : memref<160x128xi32, #tpu.memory_space<vmem>>, vector<16xi32>,
      %get3A_1477 = arith.index_cast %add3A_1474 : i32 to index
      %get3A_1478 = arith.constant 16 : index
      %get3A_1479 = tpu.vector_load %arg7[%get3A_1477, %get3A_1478] {strides = array<i32>} : memref<160x128xi32, #tpu.memory_space<vmem>>, vector<16xi32>,
      %get3A_1480 = arith.index_cast %add3A_1474 : i32 to index
      %get3A_1481 = arith.constant 32 : index
      %get3A_1482 = tpu.vector_load %arg7[%get3A_1480, %get3A_1481] {strides = array<i32>} : memref<160x128xi32, #tpu.memory_space<vmem>>, vector<16xi32>,
      %get3A_1483 = arith.index_cast %add3A_1474 : i32 to index
      %get3A_1484 = arith.constant 48 : index
      %get3A_1485 = tpu.vector_load %arg7[%get3A_1483, %get3A_1484] {strides = array<i32>} : memref<160x128xi32, #tpu.memory_space<vmem>>, vector<16xi32>,
      %get3A_1486 = arith.index_cast %add3A_1474 : i32 to index
      %get3A_1487 = arith.constant 64 : index
      %get3A_1488 = tpu.vector_load %arg7[%get3A_1486, %get3A_1487] {strides = array<i32>} : memref<160x128xi32, #tpu.memory_space<vmem>>, vector<16xi32>,
      %get3A_1489 = arith.index_cast %add3A_1474 : i32 to index
      %get3A_1490 = arith.constant 80 : index
      %get3A_1491 = tpu.vector_load %arg7[%get3A_1489, %get3A_1490] {strides = array<i32>} : memref<160x128xi32, #tpu.memory_space<vmem>>, vector<16xi32>,
      %get3A_1492 = arith.index_cast %add3A_1474 : i32 to index
      %get3A_1493 = arith.constant 96 : index
      %get3A_1494 = tpu.vector_load %arg7[%get3A_1492, %get3A_1493] {strides = array<i32>} : memref<160x128xi32, #tpu.memory_space<vmem>>, vector<16xi32>,
      %get3A_1495 = arith.index_cast %add3A_1474 : i32 to index
      %get3A_1496 = arith.constant 112 : index
      %get3A_1497 = tpu.vector_load %arg7[%get3A_1495, %get3A_1496] {strides = array<i32>} : memref<160x128xi32, #tpu.memory_space<vmem>>, vector<16xi32>,
      %bitcast_convert_type3A = tpu.bitcast %get3A_1476 : vector<16xi32> -> vector<16xi32>
      %sub3A = vector.broadcast %scan3A_994 : i32 to vector<16xi32>
      %sub3A_1498 = arith.subi %bitcast_convert_type3A, %sub3A : vector<16xi32>
      %bitcast_convert_type3A_1499 = tpu.bitcast %get3A_1479 : vector<16xi32> -> vector<16xi32>
      %sub3A_1500 = vector.broadcast %scan3A_994 : i32 to vector<16xi32>
      %sub3A_1501 = arith.subi %bitcast_convert_type3A_1499, %sub3A_1500 : vector<16xi32>
      %bitcast_convert_type3A_1502 = tpu.bitcast %get3A_1482 : vector<16xi32> -> vector<16xi32>
      %sub3A_1503 = vector.broadcast %scan3A_994 : i32 to vector<16xi32>
      %sub3A_1504 = arith.subi %bitcast_convert_type3A_1502, %sub3A_1503 : vector<16xi32>
      %bitcast_convert_type3A_1505 = tpu.bitcast %get3A_1485 : vector<16xi32> -> vector<16xi32>
      %sub3A_1506 = vector.broadcast %scan3A_994 : i32 to vector<16xi32>
      %sub3A_1507 = arith.subi %bitcast_convert_type3A_1505, %sub3A_1506 : vector<16xi32>
      %bitcast_convert_type3A_1508 = tpu.bitcast %get3A_1488 : vector<16xi32> -> vector<16xi32>
      %sub3A_1509 = vector.broadcast %scan3A_994 : i32 to vector<16xi32>
      %sub3A_1510 = arith.subi %bitcast_convert_type3A_1508, %sub3A_1509 : vector<16xi32>
      %bitcast_convert_type3A_1511 = tpu.bitcast %get3A_1491 : vector<16xi32> -> vector<16xi32>
      %sub3A_1512 = vector.broadcast %scan3A_994 : i32 to vector<16xi32>
      %sub3A_1513 = arith.subi %bitcast_convert_type3A_1511, %sub3A_1512 : vector<16xi32>
      %bitcast_convert_type3A_1514 = tpu.bitcast %get3A_1494 : vector<16xi32> -> vector<16xi32>
      %sub3A_1515 = vector.broadcast %scan3A_994 : i32 to vector<16xi32>
      %sub3A_1516 = arith.subi %bitcast_convert_type3A_1514, %sub3A_1515 : vector<16xi32>
      %bitcast_convert_type3A_1517 = tpu.bitcast %get3A_1497 : vector<16xi32> -> vector<16xi32>
      %sub3A_1518 = vector.broadcast %scan3A_994 : i32 to vector<16xi32>
      %sub3A_1519 = arith.subi %bitcast_convert_type3A_1517, %sub3A_1518 : vector<16xi32>
      %bitcast_convert_type3A_1520 = tpu.bitcast %sub3A_1498 : vector<16xi32> -> vector<16xi32>
      %lt3A = vector.broadcast %scan3A_995 : i32 to vector<16xi32>
      %lt3A_1521 = arith.cmpi ult, %sub3A_1498, %lt3A : vector<16xi32>
      tpu.vector_store_idx %arg5[%bitcast_convert_type3A_1520, %add3A_965], %broadcast_in_dim3A_961 masked %lt3A_1521 : memref<401x128xf32, #tpu.memory_space<vmem>>[vector<16xi32>, vector<16xi32>], vector<16xf32>, vector<16xi1>
      %bitcast_convert_type3A_1522 = tpu.bitcast %sub3A_1501 : vector<16xi32> -> vector<16xi32>
      %lt3A_1523 = vector.broadcast %scan3A_995 : i32 to vector<16xi32>
      %lt3A_1524 = arith.cmpi ult, %sub3A_1501, %lt3A_1523 : vector<16xi32>
      tpu.vector_store_idx %arg5[%bitcast_convert_type3A_1522, %add3A_969], %broadcast_in_dim3A_961 masked %lt3A_1524 : memref<401x128xf32, #tpu.memory_space<vmem>>[vector<16xi32>, vector<16xi32>], vector<16xf32>, vector<16xi1>
      %bitcast_convert_type3A_1525 = tpu.bitcast %sub3A_1504 : vector<16xi32> -> vector<16xi32>
      %lt3A_1526 = vector.broadcast %scan3A_995 : i32 to vector<16xi32>
      %lt3A_1527 = arith.cmpi ult, %sub3A_1504, %lt3A_1526 : vector<16xi32>
      tpu.vector_store_idx %arg5[%bitcast_convert_type3A_1525, %add3A_973], %broadcast_in_dim3A_961 masked %lt3A_1527 : memref<401x128xf32, #tpu.memory_space<vmem>>[vector<16xi32>, vector<16xi32>], vector<16xf32>, vector<16xi1>
      %bitcast_convert_type3A_1528 = tpu.bitcast %sub3A_1507 : vector<16xi32> -> vector<16xi32>
      %lt3A_1529 = vector.broadcast %scan3A_995 : i32 to vector<16xi32>
      %lt3A_1530 = arith.cmpi ult, %sub3A_1507, %lt3A_1529 : vector<16xi32>
      tpu.vector_store_idx %arg5[%bitcast_convert_type3A_1528, %add3A_977], %broadcast_in_dim3A_961 masked %lt3A_1530 : memref<401x128xf32, #tpu.memory_space<vmem>>[vector<16xi32>, vector<16xi32>], vector<16xf32>, vector<16xi1>
      %bitcast_convert_type3A_1531 = tpu.bitcast %sub3A_1510 : vector<16xi32> -> vector<16xi32>
      %lt3A_1532 = vector.broadcast %scan3A_995 : i32 to vector<16xi32>
      %lt3A_1533 = arith.cmpi ult, %sub3A_1510, %lt3A_1532 : vector<16xi32>
      tpu.vector_store_idx %arg5[%bitcast_convert_type3A_1531, %add3A_981], %broadcast_in_dim3A_961 masked %lt3A_1533 : memref<401x128xf32, #tpu.memory_space<vmem>>[vector<16xi32>, vector<16xi32>], vector<16xf32>, vector<16xi1>
      %bitcast_convert_type3A_1534 = tpu.bitcast %sub3A_1513 : vector<16xi32> -> vector<16xi32>
      %lt3A_1535 = vector.broadcast %scan3A_995 : i32 to vector<16xi32>
      %lt3A_1536 = arith.cmpi ult, %sub3A_1513, %lt3A_1535 : vector<16xi32>
      tpu.vector_store_idx %arg5[%bitcast_convert_type3A_1534, %add3A_985], %broadcast_in_dim3A_961 masked %lt3A_1536 : memref<401x128xf32, #tpu.memory_space<vmem>>[vector<16xi32>, vector<16xi32>], vector<16xf32>, vector<16xi1>
      %bitcast_convert_type3A_1537 = tpu.bitcast %sub3A_1516 : vector<16xi32> -> vector<16xi32>
      %lt3A_1538 = vector.broadcast %scan3A_995 : i32 to vector<16xi32>
      %lt3A_1539 = arith.cmpi ult, %sub3A_1516, %lt3A_1538 : vector<16xi32>
      tpu.vector_store_idx %arg5[%bitcast_convert_type3A_1537, %add3A_989], %broadcast_in_dim3A_961 masked %lt3A_1539 : memref<401x128xf32, #tpu.memory_space<vmem>>[vector<16xi32>, vector<16xi32>], vector<16xf32>, vector<16xi1>
      %bitcast_convert_type3A_1540 = tpu.bitcast %sub3A_1519 : vector<16xi32> -> vector<16xi32>
      %lt3A_1541 = vector.broadcast %scan3A_995 : i32 to vector<16xi32>
      %lt3A_1542 = arith.cmpi ult, %sub3A_1519, %lt3A_1541 : vector<16xi32>
      tpu.vector_store_idx %arg5[%bitcast_convert_type3A_1540, %add3A_993], %broadcast_in_dim3A_961 masked %lt3A_1542 : memref<401x128xf32, #tpu.memory_space<vmem>>[vector<16xi32>, vector<16xi32>], vector<16xf32>, vector<16xi1>
    }
    %scan3A_1000 = arith.constant 160 : i32
    %add3A_1001 = arith.constant 256 : i32
    %add3A_1002 = arith.addi %mul3A_2, %add3A_1001 : i32
    %dma_start3A_1003 = arith.constant 0 : i32
    %dma_start3A_1004 = arith.constant 0 : i32
    %dma_start3A_1005 = tpu.memref_slice %arg5[%dma_start3A_1003, %dma_start3A_1004] : memref<401x128xf32, #tpu.memory_space<vmem>> -> memref<400x128xf32, #tpu.memory_space<vmem>>
    %dma_start3A_1006 = arith.constant 800 : i32
    %dma_start3A_1007 = tpu.memref_slice %arg4[%dma_start3A_1006, %add3A_1002] : memref<1600x16384xf32, #tpu.memory_space<hbm>> -> memref<400x128xf32, #tpu.memory_space<hbm>>
    %dma_start3A_1008 = arith.constant 800 : i32
    %dma_start3A_1009 = tpu.memref_slice %arg4[%dma_start3A_1008, %add3A_1002] : memref<1600x16384xf32, #tpu.memory_space<hbm>> -> memref<400x128xf32, #tpu.memory_space<hbm>>
    %dma_start3A_1010 = arith.constant 0 : i32
    %dma_start3A_1011 = arith.constant 0 : i32
    %dma_start3A_1012 = tpu.memref_slice %arg5[%dma_start3A_1010, %dma_start3A_1011] : memref<401x128xf32, #tpu.memory_space<vmem>> -> memref<400x128xf32, #tpu.memory_space<vmem>>
    tpu.enqueue_dma source(%dma_start3A_1012 : memref<400x128xf32, #tpu.memory_space<vmem>>) target(%dma_start3A_1009 : memref<400x128xf32, #tpu.memory_space<hbm>>) target_semaphore(%arg10 : memref<!tpu.dma_semaphore, #tpu.memory_space<semaphore_mem>>)
    %add3A_1013 = arith.constant 256 : i32
    %add3A_1014 = arith.addi %mul3A_2, %add3A_1013 : i32
    %dma_wait3A_1015 = arith.constant 0 : i32
    %dma_wait3A_1016 = arith.constant 0 : i32
    %dma_wait3A_1017 = tpu.memref_slice %arg6[%dma_wait3A_1015, %dma_wait3A_1016] : memref<401x128xf32, #tpu.memory_space<vmem>> -> memref<400x128xf32, #tpu.memory_space<vmem>>
    %dma_wait3A_1018 = arith.constant 1200 : i32
    %dma_wait3A_1019 = tpu.memref_slice %arg2[%dma_wait3A_1018, %add3A_1014] : memref<1600x16384xf32, #tpu.memory_space<hbm>> -> memref<400x128xf32, #tpu.memory_space<hbm>>
    %dma_wait3A_1020 = arith.constant 0 : i32
    %dma_wait3A_1021 = arith.constant 0 : i32
    %dma_wait3A_1022 = tpu.memref_slice %arg6[%dma_wait3A_1020, %dma_wait3A_1021] : memref<401x128xf32, #tpu.memory_space<vmem>> -> memref<400x128xf32, #tpu.memory_space<vmem>>
    %dma_wait3A_1023 = arith.constant 1200 : i32
    %dma_wait3A_1024 = tpu.memref_slice %arg2[%dma_wait3A_1023, %add3A_1014] : memref<1600x16384xf32, #tpu.memory_space<hbm>> -> memref<400x128xf32, #tpu.memory_space<hbm>>
    tpu.wait_dma2 semaphore(%arg9 : memref<!tpu.dma_semaphore, #tpu.memory_space<semaphore_mem>>) src(%dma_wait3A_1024 : memref<400x128xf32, #tpu.memory_space<hbm>>) dst(%dma_wait3A_1022 : memref<400x128xf32, #tpu.memory_space<vmem>>)
    %broadcast_in_dim3A_1025 = arith.constant 0.000000e+00 : f32
    %broadcast_in_dim3A_1026 = vector.broadcast %broadcast_in_dim3A_1025 : f32 to vector<16xf32>
    %iota3A_1027 = tpu.iota {dimensions = array<i32: 0>} : vector<16xi32>
    %add3A_1028 = arith.constant 0 : i32
    %add3A_1029 = vector.broadcast %add3A_1028 : i32 to vector<16xi32>
    %add3A_1030 = arith.addi %iota3A_1027, %add3A_1029 : vector<16xi32>
    %iota3A_1031 = tpu.iota {dimensions = array<i32: 0>} : vector<16xi32>
    %add3A_1032 = arith.constant 16 : i32
    %add3A_1033 = vector.broadcast %add3A_1032 : i32 to vector<16xi32>
    %add3A_1034 = arith.addi %iota3A_1031, %add3A_1033 : vector<16xi32>
    %iota3A_1035 = tpu.iota {dimensions = array<i32: 0>} : vector<16xi32>
    %add3A_1036 = arith.constant 32 : i32
    %add3A_1037 = vector.broadcast %add3A_1036 : i32 to vector<16xi32>
    %add3A_1038 = arith.addi %iota3A_1035, %add3A_1037 : vector<16xi32>
    %iota3A_1039 = tpu.iota {dimensions = array<i32: 0>} : vector<16xi32>
    %add3A_1040 = arith.constant 48 : i32
    %add3A_1041 = vector.broadcast %add3A_1040 : i32 to vector<16xi32>
    %add3A_1042 = arith.addi %iota3A_1039, %add3A_1041 : vector<16xi32>
    %iota3A_1043 = tpu.iota {dimensions = array<i32: 0>} : vector<16xi32>
    %add3A_1044 = arith.constant 64 : i32
    %add3A_1045 = vector.broadcast %add3A_1044 : i32 to vector<16xi32>
    %add3A_1046 = arith.addi %iota3A_1043, %add3A_1045 : vector<16xi32>
    %iota3A_1047 = tpu.iota {dimensions = array<i32: 0>} : vector<16xi32>
    %add3A_1048 = arith.constant 80 : i32
    %add3A_1049 = vector.broadcast %add3A_1048 : i32 to vector<16xi32>
    %add3A_1050 = arith.addi %iota3A_1047, %add3A_1049 : vector<16xi32>
    %iota3A_1051 = tpu.iota {dimensions = array<i32: 0>} : vector<16xi32>
    %add3A_1052 = arith.constant 96 : i32
    %add3A_1053 = vector.broadcast %add3A_1052 : i32 to vector<16xi32>
    %add3A_1054 = arith.addi %iota3A_1051, %add3A_1053 : vector<16xi32>
    %iota3A_1055 = tpu.iota {dimensions = array<i32: 0>} : vector<16xi32>
    %add3A_1056 = arith.constant 112 : i32
    %add3A_1057 = vector.broadcast %add3A_1056 : i32 to vector<16xi32>
    %add3A_1058 = arith.addi %iota3A_1055, %add3A_1057 : vector<16xi32>
    %scan3A_1059 = arith.constant 1200 : i32
    %scan3A_1060 = arith.constant 400 : i32
    %scan3A_1061 = arith.constant 0 : i32
    %scan3A_1062 = arith.constant 160 : i32
    %scan3A_1063 = arith.addi %scan3A_1061, %scan3A_1062 : i32
    %scan3A_1064 = arith.constant 1 : i32
    scf.for %scan3A_1470 = %scan3A_1061 to %scan3A_1063 step %scan3A_1064  : i32 {
      %mul3A_1471 = arith.constant 1 : i32
      %mul3A_1472 = arith.muli %scan3A_1470, %mul3A_1471 : i32
      %add3A_1473 = arith.constant 0 : i32
      %add3A_1474 = arith.addi %add3A_1473, %mul3A_1472 : i32
      %get3A = arith.index_cast %add3A_1474 : i32 to index
      %get3A_1475 = arith.constant 0 : index
      %get3A_1476 = tpu.vector_load %arg7[%get3A, %get3A_1475] {strides = array<i32>} : memref<160x128xi32, #tpu.memory_space<vmem>>, vector<16xi32>,
      %get3A_1477 = arith.index_cast %add3A_1474 : i32 to index
      %get3A_1478 = arith.constant 16 : index
      %get3A_1479 = tpu.vector_load %arg7[%get3A_1477, %get3A_1478] {strides = array<i32>} : memref<160x128xi32, #tpu.memory_space<vmem>>, vector<16xi32>,
      %get3A_1480 = arith.index_cast %add3A_1474 : i32 to index
      %get3A_1481 = arith.constant 32 : index
      %get3A_1482 = tpu.vector_load %arg7[%get3A_1480, %get3A_1481] {strides = array<i32>} : memref<160x128xi32, #tpu.memory_space<vmem>>, vector<16xi32>,
      %get3A_1483 = arith.index_cast %add3A_1474 : i32 to index
      %get3A_1484 = arith.constant 48 : index
      %get3A_1485 = tpu.vector_load %arg7[%get3A_1483, %get3A_1484] {strides = array<i32>} : memref<160x128xi32, #tpu.memory_space<vmem>>, vector<16xi32>,
      %get3A_1486 = arith.index_cast %add3A_1474 : i32 to index
      %get3A_1487 = arith.constant 64 : index
      %get3A_1488 = tpu.vector_load %arg7[%get3A_1486, %get3A_1487] {strides = array<i32>} : memref<160x128xi32, #tpu.memory_space<vmem>>, vector<16xi32>,
      %get3A_1489 = arith.index_cast %add3A_1474 : i32 to index
      %get3A_1490 = arith.constant 80 : index
      %get3A_1491 = tpu.vector_load %arg7[%get3A_1489, %get3A_1490] {strides = array<i32>} : memref<160x128xi32, #tpu.memory_space<vmem>>, vector<16xi32>,
      %get3A_1492 = arith.index_cast %add3A_1474 : i32 to index
      %get3A_1493 = arith.constant 96 : index
      %get3A_1494 = tpu.vector_load %arg7[%get3A_1492, %get3A_1493] {strides = array<i32>} : memref<160x128xi32, #tpu.memory_space<vmem>>, vector<16xi32>,
      %get3A_1495 = arith.index_cast %add3A_1474 : i32 to index
      %get3A_1496 = arith.constant 112 : index
      %get3A_1497 = tpu.vector_load %arg7[%get3A_1495, %get3A_1496] {strides = array<i32>} : memref<160x128xi32, #tpu.memory_space<vmem>>, vector<16xi32>,
      %bitcast_convert_type3A = tpu.bitcast %get3A_1476 : vector<16xi32> -> vector<16xi32>
      %sub3A = vector.broadcast %scan3A_1059 : i32 to vector<16xi32>
      %sub3A_1498 = arith.subi %bitcast_convert_type3A, %sub3A : vector<16xi32>
      %bitcast_convert_type3A_1499 = tpu.bitcast %get3A_1479 : vector<16xi32> -> vector<16xi32>
      %sub3A_1500 = vector.broadcast %scan3A_1059 : i32 to vector<16xi32>
      %sub3A_1501 = arith.subi %bitcast_convert_type3A_1499, %sub3A_1500 : vector<16xi32>
      %bitcast_convert_type3A_1502 = tpu.bitcast %get3A_1482 : vector<16xi32> -> vector<16xi32>
      %sub3A_1503 = vector.broadcast %scan3A_1059 : i32 to vector<16xi32>
      %sub3A_1504 = arith.subi %bitcast_convert_type3A_1502, %sub3A_1503 : vector<16xi32>
      %bitcast_convert_type3A_1505 = tpu.bitcast %get3A_1485 : vector<16xi32> -> vector<16xi32>
      %sub3A_1506 = vector.broadcast %scan3A_1059 : i32 to vector<16xi32>
      %sub3A_1507 = arith.subi %bitcast_convert_type3A_1505, %sub3A_1506 : vector<16xi32>
      %bitcast_convert_type3A_1508 = tpu.bitcast %get3A_1488 : vector<16xi32> -> vector<16xi32>
      %sub3A_1509 = vector.broadcast %scan3A_1059 : i32 to vector<16xi32>
      %sub3A_1510 = arith.subi %bitcast_convert_type3A_1508, %sub3A_1509 : vector<16xi32>
      %bitcast_convert_type3A_1511 = tpu.bitcast %get3A_1491 : vector<16xi32> -> vector<16xi32>
      %sub3A_1512 = vector.broadcast %scan3A_1059 : i32 to vector<16xi32>
      %sub3A_1513 = arith.subi %bitcast_convert_type3A_1511, %sub3A_1512 : vector<16xi32>
      %bitcast_convert_type3A_1514 = tpu.bitcast %get3A_1494 : vector<16xi32> -> vector<16xi32>
      %sub3A_1515 = vector.broadcast %scan3A_1059 : i32 to vector<16xi32>
      %sub3A_1516 = arith.subi %bitcast_convert_type3A_1514, %sub3A_1515 : vector<16xi32>
      %bitcast_convert_type3A_1517 = tpu.bitcast %get3A_1497 : vector<16xi32> -> vector<16xi32>
      %sub3A_1518 = vector.broadcast %scan3A_1059 : i32 to vector<16xi32>
      %sub3A_1519 = arith.subi %bitcast_convert_type3A_1517, %sub3A_1518 : vector<16xi32>
      %bitcast_convert_type3A_1520 = tpu.bitcast %sub3A_1498 : vector<16xi32> -> vector<16xi32>
      %lt3A = vector.broadcast %scan3A_1060 : i32 to vector<16xi32>
      %lt3A_1521 = arith.cmpi ult, %sub3A_1498, %lt3A : vector<16xi32>
      tpu.vector_store_idx %arg6[%bitcast_convert_type3A_1520, %add3A_1030], %broadcast_in_dim3A_1026 masked %lt3A_1521 : memref<401x128xf32, #tpu.memory_space<vmem>>[vector<16xi32>, vector<16xi32>], vector<16xf32>, vector<16xi1>
      %bitcast_convert_type3A_1522 = tpu.bitcast %sub3A_1501 : vector<16xi32> -> vector<16xi32>
      %lt3A_1523 = vector.broadcast %scan3A_1060 : i32 to vector<16xi32>
      %lt3A_1524 = arith.cmpi ult, %sub3A_1501, %lt3A_1523 : vector<16xi32>
      tpu.vector_store_idx %arg6[%bitcast_convert_type3A_1522, %add3A_1034], %broadcast_in_dim3A_1026 masked %lt3A_1524 : memref<401x128xf32, #tpu.memory_space<vmem>>[vector<16xi32>, vector<16xi32>], vector<16xf32>, vector<16xi1>
      %bitcast_convert_type3A_1525 = tpu.bitcast %sub3A_1504 : vector<16xi32> -> vector<16xi32>
      %lt3A_1526 = vector.broadcast %scan3A_1060 : i32 to vector<16xi32>
      %lt3A_1527 = arith.cmpi ult, %sub3A_1504, %lt3A_1526 : vector<16xi32>
      tpu.vector_store_idx %arg6[%bitcast_convert_type3A_1525, %add3A_1038], %broadcast_in_dim3A_1026 masked %lt3A_1527 : memref<401x128xf32, #tpu.memory_space<vmem>>[vector<16xi32>, vector<16xi32>], vector<16xf32>, vector<16xi1>
      %bitcast_convert_type3A_1528 = tpu.bitcast %sub3A_1507 : vector<16xi32> -> vector<16xi32>
      %lt3A_1529 = vector.broadcast %scan3A_1060 : i32 to vector<16xi32>
      %lt3A_1530 = arith.cmpi ult, %sub3A_1507, %lt3A_1529 : vector<16xi32>
      tpu.vector_store_idx %arg6[%bitcast_convert_type3A_1528, %add3A_1042], %broadcast_in_dim3A_1026 masked %lt3A_1530 : memref<401x128xf32, #tpu.memory_space<vmem>>[vector<16xi32>, vector<16xi32>], vector<16xf32>, vector<16xi1>
      %bitcast_convert_type3A_1531 = tpu.bitcast %sub3A_1510 : vector<16xi32> -> vector<16xi32>
      %lt3A_1532 = vector.broadcast %scan3A_1060 : i32 to vector<16xi32>
      %lt3A_1533 = arith.cmpi ult, %sub3A_1510, %lt3A_1532 : vector<16xi32>
      tpu.vector_store_idx %arg6[%bitcast_convert_type3A_1531, %add3A_1046], %broadcast_in_dim3A_1026 masked %lt3A_1533 : memref<401x128xf32, #tpu.memory_space<vmem>>[vector<16xi32>, vector<16xi32>], vector<16xf32>, vector<16xi1>
      %bitcast_convert_type3A_1534 = tpu.bitcast %sub3A_1513 : vector<16xi32> -> vector<16xi32>
      %lt3A_1535 = vector.broadcast %scan3A_1060 : i32 to vector<16xi32>
      %lt3A_1536 = arith.cmpi ult, %sub3A_1513, %lt3A_1535 : vector<16xi32>
      tpu.vector_store_idx %arg6[%bitcast_convert_type3A_1534, %add3A_1050], %broadcast_in_dim3A_1026 masked %lt3A_1536 : memref<401x128xf32, #tpu.memory_space<vmem>>[vector<16xi32>, vector<16xi32>], vector<16xf32>, vector<16xi1>
      %bitcast_convert_type3A_1537 = tpu.bitcast %sub3A_1516 : vector<16xi32> -> vector<16xi32>
      %lt3A_1538 = vector.broadcast %scan3A_1060 : i32 to vector<16xi32>
      %lt3A_1539 = arith.cmpi ult, %sub3A_1516, %lt3A_1538 : vector<16xi32>
      tpu.vector_store_idx %arg6[%bitcast_convert_type3A_1537, %add3A_1054], %broadcast_in_dim3A_1026 masked %lt3A_1539 : memref<401x128xf32, #tpu.memory_space<vmem>>[vector<16xi32>, vector<16xi32>], vector<16xf32>, vector<16xi1>
      %bitcast_convert_type3A_1540 = tpu.bitcast %sub3A_1519 : vector<16xi32> -> vector<16xi32>
      %lt3A_1541 = vector.broadcast %scan3A_1060 : i32 to vector<16xi32>
      %lt3A_1542 = arith.cmpi ult, %sub3A_1519, %lt3A_1541 : vector<16xi32>
      tpu.vector_store_idx %arg6[%bitcast_convert_type3A_1540, %add3A_1058], %broadcast_in_dim3A_1026 masked %lt3A_1542 : memref<401x128xf32, #tpu.memory_space<vmem>>[vector<16xi32>, vector<16xi32>], vector<16xf32>, vector<16xi1>
    }
    %scan3A_1065 = arith.constant 160 : i32
    %add3A_1066 = arith.constant 384 : i32
    %add3A_1067 = arith.addi %mul3A_2, %add3A_1066 : i32
    %dma_start3A_1068 = arith.constant 0 : i32
    %dma_start3A_1069 = tpu.memref_slice %arg3[%dma_start3A_1068, %add3A_1067] : memref<160x16384xi32, #tpu.memory_space<hbm>> -> memref<160x128xi32, #tpu.memory_space<hbm>>
    %dma_start3A_1070 = arith.constant 0 : i32
    %dma_start3A_1071 = tpu.memref_slice %arg3[%dma_start3A_1070, %add3A_1067] : memref<160x16384xi32, #tpu.memory_space<hbm>> -> memref<160x128xi32, #tpu.memory_space<hbm>>
    tpu.enqueue_dma source(%dma_start3A_1071 : memref<160x128xi32, #tpu.memory_space<hbm>>) target(%arg7 : memref<160x128xi32, #tpu.memory_space<vmem>>) target_semaphore(%arg12 : memref<!tpu.dma_semaphore, #tpu.memory_space<semaphore_mem>>)
    %add3A_1072 = arith.constant 256 : i32
    %add3A_1073 = arith.addi %mul3A_2, %add3A_1072 : i32
    %dma_start3A_1074 = arith.constant 0 : i32
    %dma_start3A_1075 = arith.constant 0 : i32
    %dma_start3A_1076 = tpu.memref_slice %arg6[%dma_start3A_1074, %dma_start3A_1075] : memref<401x128xf32, #tpu.memory_space<vmem>> -> memref<400x128xf32, #tpu.memory_space<vmem>>
    %dma_start3A_1077 = arith.constant 1200 : i32
    %dma_start3A_1078 = tpu.memref_slice %arg4[%dma_start3A_1077, %add3A_1073] : memref<1600x16384xf32, #tpu.memory_space<hbm>> -> memref<400x128xf32, #tpu.memory_space<hbm>>
    %dma_start3A_1079 = arith.constant 1200 : i32
    %dma_start3A_1080 = tpu.memref_slice %arg4[%dma_start3A_1079, %add3A_1073] : memref<1600x16384xf32, #tpu.memory_space<hbm>> -> memref<400x128xf32, #tpu.memory_space<hbm>>
    %dma_start3A_1081 = arith.constant 0 : i32
    %dma_start3A_1082 = arith.constant 0 : i32
    %dma_start3A_1083 = tpu.memref_slice %arg6[%dma_start3A_1081, %dma_start3A_1082] : memref<401x128xf32, #tpu.memory_space<vmem>> -> memref<400x128xf32, #tpu.memory_space<vmem>>
    tpu.enqueue_dma source(%dma_start3A_1083 : memref<400x128xf32, #tpu.memory_space<vmem>>) target(%dma_start3A_1080 : memref<400x128xf32, #tpu.memory_space<hbm>>) target_semaphore(%arg11 : memref<!tpu.dma_semaphore, #tpu.memory_space<semaphore_mem>>)
    %add3A_1084 = arith.constant 256 : i32
    %add3A_1085 = arith.addi %mul3A_2, %add3A_1084 : i32
    %dma_wait3A_1086 = arith.constant 0 : i32
    %dma_wait3A_1087 = arith.constant 0 : i32
    %dma_wait3A_1088 = tpu.memref_slice %arg5[%dma_wait3A_1086, %dma_wait3A_1087] : memref<401x128xf32, #tpu.memory_space<vmem>> -> memref<400x128xf32, #tpu.memory_space<vmem>>
    %dma_wait3A_1089 = arith.constant 800 : i32
    %dma_wait3A_1090 = tpu.memref_slice %arg4[%dma_wait3A_1089, %add3A_1085] : memref<1600x16384xf32, #tpu.memory_space<hbm>> -> memref<400x128xf32, #tpu.memory_space<hbm>>
    %dma_wait3A_1091 = arith.constant 800 : i32
    %dma_wait3A_1092 = tpu.memref_slice %arg4[%dma_wait3A_1091, %add3A_1085] : memref<1600x16384xf32, #tpu.memory_space<hbm>> -> memref<400x128xf32, #tpu.memory_space<hbm>>
    %dma_wait3A_1093 = arith.constant 0 : i32
    %dma_wait3A_1094 = arith.constant 0 : i32
    %dma_wait3A_1095 = tpu.memref_slice %arg5[%dma_wait3A_1093, %dma_wait3A_1094] : memref<401x128xf32, #tpu.memory_space<vmem>> -> memref<400x128xf32, #tpu.memory_space<vmem>>
    tpu.wait_dma2 semaphore(%arg10 : memref<!tpu.dma_semaphore, #tpu.memory_space<semaphore_mem>>) src(%dma_wait3A_1095 : memref<400x128xf32, #tpu.memory_space<vmem>>) dst(%dma_wait3A_1092 : memref<400x128xf32, #tpu.memory_space<hbm>>)
    %add3A_1096 = arith.constant 384 : i32
    %add3A_1097 = arith.addi %mul3A_2, %add3A_1096 : i32
    %dma_start3A_1098 = arith.constant 0 : i32
    %dma_start3A_1099 = arith.constant 0 : i32
    %dma_start3A_1100 = tpu.memref_slice %arg5[%dma_start3A_1098, %dma_start3A_1099] : memref<401x128xf32, #tpu.memory_space<vmem>> -> memref<400x128xf32, #tpu.memory_space<vmem>>
    %dma_start3A_1101 = arith.constant 0 : i32
    %dma_start3A_1102 = tpu.memref_slice %arg2[%dma_start3A_1101, %add3A_1097] : memref<1600x16384xf32, #tpu.memory_space<hbm>> -> memref<400x128xf32, #tpu.memory_space<hbm>>
    %dma_start3A_1103 = arith.constant 0 : i32
    %dma_start3A_1104 = arith.constant 0 : i32
    %dma_start3A_1105 = tpu.memref_slice %arg5[%dma_start3A_1103, %dma_start3A_1104] : memref<401x128xf32, #tpu.memory_space<vmem>> -> memref<400x128xf32, #tpu.memory_space<vmem>>
    %dma_start3A_1106 = arith.constant 0 : i32
    %dma_start3A_1107 = tpu.memref_slice %arg2[%dma_start3A_1106, %add3A_1097] : memref<1600x16384xf32, #tpu.memory_space<hbm>> -> memref<400x128xf32, #tpu.memory_space<hbm>>
    tpu.enqueue_dma source(%dma_start3A_1107 : memref<400x128xf32, #tpu.memory_space<hbm>>) target(%dma_start3A_1105 : memref<400x128xf32, #tpu.memory_space<vmem>>) target_semaphore(%arg8 : memref<!tpu.dma_semaphore, #tpu.memory_space<semaphore_mem>>)
    %add3A_1108 = arith.constant 256 : i32
    %add3A_1109 = arith.addi %mul3A_2, %add3A_1108 : i32
    %dma_wait3A_1110 = arith.constant 0 : i32
    %dma_wait3A_1111 = arith.constant 0 : i32
    %dma_wait3A_1112 = tpu.memref_slice %arg6[%dma_wait3A_1110, %dma_wait3A_1111] : memref<401x128xf32, #tpu.memory_space<vmem>> -> memref<400x128xf32, #tpu.memory_space<vmem>>
    %dma_wait3A_1113 = arith.constant 1200 : i32
    %dma_wait3A_1114 = tpu.memref_slice %arg4[%dma_wait3A_1113, %add3A_1109] : memref<1600x16384xf32, #tpu.memory_space<hbm>> -> memref<400x128xf32, #tpu.memory_space<hbm>>
    %dma_wait3A_1115 = arith.constant 1200 : i32
    %dma_wait3A_1116 = tpu.memref_slice %arg4[%dma_wait3A_1115, %add3A_1109] : memref<1600x16384xf32, #tpu.memory_space<hbm>> -> memref<400x128xf32, #tpu.memory_space<hbm>>
    %dma_wait3A_1117 = arith.constant 0 : i32
    %dma_wait3A_1118 = arith.constant 0 : i32
    %dma_wait3A_1119 = tpu.memref_slice %arg6[%dma_wait3A_1117, %dma_wait3A_1118] : memref<401x128xf32, #tpu.memory_space<vmem>> -> memref<400x128xf32, #tpu.memory_space<vmem>>
    tpu.wait_dma2 semaphore(%arg11 : memref<!tpu.dma_semaphore, #tpu.memory_space<semaphore_mem>>) src(%dma_wait3A_1119 : memref<400x128xf32, #tpu.memory_space<vmem>>) dst(%dma_wait3A_1116 : memref<400x128xf32, #tpu.memory_space<hbm>>)
    %add3A_1120 = arith.constant 384 : i32
    %add3A_1121 = arith.addi %mul3A_2, %add3A_1120 : i32
    %dma_start3A_1122 = arith.constant 0 : i32
    %dma_start3A_1123 = arith.constant 0 : i32
    %dma_start3A_1124 = tpu.memref_slice %arg6[%dma_start3A_1122, %dma_start3A_1123] : memref<401x128xf32, #tpu.memory_space<vmem>> -> memref<400x128xf32, #tpu.memory_space<vmem>>
    %dma_start3A_1125 = arith.constant 400 : i32
    %dma_start3A_1126 = tpu.memref_slice %arg2[%dma_start3A_1125, %add3A_1121] : memref<1600x16384xf32, #tpu.memory_space<hbm>> -> memref<400x128xf32, #tpu.memory_space<hbm>>
    %dma_start3A_1127 = arith.constant 0 : i32
    %dma_start3A_1128 = arith.constant 0 : i32
    %dma_start3A_1129 = tpu.memref_slice %arg6[%dma_start3A_1127, %dma_start3A_1128] : memref<401x128xf32, #tpu.memory_space<vmem>> -> memref<400x128xf32, #tpu.memory_space<vmem>>
    %dma_start3A_1130 = arith.constant 400 : i32
    %dma_start3A_1131 = tpu.memref_slice %arg2[%dma_start3A_1130, %add3A_1121] : memref<1600x16384xf32, #tpu.memory_space<hbm>> -> memref<400x128xf32, #tpu.memory_space<hbm>>
    tpu.enqueue_dma source(%dma_start3A_1131 : memref<400x128xf32, #tpu.memory_space<hbm>>) target(%dma_start3A_1129 : memref<400x128xf32, #tpu.memory_space<vmem>>) target_semaphore(%arg9 : memref<!tpu.dma_semaphore, #tpu.memory_space<semaphore_mem>>)
    %add3A_1132 = arith.constant 384 : i32
    %add3A_1133 = arith.addi %mul3A_2, %add3A_1132 : i32
    %dma_wait3A_1134 = arith.constant 0 : i32
    %dma_wait3A_1135 = arith.constant 0 : i32
    %dma_wait3A_1136 = tpu.memref_slice %arg5[%dma_wait3A_1134, %dma_wait3A_1135] : memref<401x128xf32, #tpu.memory_space<vmem>> -> memref<400x128xf32, #tpu.memory_space<vmem>>
    %dma_wait3A_1137 = arith.constant 0 : i32
    %dma_wait3A_1138 = tpu.memref_slice %arg2[%dma_wait3A_1137, %add3A_1133] : memref<1600x16384xf32, #tpu.memory_space<hbm>> -> memref<400x128xf32, #tpu.memory_space<hbm>>
    %dma_wait3A_1139 = arith.constant 0 : i32
    %dma_wait3A_1140 = arith.constant 0 : i32
    %dma_wait3A_1141 = tpu.memref_slice %arg5[%dma_wait3A_1139, %dma_wait3A_1140] : memref<401x128xf32, #tpu.memory_space<vmem>> -> memref<400x128xf32, #tpu.memory_space<vmem>>
    %dma_wait3A_1142 = arith.constant 0 : i32
    %dma_wait3A_1143 = tpu.memref_slice %arg2[%dma_wait3A_1142, %add3A_1133] : memref<1600x16384xf32, #tpu.memory_space<hbm>> -> memref<400x128xf32, #tpu.memory_space<hbm>>
    tpu.wait_dma2 semaphore(%arg8 : memref<!tpu.dma_semaphore, #tpu.memory_space<semaphore_mem>>) src(%dma_wait3A_1143 : memref<400x128xf32, #tpu.memory_space<hbm>>) dst(%dma_wait3A_1141 : memref<400x128xf32, #tpu.memory_space<vmem>>)
    %add3A_1144 = arith.constant 384 : i32
    %add3A_1145 = arith.addi %mul3A_2, %add3A_1144 : i32
    %dma_wait3A_1146 = arith.constant 0 : i32
    %dma_wait3A_1147 = tpu.memref_slice %arg3[%dma_wait3A_1146, %add3A_1145] : memref<160x16384xi32, #tpu.memory_space<hbm>> -> memref<160x128xi32, #tpu.memory_space<hbm>>
    %dma_wait3A_1148 = arith.constant 0 : i32
    %dma_wait3A_1149 = tpu.memref_slice %arg3[%dma_wait3A_1148, %add3A_1145] : memref<160x16384xi32, #tpu.memory_space<hbm>> -> memref<160x128xi32, #tpu.memory_space<hbm>>
    tpu.wait_dma2 semaphore(%arg12 : memref<!tpu.dma_semaphore, #tpu.memory_space<semaphore_mem>>) src(%dma_wait3A_1149 : memref<160x128xi32, #tpu.memory_space<hbm>>) dst(%arg7 : memref<160x128xi32, #tpu.memory_space<vmem>>)
    %broadcast_in_dim3A_1150 = arith.constant 0.000000e+00 : f32
    %broadcast_in_dim3A_1151 = vector.broadcast %broadcast_in_dim3A_1150 : f32 to vector<16xf32>
    %iota3A_1152 = tpu.iota {dimensions = array<i32: 0>} : vector<16xi32>
    %add3A_1153 = arith.constant 0 : i32
    %add3A_1154 = vector.broadcast %add3A_1153 : i32 to vector<16xi32>
    %add3A_1155 = arith.addi %iota3A_1152, %add3A_1154 : vector<16xi32>
    %iota3A_1156 = tpu.iota {dimensions = array<i32: 0>} : vector<16xi32>
    %add3A_1157 = arith.constant 16 : i32
    %add3A_1158 = vector.broadcast %add3A_1157 : i32 to vector<16xi32>
    %add3A_1159 = arith.addi %iota3A_1156, %add3A_1158 : vector<16xi32>
    %iota3A_1160 = tpu.iota {dimensions = array<i32: 0>} : vector<16xi32>
    %add3A_1161 = arith.constant 32 : i32
    %add3A_1162 = vector.broadcast %add3A_1161 : i32 to vector<16xi32>
    %add3A_1163 = arith.addi %iota3A_1160, %add3A_1162 : vector<16xi32>
    %iota3A_1164 = tpu.iota {dimensions = array<i32: 0>} : vector<16xi32>
    %add3A_1165 = arith.constant 48 : i32
    %add3A_1166 = vector.broadcast %add3A_1165 : i32 to vector<16xi32>
    %add3A_1167 = arith.addi %iota3A_1164, %add3A_1166 : vector<16xi32>
    %iota3A_1168 = tpu.iota {dimensions = array<i32: 0>} : vector<16xi32>
    %add3A_1169 = arith.constant 64 : i32
    %add3A_1170 = vector.broadcast %add3A_1169 : i32 to vector<16xi32>
    %add3A_1171 = arith.addi %iota3A_1168, %add3A_1170 : vector<16xi32>
    %iota3A_1172 = tpu.iota {dimensions = array<i32: 0>} : vector<16xi32>
    %add3A_1173 = arith.constant 80 : i32
    %add3A_1174 = vector.broadcast %add3A_1173 : i32 to vector<16xi32>
    %add3A_1175 = arith.addi %iota3A_1172, %add3A_1174 : vector<16xi32>
    %iota3A_1176 = tpu.iota {dimensions = array<i32: 0>} : vector<16xi32>
    %add3A_1177 = arith.constant 96 : i32
    %add3A_1178 = vector.broadcast %add3A_1177 : i32 to vector<16xi32>
    %add3A_1179 = arith.addi %iota3A_1176, %add3A_1178 : vector<16xi32>
    %iota3A_1180 = tpu.iota {dimensions = array<i32: 0>} : vector<16xi32>
    %add3A_1181 = arith.constant 112 : i32
    %add3A_1182 = vector.broadcast %add3A_1181 : i32 to vector<16xi32>
    %add3A_1183 = arith.addi %iota3A_1180, %add3A_1182 : vector<16xi32>
    %scan3A_1184 = arith.constant 0 : i32
    %scan3A_1185 = arith.constant 400 : i32
    %scan3A_1186 = arith.constant 0 : i32
    %scan3A_1187 = arith.constant 160 : i32
    %scan3A_1188 = arith.addi %scan3A_1186, %scan3A_1187 : i32
    %scan3A_1189 = arith.constant 1 : i32
    scf.for %scan3A_1470 = %scan3A_1186 to %scan3A_1188 step %scan3A_1189  : i32 {
      %mul3A_1471 = arith.constant 1 : i32
      %mul3A_1472 = arith.muli %scan3A_1470, %mul3A_1471 : i32
      %add3A_1473 = arith.constant 0 : i32
      %add3A_1474 = arith.addi %add3A_1473, %mul3A_1472 : i32
      %get3A = arith.index_cast %add3A_1474 : i32 to index
      %get3A_1475 = arith.constant 0 : index
      %get3A_1476 = tpu.vector_load %arg7[%get3A, %get3A_1475] {strides = array<i32>} : memref<160x128xi32, #tpu.memory_space<vmem>>, vector<16xi32>,
      %get3A_1477 = arith.index_cast %add3A_1474 : i32 to index
      %get3A_1478 = arith.constant 16 : index
      %get3A_1479 = tpu.vector_load %arg7[%get3A_1477, %get3A_1478] {strides = array<i32>} : memref<160x128xi32, #tpu.memory_space<vmem>>, vector<16xi32>,
      %get3A_1480 = arith.index_cast %add3A_1474 : i32 to index
      %get3A_1481 = arith.constant 32 : index
      %get3A_1482 = tpu.vector_load %arg7[%get3A_1480, %get3A_1481] {strides = array<i32>} : memref<160x128xi32, #tpu.memory_space<vmem>>, vector<16xi32>,
      %get3A_1483 = arith.index_cast %add3A_1474 : i32 to index
      %get3A_1484 = arith.constant 48 : index
      %get3A_1485 = tpu.vector_load %arg7[%get3A_1483, %get3A_1484] {strides = array<i32>} : memref<160x128xi32, #tpu.memory_space<vmem>>, vector<16xi32>,
      %get3A_1486 = arith.index_cast %add3A_1474 : i32 to index
      %get3A_1487 = arith.constant 64 : index
      %get3A_1488 = tpu.vector_load %arg7[%get3A_1486, %get3A_1487] {strides = array<i32>} : memref<160x128xi32, #tpu.memory_space<vmem>>, vector<16xi32>,
      %get3A_1489 = arith.index_cast %add3A_1474 : i32 to index
      %get3A_1490 = arith.constant 80 : index
      %get3A_1491 = tpu.vector_load %arg7[%get3A_1489, %get3A_1490] {strides = array<i32>} : memref<160x128xi32, #tpu.memory_space<vmem>>, vector<16xi32>,
      %get3A_1492 = arith.index_cast %add3A_1474 : i32 to index
      %get3A_1493 = arith.constant 96 : index
      %get3A_1494 = tpu.vector_load %arg7[%get3A_1492, %get3A_1493] {strides = array<i32>} : memref<160x128xi32, #tpu.memory_space<vmem>>, vector<16xi32>,
      %get3A_1495 = arith.index_cast %add3A_1474 : i32 to index
      %get3A_1496 = arith.constant 112 : index
      %get3A_1497 = tpu.vector_load %arg7[%get3A_1495, %get3A_1496] {strides = array<i32>} : memref<160x128xi32, #tpu.memory_space<vmem>>, vector<16xi32>,
      %bitcast_convert_type3A = tpu.bitcast %get3A_1476 : vector<16xi32> -> vector<16xi32>
      %sub3A = vector.broadcast %scan3A_1184 : i32 to vector<16xi32>
      %sub3A_1498 = arith.subi %bitcast_convert_type3A, %sub3A : vector<16xi32>
      %bitcast_convert_type3A_1499 = tpu.bitcast %get3A_1479 : vector<16xi32> -> vector<16xi32>
      %sub3A_1500 = vector.broadcast %scan3A_1184 : i32 to vector<16xi32>
      %sub3A_1501 = arith.subi %bitcast_convert_type3A_1499, %sub3A_1500 : vector<16xi32>
      %bitcast_convert_type3A_1502 = tpu.bitcast %get3A_1482 : vector<16xi32> -> vector<16xi32>
      %sub3A_1503 = vector.broadcast %scan3A_1184 : i32 to vector<16xi32>
      %sub3A_1504 = arith.subi %bitcast_convert_type3A_1502, %sub3A_1503 : vector<16xi32>
      %bitcast_convert_type3A_1505 = tpu.bitcast %get3A_1485 : vector<16xi32> -> vector<16xi32>
      %sub3A_1506 = vector.broadcast %scan3A_1184 : i32 to vector<16xi32>
      %sub3A_1507 = arith.subi %bitcast_convert_type3A_1505, %sub3A_1506 : vector<16xi32>
      %bitcast_convert_type3A_1508 = tpu.bitcast %get3A_1488 : vector<16xi32> -> vector<16xi32>
      %sub3A_1509 = vector.broadcast %scan3A_1184 : i32 to vector<16xi32>
      %sub3A_1510 = arith.subi %bitcast_convert_type3A_1508, %sub3A_1509 : vector<16xi32>
      %bitcast_convert_type3A_1511 = tpu.bitcast %get3A_1491 : vector<16xi32> -> vector<16xi32>
      %sub3A_1512 = vector.broadcast %scan3A_1184 : i32 to vector<16xi32>
      %sub3A_1513 = arith.subi %bitcast_convert_type3A_1511, %sub3A_1512 : vector<16xi32>
      %bitcast_convert_type3A_1514 = tpu.bitcast %get3A_1494 : vector<16xi32> -> vector<16xi32>
      %sub3A_1515 = vector.broadcast %scan3A_1184 : i32 to vector<16xi32>
      %sub3A_1516 = arith.subi %bitcast_convert_type3A_1514, %sub3A_1515 : vector<16xi32>
      %bitcast_convert_type3A_1517 = tpu.bitcast %get3A_1497 : vector<16xi32> -> vector<16xi32>
      %sub3A_1518 = vector.broadcast %scan3A_1184 : i32 to vector<16xi32>
      %sub3A_1519 = arith.subi %bitcast_convert_type3A_1517, %sub3A_1518 : vector<16xi32>
      %bitcast_convert_type3A_1520 = tpu.bitcast %sub3A_1498 : vector<16xi32> -> vector<16xi32>
      %lt3A = vector.broadcast %scan3A_1185 : i32 to vector<16xi32>
      %lt3A_1521 = arith.cmpi ult, %sub3A_1498, %lt3A : vector<16xi32>
      tpu.vector_store_idx %arg5[%bitcast_convert_type3A_1520, %add3A_1155], %broadcast_in_dim3A_1151 masked %lt3A_1521 : memref<401x128xf32, #tpu.memory_space<vmem>>[vector<16xi32>, vector<16xi32>], vector<16xf32>, vector<16xi1>
      %bitcast_convert_type3A_1522 = tpu.bitcast %sub3A_1501 : vector<16xi32> -> vector<16xi32>
      %lt3A_1523 = vector.broadcast %scan3A_1185 : i32 to vector<16xi32>
      %lt3A_1524 = arith.cmpi ult, %sub3A_1501, %lt3A_1523 : vector<16xi32>
      tpu.vector_store_idx %arg5[%bitcast_convert_type3A_1522, %add3A_1159], %broadcast_in_dim3A_1151 masked %lt3A_1524 : memref<401x128xf32, #tpu.memory_space<vmem>>[vector<16xi32>, vector<16xi32>], vector<16xf32>, vector<16xi1>
      %bitcast_convert_type3A_1525 = tpu.bitcast %sub3A_1504 : vector<16xi32> -> vector<16xi32>
      %lt3A_1526 = vector.broadcast %scan3A_1185 : i32 to vector<16xi32>
      %lt3A_1527 = arith.cmpi ult, %sub3A_1504, %lt3A_1526 : vector<16xi32>
      tpu.vector_store_idx %arg5[%bitcast_convert_type3A_1525, %add3A_1163], %broadcast_in_dim3A_1151 masked %lt3A_1527 : memref<401x128xf32, #tpu.memory_space<vmem>>[vector<16xi32>, vector<16xi32>], vector<16xf32>, vector<16xi1>
      %bitcast_convert_type3A_1528 = tpu.bitcast %sub3A_1507 : vector<16xi32> -> vector<16xi32>
      %lt3A_1529 = vector.broadcast %scan3A_1185 : i32 to vector<16xi32>
      %lt3A_1530 = arith.cmpi ult, %sub3A_1507, %lt3A_1529 : vector<16xi32>
      tpu.vector_store_idx %arg5[%bitcast_convert_type3A_1528, %add3A_1167], %broadcast_in_dim3A_1151 masked %lt3A_1530 : memref<401x128xf32, #tpu.memory_space<vmem>>[vector<16xi32>, vector<16xi32>], vector<16xf32>, vector<16xi1>
      %bitcast_convert_type3A_1531 = tpu.bitcast %sub3A_1510 : vector<16xi32> -> vector<16xi32>
      %lt3A_1532 = vector.broadcast %scan3A_1185 : i32 to vector<16xi32>
      %lt3A_1533 = arith.cmpi ult, %sub3A_1510, %lt3A_1532 : vector<16xi32>
      tpu.vector_store_idx %arg5[%bitcast_convert_type3A_1531, %add3A_1171], %broadcast_in_dim3A_1151 masked %lt3A_1533 : memref<401x128xf32, #tpu.memory_space<vmem>>[vector<16xi32>, vector<16xi32>], vector<16xf32>, vector<16xi1>
      %bitcast_convert_type3A_1534 = tpu.bitcast %sub3A_1513 : vector<16xi32> -> vector<16xi32>
      %lt3A_1535 = vector.broadcast %scan3A_1185 : i32 to vector<16xi32>
      %lt3A_1536 = arith.cmpi ult, %sub3A_1513, %lt3A_1535 : vector<16xi32>
      tpu.vector_store_idx %arg5[%bitcast_convert_type3A_1534, %add3A_1175], %broadcast_in_dim3A_1151 masked %lt3A_1536 : memref<401x128xf32, #tpu.memory_space<vmem>>[vector<16xi32>, vector<16xi32>], vector<16xf32>, vector<16xi1>
      %bitcast_convert_type3A_1537 = tpu.bitcast %sub3A_1516 : vector<16xi32> -> vector<16xi32>
      %lt3A_1538 = vector.broadcast %scan3A_1185 : i32 to vector<16xi32>
      %lt3A_1539 = arith.cmpi ult, %sub3A_1516, %lt3A_1538 : vector<16xi32>
      tpu.vector_store_idx %arg5[%bitcast_convert_type3A_1537, %add3A_1179], %broadcast_in_dim3A_1151 masked %lt3A_1539 : memref<401x128xf32, #tpu.memory_space<vmem>>[vector<16xi32>, vector<16xi32>], vector<16xf32>, vector<16xi1>
      %bitcast_convert_type3A_1540 = tpu.bitcast %sub3A_1519 : vector<16xi32> -> vector<16xi32>
      %lt3A_1541 = vector.broadcast %scan3A_1185 : i32 to vector<16xi32>
      %lt3A_1542 = arith.cmpi ult, %sub3A_1519, %lt3A_1541 : vector<16xi32>
      tpu.vector_store_idx %arg5[%bitcast_convert_type3A_1540, %add3A_1183], %broadcast_in_dim3A_1151 masked %lt3A_1542 : memref<401x128xf32, #tpu.memory_space<vmem>>[vector<16xi32>, vector<16xi32>], vector<16xf32>, vector<16xi1>
    }
    %scan3A_1190 = arith.constant 160 : i32
    %add3A_1191 = arith.constant 384 : i32
    %add3A_1192 = arith.addi %mul3A_2, %add3A_1191 : i32
    %dma_start3A_1193 = arith.constant 0 : i32
    %dma_start3A_1194 = arith.constant 0 : i32
    %dma_start3A_1195 = tpu.memref_slice %arg5[%dma_start3A_1193, %dma_start3A_1194] : memref<401x128xf32, #tpu.memory_space<vmem>> -> memref<400x128xf32, #tpu.memory_space<vmem>>
    %dma_start3A_1196 = arith.constant 0 : i32
    %dma_start3A_1197 = tpu.memref_slice %arg4[%dma_start3A_1196, %add3A_1192] : memref<1600x16384xf32, #tpu.memory_space<hbm>> -> memref<400x128xf32, #tpu.memory_space<hbm>>
    %dma_start3A_1198 = arith.constant 0 : i32
    %dma_start3A_1199 = tpu.memref_slice %arg4[%dma_start3A_1198, %add3A_1192] : memref<1600x16384xf32, #tpu.memory_space<hbm>> -> memref<400x128xf32, #tpu.memory_space<hbm>>
    %dma_start3A_1200 = arith.constant 0 : i32
    %dma_start3A_1201 = arith.constant 0 : i32
    %dma_start3A_1202 = tpu.memref_slice %arg5[%dma_start3A_1200, %dma_start3A_1201] : memref<401x128xf32, #tpu.memory_space<vmem>> -> memref<400x128xf32, #tpu.memory_space<vmem>>
    tpu.enqueue_dma source(%dma_start3A_1202 : memref<400x128xf32, #tpu.memory_space<vmem>>) target(%dma_start3A_1199 : memref<400x128xf32, #tpu.memory_space<hbm>>) target_semaphore(%arg10 : memref<!tpu.dma_semaphore, #tpu.memory_space<semaphore_mem>>)
    %add3A_1203 = arith.constant 384 : i32
    %add3A_1204 = arith.addi %mul3A_2, %add3A_1203 : i32
    %dma_wait3A_1205 = arith.constant 0 : i32
    %dma_wait3A_1206 = arith.constant 0 : i32
    %dma_wait3A_1207 = tpu.memref_slice %arg6[%dma_wait3A_1205, %dma_wait3A_1206] : memref<401x128xf32, #tpu.memory_space<vmem>> -> memref<400x128xf32, #tpu.memory_space<vmem>>
    %dma_wait3A_1208 = arith.constant 400 : i32
    %dma_wait3A_1209 = tpu.memref_slice %arg2[%dma_wait3A_1208, %add3A_1204] : memref<1600x16384xf32, #tpu.memory_space<hbm>> -> memref<400x128xf32, #tpu.memory_space<hbm>>
    %dma_wait3A_1210 = arith.constant 0 : i32
    %dma_wait3A_1211 = arith.constant 0 : i32
    %dma_wait3A_1212 = tpu.memref_slice %arg6[%dma_wait3A_1210, %dma_wait3A_1211] : memref<401x128xf32, #tpu.memory_space<vmem>> -> memref<400x128xf32, #tpu.memory_space<vmem>>
    %dma_wait3A_1213 = arith.constant 400 : i32
    %dma_wait3A_1214 = tpu.memref_slice %arg2[%dma_wait3A_1213, %add3A_1204] : memref<1600x16384xf32, #tpu.memory_space<hbm>> -> memref<400x128xf32, #tpu.memory_space<hbm>>
    tpu.wait_dma2 semaphore(%arg9 : memref<!tpu.dma_semaphore, #tpu.memory_space<semaphore_mem>>) src(%dma_wait3A_1214 : memref<400x128xf32, #tpu.memory_space<hbm>>) dst(%dma_wait3A_1212 : memref<400x128xf32, #tpu.memory_space<vmem>>)
    %broadcast_in_dim3A_1215 = arith.constant 0.000000e+00 : f32
    %broadcast_in_dim3A_1216 = vector.broadcast %broadcast_in_dim3A_1215 : f32 to vector<16xf32>
    %iota3A_1217 = tpu.iota {dimensions = array<i32: 0>} : vector<16xi32>
    %add3A_1218 = arith.constant 0 : i32
    %add3A_1219 = vector.broadcast %add3A_1218 : i32 to vector<16xi32>
    %add3A_1220 = arith.addi %iota3A_1217, %add3A_1219 : vector<16xi32>
    %iota3A_1221 = tpu.iota {dimensions = array<i32: 0>} : vector<16xi32>
    %add3A_1222 = arith.constant 16 : i32
    %add3A_1223 = vector.broadcast %add3A_1222 : i32 to vector<16xi32>
    %add3A_1224 = arith.addi %iota3A_1221, %add3A_1223 : vector<16xi32>
    %iota3A_1225 = tpu.iota {dimensions = array<i32: 0>} : vector<16xi32>
    %add3A_1226 = arith.constant 32 : i32
    %add3A_1227 = vector.broadcast %add3A_1226 : i32 to vector<16xi32>
    %add3A_1228 = arith.addi %iota3A_1225, %add3A_1227 : vector<16xi32>
    %iota3A_1229 = tpu.iota {dimensions = array<i32: 0>} : vector<16xi32>
    %add3A_1230 = arith.constant 48 : i32
    %add3A_1231 = vector.broadcast %add3A_1230 : i32 to vector<16xi32>
    %add3A_1232 = arith.addi %iota3A_1229, %add3A_1231 : vector<16xi32>
    %iota3A_1233 = tpu.iota {dimensions = array<i32: 0>} : vector<16xi32>
    %add3A_1234 = arith.constant 64 : i32
    %add3A_1235 = vector.broadcast %add3A_1234 : i32 to vector<16xi32>
    %add3A_1236 = arith.addi %iota3A_1233, %add3A_1235 : vector<16xi32>
    %iota3A_1237 = tpu.iota {dimensions = array<i32: 0>} : vector<16xi32>
    %add3A_1238 = arith.constant 80 : i32
    %add3A_1239 = vector.broadcast %add3A_1238 : i32 to vector<16xi32>
    %add3A_1240 = arith.addi %iota3A_1237, %add3A_1239 : vector<16xi32>
    %iota3A_1241 = tpu.iota {dimensions = array<i32: 0>} : vector<16xi32>
    %add3A_1242 = arith.constant 96 : i32
    %add3A_1243 = vector.broadcast %add3A_1242 : i32 to vector<16xi32>
    %add3A_1244 = arith.addi %iota3A_1241, %add3A_1243 : vector<16xi32>
    %iota3A_1245 = tpu.iota {dimensions = array<i32: 0>} : vector<16xi32>
    %add3A_1246 = arith.constant 112 : i32
    %add3A_1247 = vector.broadcast %add3A_1246 : i32 to vector<16xi32>
    %add3A_1248 = arith.addi %iota3A_1245, %add3A_1247 : vector<16xi32>
    %scan3A_1249 = arith.constant 400 : i32
    %scan3A_1250 = arith.constant 400 : i32
    %scan3A_1251 = arith.constant 0 : i32
    %scan3A_1252 = arith.constant 160 : i32
    %scan3A_1253 = arith.addi %scan3A_1251, %scan3A_1252 : i32
    %scan3A_1254 = arith.constant 1 : i32
    scf.for %scan3A_1470 = %scan3A_1251 to %scan3A_1253 step %scan3A_1254  : i32 {
      %mul3A_1471 = arith.constant 1 : i32
      %mul3A_1472 = arith.muli %scan3A_1470, %mul3A_1471 : i32
      %add3A_1473 = arith.constant 0 : i32
      %add3A_1474 = arith.addi %add3A_1473, %mul3A_1472 : i32
      %get3A = arith.index_cast %add3A_1474 : i32 to index
      %get3A_1475 = arith.constant 0 : index
      %get3A_1476 = tpu.vector_load %arg7[%get3A, %get3A_1475] {strides = array<i32>} : memref<160x128xi32, #tpu.memory_space<vmem>>, vector<16xi32>,
      %get3A_1477 = arith.index_cast %add3A_1474 : i32 to index
      %get3A_1478 = arith.constant 16 : index
      %get3A_1479 = tpu.vector_load %arg7[%get3A_1477, %get3A_1478] {strides = array<i32>} : memref<160x128xi32, #tpu.memory_space<vmem>>, vector<16xi32>,
      %get3A_1480 = arith.index_cast %add3A_1474 : i32 to index
      %get3A_1481 = arith.constant 32 : index
      %get3A_1482 = tpu.vector_load %arg7[%get3A_1480, %get3A_1481] {strides = array<i32>} : memref<160x128xi32, #tpu.memory_space<vmem>>, vector<16xi32>,
      %get3A_1483 = arith.index_cast %add3A_1474 : i32 to index
      %get3A_1484 = arith.constant 48 : index
      %get3A_1485 = tpu.vector_load %arg7[%get3A_1483, %get3A_1484] {strides = array<i32>} : memref<160x128xi32, #tpu.memory_space<vmem>>, vector<16xi32>,
      %get3A_1486 = arith.index_cast %add3A_1474 : i32 to index
      %get3A_1487 = arith.constant 64 : index
      %get3A_1488 = tpu.vector_load %arg7[%get3A_1486, %get3A_1487] {strides = array<i32>} : memref<160x128xi32, #tpu.memory_space<vmem>>, vector<16xi32>,
      %get3A_1489 = arith.index_cast %add3A_1474 : i32 to index
      %get3A_1490 = arith.constant 80 : index
      %get3A_1491 = tpu.vector_load %arg7[%get3A_1489, %get3A_1490] {strides = array<i32>} : memref<160x128xi32, #tpu.memory_space<vmem>>, vector<16xi32>,
      %get3A_1492 = arith.index_cast %add3A_1474 : i32 to index
      %get3A_1493 = arith.constant 96 : index
      %get3A_1494 = tpu.vector_load %arg7[%get3A_1492, %get3A_1493] {strides = array<i32>} : memref<160x128xi32, #tpu.memory_space<vmem>>, vector<16xi32>,
      %get3A_1495 = arith.index_cast %add3A_1474 : i32 to index
      %get3A_1496 = arith.constant 112 : index
      %get3A_1497 = tpu.vector_load %arg7[%get3A_1495, %get3A_1496] {strides = array<i32>} : memref<160x128xi32, #tpu.memory_space<vmem>>, vector<16xi32>,
      %bitcast_convert_type3A = tpu.bitcast %get3A_1476 : vector<16xi32> -> vector<16xi32>
      %sub3A = vector.broadcast %scan3A_1249 : i32 to vector<16xi32>
      %sub3A_1498 = arith.subi %bitcast_convert_type3A, %sub3A : vector<16xi32>
      %bitcast_convert_type3A_1499 = tpu.bitcast %get3A_1479 : vector<16xi32> -> vector<16xi32>
      %sub3A_1500 = vector.broadcast %scan3A_1249 : i32 to vector<16xi32>
      %sub3A_1501 = arith.subi %bitcast_convert_type3A_1499, %sub3A_1500 : vector<16xi32>
      %bitcast_convert_type3A_1502 = tpu.bitcast %get3A_1482 : vector<16xi32> -> vector<16xi32>
      %sub3A_1503 = vector.broadcast %scan3A_1249 : i32 to vector<16xi32>
      %sub3A_1504 = arith.subi %bitcast_convert_type3A_1502, %sub3A_1503 : vector<16xi32>
      %bitcast_convert_type3A_1505 = tpu.bitcast %get3A_1485 : vector<16xi32> -> vector<16xi32>
      %sub3A_1506 = vector.broadcast %scan3A_1249 : i32 to vector<16xi32>
      %sub3A_1507 = arith.subi %bitcast_convert_type3A_1505, %sub3A_1506 : vector<16xi32>
      %bitcast_convert_type3A_1508 = tpu.bitcast %get3A_1488 : vector<16xi32> -> vector<16xi32>
      %sub3A_1509 = vector.broadcast %scan3A_1249 : i32 to vector<16xi32>
      %sub3A_1510 = arith.subi %bitcast_convert_type3A_1508, %sub3A_1509 : vector<16xi32>
      %bitcast_convert_type3A_1511 = tpu.bitcast %get3A_1491 : vector<16xi32> -> vector<16xi32>
      %sub3A_1512 = vector.broadcast %scan3A_1249 : i32 to vector<16xi32>
      %sub3A_1513 = arith.subi %bitcast_convert_type3A_1511, %sub3A_1512 : vector<16xi32>
      %bitcast_convert_type3A_1514 = tpu.bitcast %get3A_1494 : vector<16xi32> -> vector<16xi32>
      %sub3A_1515 = vector.broadcast %scan3A_1249 : i32 to vector<16xi32>
      %sub3A_1516 = arith.subi %bitcast_convert_type3A_1514, %sub3A_1515 : vector<16xi32>
      %bitcast_convert_type3A_1517 = tpu.bitcast %get3A_1497 : vector<16xi32> -> vector<16xi32>
      %sub3A_1518 = vector.broadcast %scan3A_1249 : i32 to vector<16xi32>
      %sub3A_1519 = arith.subi %bitcast_convert_type3A_1517, %sub3A_1518 : vector<16xi32>
      %bitcast_convert_type3A_1520 = tpu.bitcast %sub3A_1498 : vector<16xi32> -> vector<16xi32>
      %lt3A = vector.broadcast %scan3A_1250 : i32 to vector<16xi32>
      %lt3A_1521 = arith.cmpi ult, %sub3A_1498, %lt3A : vector<16xi32>
      tpu.vector_store_idx %arg6[%bitcast_convert_type3A_1520, %add3A_1220], %broadcast_in_dim3A_1216 masked %lt3A_1521 : memref<401x128xf32, #tpu.memory_space<vmem>>[vector<16xi32>, vector<16xi32>], vector<16xf32>, vector<16xi1>
      %bitcast_convert_type3A_1522 = tpu.bitcast %sub3A_1501 : vector<16xi32> -> vector<16xi32>
      %lt3A_1523 = vector.broadcast %scan3A_1250 : i32 to vector<16xi32>
      %lt3A_1524 = arith.cmpi ult, %sub3A_1501, %lt3A_1523 : vector<16xi32>
      tpu.vector_store_idx %arg6[%bitcast_convert_type3A_1522, %add3A_1224], %broadcast_in_dim3A_1216 masked %lt3A_1524 : memref<401x128xf32, #tpu.memory_space<vmem>>[vector<16xi32>, vector<16xi32>], vector<16xf32>, vector<16xi1>
      %bitcast_convert_type3A_1525 = tpu.bitcast %sub3A_1504 : vector<16xi32> -> vector<16xi32>
      %lt3A_1526 = vector.broadcast %scan3A_1250 : i32 to vector<16xi32>
      %lt3A_1527 = arith.cmpi ult, %sub3A_1504, %lt3A_1526 : vector<16xi32>
      tpu.vector_store_idx %arg6[%bitcast_convert_type3A_1525, %add3A_1228], %broadcast_in_dim3A_1216 masked %lt3A_1527 : memref<401x128xf32, #tpu.memory_space<vmem>>[vector<16xi32>, vector<16xi32>], vector<16xf32>, vector<16xi1>
      %bitcast_convert_type3A_1528 = tpu.bitcast %sub3A_1507 : vector<16xi32> -> vector<16xi32>
      %lt3A_1529 = vector.broadcast %scan3A_1250 : i32 to vector<16xi32>
      %lt3A_1530 = arith.cmpi ult, %sub3A_1507, %lt3A_1529 : vector<16xi32>
      tpu.vector_store_idx %arg6[%bitcast_convert_type3A_1528, %add3A_1232], %broadcast_in_dim3A_1216 masked %lt3A_1530 : memref<401x128xf32, #tpu.memory_space<vmem>>[vector<16xi32>, vector<16xi32>], vector<16xf32>, vector<16xi1>
      %bitcast_convert_type3A_1531 = tpu.bitcast %sub3A_1510 : vector<16xi32> -> vector<16xi32>
      %lt3A_1532 = vector.broadcast %scan3A_1250 : i32 to vector<16xi32>
      %lt3A_1533 = arith.cmpi ult, %sub3A_1510, %lt3A_1532 : vector<16xi32>
      tpu.vector_store_idx %arg6[%bitcast_convert_type3A_1531, %add3A_1236], %broadcast_in_dim3A_1216 masked %lt3A_1533 : memref<401x128xf32, #tpu.memory_space<vmem>>[vector<16xi32>, vector<16xi32>], vector<16xf32>, vector<16xi1>
      %bitcast_convert_type3A_1534 = tpu.bitcast %sub3A_1513 : vector<16xi32> -> vector<16xi32>
      %lt3A_1535 = vector.broadcast %scan3A_1250 : i32 to vector<16xi32>
      %lt3A_1536 = arith.cmpi ult, %sub3A_1513, %lt3A_1535 : vector<16xi32>
      tpu.vector_store_idx %arg6[%bitcast_convert_type3A_1534, %add3A_1240], %broadcast_in_dim3A_1216 masked %lt3A_1536 : memref<401x128xf32, #tpu.memory_space<vmem>>[vector<16xi32>, vector<16xi32>], vector<16xf32>, vector<16xi1>
      %bitcast_convert_type3A_1537 = tpu.bitcast %sub3A_1516 : vector<16xi32> -> vector<16xi32>
      %lt3A_1538 = vector.broadcast %scan3A_1250 : i32 to vector<16xi32>
      %lt3A_1539 = arith.cmpi ult, %sub3A_1516, %lt3A_1538 : vector<16xi32>
      tpu.vector_store_idx %arg6[%bitcast_convert_type3A_1537, %add3A_1244], %broadcast_in_dim3A_1216 masked %lt3A_1539 : memref<401x128xf32, #tpu.memory_space<vmem>>[vector<16xi32>, vector<16xi32>], vector<16xf32>, vector<16xi1>
      %bitcast_convert_type3A_1540 = tpu.bitcast %sub3A_1519 : vector<16xi32> -> vector<16xi32>
      %lt3A_1541 = vector.broadcast %scan3A_1250 : i32 to vector<16xi32>
      %lt3A_1542 = arith.cmpi ult, %sub3A_1519, %lt3A_1541 : vector<16xi32>
      tpu.vector_store_idx %arg6[%bitcast_convert_type3A_1540, %add3A_1248], %broadcast_in_dim3A_1216 masked %lt3A_1542 : memref<401x128xf32, #tpu.memory_space<vmem>>[vector<16xi32>, vector<16xi32>], vector<16xf32>, vector<16xi1>
    }
    %scan3A_1255 = arith.constant 160 : i32
    %add3A_1256 = arith.constant 384 : i32
    %add3A_1257 = arith.addi %mul3A_2, %add3A_1256 : i32
    %dma_start3A_1258 = arith.constant 0 : i32
    %dma_start3A_1259 = arith.constant 0 : i32
    %dma_start3A_1260 = tpu.memref_slice %arg6[%dma_start3A_1258, %dma_start3A_1259] : memref<401x128xf32, #tpu.memory_space<vmem>> -> memref<400x128xf32, #tpu.memory_space<vmem>>
    %dma_start3A_1261 = arith.constant 400 : i32
    %dma_start3A_1262 = tpu.memref_slice %arg4[%dma_start3A_1261, %add3A_1257] : memref<1600x16384xf32, #tpu.memory_space<hbm>> -> memref<400x128xf32, #tpu.memory_space<hbm>>
    %dma_start3A_1263 = arith.constant 400 : i32
    %dma_start3A_1264 = tpu.memref_slice %arg4[%dma_start3A_1263, %add3A_1257] : memref<1600x16384xf32, #tpu.memory_space<hbm>> -> memref<400x128xf32, #tpu.memory_space<hbm>>
    %dma_start3A_1265 = arith.constant 0 : i32
    %dma_start3A_1266 = arith.constant 0 : i32
    %dma_start3A_1267 = tpu.memref_slice %arg6[%dma_start3A_1265, %dma_start3A_1266] : memref<401x128xf32, #tpu.memory_space<vmem>> -> memref<400x128xf32, #tpu.memory_space<vmem>>
    tpu.enqueue_dma source(%dma_start3A_1267 : memref<400x128xf32, #tpu.memory_space<vmem>>) target(%dma_start3A_1264 : memref<400x128xf32, #tpu.memory_space<hbm>>) target_semaphore(%arg11 : memref<!tpu.dma_semaphore, #tpu.memory_space<semaphore_mem>>)
    %add3A_1268 = arith.constant 384 : i32
    %add3A_1269 = arith.addi %mul3A_2, %add3A_1268 : i32
    %dma_wait3A_1270 = arith.constant 0 : i32
    %dma_wait3A_1271 = arith.constant 0 : i32
    %dma_wait3A_1272 = tpu.memref_slice %arg5[%dma_wait3A_1270, %dma_wait3A_1271] : memref<401x128xf32, #tpu.memory_space<vmem>> -> memref<400x128xf32, #tpu.memory_space<vmem>>
    %dma_wait3A_1273 = arith.constant 0 : i32
    %dma_wait3A_1274 = tpu.memref_slice %arg4[%dma_wait3A_1273, %add3A_1269] : memref<1600x16384xf32, #tpu.memory_space<hbm>> -> memref<400x128xf32, #tpu.memory_space<hbm>>
    %dma_wait3A_1275 = arith.constant 0 : i32
    %dma_wait3A_1276 = tpu.memref_slice %arg4[%dma_wait3A_1275, %add3A_1269] : memref<1600x16384xf32, #tpu.memory_space<hbm>> -> memref<400x128xf32, #tpu.memory_space<hbm>>
    %dma_wait3A_1277 = arith.constant 0 : i32
    %dma_wait3A_1278 = arith.constant 0 : i32
    %dma_wait3A_1279 = tpu.memref_slice %arg5[%dma_wait3A_1277, %dma_wait3A_1278] : memref<401x128xf32, #tpu.memory_space<vmem>> -> memref<400x128xf32, #tpu.memory_space<vmem>>
    tpu.wait_dma2 semaphore(%arg10 : memref<!tpu.dma_semaphore, #tpu.memory_space<semaphore_mem>>) src(%dma_wait3A_1279 : memref<400x128xf32, #tpu.memory_space<vmem>>) dst(%dma_wait3A_1276 : memref<400x128xf32, #tpu.memory_space<hbm>>)
    %add3A_1280 = arith.constant 384 : i32
    %add3A_1281 = arith.addi %mul3A_2, %add3A_1280 : i32
    %dma_start3A_1282 = arith.constant 0 : i32
    %dma_start3A_1283 = arith.constant 0 : i32
    %dma_start3A_1284 = tpu.memref_slice %arg5[%dma_start3A_1282, %dma_start3A_1283] : memref<401x128xf32, #tpu.memory_space<vmem>> -> memref<400x128xf32, #tpu.memory_space<vmem>>
    %dma_start3A_1285 = arith.constant 800 : i32
    %dma_start3A_1286 = tpu.memref_slice %arg2[%dma_start3A_1285, %add3A_1281] : memref<1600x16384xf32, #tpu.memory_space<hbm>> -> memref<400x128xf32, #tpu.memory_space<hbm>>
    %dma_start3A_1287 = arith.constant 0 : i32
    %dma_start3A_1288 = arith.constant 0 : i32
    %dma_start3A_1289 = tpu.memref_slice %arg5[%dma_start3A_1287, %dma_start3A_1288] : memref<401x128xf32, #tpu.memory_space<vmem>> -> memref<400x128xf32, #tpu.memory_space<vmem>>
    %dma_start3A_1290 = arith.constant 800 : i32
    %dma_start3A_1291 = tpu.memref_slice %arg2[%dma_start3A_1290, %add3A_1281] : memref<1600x16384xf32, #tpu.memory_space<hbm>> -> memref<400x128xf32, #tpu.memory_space<hbm>>
    tpu.enqueue_dma source(%dma_start3A_1291 : memref<400x128xf32, #tpu.memory_space<hbm>>) target(%dma_start3A_1289 : memref<400x128xf32, #tpu.memory_space<vmem>>) target_semaphore(%arg8 : memref<!tpu.dma_semaphore, #tpu.memory_space<semaphore_mem>>)
    %add3A_1292 = arith.constant 384 : i32
    %add3A_1293 = arith.addi %mul3A_2, %add3A_1292 : i32
    %dma_wait3A_1294 = arith.constant 0 : i32
    %dma_wait3A_1295 = arith.constant 0 : i32
    %dma_wait3A_1296 = tpu.memref_slice %arg6[%dma_wait3A_1294, %dma_wait3A_1295] : memref<401x128xf32, #tpu.memory_space<vmem>> -> memref<400x128xf32, #tpu.memory_space<vmem>>
    %dma_wait3A_1297 = arith.constant 400 : i32
    %dma_wait3A_1298 = tpu.memref_slice %arg4[%dma_wait3A_1297, %add3A_1293] : memref<1600x16384xf32, #tpu.memory_space<hbm>> -> memref<400x128xf32, #tpu.memory_space<hbm>>
    %dma_wait3A_1299 = arith.constant 400 : i32
    %dma_wait3A_1300 = tpu.memref_slice %arg4[%dma_wait3A_1299, %add3A_1293] : memref<1600x16384xf32, #tpu.memory_space<hbm>> -> memref<400x128xf32, #tpu.memory_space<hbm>>
    %dma_wait3A_1301 = arith.constant 0 : i32
    %dma_wait3A_1302 = arith.constant 0 : i32
    %dma_wait3A_1303 = tpu.memref_slice %arg6[%dma_wait3A_1301, %dma_wait3A_1302] : memref<401x128xf32, #tpu.memory_space<vmem>> -> memref<400x128xf32, #tpu.memory_space<vmem>>
    tpu.wait_dma2 semaphore(%arg11 : memref<!tpu.dma_semaphore, #tpu.memory_space<semaphore_mem>>) src(%dma_wait3A_1303 : memref<400x128xf32, #tpu.memory_space<vmem>>) dst(%dma_wait3A_1300 : memref<400x128xf32, #tpu.memory_space<hbm>>)
    %add3A_1304 = arith.constant 384 : i32
    %add3A_1305 = arith.addi %mul3A_2, %add3A_1304 : i32
    %dma_start3A_1306 = arith.constant 0 : i32
    %dma_start3A_1307 = arith.constant 0 : i32
    %dma_start3A_1308 = tpu.memref_slice %arg6[%dma_start3A_1306, %dma_start3A_1307] : memref<401x128xf32, #tpu.memory_space<vmem>> -> memref<400x128xf32, #tpu.memory_space<vmem>>
    %dma_start3A_1309 = arith.constant 1200 : i32
    %dma_start3A_1310 = tpu.memref_slice %arg2[%dma_start3A_1309, %add3A_1305] : memref<1600x16384xf32, #tpu.memory_space<hbm>> -> memref<400x128xf32, #tpu.memory_space<hbm>>
    %dma_start3A_1311 = arith.constant 0 : i32
    %dma_start3A_1312 = arith.constant 0 : i32
    %dma_start3A_1313 = tpu.memref_slice %arg6[%dma_start3A_1311, %dma_start3A_1312] : memref<401x128xf32, #tpu.memory_space<vmem>> -> memref<400x128xf32, #tpu.memory_space<vmem>>
    %dma_start3A_1314 = arith.constant 1200 : i32
    %dma_start3A_1315 = tpu.memref_slice %arg2[%dma_start3A_1314, %add3A_1305] : memref<1600x16384xf32, #tpu.memory_space<hbm>> -> memref<400x128xf32, #tpu.memory_space<hbm>>
    tpu.enqueue_dma source(%dma_start3A_1315 : memref<400x128xf32, #tpu.memory_space<hbm>>) target(%dma_start3A_1313 : memref<400x128xf32, #tpu.memory_space<vmem>>) target_semaphore(%arg9 : memref<!tpu.dma_semaphore, #tpu.memory_space<semaphore_mem>>)
    %add3A_1316 = arith.constant 384 : i32
    %add3A_1317 = arith.addi %mul3A_2, %add3A_1316 : i32
    %dma_wait3A_1318 = arith.constant 0 : i32
    %dma_wait3A_1319 = arith.constant 0 : i32
    %dma_wait3A_1320 = tpu.memref_slice %arg5[%dma_wait3A_1318, %dma_wait3A_1319] : memref<401x128xf32, #tpu.memory_space<vmem>> -> memref<400x128xf32, #tpu.memory_space<vmem>>
    %dma_wait3A_1321 = arith.constant 800 : i32
    %dma_wait3A_1322 = tpu.memref_slice %arg2[%dma_wait3A_1321, %add3A_1317] : memref<1600x16384xf32, #tpu.memory_space<hbm>> -> memref<400x128xf32, #tpu.memory_space<hbm>>
    %dma_wait3A_1323 = arith.constant 0 : i32
    %dma_wait3A_1324 = arith.constant 0 : i32
    %dma_wait3A_1325 = tpu.memref_slice %arg5[%dma_wait3A_1323, %dma_wait3A_1324] : memref<401x128xf32, #tpu.memory_space<vmem>> -> memref<400x128xf32, #tpu.memory_space<vmem>>
    %dma_wait3A_1326 = arith.constant 800 : i32
    %dma_wait3A_1327 = tpu.memref_slice %arg2[%dma_wait3A_1326, %add3A_1317] : memref<1600x16384xf32, #tpu.memory_space<hbm>> -> memref<400x128xf32, #tpu.memory_space<hbm>>
    tpu.wait_dma2 semaphore(%arg8 : memref<!tpu.dma_semaphore, #tpu.memory_space<semaphore_mem>>) src(%dma_wait3A_1327 : memref<400x128xf32, #tpu.memory_space<hbm>>) dst(%dma_wait3A_1325 : memref<400x128xf32, #tpu.memory_space<vmem>>)
    %broadcast_in_dim3A_1328 = arith.constant 0.000000e+00 : f32
    %broadcast_in_dim3A_1329 = vector.broadcast %broadcast_in_dim3A_1328 : f32 to vector<16xf32>
    %iota3A_1330 = tpu.iota {dimensions = array<i32: 0>} : vector<16xi32>
    %add3A_1331 = arith.constant 0 : i32
    %add3A_1332 = vector.broadcast %add3A_1331 : i32 to vector<16xi32>
    %add3A_1333 = arith.addi %iota3A_1330, %add3A_1332 : vector<16xi32>
    %iota3A_1334 = tpu.iota {dimensions = array<i32: 0>} : vector<16xi32>
    %add3A_1335 = arith.constant 16 : i32
    %add3A_1336 = vector.broadcast %add3A_1335 : i32 to vector<16xi32>
    %add3A_1337 = arith.addi %iota3A_1334, %add3A_1336 : vector<16xi32>
    %iota3A_1338 = tpu.iota {dimensions = array<i32: 0>} : vector<16xi32>
    %add3A_1339 = arith.constant 32 : i32
    %add3A_1340 = vector.broadcast %add3A_1339 : i32 to vector<16xi32>
    %add3A_1341 = arith.addi %iota3A_1338, %add3A_1340 : vector<16xi32>
    %iota3A_1342 = tpu.iota {dimensions = array<i32: 0>} : vector<16xi32>
    %add3A_1343 = arith.constant 48 : i32
    %add3A_1344 = vector.broadcast %add3A_1343 : i32 to vector<16xi32>
    %add3A_1345 = arith.addi %iota3A_1342, %add3A_1344 : vector<16xi32>
    %iota3A_1346 = tpu.iota {dimensions = array<i32: 0>} : vector<16xi32>
    %add3A_1347 = arith.constant 64 : i32
    %add3A_1348 = vector.broadcast %add3A_1347 : i32 to vector<16xi32>
    %add3A_1349 = arith.addi %iota3A_1346, %add3A_1348 : vector<16xi32>
    %iota3A_1350 = tpu.iota {dimensions = array<i32: 0>} : vector<16xi32>
    %add3A_1351 = arith.constant 80 : i32
    %add3A_1352 = vector.broadcast %add3A_1351 : i32 to vector<16xi32>
    %add3A_1353 = arith.addi %iota3A_1350, %add3A_1352 : vector<16xi32>
    %iota3A_1354 = tpu.iota {dimensions = array<i32: 0>} : vector<16xi32>
    %add3A_1355 = arith.constant 96 : i32
    %add3A_1356 = vector.broadcast %add3A_1355 : i32 to vector<16xi32>
    %add3A_1357 = arith.addi %iota3A_1354, %add3A_1356 : vector<16xi32>
    %iota3A_1358 = tpu.iota {dimensions = array<i32: 0>} : vector<16xi32>
    %add3A_1359 = arith.constant 112 : i32
    %add3A_1360 = vector.broadcast %add3A_1359 : i32 to vector<16xi32>
    %add3A_1361 = arith.addi %iota3A_1358, %add3A_1360 : vector<16xi32>
    %scan3A_1362 = arith.constant 800 : i32
    %scan3A_1363 = arith.constant 400 : i32
    %scan3A_1364 = arith.constant 0 : i32
    %scan3A_1365 = arith.constant 160 : i32
    %scan3A_1366 = arith.addi %scan3A_1364, %scan3A_1365 : i32
    %scan3A_1367 = arith.constant 1 : i32
    scf.for %scan3A_1470 = %scan3A_1364 to %scan3A_1366 step %scan3A_1367  : i32 {
      %mul3A_1471 = arith.constant 1 : i32
      %mul3A_1472 = arith.muli %scan3A_1470, %mul3A_1471 : i32
      %add3A_1473 = arith.constant 0 : i32
      %add3A_1474 = arith.addi %add3A_1473, %mul3A_1472 : i32
      %get3A = arith.index_cast %add3A_1474 : i32 to index
      %get3A_1475 = arith.constant 0 : index
      %get3A_1476 = tpu.vector_load %arg7[%get3A, %get3A_1475] {strides = array<i32>} : memref<160x128xi32, #tpu.memory_space<vmem>>, vector<16xi32>,
      %get3A_1477 = arith.index_cast %add3A_1474 : i32 to index
      %get3A_1478 = arith.constant 16 : index
      %get3A_1479 = tpu.vector_load %arg7[%get3A_1477, %get3A_1478] {strides = array<i32>} : memref<160x128xi32, #tpu.memory_space<vmem>>, vector<16xi32>,
      %get3A_1480 = arith.index_cast %add3A_1474 : i32 to index
      %get3A_1481 = arith.constant 32 : index
      %get3A_1482 = tpu.vector_load %arg7[%get3A_1480, %get3A_1481] {strides = array<i32>} : memref<160x128xi32, #tpu.memory_space<vmem>>, vector<16xi32>,
      %get3A_1483 = arith.index_cast %add3A_1474 : i32 to index
      %get3A_1484 = arith.constant 48 : index
      %get3A_1485 = tpu.vector_load %arg7[%get3A_1483, %get3A_1484] {strides = array<i32>} : memref<160x128xi32, #tpu.memory_space<vmem>>, vector<16xi32>,
      %get3A_1486 = arith.index_cast %add3A_1474 : i32 to index
      %get3A_1487 = arith.constant 64 : index
      %get3A_1488 = tpu.vector_load %arg7[%get3A_1486, %get3A_1487] {strides = array<i32>} : memref<160x128xi32, #tpu.memory_space<vmem>>, vector<16xi32>,
      %get3A_1489 = arith.index_cast %add3A_1474 : i32 to index
      %get3A_1490 = arith.constant 80 : index
      %get3A_1491 = tpu.vector_load %arg7[%get3A_1489, %get3A_1490] {strides = array<i32>} : memref<160x128xi32, #tpu.memory_space<vmem>>, vector<16xi32>,
      %get3A_1492 = arith.index_cast %add3A_1474 : i32 to index
      %get3A_1493 = arith.constant 96 : index
      %get3A_1494 = tpu.vector_load %arg7[%get3A_1492, %get3A_1493] {strides = array<i32>} : memref<160x128xi32, #tpu.memory_space<vmem>>, vector<16xi32>,
      %get3A_1495 = arith.index_cast %add3A_1474 : i32 to index
      %get3A_1496 = arith.constant 112 : index
      %get3A_1497 = tpu.vector_load %arg7[%get3A_1495, %get3A_1496] {strides = array<i32>} : memref<160x128xi32, #tpu.memory_space<vmem>>, vector<16xi32>,
      %bitcast_convert_type3A = tpu.bitcast %get3A_1476 : vector<16xi32> -> vector<16xi32>
      %sub3A = vector.broadcast %scan3A_1362 : i32 to vector<16xi32>
      %sub3A_1498 = arith.subi %bitcast_convert_type3A, %sub3A : vector<16xi32>
      %bitcast_convert_type3A_1499 = tpu.bitcast %get3A_1479 : vector<16xi32> -> vector<16xi32>
      %sub3A_1500 = vector.broadcast %scan3A_1362 : i32 to vector<16xi32>
      %sub3A_1501 = arith.subi %bitcast_convert_type3A_1499, %sub3A_1500 : vector<16xi32>
      %bitcast_convert_type3A_1502 = tpu.bitcast %get3A_1482 : vector<16xi32> -> vector<16xi32>
      %sub3A_1503 = vector.broadcast %scan3A_1362 : i32 to vector<16xi32>
      %sub3A_1504 = arith.subi %bitcast_convert_type3A_1502, %sub3A_1503 : vector<16xi32>
      %bitcast_convert_type3A_1505 = tpu.bitcast %get3A_1485 : vector<16xi32> -> vector<16xi32>
      %sub3A_1506 = vector.broadcast %scan3A_1362 : i32 to vector<16xi32>
      %sub3A_1507 = arith.subi %bitcast_convert_type3A_1505, %sub3A_1506 : vector<16xi32>
      %bitcast_convert_type3A_1508 = tpu.bitcast %get3A_1488 : vector<16xi32> -> vector<16xi32>
      %sub3A_1509 = vector.broadcast %scan3A_1362 : i32 to vector<16xi32>
      %sub3A_1510 = arith.subi %bitcast_convert_type3A_1508, %sub3A_1509 : vector<16xi32>
      %bitcast_convert_type3A_1511 = tpu.bitcast %get3A_1491 : vector<16xi32> -> vector<16xi32>
      %sub3A_1512 = vector.broadcast %scan3A_1362 : i32 to vector<16xi32>
      %sub3A_1513 = arith.subi %bitcast_convert_type3A_1511, %sub3A_1512 : vector<16xi32>
      %bitcast_convert_type3A_1514 = tpu.bitcast %get3A_1494 : vector<16xi32> -> vector<16xi32>
      %sub3A_1515 = vector.broadcast %scan3A_1362 : i32 to vector<16xi32>
      %sub3A_1516 = arith.subi %bitcast_convert_type3A_1514, %sub3A_1515 : vector<16xi32>
      %bitcast_convert_type3A_1517 = tpu.bitcast %get3A_1497 : vector<16xi32> -> vector<16xi32>
      %sub3A_1518 = vector.broadcast %scan3A_1362 : i32 to vector<16xi32>
      %sub3A_1519 = arith.subi %bitcast_convert_type3A_1517, %sub3A_1518 : vector<16xi32>
      %bitcast_convert_type3A_1520 = tpu.bitcast %sub3A_1498 : vector<16xi32> -> vector<16xi32>
      %lt3A = vector.broadcast %scan3A_1363 : i32 to vector<16xi32>
      %lt3A_1521 = arith.cmpi ult, %sub3A_1498, %lt3A : vector<16xi32>
      tpu.vector_store_idx %arg5[%bitcast_convert_type3A_1520, %add3A_1333], %broadcast_in_dim3A_1329 masked %lt3A_1521 : memref<401x128xf32, #tpu.memory_space<vmem>>[vector<16xi32>, vector<16xi32>], vector<16xf32>, vector<16xi1>
      %bitcast_convert_type3A_1522 = tpu.bitcast %sub3A_1501 : vector<16xi32> -> vector<16xi32>
      %lt3A_1523 = vector.broadcast %scan3A_1363 : i32 to vector<16xi32>
      %lt3A_1524 = arith.cmpi ult, %sub3A_1501, %lt3A_1523 : vector<16xi32>
      tpu.vector_store_idx %arg5[%bitcast_convert_type3A_1522, %add3A_1337], %broadcast_in_dim3A_1329 masked %lt3A_1524 : memref<401x128xf32, #tpu.memory_space<vmem>>[vector<16xi32>, vector<16xi32>], vector<16xf32>, vector<16xi1>
      %bitcast_convert_type3A_1525 = tpu.bitcast %sub3A_1504 : vector<16xi32> -> vector<16xi32>
      %lt3A_1526 = vector.broadcast %scan3A_1363 : i32 to vector<16xi32>
      %lt3A_1527 = arith.cmpi ult, %sub3A_1504, %lt3A_1526 : vector<16xi32>
      tpu.vector_store_idx %arg5[%bitcast_convert_type3A_1525, %add3A_1341], %broadcast_in_dim3A_1329 masked %lt3A_1527 : memref<401x128xf32, #tpu.memory_space<vmem>>[vector<16xi32>, vector<16xi32>], vector<16xf32>, vector<16xi1>
      %bitcast_convert_type3A_1528 = tpu.bitcast %sub3A_1507 : vector<16xi32> -> vector<16xi32>
      %lt3A_1529 = vector.broadcast %scan3A_1363 : i32 to vector<16xi32>
      %lt3A_1530 = arith.cmpi ult, %sub3A_1507, %lt3A_1529 : vector<16xi32>
      tpu.vector_store_idx %arg5[%bitcast_convert_type3A_1528, %add3A_1345], %broadcast_in_dim3A_1329 masked %lt3A_1530 : memref<401x128xf32, #tpu.memory_space<vmem>>[vector<16xi32>, vector<16xi32>], vector<16xf32>, vector<16xi1>
      %bitcast_convert_type3A_1531 = tpu.bitcast %sub3A_1510 : vector<16xi32> -> vector<16xi32>
      %lt3A_1532 = vector.broadcast %scan3A_1363 : i32 to vector<16xi32>
      %lt3A_1533 = arith.cmpi ult, %sub3A_1510, %lt3A_1532 : vector<16xi32>
      tpu.vector_store_idx %arg5[%bitcast_convert_type3A_1531, %add3A_1349], %broadcast_in_dim3A_1329 masked %lt3A_1533 : memref<401x128xf32, #tpu.memory_space<vmem>>[vector<16xi32>, vector<16xi32>], vector<16xf32>, vector<16xi1>
      %bitcast_convert_type3A_1534 = tpu.bitcast %sub3A_1513 : vector<16xi32> -> vector<16xi32>
      %lt3A_1535 = vector.broadcast %scan3A_1363 : i32 to vector<16xi32>
      %lt3A_1536 = arith.cmpi ult, %sub3A_1513, %lt3A_1535 : vector<16xi32>
      tpu.vector_store_idx %arg5[%bitcast_convert_type3A_1534, %add3A_1353], %broadcast_in_dim3A_1329 masked %lt3A_1536 : memref<401x128xf32, #tpu.memory_space<vmem>>[vector<16xi32>, vector<16xi32>], vector<16xf32>, vector<16xi1>
      %bitcast_convert_type3A_1537 = tpu.bitcast %sub3A_1516 : vector<16xi32> -> vector<16xi32>
      %lt3A_1538 = vector.broadcast %scan3A_1363 : i32 to vector<16xi32>
      %lt3A_1539 = arith.cmpi ult, %sub3A_1516, %lt3A_1538 : vector<16xi32>
      tpu.vector_store_idx %arg5[%bitcast_convert_type3A_1537, %add3A_1357], %broadcast_in_dim3A_1329 masked %lt3A_1539 : memref<401x128xf32, #tpu.memory_space<vmem>>[vector<16xi32>, vector<16xi32>], vector<16xf32>, vector<16xi1>
      %bitcast_convert_type3A_1540 = tpu.bitcast %sub3A_1519 : vector<16xi32> -> vector<16xi32>
      %lt3A_1541 = vector.broadcast %scan3A_1363 : i32 to vector<16xi32>
      %lt3A_1542 = arith.cmpi ult, %sub3A_1519, %lt3A_1541 : vector<16xi32>
      tpu.vector_store_idx %arg5[%bitcast_convert_type3A_1540, %add3A_1361], %broadcast_in_dim3A_1329 masked %lt3A_1542 : memref<401x128xf32, #tpu.memory_space<vmem>>[vector<16xi32>, vector<16xi32>], vector<16xf32>, vector<16xi1>
    }
    %scan3A_1368 = arith.constant 160 : i32
    %add3A_1369 = arith.constant 384 : i32
    %add3A_1370 = arith.addi %mul3A_2, %add3A_1369 : i32
    %dma_start3A_1371 = arith.constant 0 : i32
    %dma_start3A_1372 = arith.constant 0 : i32
    %dma_start3A_1373 = tpu.memref_slice %arg5[%dma_start3A_1371, %dma_start3A_1372] : memref<401x128xf32, #tpu.memory_space<vmem>> -> memref<400x128xf32, #tpu.memory_space<vmem>>
    %dma_start3A_1374 = arith.constant 800 : i32
    %dma_start3A_1375 = tpu.memref_slice %arg4[%dma_start3A_1374, %add3A_1370] : memref<1600x16384xf32, #tpu.memory_space<hbm>> -> memref<400x128xf32, #tpu.memory_space<hbm>>
    %dma_start3A_1376 = arith.constant 800 : i32
    %dma_start3A_1377 = tpu.memref_slice %arg4[%dma_start3A_1376, %add3A_1370] : memref<1600x16384xf32, #tpu.memory_space<hbm>> -> memref<400x128xf32, #tpu.memory_space<hbm>>
    %dma_start3A_1378 = arith.constant 0 : i32
    %dma_start3A_1379 = arith.constant 0 : i32
    %dma_start3A_1380 = tpu.memref_slice %arg5[%dma_start3A_1378, %dma_start3A_1379] : memref<401x128xf32, #tpu.memory_space<vmem>> -> memref<400x128xf32, #tpu.memory_space<vmem>>
    tpu.enqueue_dma source(%dma_start3A_1380 : memref<400x128xf32, #tpu.memory_space<vmem>>) target(%dma_start3A_1377 : memref<400x128xf32, #tpu.memory_space<hbm>>) target_semaphore(%arg10 : memref<!tpu.dma_semaphore, #tpu.memory_space<semaphore_mem>>)
    %add3A_1381 = arith.constant 384 : i32
    %add3A_1382 = arith.addi %mul3A_2, %add3A_1381 : i32
    %dma_wait3A_1383 = arith.constant 0 : i32
    %dma_wait3A_1384 = arith.constant 0 : i32
    %dma_wait3A_1385 = tpu.memref_slice %arg6[%dma_wait3A_1383, %dma_wait3A_1384] : memref<401x128xf32, #tpu.memory_space<vmem>> -> memref<400x128xf32, #tpu.memory_space<vmem>>
    %dma_wait3A_1386 = arith.constant 1200 : i32
    %dma_wait3A_1387 = tpu.memref_slice %arg2[%dma_wait3A_1386, %add3A_1382] : memref<1600x16384xf32, #tpu.memory_space<hbm>> -> memref<400x128xf32, #tpu.memory_space<hbm>>
    %dma_wait3A_1388 = arith.constant 0 : i32
    %dma_wait3A_1389 = arith.constant 0 : i32
    %dma_wait3A_1390 = tpu.memref_slice %arg6[%dma_wait3A_1388, %dma_wait3A_1389] : memref<401x128xf32, #tpu.memory_space<vmem>> -> memref<400x128xf32, #tpu.memory_space<vmem>>
    %dma_wait3A_1391 = arith.constant 1200 : i32
    %dma_wait3A_1392 = tpu.memref_slice %arg2[%dma_wait3A_1391, %add3A_1382] : memref<1600x16384xf32, #tpu.memory_space<hbm>> -> memref<400x128xf32, #tpu.memory_space<hbm>>
    tpu.wait_dma2 semaphore(%arg9 : memref<!tpu.dma_semaphore, #tpu.memory_space<semaphore_mem>>) src(%dma_wait3A_1392 : memref<400x128xf32, #tpu.memory_space<hbm>>) dst(%dma_wait3A_1390 : memref<400x128xf32, #tpu.memory_space<vmem>>)
    %broadcast_in_dim3A_1393 = arith.constant 0.000000e+00 : f32
    %broadcast_in_dim3A_1394 = vector.broadcast %broadcast_in_dim3A_1393 : f32 to vector<16xf32>
    %iota3A_1395 = tpu.iota {dimensions = array<i32: 0>} : vector<16xi32>
    %add3A_1396 = arith.constant 0 : i32
    %add3A_1397 = vector.broadcast %add3A_1396 : i32 to vector<16xi32>
    %add3A_1398 = arith.addi %iota3A_1395, %add3A_1397 : vector<16xi32>
    %iota3A_1399 = tpu.iota {dimensions = array<i32: 0>} : vector<16xi32>
    %add3A_1400 = arith.constant 16 : i32
    %add3A_1401 = vector.broadcast %add3A_1400 : i32 to vector<16xi32>
    %add3A_1402 = arith.addi %iota3A_1399, %add3A_1401 : vector<16xi32>
    %iota3A_1403 = tpu.iota {dimensions = array<i32: 0>} : vector<16xi32>
    %add3A_1404 = arith.constant 32 : i32
    %add3A_1405 = vector.broadcast %add3A_1404 : i32 to vector<16xi32>
    %add3A_1406 = arith.addi %iota3A_1403, %add3A_1405 : vector<16xi32>
    %iota3A_1407 = tpu.iota {dimensions = array<i32: 0>} : vector<16xi32>
    %add3A_1408 = arith.constant 48 : i32
    %add3A_1409 = vector.broadcast %add3A_1408 : i32 to vector<16xi32>
    %add3A_1410 = arith.addi %iota3A_1407, %add3A_1409 : vector<16xi32>
    %iota3A_1411 = tpu.iota {dimensions = array<i32: 0>} : vector<16xi32>
    %add3A_1412 = arith.constant 64 : i32
    %add3A_1413 = vector.broadcast %add3A_1412 : i32 to vector<16xi32>
    %add3A_1414 = arith.addi %iota3A_1411, %add3A_1413 : vector<16xi32>
    %iota3A_1415 = tpu.iota {dimensions = array<i32: 0>} : vector<16xi32>
    %add3A_1416 = arith.constant 80 : i32
    %add3A_1417 = vector.broadcast %add3A_1416 : i32 to vector<16xi32>
    %add3A_1418 = arith.addi %iota3A_1415, %add3A_1417 : vector<16xi32>
    %iota3A_1419 = tpu.iota {dimensions = array<i32: 0>} : vector<16xi32>
    %add3A_1420 = arith.constant 96 : i32
    %add3A_1421 = vector.broadcast %add3A_1420 : i32 to vector<16xi32>
    %add3A_1422 = arith.addi %iota3A_1419, %add3A_1421 : vector<16xi32>
    %iota3A_1423 = tpu.iota {dimensions = array<i32: 0>} : vector<16xi32>
    %add3A_1424 = arith.constant 112 : i32
    %add3A_1425 = vector.broadcast %add3A_1424 : i32 to vector<16xi32>
    %add3A_1426 = arith.addi %iota3A_1423, %add3A_1425 : vector<16xi32>
    %scan3A_1427 = arith.constant 1200 : i32
    %scan3A_1428 = arith.constant 400 : i32
    %scan3A_1429 = arith.constant 0 : i32
    %scan3A_1430 = arith.constant 160 : i32
    %scan3A_1431 = arith.addi %scan3A_1429, %scan3A_1430 : i32
    %scan3A_1432 = arith.constant 1 : i32
    scf.for %scan3A_1470 = %scan3A_1429 to %scan3A_1431 step %scan3A_1432  : i32 {
      %mul3A_1471 = arith.constant 1 : i32
      %mul3A_1472 = arith.muli %scan3A_1470, %mul3A_1471 : i32
      %add3A_1473 = arith.constant 0 : i32
      %add3A_1474 = arith.addi %add3A_1473, %mul3A_1472 : i32
      %get3A = arith.index_cast %add3A_1474 : i32 to index
      %get3A_1475 = arith.constant 0 : index
      %get3A_1476 = tpu.vector_load %arg7[%get3A, %get3A_1475] {strides = array<i32>} : memref<160x128xi32, #tpu.memory_space<vmem>>, vector<16xi32>,
      %get3A_1477 = arith.index_cast %add3A_1474 : i32 to index
      %get3A_1478 = arith.constant 16 : index
      %get3A_1479 = tpu.vector_load %arg7[%get3A_1477, %get3A_1478] {strides = array<i32>} : memref<160x128xi32, #tpu.memory_space<vmem>>, vector<16xi32>,
      %get3A_1480 = arith.index_cast %add3A_1474 : i32 to index
      %get3A_1481 = arith.constant 32 : index
      %get3A_1482 = tpu.vector_load %arg7[%get3A_1480, %get3A_1481] {strides = array<i32>} : memref<160x128xi32, #tpu.memory_space<vmem>>, vector<16xi32>,
      %get3A_1483 = arith.index_cast %add3A_1474 : i32 to index
      %get3A_1484 = arith.constant 48 : index
      %get3A_1485 = tpu.vector_load %arg7[%get3A_1483, %get3A_1484] {strides = array<i32>} : memref<160x128xi32, #tpu.memory_space<vmem>>, vector<16xi32>,
      %get3A_1486 = arith.index_cast %add3A_1474 : i32 to index
      %get3A_1487 = arith.constant 64 : index
      %get3A_1488 = tpu.vector_load %arg7[%get3A_1486, %get3A_1487] {strides = array<i32>} : memref<160x128xi32, #tpu.memory_space<vmem>>, vector<16xi32>,
      %get3A_1489 = arith.index_cast %add3A_1474 : i32 to index
      %get3A_1490 = arith.constant 80 : index
      %get3A_1491 = tpu.vector_load %arg7[%get3A_1489, %get3A_1490] {strides = array<i32>} : memref<160x128xi32, #tpu.memory_space<vmem>>, vector<16xi32>,
      %get3A_1492 = arith.index_cast %add3A_1474 : i32 to index
      %get3A_1493 = arith.constant 96 : index
      %get3A_1494 = tpu.vector_load %arg7[%get3A_1492, %get3A_1493] {strides = array<i32>} : memref<160x128xi32, #tpu.memory_space<vmem>>, vector<16xi32>,
      %get3A_1495 = arith.index_cast %add3A_1474 : i32 to index
      %get3A_1496 = arith.constant 112 : index
      %get3A_1497 = tpu.vector_load %arg7[%get3A_1495, %get3A_1496] {strides = array<i32>} : memref<160x128xi32, #tpu.memory_space<vmem>>, vector<16xi32>,
      %bitcast_convert_type3A = tpu.bitcast %get3A_1476 : vector<16xi32> -> vector<16xi32>
      %sub3A = vector.broadcast %scan3A_1427 : i32 to vector<16xi32>
      %sub3A_1498 = arith.subi %bitcast_convert_type3A, %sub3A : vector<16xi32>
      %bitcast_convert_type3A_1499 = tpu.bitcast %get3A_1479 : vector<16xi32> -> vector<16xi32>
      %sub3A_1500 = vector.broadcast %scan3A_1427 : i32 to vector<16xi32>
      %sub3A_1501 = arith.subi %bitcast_convert_type3A_1499, %sub3A_1500 : vector<16xi32>
      %bitcast_convert_type3A_1502 = tpu.bitcast %get3A_1482 : vector<16xi32> -> vector<16xi32>
      %sub3A_1503 = vector.broadcast %scan3A_1427 : i32 to vector<16xi32>
      %sub3A_1504 = arith.subi %bitcast_convert_type3A_1502, %sub3A_1503 : vector<16xi32>
      %bitcast_convert_type3A_1505 = tpu.bitcast %get3A_1485 : vector<16xi32> -> vector<16xi32>
      %sub3A_1506 = vector.broadcast %scan3A_1427 : i32 to vector<16xi32>
      %sub3A_1507 = arith.subi %bitcast_convert_type3A_1505, %sub3A_1506 : vector<16xi32>
      %bitcast_convert_type3A_1508 = tpu.bitcast %get3A_1488 : vector<16xi32> -> vector<16xi32>
      %sub3A_1509 = vector.broadcast %scan3A_1427 : i32 to vector<16xi32>
      %sub3A_1510 = arith.subi %bitcast_convert_type3A_1508, %sub3A_1509 : vector<16xi32>
      %bitcast_convert_type3A_1511 = tpu.bitcast %get3A_1491 : vector<16xi32> -> vector<16xi32>
      %sub3A_1512 = vector.broadcast %scan3A_1427 : i32 to vector<16xi32>
      %sub3A_1513 = arith.subi %bitcast_convert_type3A_1511, %sub3A_1512 : vector<16xi32>
      %bitcast_convert_type3A_1514 = tpu.bitcast %get3A_1494 : vector<16xi32> -> vector<16xi32>
      %sub3A_1515 = vector.broadcast %scan3A_1427 : i32 to vector<16xi32>
      %sub3A_1516 = arith.subi %bitcast_convert_type3A_1514, %sub3A_1515 : vector<16xi32>
      %bitcast_convert_type3A_1517 = tpu.bitcast %get3A_1497 : vector<16xi32> -> vector<16xi32>
      %sub3A_1518 = vector.broadcast %scan3A_1427 : i32 to vector<16xi32>
      %sub3A_1519 = arith.subi %bitcast_convert_type3A_1517, %sub3A_1518 : vector<16xi32>
      %bitcast_convert_type3A_1520 = tpu.bitcast %sub3A_1498 : vector<16xi32> -> vector<16xi32>
      %lt3A = vector.broadcast %scan3A_1428 : i32 to vector<16xi32>
      %lt3A_1521 = arith.cmpi ult, %sub3A_1498, %lt3A : vector<16xi32>
      tpu.vector_store_idx %arg6[%bitcast_convert_type3A_1520, %add3A_1398], %broadcast_in_dim3A_1394 masked %lt3A_1521 : memref<401x128xf32, #tpu.memory_space<vmem>>[vector<16xi32>, vector<16xi32>], vector<16xf32>, vector<16xi1>
      %bitcast_convert_type3A_1522 = tpu.bitcast %sub3A_1501 : vector<16xi32> -> vector<16xi32>
      %lt3A_1523 = vector.broadcast %scan3A_1428 : i32 to vector<16xi32>
      %lt3A_1524 = arith.cmpi ult, %sub3A_1501, %lt3A_1523 : vector<16xi32>
      tpu.vector_store_idx %arg6[%bitcast_convert_type3A_1522, %add3A_1402], %broadcast_in_dim3A_1394 masked %lt3A_1524 : memref<401x128xf32, #tpu.memory_space<vmem>>[vector<16xi32>, vector<16xi32>], vector<16xf32>, vector<16xi1>
      %bitcast_convert_type3A_1525 = tpu.bitcast %sub3A_1504 : vector<16xi32> -> vector<16xi32>
      %lt3A_1526 = vector.broadcast %scan3A_1428 : i32 to vector<16xi32>
      %lt3A_1527 = arith.cmpi ult, %sub3A_1504, %lt3A_1526 : vector<16xi32>
      tpu.vector_store_idx %arg6[%bitcast_convert_type3A_1525, %add3A_1406], %broadcast_in_dim3A_1394 masked %lt3A_1527 : memref<401x128xf32, #tpu.memory_space<vmem>>[vector<16xi32>, vector<16xi32>], vector<16xf32>, vector<16xi1>
      %bitcast_convert_type3A_1528 = tpu.bitcast %sub3A_1507 : vector<16xi32> -> vector<16xi32>
      %lt3A_1529 = vector.broadcast %scan3A_1428 : i32 to vector<16xi32>
      %lt3A_1530 = arith.cmpi ult, %sub3A_1507, %lt3A_1529 : vector<16xi32>
      tpu.vector_store_idx %arg6[%bitcast_convert_type3A_1528, %add3A_1410], %broadcast_in_dim3A_1394 masked %lt3A_1530 : memref<401x128xf32, #tpu.memory_space<vmem>>[vector<16xi32>, vector<16xi32>], vector<16xf32>, vector<16xi1>
      %bitcast_convert_type3A_1531 = tpu.bitcast %sub3A_1510 : vector<16xi32> -> vector<16xi32>
      %lt3A_1532 = vector.broadcast %scan3A_1428 : i32 to vector<16xi32>
      %lt3A_1533 = arith.cmpi ult, %sub3A_1510, %lt3A_1532 : vector<16xi32>
      tpu.vector_store_idx %arg6[%bitcast_convert_type3A_1531, %add3A_1414], %broadcast_in_dim3A_1394 masked %lt3A_1533 : memref<401x128xf32, #tpu.memory_space<vmem>>[vector<16xi32>, vector<16xi32>], vector<16xf32>, vector<16xi1>
      %bitcast_convert_type3A_1534 = tpu.bitcast %sub3A_1513 : vector<16xi32> -> vector<16xi32>
      %lt3A_1535 = vector.broadcast %scan3A_1428 : i32 to vector<16xi32>
      %lt3A_1536 = arith.cmpi ult, %sub3A_1513, %lt3A_1535 : vector<16xi32>
      tpu.vector_store_idx %arg6[%bitcast_convert_type3A_1534, %add3A_1418], %broadcast_in_dim3A_1394 masked %lt3A_1536 : memref<401x128xf32, #tpu.memory_space<vmem>>[vector<16xi32>, vector<16xi32>], vector<16xf32>, vector<16xi1>
      %bitcast_convert_type3A_1537 = tpu.bitcast %sub3A_1516 : vector<16xi32> -> vector<16xi32>
      %lt3A_1538 = vector.broadcast %scan3A_1428 : i32 to vector<16xi32>
      %lt3A_1539 = arith.cmpi ult, %sub3A_1516, %lt3A_1538 : vector<16xi32>
      tpu.vector_store_idx %arg6[%bitcast_convert_type3A_1537, %add3A_1422], %broadcast_in_dim3A_1394 masked %lt3A_1539 : memref<401x128xf32, #tpu.memory_space<vmem>>[vector<16xi32>, vector<16xi32>], vector<16xf32>, vector<16xi1>
      %bitcast_convert_type3A_1540 = tpu.bitcast %sub3A_1519 : vector<16xi32> -> vector<16xi32>
      %lt3A_1541 = vector.broadcast %scan3A_1428 : i32 to vector<16xi32>
      %lt3A_1542 = arith.cmpi ult, %sub3A_1519, %lt3A_1541 : vector<16xi32>
      tpu.vector_store_idx %arg6[%bitcast_convert_type3A_1540, %add3A_1426], %broadcast_in_dim3A_1394 masked %lt3A_1542 : memref<401x128xf32, #tpu.memory_space<vmem>>[vector<16xi32>, vector<16xi32>], vector<16xf32>, vector<16xi1>
    }
    %scan3A_1433 = arith.constant 160 : i32
    %add3A_1434 = arith.constant 384 : i32
    %add3A_1435 = arith.addi %mul3A_2, %add3A_1434 : i32
    %dma_start3A_1436 = arith.constant 0 : i32
    %dma_start3A_1437 = arith.constant 0 : i32
    %dma_start3A_1438 = tpu.memref_slice %arg6[%dma_start3A_1436, %dma_start3A_1437] : memref<401x128xf32, #tpu.memory_space<vmem>> -> memref<400x128xf32, #tpu.memory_space<vmem>>
    %dma_start3A_1439 = arith.constant 1200 : i32
    %dma_start3A_1440 = tpu.memref_slice %arg4[%dma_start3A_1439, %add3A_1435] : memref<1600x16384xf32, #tpu.memory_space<hbm>> -> memref<400x128xf32, #tpu.memory_space<hbm>>
    %dma_start3A_1441 = arith.constant 1200 : i32
    %dma_start3A_1442 = tpu.memref_slice %arg4[%dma_start3A_1441, %add3A_1435] : memref<1600x16384xf32, #tpu.memory_space<hbm>> -> memref<400x128xf32, #tpu.memory_space<hbm>>
    %dma_start3A_1443 = arith.constant 0 : i32
    %dma_start3A_1444 = arith.constant 0 : i32
    %dma_start3A_1445 = tpu.memref_slice %arg6[%dma_start3A_1443, %dma_start3A_1444] : memref<401x128xf32, #tpu.memory_space<vmem>> -> memref<400x128xf32, #tpu.memory_space<vmem>>
    tpu.enqueue_dma source(%dma_start3A_1445 : memref<400x128xf32, #tpu.memory_space<vmem>>) target(%dma_start3A_1442 : memref<400x128xf32, #tpu.memory_space<hbm>>) target_semaphore(%arg11 : memref<!tpu.dma_semaphore, #tpu.memory_space<semaphore_mem>>)
    %add3A_1446 = arith.constant 384 : i32
    %add3A_1447 = arith.addi %mul3A_2, %add3A_1446 : i32
    %dma_wait3A_1448 = arith.constant 0 : i32
    %dma_wait3A_1449 = arith.constant 0 : i32
    %dma_wait3A_1450 = tpu.memref_slice %arg5[%dma_wait3A_1448, %dma_wait3A_1449] : memref<401x128xf32, #tpu.memory_space<vmem>> -> memref<400x128xf32, #tpu.memory_space<vmem>>
    %dma_wait3A_1451 = arith.constant 800 : i32
    %dma_wait3A_1452 = tpu.memref_slice %arg4[%dma_wait3A_1451, %add3A_1447] : memref<1600x16384xf32, #tpu.memory_space<hbm>> -> memref<400x128xf32, #tpu.memory_space<hbm>>
    %dma_wait3A_1453 = arith.constant 800 : i32
    %dma_wait3A_1454 = tpu.memref_slice %arg4[%dma_wait3A_1453, %add3A_1447] : memref<1600x16384xf32, #tpu.memory_space<hbm>> -> memref<400x128xf32, #tpu.memory_space<hbm>>
    %dma_wait3A_1455 = arith.constant 0 : i32
    %dma_wait3A_1456 = arith.constant 0 : i32
    %dma_wait3A_1457 = tpu.memref_slice %arg5[%dma_wait3A_1455, %dma_wait3A_1456] : memref<401x128xf32, #tpu.memory_space<vmem>> -> memref<400x128xf32, #tpu.memory_space<vmem>>
    tpu.wait_dma2 semaphore(%arg10 : memref<!tpu.dma_semaphore, #tpu.memory_space<semaphore_mem>>) src(%dma_wait3A_1457 : memref<400x128xf32, #tpu.memory_space<vmem>>) dst(%dma_wait3A_1454 : memref<400x128xf32, #tpu.memory_space<hbm>>)
    %add3A_1458 = arith.constant 384 : i32
    %add3A_1459 = arith.addi %mul3A_2, %add3A_1458 : i32
    %dma_wait3A_1460 = arith.constant 0 : i32
    %dma_wait3A_1461 = arith.constant 0 : i32
    %dma_wait3A_1462 = tpu.memref_slice %arg6[%dma_wait3A_1460, %dma_wait3A_1461] : memref<401x128xf32, #tpu.memory_space<vmem>> -> memref<400x128xf32, #tpu.memory_space<vmem>>
    %dma_wait3A_1463 = arith.constant 1200 : i32
    %dma_wait3A_1464 = tpu.memref_slice %arg4[%dma_wait3A_1463, %add3A_1459] : memref<1600x16384xf32, #tpu.memory_space<hbm>> -> memref<400x128xf32, #tpu.memory_space<hbm>>
    %dma_wait3A_1465 = arith.constant 1200 : i32
    %dma_wait3A_1466 = tpu.memref_slice %arg4[%dma_wait3A_1465, %add3A_1459] : memref<1600x16384xf32, #tpu.memory_space<hbm>> -> memref<400x128xf32, #tpu.memory_space<hbm>>
    %dma_wait3A_1467 = arith.constant 0 : i32
    %dma_wait3A_1468 = arith.constant 0 : i32
    %dma_wait3A_1469 = tpu.memref_slice %arg6[%dma_wait3A_1467, %dma_wait3A_1468] : memref<401x128xf32, #tpu.memory_space<vmem>> -> memref<400x128xf32, #tpu.memory_space<vmem>>
    tpu.wait_dma2 semaphore(%arg11 : memref<!tpu.dma_semaphore, #tpu.memory_space<semaphore_mem>>) src(%dma_wait3A_1469 : memref<400x128xf32, #tpu.memory_space<vmem>>) dst(%dma_wait3A_1466 : memref<400x128xf32, #tpu.memory_space<hbm>>)
    return
  }
}

</mosaic_0001>

<sc_bundles>
// kernel: kernel.3.cloned.1.call-start
scs
__scs_entry_jumppad:
0x0: {  	(pc) =	sbr.rel $0x88, $3  }
0x1: {  	(tag) =	ssettag $0x0;
	lr =	simm.s32 $0x1  }
0x2: {  	[smem:$0x3F9F] =	sst lr;
	_ =	strace $0xD0000000  }
0x3: {  	_ = 	snop  }
0x4: {  	_ = 	snop  }
0x5: {  	_ = 	snop  }
0x6: {  	_ = 	snop  }
0x7: {  	_ = 	snop  }
__scs_overlays_trampoline_lowered:
0x8: {  	[smem:$0x3FAE] =	sst s0  }
0x9: {  	[smem:$0x3FAF] =	sst s1  }
0xa: {  	[smem:$0x3FB0] =	sst s2  }
0xb: {  	[smem:$0x3FB1] =	sst s3  }
0xc: {  	[smem:$0x3FB2] =	sst s4  }
0xd: {  	[smem:$0x3FB3] =	sst s5  }
0xe: {  	[smem:$0x3FB4] =	sst s6  }
0xf: {  	[smem:$0x3FB5] =	sst s7  }
0x10: {  	[smem:$0x3FB6] =	sst s8  }
0x11: {  	[smem:$0x3FB7] =	sst s9;
	s0 =	simm.s32 @!p0 $0x0  }
0x12: {  	s1 =	sld [smem:$0x3F9D];
	s0 =	simm.s32 @p0 $0x1  }
0x13: {  	[smem:$0x3FB8] =	sst s0;
	s0 =	simm.s32 @!p1 $0x0  }
0x14: {  	s2 =	sld [smem:$0x3F9C];
	s0 =	simm.s32 @p1 $0x1  }
0x15: {  	[smem:$0x3FB9] =	sst s0;
	s0 =	simm.s32 @!p2 $0x0  }
0x16: {  	s3 =	sld [smem:$0x3FDB];
	s0 =	simm.s32 @p2 $0x1  }
0x17: {  	s4 =	simm.s32 $0x1BF5;
	[smem:$0x3FBB] =	sst s0  }
0x18: {  	s0 =	sld [smem:$0x3F9E];
	_ =	swait.ge [sflag:s4], $0x0  }
0x19: {  	s7 =	sld [smem:$0x3F9F]  }
0x1a: {  	s8 =	sadd.s32 $0xFFFFE003, lr  }
0x1b: {  	s9 =	sadd.s32 $0xFFFFFEF7, lr;
	s5 =	simm.s32 $0xFFFFFFFF;
	p2 =	slt.u32 s8, $0xFFFFF086  }
0x1c: {  	p1 =	slt.u32 s9, $0xF7A;
	s5 =	simm.s32 @!p2 $0x0  }
0x1d: {  	s5 =	simm.s32 @p1 $0x1;
	p0 =	seq.s32 s7, s2  }
0x1e: {  	s7 =	smul.u32 @!p0 $0xF7A, s2;
	p2 =	seq.s32 @!p0 s5, $0x0  }
0x1f: {  	s9 =	smul.u32 $0xF7A, s1;
	s8 =	simm.s32 @!p0 $0x1BF5;
	p2 =	por !p2, p0  }
0x20: {  	[sflag:s8] =	ssyncset.s32 @!p0 $0xFFFFF086;
	s6 =	sadd.s32 @!p0 s3, s7;
	s7 =	simm.s32 @!p0 $0x108  }
0x21: {  	s3 =	sadd.s32 s3, s9;
	s6 =	sadd.s32 @!p0 $0x88, s6;
	s7 =	simm.s32 @p2 $0x1082  }
0x22: {  	[simem:s7], [sflag:s8] =	dma.local @!p0 [hbm:s6], $0xF7A  }
0x23: {  	s9 =	sor.u32 $0xD0000000, s2;
	s6 =	simm.s32 $0x108;
	_ =	swait.ge @!p0 [sflag:s8], $0x0  }
0x24: {  	s3 =	sadd.s32 $0x88, s3;
	s6 =	simm.s32 @!p1 $0x1082;
	[sflag:s4] =	ssyncset.s32 $0xFFFFF086  }
0x25: {  	[simem:s6], [sflag:s4] =	dma.local [hbm:s3], $0xF7A  }
0x26: {  	[smem:$0x3F9F] =	sst s1;
	(tag) =	ssettag s2;
	_ =	strace s9  }
0x27: {  	s1 =	sld [smem:$0x3FAF]  }
0x28: {  	s2 =	sld [smem:$0x3FB0]  }
0x29: {  	s4 =	sld [smem:$0x3FB2]  }
0x2a: {  	p0 =	seq.s32 s5, $0x0;
	s5 =	sld [smem:$0x3FB3]  }
0x2b: {  	s6 =	sld [smem:$0x3FB4]  }
0x2c: {  	s7 =	sld [smem:$0x3FB5]  }
0x2d: {  	s3 =	simm.s32 $0x108;
	s8 =	sld [smem:$0x3FB6]  }
0x2e: {  	s3 =	simm.s32 @!p0 $0x1082;
	s9 =	sld [smem:$0x3FB7]  }
0x2f: {  	lr =	sadd.s32 s0, s3;
	s0 =	sld [smem:$0x3FAE]  }
0x30: {  	s3 =	sld [smem:$0x3FB1]  }
0x31: {  	[smem:$0x3FBA] =	sst s10  }
0x32: {  	s10 =	sld [smem:$0x3FB8];
	_ =	sdelay $0x3  }
0x33: {  	p0 =	seq.s32 s10, $0x1;
	s10 =	sld [smem:$0x3FBA];
	_ =	sdelay $0x3  }
0x34: {  	[smem:$0x3FBA] =	sst s10  }
0x35: {  	s10 =	sld [smem:$0x3FB9];
	_ =	sdelay $0x3  }
0x36: {  	p1 =	seq.s32 s10, $0x1;
	s10 =	sld [smem:$0x3FBA];
	_ =	sdelay $0x3  }
0x37: {  	[smem:$0x3FBA] =	sst s10  }
0x38: {  	s10 =	sld [smem:$0x3FBB]  }
0x39: {  	_ = 	snop;
	(pc) =	sbr.ind lr, $3  }
0x3a: {  	_ = 	snop  }
0x3b: {  	_ = 	snop  }
0x3c: {  	p2 =	seq.s32 s10, $0x1;
	s10 =	sld [smem:$0x3FBA]  }
0x3d: {  	_ =	shalt  }
0x3e: {  	_ =	shalt  }
0x3f: {  	_ =	shalt  }
0x40: {  	_ =	shalt  }
0x41: {  	_ =	shalt  }
0x42: {  	_ =	shalt  }
0x43: {  	_ =	shalt  }
0x44: {  	_ =	shalt  }
0x45: {  	_ =	shalt  }
0x46: {  	_ =	shalt  }
0x47: {  	_ =	shalt  }
0x48: {  	_ =	shalt  }
0x49: {  	_ =	shalt  }
0x4a: {  	_ =	shalt  }
0x4b: {  	_ =	shalt  }
0x4c: {  	_ =	shalt  }
0x4d: {  	_ =	shalt  }
0x4e: {  	_ =	shalt  }
0x4f: {  	_ =	shalt  }
0x50: {  	_ =	shalt  }
0x51: {  	_ =	shalt  }
0x52: {  	_ =	shalt  }
0x53: {  	_ =	shalt  }
0x54: {  	_ =	shalt  }
0x55: {  	_ =	shalt  }
0x56: {  	_ =	shalt  }
0x57: {  	_ =	shalt  }
0x58: {  	_ =	shalt  }
0x59: {  	_ =	shalt  }
0x5a: {  	_ =	shalt  }
0x5b: {  	_ =	shalt  }
0x5c: {  	_ =	shalt  }
0x5d: {  	_ =	shalt  }
0x5e: {  	_ =	shalt  }
0x5f: {  	_ =	shalt  }
0x60: {  	_ =	shalt  }
0x61: {  	_ =	shalt  }
0x62: {  	_ =	shalt  }
0x63: {  	_ =	shalt  }
0x64: {  	_ =	shalt  }
0x65: {  	_ =	shalt  }
0x66: {  	_ =	shalt  }
0x67: {  	_ =	shalt  }
0x68: {  	_ =	shalt  }
0x69: {  	_ =	shalt  }
0x6a: {  	_ =	shalt  }
0x6b: {  	_ =	shalt  }
0x6c: {  	_ =	shalt  }
0x6d: {  	_ =	shalt  }
0x6e: {  	_ =	shalt  }
0x6f: {  	_ =	shalt  }
0x70: {  	_ =	shalt  }
0x71: {  	_ =	shalt  }
0x72: {  	_ =	shalt  }
0x73: {  	_ =	shalt  }
0x74: {  	_ =	shalt  }
0x75: {  	_ =	shalt  }
0x76: {  	_ =	shalt  }
0x77: {  	_ =	shalt  }
0x78: {  	_ =	shalt  }
0x79: {  	_ =	shalt  }
0x7a: {  	_ =	shalt  }
0x7b: {  	_ =	shalt  }
0x7c: {  	_ =	shalt  }
0x7d: {  	_ =	shalt  }
0x7e: {  	_ =	shalt  }
0x7f: {  	_ =	shalt  }
0x80: {  	_ =	shalt  }
0x81: {  	_ =	shalt  }
0x82: {  	_ =	shalt  }
0x83: {  	_ =	shalt  }
0x84: {  	_ =	shalt  }
0x85: {  	_ =	shalt  }
0x86: {  	_ =	shalt  }
0x87: {  	_ =	shalt  }
.Lfunc_end0:
.L_simem_size_0:
called_computation_lowered:
.L_overlay_start_0:
0x88: {  	s2 =	sld [smem:$0x3FD9]  }
0x89: {  	s3 =	sld [smem:$0x3FFE];
	_ =	sdelay $0x1  }
0x8a: {  	s1 =	srdreg.scid  }
0x8b: {  	s0 =	sand.u32 $0x1, s1  }
0x8c: {  	s18 =	sshll.u32 s0, $0xA;
	s2 =	sadd.s32 s3, s2  }
0x8d: {  	s2 =	sadd.s32 s2, s18  }
0x8e: {  	[smem:$0x3FC6] =	sst s2  }
0x8f: {  	_ = 	snop  }
0x90: {  	s2 =	sld [smem:$0x3FC9]  }
0x91: {  	s19 =	sld [smem:$0x3FC8]  }
0x92: {  	s4 =	sld [smem:$0x3FD0];
	(tm) =	ssettm $0x1  }
0x93: {  	s5 =	sld [smem:$0x3FFB];
	_ =	sdelay $0x3  }
0x94: {  	_ =	strace s5  }
0x95: {  	s5 =	sld [smem:$0x3FFC];
	_ =	sdelay $0x3  }
0x96: {  	_ =	strace s5  }
0x97: {  	s5 =	sld [smem:$0x3FFD];
	_ =	sdelay $0x3  }
0x98: {  	_ =	strace s5  }
0x99: {  	_ =	strace $0x8FFFFFFF  }
0x9a: {  	s20 =	sld [smem:$0x3FDB];
	_ =	sdelay $0x1  }
0x9b: {  	s6 =	simm.s32 $_scs_section_size  }
0x9c: {  	s7 =	simm.s32 $_size__tile_overlayer_lowered;
	s8 =	simm.s32 $_tile_overlayer_lowered  }
0x9d: {  	s23 =	simm.s32 $0x1BFF;
	s22 =	sshll.u32 s8, $0x1;
	s5 =	sadd.s32 s6, s20  }
0x9e: {  	s9 =	simm.s32 $0x0;
	s21 =	sshll.u32 s7, $0x1;
	s7 =	sadd.s32 s22, s5  }
0x9f: {  	[timem:s9], [sflag:s23] =	dma.local [hbm:s7], s21  }
0xa0: {  	_ =	swait.ge [sflag:s23], s21  }
0xa1: {  	s6 =	ssub.s32 $0x0, s21;
	[sflag:s23] =	ssyncset.done $0x0  }
0xa2: {  	[sflag:s23] =	ssyncadd.s32 s6;
	_ =	sdelay $0x1  }
0xa3: {  	s24 =	simm.s32 $0x1B8B  }
0xa4: {  	_ =	swait.ge [sflag:s24], $0x1  }
0xa5: {  	[sflag:s24] =	ssyncset.done $0x0  }
0xa6: {  	s25 =	simm.s32 $0x1B8E;
	[sflag:s24] =	ssyncadd.s32 $0xFFFFFFFF  }
0xa7: {  	s26 =	simm.s32 $execute0_lowered;
	[smem:$0x3FD2] =	sst s25  }
0xa8: {  	s6 =	sshll.u32 s26, $0x1;
	_ =	strace $0x80000046;
	[dreg:$0x1] =	wrdreg $0xFFFFFFFF  }
0xa9: {  	s28 =	simm.s32 $_size_execute0_lowered;
	s5 =	sadd.s32 s5, s6;
	[dreg:$0x0] =	wrdreg $0x0  }
0xaa: {  	s6 =	sshll.u32 s28, $0x1;
	[dreg:$0x2] =	wrdreg s5  }
0xab: {  	[dreg:$0x3] =	wrdreg s6  }
0xac: {  	[dreg:$0x4] =	wrdreg $0xC0  }
0xad: {  	_ =	task [dreg:s9], $0x5FFFF  }
0xae: {  	[dreg:$0x1] =	wrdreg $0xFFFFFFFF  }
0xaf: {  	[dreg:$0x0] =	wrdreg $0x60  }
0xb0: {  	[dreg:$0x2] =	wrdreg s2  }
0xb1: {  	[dreg:$0x3] =	wrdreg s19  }
0xb2: {  	[dreg:$0x4] =	wrdreg s4  }
0xb3: {  	[dreg:$0x5] =	wrdreg $0x9  }
0xb4: {  	_ =	task.clear_ibuf [dreg:s9], $0x6FFFF;
	_ =	strace $0x90000046  }
0xb5: {  	s29 =	simm.s32 $0x9;
	_ =	strace $0x80000048  }
0xb6: {  	_ =	swait.ge [sflag:s29], $0x1  }
0xb7: {  	[sflag:s29] =	ssyncadd.s32 $0xFFFFFFFF  }
0xb8: {  	_ =	strace $0x90000048  }
0xb9: {  	_ =	sfence  }
0xba: {  	s30 =	sld [smem:$0x0];
	_ =	sdelay $0x2  }
0xbb: {  	s31 =	sshll.u32 s1, $0xD;
	s1 =	sshrl.u32 s1, $0x2  }
0xbc: {  	s3 =	sand.u32 $0x4000, s31;
	s1 =	sadd.s32 s1, s30  }
0xbd: {  	s0 =	sor.u32 s3, s0;
	s1 =	sshll.u32 s1, $0x11  }
0xbe: {  	s0 =	sor.u32 s1, s0  }
0xbf: {  	s0 =	sadd.s32 $0x8F2B, s0  }
0xc0: {  	[sflag:s0] =	ssyncadd.remote.s32 $0x1  }
0xc1: {  	_ =	sfence.sel $0xFFFF  }
0xc2: {  	[dreg:$0x0] =	wrdreg $0xFFFFFFFF;
	(pc) =	sbr.abs _section_cstart, $3  }
0xc3: {  	[dreg:$0x1] =	wrdreg $0xFFFFFFFF  }
0xc4: {  	_ =	task.clear_ibuf [dreg:s9], $0x2FFFF;
	_ =	strace $0x9FFFFFFF  }
0xc5: {  	(tm) =	ssettm $0x7FFFFFFF  }
tec
execute0_lowered:
.L_overlay_start_1:
0x0: {  	(tag) =	ssettag $0x1  }
0x1: {  	s1 =	srdreg.scid  }
0x2: {  	s5 =	rddreg [dreg:$0x0];
	s3 =	stileid.u32;
	s1 =	sand.u32 $0x1, s1  }
0x3: {  	s0 =	rddreg [dreg:$0x1];
	s3 =	sshll.u32 s3, $0xA;
	s4 =	sshll.u32 s1, $0x9  }
0x4: {  	s7 =	rddreg [dreg:$0x2];
	s2 =	ssub.s32 $0x2, s1;
	s3 =	sor.u32 s4, s3  }
0x5: {  	s1 =	simm.s32 $0x0;
	s6 =	sshrl.u32 s2, $0x1;
	s14 =	sor.u32 $0xC8000, s3  }
0x6: {  	[smem:$0x7FF] =	sst s1;
	s8 =	ssub.s32 s2, s6;
	s15 =	sadd.s32 s5, s14  }
0x7: {  	s16 =	sor.u32 $0x190000, s3;
	s2 =	sadd.s32 s7, s14;
	[dreg:$0x4] =	wrdreg s15  }
0x8: {  	s18 =	sor.u32 $0x258000, s3;
	s17 =	sadd.s32 s5, s16;
	[dreg:$0x5] =	wrdreg s2  }
0x9: {  	s19 =	sor.u32 $0x80, s3;
	s9 =	sadd.s32 s5, s18;
	[dreg:$0x6] =	wrdreg s17  }
0xa: {  	s23 =	sor.u32 $0xC8080, s3;
	s20 =	sadd.s32 s0, s19;
	[dreg:$0x7] =	wrdreg s9  }
0xb: {  	s26 =	sor.u32 $0x190080, s3;
	s21 =	sadd.s32 s7, s18;
	[dreg:$0x9] =	wrdreg s20  }
0xc: {  	s11 =	sor.u32 $0x100, s3;
	s22 =	sadd.s32 s5, s19;
	[dreg:$0xa] =	wrdreg s21  }
0xd: {  	s31 =	sadd.s32 s5, s3;
	s24 =	sadd.s32 s5, s23;
	[dreg:$0xb] =	wrdreg s22  }
0xe: {  	s25 =	sadd.s32 s7, s19;
	s6 =	sadd.s32 s5, s26;
	[dreg:$0xc] =	wrdreg s24  }
0xf: {  	s4 =	sadd.s32 s7, s26;
	s12 =	sadd.s32 s0, s11;
	[dreg:$0xd] =	wrdreg s25  }
0x10: {  	s13 =	sadd.s32 s5, s11;
	s14 =	sor.u32 $0xC8100, s3;
	[dreg:$0xf] =	wrdreg s6  }
0x11: {  	s18 =	sor.u32 $0x180, s3;
	s19 =	sor.u32 $0xC8180, s3;
	[dreg:$0x11] =	wrdreg s4  }
0x12: {  	s8 =	smax.u32 s8, $0x1;
	s2 =	sadd.s32 s7, s16;
	[dreg:$0x12] =	wrdreg s12  }
0x13: {  	s9 =	sor.u32 $0x258080, s3;
	[dreg:$0x14] =	wrdreg s13;
	s4 =	sadd.s32 s7, s11  }
0x14: {  	s15 =	sor.u32 $0x190100, s3;
	s16 =	sadd.s32 s5, s14;
	s17 =	sor.u32 $0x258100, s3  }
0x15: {  	s24 =	sadd.s32 s0, s3;
	s25 =	sadd.s32 s0, s18;
	s29 =	sadd.s32 s5, s18  }
0x16: {  	s30 =	sadd.s32 s7, s18;
	s0 =	sadd.s32 s7, s3;
	s20 =	sor.u32 $0x190180, s3  }
0x17: {  	s21 =	sor.u32 $0x258180, s3;
	s3 =	sadd.s32 s7, s19;
	s11 =	simm.s32 $0x19800  }
0x18: {  	s12 =	simm.s32 $0xCC00;
	s13 =	simm.s32 $0x1;
	[dreg:$0x8] =	wrdreg s2  }
0x19: {  	s18 =	simm.s32 $0x0;
	s2 =	sadd.s32 s7, s23;
	[dreg:$0x15] =	wrdreg s4  }
0x1a: {  	s10 =	sadd.s32 s5, s9;
	[dreg:$0x16] =	wrdreg s16;
	s22 =	sadd.s32 s5, s15  }
0x1b: {  	s23 =	sadd.s32 s7, s15;
	s26 =	sadd.s32 s5, s17;
	s28 =	sadd.s32 s7, s17  }
0x1c: {  	s4 =	sadd.s32 s5, s20;
	s6 =	sadd.s32 s7, s20;
	s15 =	simm.s32 $0x2  }
0x1d: {  	s16 =	simm.s32 $0x3;
	s17 =	simm.s32 $0x4;
	[dreg:$0xe] =	wrdreg s2  }
0x1e: {  	v0 =	vlaneseq.u32;
	[dreg:$0x10] =	wrdreg s10;
	s2 =	sadd.s32 s7, s9;
	s9 =	simm.s32 $0x400  }
0x1f: {  	v1 =	vimm.f32 $0.0e+00;
	v2 =	vor.u32 $0x10, v0;
	s10 =	simm.s32 $0x20000;
	[dreg:$0x13] =	wrdreg s2;
	s2 =	sadd.s32 s7, s14  }
0x20: {  	v3 =	vor.u32 $0x20, v0;
	v4 =	vor.u32 $0x30, v0;
	v5 =	vor.u32 $0x40, v0;
	s7 =	sadd.s32 s7, s21;
	s14 =	simm.s32 $0x5;
	[dreg:$0x17] =	wrdreg s2  }
0x21: {  	v6 =	vor.u32 $0x50, v0;
	v7 =	vor.u32 $0x60, v0;
	v8 =	vor.u32 $0x70, v0;
	s2 =	sadd.s32 s5, s19;
	s5 =	sadd.s32 s5, s21;
	_ =	strace $0x80000047  }
.LBB2_1:
0x22: {  	[tilespmem:s11], [sflag:$0x5] =	stream.strided.gather [hbm4b:s24+s9], $0x5000, s10, s9, $0x38;
	[tilespmem:$0x1E800] =	vst v63  }
0x23: {  	_ = 	snop  }
0x24: {  	[tilespmem:s1], [sflag:$0x1] =	stream.strided.gather [hbm4b:s31+s9], $0xC800, s10, s9, $0x38;
	[tilespmem:$0x1E800] =	vst v63  }
0x25: {  	s19 =	rddreg [dreg:$0x4]  }
0x26: {  	[tilespmem:s12], [sflag:$0x2] =	stream.strided.gather [hbm4b:s19+s9], $0xC800, s10, s9, $0x38;
	[tilespmem:$0x1E800] =	vst v63  }
0x27: {  	_ =	swait.ge [sflag:s13], $0xC800  }
0x28: {  	[sflag:s13] =	ssyncset.done $0x0  }
0x29: {  	[sflag:s13] =	ssyncadd.s32 $0xFFFF3800  }
0x2a: {  	_ =	swait.ge [sflag:s14], $0x5000  }
0x2b: {  	[sflag:s14] =	ssyncset.done $0x0  }
0x2c: {  	s21 =	simm.s32 $0x0;
	[sflag:s14] =	ssyncadd.s32 $0xFFFFB000  }
0x2d: {  	v9 =	vld [tilespmem:s21+$0x19800]  }
0x2e: {  	v10 =	vld [tilespmem:s21+$0x19810]  }
0x2f: {  	v11 =	vld [tilespmem:s21+$0x19820]  }
0x30: {  	v12 =	vld [tilespmem:s21+$0x19830]  }
0x31: {  	v13 =	vld [tilespmem:s21+$0x19840]  }
0x32: {  	v14 =	vld [tilespmem:s21+$0x19850];
	vm0 =	vlt.u32 v9, $0x190;
	v9 =	vshll.u32 v9, $0x7  }
0x33: {  	vm1 =	vlt.u32 v10, $0x190;
	v10 =	vshll.u32 v10, $0x7;
	v9 =	vor.u32 v0, v9  }
0x34: {  	vm2 =	vlt.u32 v11, $0x190;
	v11 =	vshll.u32 v11, $0x7;
	v10 =	vor.u32 v2, v10  }
0x35: {  	v15 =	vld [tilespmem:s21+$0x19860];
	vm3 =	vlt.u32 v12, $0x190;
	v12 =	vshll.u32 v12, $0x7;
	v11 =	vor.u32 v3, v11  }
0x36: {  	vm4 =	vlt.u32 v13, $0x190;
	v13 =	vshll.u32 v13, $0x7;
	v12 =	vor.u32 v4, v12  }
0x37: {  	v16 =	vld [tilespmem:s21+$0x19870];
	vm5 =	vlt.u32 v14, $0x190;
	v14 =	vshll.u32 v14, $0x7;
	v13 =	vor.u32 v5, v13  }
0x38: {  	[tilespmem:v9+s1+$0x0] =	vst.idx.msk vm0, v1;
	v9 =	vor.u32 v6, v14  }
0x39: {  	[tilespmem:v10+s1+$0x0] =	vst.idx.msk vm1, v1  }
0x3a: {  	vm6 =	vlt.u32 v15, $0x190;
	v63 =	vshll.u32 v15, $0x7;
	[tilespmem:v11+s1+$0x0] =	vst.idx.msk vm2, v1  }
0x3b: {  	v10 =	vor.u32 v7, v63;
	[tilespmem:v12+s1+$0x0] =	vst.idx.msk vm3, v1  }
0x3c: {  	vm0 =	vlt.u32 v16, $0x190;
	v11 =	vshll.u32 v16, $0x7;
	[tilespmem:v13+s1+$0x0] =	vst.idx.msk vm4, v1  }
0x3d: {  	[tilespmem:v9+s1+$0x0] =	vst.idx.msk vm5, v1;
	v9 =	vor.u32 v8, v11;
	_ =	sdelay $0x2  }
0x3e: {  	s20 =	simm.s32 $0x400;
	s19 =	simm.s32 $0x200;
	[tilespmem:v10+s1+$0x0] =	vst.idx.msk vm6, v1  }
.LBB2_2:
0x3f: {  	p0 =	sne.s32 s20, $0x13E00  }
0x40: {  	s21 =	sshra.s32 s19, $0x2;
	[tilespmem:v9+s1+$0x0] =	vst.idx.msk vm0, v1;
	s19 =	smov.u32 s20;
	s20 =	sadd.s32 $0x200, s20  }
0x41: {  	v9 =	vld [tilespmem:s21+$0x19800]  }
0x42: {  	v10 =	vld [tilespmem:s21+$0x19810]  }
0x43: {  	v11 =	vld [tilespmem:s21+$0x19820]  }
0x44: {  	v12 =	vld [tilespmem:s21+$0x19830]  }
0x45: {  	v13 =	vld [tilespmem:s21+$0x19840]  }
0x46: {  	v14 =	vld [tilespmem:s21+$0x19850];
	vm0 =	vlt.u32 v9, $0x190;
	v9 =	vshll.u32 v9, $0x7  }
0x47: {  	v15 =	vld [tilespmem:s21+$0x19860];
	v9 =	vor.u32 v0, v9;
	vm1 =	vlt.u32 v10, $0x190;
	v10 =	vshll.u32 v10, $0x7  }
0x48: {  	v16 =	vld [tilespmem:s21+$0x19870];
	v10 =	vor.u32 v2, v10;
	vm2 =	vlt.u32 v11, $0x190;
	v11 =	vshll.u32 v11, $0x7  }
0x49: {  	v11 =	vor.u32 v3, v11;
	vm3 =	vlt.u32 v12, $0x190;
	v12 =	vshll.u32 v12, $0x7  }
0x4a: {  	v12 =	vor.u32 v4, v12;
	vm4 =	vlt.u32 v13, $0x190;
	v13 =	vshll.u32 v13, $0x7  }
0x4b: {  	v13 =	vor.u32 v5, v13;
	vm5 =	vlt.u32 v14, $0x190;
	v14 =	vshll.u32 v14, $0x7  }
0x4c: {  	[tilespmem:v9+s1+$0x0] =	vst.idx.msk vm0, v1;
	v14 =	vor.u32 v6, v14;
	vm6 =	vlt.u32 v15, $0x190;
	v9 =	vshll.u32 v15, $0x7  }
0x4d: {  	[tilespmem:v10+s1+$0x0] =	vst.idx.msk vm1, v1;
	v10 =	vor.u32 v7, v9;
	vm0 =	vlt.u32 v16, $0x190;
	v9 =	vshll.u32 v16, $0x7  }
.Ltmp0:
0x4e: {  	[tilespmem:v11+s1+$0x0] =	vst.idx.msk vm2, v1;
	v9 =	vor.u32 v8, v9;
	(pc) =	sbr.rel @p0 .LBB2_2-.Ltmp0, $4  }
0x4f: {  	[tilespmem:v12+s1+$0x0] =	vst.idx.msk vm3, v1  }
0x50: {  	[tilespmem:v13+s1+$0x0] =	vst.idx.msk vm4, v1  }
0x51: {  	[tilespmem:v14+s1+$0x0] =	vst.idx.msk vm5, v1  }
0x52: {  	[tilespmem:v10+s1+$0x0] =	vst.idx.msk vm6, v1  }
0x53: {  	_ =	sdelay $0x4  }
0x54: {  	s19 =	sshra.s32 s19, $0x2;
	[tilespmem:v9+s1+$0x0] =	vst.idx.msk vm0, v1  }
0x55: {  	v9 =	vld [tilespmem:s19+$0x19800]  }
0x56: {  	v10 =	vld [tilespmem:s19+$0x19810]  }
0x57: {  	v11 =	vld [tilespmem:s19+$0x19820]  }
0x58: {  	v12 =	vld [tilespmem:s19+$0x19830]  }
0x59: {  	v13 =	vld [tilespmem:s19+$0x19840]  }
0x5a: {  	v14 =	vld [tilespmem:s19+$0x19850];
	vm0 =	vlt.u32 v9, $0x190;
	v9 =	vshll.u32 v9, $0x7  }
0x5b: {  	v15 =	vld [tilespmem:s19+$0x19860];
	vm1 =	vlt.u32 v10, $0x190;
	v10 =	vshll.u32 v10, $0x7;
	v9 =	vor.u32 v0, v9  }
0x5c: {  	v16 =	vld [tilespmem:s19+$0x19870];
	vm2 =	vlt.u32 v11, $0x190;
	v11 =	vshll.u32 v11, $0x7;
	v10 =	vor.u32 v2, v10  }
0x5d: {  	vm3 =	vlt.u32 v12, $0x190;
	v12 =	vshll.u32 v12, $0x7;
	v11 =	vor.u32 v3, v11  }
0x5e: {  	vm4 =	vlt.u32 v13, $0x190;
	v13 =	vshll.u32 v13, $0x7;
	v12 =	vor.u32 v4, v12  }
0x5f: {  	vm5 =	vlt.u32 v14, $0x190;
	v14 =	vshll.u32 v14, $0x7;
	v13 =	vor.u32 v5, v13  }
0x60: {  	[tilespmem:v9+s1+$0x0] =	vst.idx.msk vm0, v1;
	v9 =	vor.u32 v6, v14;
	vm0 =	vlt.u32 v15, $0x190;
	v14 =	vshll.u32 v15, $0x7  }
0x61: {  	[tilespmem:v10+s1+$0x0] =	vst.idx.msk vm1, v1;
	v10 =	vor.u32 v7, v14;
	vm1 =	vlt.u32 v16, $0x190;
	v14 =	vshll.u32 v16, $0x7  }
0x62: {  	[tilespmem:v11+s1+$0x0] =	vst.idx.msk vm2, v1;
	v11 =	vor.u32 v8, v14  }
0x63: {  	[tilespmem:v12+s1+$0x0] =	vst.idx.msk vm3, v1  }
0x64: {  	[tilespmem:v13+s1+$0x0] =	vst.idx.msk vm4, v1  }
0x65: {  	[tilespmem:v9+s1+$0x0] =	vst.idx.msk vm5, v1  }
0x66: {  	[tilespmem:v10+s1+$0x0] =	vst.idx.msk vm0, v1  }
0x67: {  	s20 =	simm.s32 $0x0;
	[tilespmem:v11+s1+$0x0] =	vst.idx.msk vm1, v1  }
0x68: {  	[hbm4b:s0+s9] =	stream.strided.scatter [tilespmem:s20], [sflag:$0x3], $0xC800, s10, s9, $0x38;
	[tilespmem:$0x1E800] =	vst v63  }
0x69: {  	_ =	swait.ge [sflag:s15], $0xC800  }
0x6a: {  	[sflag:s15] =	ssyncset.done $0x0  }
0x6b: {  	s21 =	simm.s32 $0x0;
	[sflag:s15] =	ssyncadd.s32 $0xFFFF3800  }
0x6c: {  	v9 =	vld [tilespmem:s21+$0x19820]  }
0x6d: {  	v10 =	vld [tilespmem:s21+$0x19810]  }
0x6e: {  	v11 =	vld [tilespmem:s21+$0x19800]  }
0x6f: {  	v12 =	vld [tilespmem:s21+$0x19830]  }
0x70: {  	v13 =	vld [tilespmem:s21+$0x19850]  }
0x71: {  	v14 =	vld [tilespmem:s21+$0x19860];
	_ =	sdelay $0x2  }
0x72: {  	v15 =	vld [tilespmem:s21+$0x19840];
	v9 =	vadd.s32 $0xFFFFFE70, v9  }
0x73: {  	v10 =	vadd.s32 $0xFFFFFE70, v10;
	v11 =	vadd.s32 $0xFFFFFE70, v11;
	v12 =	vadd.s32 $0xFFFFFE70, v12  }
0x74: {  	v13 =	vadd.s32 $0xFFFFFE70, v13;
	v14 =	vadd.s32 $0xFFFFFE70, v14;
	vm3 =	vlt.u32 v9, $0x190  }
0x75: {  	v17 =	vld [tilespmem:s21+$0x19870];
	v9 =	vshll.u32 v9, $0x7;
	vm4 =	vlt.u32 v11, $0x190;
	v11 =	vshll.u32 v11, $0x7  }
0x76: {  	v63 =	vshll.u32 v10, $0x7;
	vm5 =	vlt.u32 v10, $0x190;
	v11 =	vor.u32 v0, v11  }
0x77: {  	v10 =	vadd.s32 $0xFFFFFE70, v15;
	vm0 =	vlt.u32 v12, $0x190;
	v16 =	vor.u32 v2, v63  }
0x78: {  	vm2 =	vlt.u32 v13, $0x190;
	v18 =	vor.u32 v3, v9;
	v9 =	vshll.u32 v12, $0x7  }
0x79: {  	vm1 =	vlt.u32 v10, $0x190;
	v10 =	vshll.u32 v10, $0x7;
	v9 =	vor.u32 v4, v9  }
0x7a: {  	v15 =	vadd.s32 $0xFFFFFE70, v17;
	v12 =	vshll.u32 v13, $0x7;
	v10 =	vor.u32 v5, v10  }
0x7b: {  	v13 =	vshll.u32 v14, $0x7;
	[tilespmem:v11+s12+$0x0] =	vst.idx.msk vm4, v1;
	v11 =	vor.u32 v6, v12;
	vm4 =	vlt.u32 v14, $0x190  }
0x7c: {  	v14 =	vshll.u32 v15, $0x7;
	v12 =	vor.u32 v7, v13;
	[tilespmem:v16+s12+$0x0] =	vst.idx.msk vm5, v1;
	vm5 =	vlt.u32 v15, $0x190  }
0x7d: {  	s19 =	simm.s32 $0x200;
	v13 =	vor.u32 v8, v14;
	[tilespmem:v18+s12+$0x0] =	vst.idx.msk vm3, v1  }
.LBB2_4:
0x7e: {  	p0 =	sne.s32 s19, $0x13E00;
	[tilespmem:v9+s12+$0x0] =	vst.idx.msk vm0, v1;
	s20 =	smov.u32 s19;
	s19 =	sadd.s32 $0x200, s19  }
0x7f: {  	[tilespmem:v10+s12+$0x0] =	vst.idx.msk vm1, v1  }
0x80: {  	s20 =	sshra.s32 s20, $0x2;
	[tilespmem:v11+s12+$0x0] =	vst.idx.msk vm2, v1  }
0x81: {  	[tilespmem:v12+s12+$0x0] =	vst.idx.msk vm4, v1  }
0x82: {  	[tilespmem:v13+s12+$0x0] =	vst.idx.msk vm5, v1  }
0x83: {  	v9 =	vld [tilespmem:s20+$0x19820]  }
0x84: {  	v10 =	vld [tilespmem:s20+$0x19810]  }
0x85: {  	v11 =	vld [tilespmem:s20+$0x19800]  }
0x86: {  	v12 =	vld [tilespmem:s20+$0x19830]  }
0x87: {  	v13 =	vld [tilespmem:s20+$0x19850]  }
0x88: {  	v14 =	vld [tilespmem:s20+$0x19860];
	v9 =	vadd.s32 $0xFFFFFE70, v9  }
0x89: {  	v15 =	vld [tilespmem:s20+$0x19840];
	v10 =	vadd.s32 $0xFFFFFE70, v10;
	vm3 =	vlt.u32 v9, $0x190;
	v9 =	vshll.u32 v9, $0x7  }
0x8a: {  	v11 =	vadd.s32 $0xFFFFFE70, v11;
	v16 =	vshll.u32 v10, $0x7;
	v17 =	vor.u32 v3, v9  }
0x8b: {  	v9 =	vadd.s32 $0xFFFFFE70, v12;
	vm4 =	vlt.u32 v11, $0x190;
	v11 =	vshll.u32 v11, $0x7  }
0x8c: {  	vm5 =	vlt.u32 v10, $0x190;
	v12 =	vld [tilespmem:s20+$0x19870];
	v11 =	vor.u32 v0, v11;
	v10 =	vshll.u32 v9, $0x7  }
0x8d: {  	v16 =	vor.u32 v2, v16;
	v13 =	vadd.s32 $0xFFFFFE70, v13;
	v14 =	vadd.s32 $0xFFFFFE70, v14  }
0x8e: {  	vm0 =	vlt.u32 v9, $0x190;
	v18 =	vshll.u32 v13, $0x7;
	v15 =	vadd.s32 $0xFFFFFE70, v15  }
.Ltmp1:
0x8f: {  	v9 =	vor.u32 v4, v10;
	vm1 =	vlt.u32 v15, $0x190;
	v10 =	vshll.u32 v15, $0x7;
	(pc) =	sbr.rel @p0 .LBB2_4-.Ltmp1, $4  }
0x90: {  	vm2 =	vlt.u32 v13, $0x190;
	v13 =	vshll.u32 v14, $0x7;
	v10 =	vor.u32 v5, v10  }
0x91: {  	v15 =	vadd.s32 $0xFFFFFE70, v12;
	[tilespmem:v11+s12+$0x0] =	vst.idx.msk vm4, v1;
	v11 =	vor.u32 v6, v18;
	vm4 =	vlt.u32 v14, $0x190  }
0x92: {  	v12 =	vor.u32 v7, v13;
	[tilespmem:v16+s12+$0x0] =	vst.idx.msk vm5, v1;
	vm5 =	vlt.u32 v15, $0x190;
	v13 =	vshll.u32 v15, $0x7  }
0x93: {  	[tilespmem:v17+s12+$0x0] =	vst.idx.msk vm3, v1;
	v13 =	vor.u32 v8, v13  }
0x94: {  	_ =	sdelay $0x4  }
0x95: {  	[tilespmem:v9+s12+$0x0] =	vst.idx.msk vm0, v1  }
0x96: {  	[tilespmem:v10+s12+$0x0] =	vst.idx.msk vm1, v1  }
0x97: {  	[tilespmem:v11+s12+$0x0] =	vst.idx.msk vm2, v1  }
0x98: {  	[tilespmem:v12+s12+$0x0] =	vst.idx.msk vm4, v1  }
0x99: {  	s19 =	rddreg [dreg:$0x5];
	[tilespmem:v13+s12+$0x0] =	vst.idx.msk vm5, v1  }
0x9a: {  	[hbm4b:s19+s9] =	stream.strided.scatter [tilespmem:s12], [sflag:$0x4], $0xC800, s10, s9, $0x38;
	[tilespmem:$0x1E800] =	vst v63  }
0x9b: {  	_ =	swait.ge [sflag:s16], $0xC800  }
0x9c: {  	[sflag:s16] =	ssyncset.done $0x0  }
0x9d: {  	s21 =	simm.s32 $0x0;
	s20 =	rddreg [dreg:$0x6];
	[sflag:s16] =	ssyncadd.s32 $0xFFFF3800  }
0x9e: {  	[tilespmem:s21], [sflag:$0x1] =	stream.strided.gather [hbm4b:s20+s9], $0xC800, s10, s9, $0x38;
	[tilespmem:$0x1E800] =	vst v63  }
0x9f: {  	_ =	swait.ge [sflag:s17], $0xC800  }
0xa0: {  	[sflag:s17] =	ssyncset.done $0x0  }
0xa1: {  	s20 =	rddreg [dreg:$0x7];
	[sflag:s17] =	ssyncadd.s32 $0xFFFF3800  }
0xa2: {  	[tilespmem:s12], [sflag:$0x2] =	stream.strided.gather [hbm4b:s20+s9], $0xC800, s10, s9, $0x38;
	[tilespmem:$0x1E800] =	vst v63  }
0xa3: {  	_ =	swait.ge [sflag:s13], $0xC800  }
0xa4: {  	[sflag:s13] =	ssyncset.done $0x0  }
0xa5: {  	s21 =	simm.s32 $0x0;
	[sflag:s13] =	ssyncadd.s32 $0xFFFF3800  }
0xa6: {  	v9 =	vld [tilespmem:s21+$0x19820]  }
0xa7: {  	v10 =	vld [tilespmem:s21+$0x19810]  }
0xa8: {  	v11 =	vld [tilespmem:s21+$0x19800]  }
0xa9: {  	v12 =	vld [tilespmem:s21+$0x19830]  }
0xaa: {  	v13 =	vld [tilespmem:s21+$0x19850]  }
0xab: {  	v14 =	vld [tilespmem:s21+$0x19860];
	_ =	sdelay $0x2  }
0xac: {  	v15 =	vld [tilespmem:s21+$0x19840];
	v9 =	vadd.s32 $0xFFFFFCE0, v9  }
0xad: {  	v10 =	vadd.s32 $0xFFFFFCE0, v10;
	v11 =	vadd.s32 $0xFFFFFCE0, v11;
	v12 =	vadd.s32 $0xFFFFFCE0, v12  }
0xae: {  	v13 =	vadd.s32 $0xFFFFFCE0, v13;
	v14 =	vadd.s32 $0xFFFFFCE0, v14;
	vm3 =	vlt.u32 v9, $0x190  }
0xaf: {  	v17 =	vld [tilespmem:s21+$0x19870];
	v9 =	vshll.u32 v9, $0x7;
	vm4 =	vlt.u32 v11, $0x190;
	v11 =	vshll.u32 v11, $0x7  }
0xb0: {  	v16 =	vshll.u32 v10, $0x7;
	vm5 =	vlt.u32 v10, $0x190;
	v11 =	vor.u32 v0, v11  }
0xb1: {  	v10 =	vadd.s32 $0xFFFFFCE0, v15;
	vm0 =	vlt.u32 v12, $0x190;
	v16 =	vor.u32 v2, v16  }
0xb2: {  	vm2 =	vlt.u32 v13, $0x190;
	v18 =	vor.u32 v3, v9;
	v9 =	vshll.u32 v12, $0x7  }
0xb3: {  	vm1 =	vlt.u32 v10, $0x190;
	v10 =	vshll.u32 v10, $0x7;
	v9 =	vor.u32 v4, v9  }
0xb4: {  	v15 =	vadd.s32 $0xFFFFFCE0, v17;
	v12 =	vshll.u32 v13, $0x7;
	v10 =	vor.u32 v5, v10  }
0xb5: {  	v13 =	vshll.u32 v14, $0x7;
	[tilespmem:v11+s1+$0x0] =	vst.idx.msk vm4, v1;
	v11 =	vor.u32 v6, v12;
	vm4 =	vlt.u32 v14, $0x190  }
0xb6: {  	v14 =	vshll.u32 v15, $0x7;
	v12 =	vor.u32 v7, v13;
	[tilespmem:v16+s1+$0x0] =	vst.idx.msk vm5, v1;
	vm5 =	vlt.u32 v15, $0x190  }
0xb7: {  	s19 =	simm.s32 $0x200;
	v13 =	vor.u32 v8, v14;
	[tilespmem:v18+s1+$0x0] =	vst.idx.msk vm3, v1  }
.LBB2_6:
0xb8: {  	p0 =	sne.s32 s19, $0x13E00;
	[tilespmem:v9+s1+$0x0] =	vst.idx.msk vm0, v1;
	s20 =	smov.u32 s19;
	s19 =	sadd.s32 $0x200, s19  }
0xb9: {  	[tilespmem:v10+s1+$0x0] =	vst.idx.msk vm1, v1  }
0xba: {  	s20 =	sshra.s32 s20, $0x2;
	[tilespmem:v11+s1+$0x0] =	vst.idx.msk vm2, v1  }
0xbb: {  	[tilespmem:v12+s1+$0x0] =	vst.idx.msk vm4, v1  }
0xbc: {  	[tilespmem:v13+s1+$0x0] =	vst.idx.msk vm5, v1  }
0xbd: {  	v9 =	vld [tilespmem:s20+$0x19820]  }
0xbe: {  	v10 =	vld [tilespmem:s20+$0x19810]  }
0xbf: {  	v11 =	vld [tilespmem:s20+$0x19800]  }
0xc0: {  	v12 =	vld [tilespmem:s20+$0x19830]  }
0xc1: {  	v13 =	vld [tilespmem:s20+$0x19850]  }
0xc2: {  	v14 =	vld [tilespmem:s20+$0x19860];
	v9 =	vadd.s32 $0xFFFFFCE0, v9  }
0xc3: {  	v15 =	vld [tilespmem:s20+$0x19840];
	v10 =	vadd.s32 $0xFFFFFCE0, v10;
	vm3 =	vlt.u32 v9, $0x190;
	v9 =	vshll.u32 v9, $0x7  }
0xc4: {  	v11 =	vadd.s32 $0xFFFFFCE0, v11;
	v16 =	vshll.u32 v10, $0x7;
	v17 =	vor.u32 v3, v9  }
0xc5: {  	v9 =	vadd.s32 $0xFFFFFCE0, v12;
	vm4 =	vlt.u32 v11, $0x190;
	v11 =	vshll.u32 v11, $0x7  }
0xc6: {  	vm5 =	vlt.u32 v10, $0x190;
	v12 =	vld [tilespmem:s20+$0x19870];
	v11 =	vor.u32 v0, v11;
	v10 =	vshll.u32 v9, $0x7  }
0xc7: {  	v16 =	vor.u32 v2, v16;
	v13 =	vadd.s32 $0xFFFFFCE0, v13;
	v14 =	vadd.s32 $0xFFFFFCE0, v14  }
0xc8: {  	vm0 =	vlt.u32 v9, $0x190;
	v18 =	vshll.u32 v13, $0x7;
	v15 =	vadd.s32 $0xFFFFFCE0, v15  }
.Ltmp2:
0xc9: {  	v9 =	vor.u32 v4, v10;
	vm1 =	vlt.u32 v15, $0x190;
	v10 =	vshll.u32 v15, $0x7;
	(pc) =	sbr.rel @p0 .LBB2_6-.Ltmp2, $4  }
0xca: {  	vm2 =	vlt.u32 v13, $0x190;
	v13 =	vshll.u32 v14, $0x7;
	v10 =	vor.u32 v5, v10  }
0xcb: {  	v15 =	vadd.s32 $0xFFFFFCE0, v12;
	[tilespmem:v11+s1+$0x0] =	vst.idx.msk vm4, v1;
	v11 =	vor.u32 v6, v18;
	vm4 =	vlt.u32 v14, $0x190  }
0xcc: {  	v12 =	vor.u32 v7, v13;
	[tilespmem:v16+s1+$0x0] =	vst.idx.msk vm5, v1;
	vm5 =	vlt.u32 v15, $0x190;
	v13 =	vshll.u32 v15, $0x7  }
0xcd: {  	[tilespmem:v17+s1+$0x0] =	vst.idx.msk vm3, v1;
	v13 =	vor.u32 v8, v13  }
0xce: {  	_ =	sdelay $0x4  }
0xcf: {  	[tilespmem:v9+s1+$0x0] =	vst.idx.msk vm0, v1  }
0xd0: {  	[tilespmem:v10+s1+$0x0] =	vst.idx.msk vm1, v1  }
0xd1: {  	[tilespmem:v11+s1+$0x0] =	vst.idx.msk vm2, v1  }
0xd2: {  	[tilespmem:v12+s1+$0x0] =	vst.idx.msk vm4, v1  }
0xd3: {  	s19 =	simm.s32 $0x0;
	s20 =	rddreg [dreg:$0x8];
	[tilespmem:v13+s1+$0x0] =	vst.idx.msk vm5, v1  }
0xd4: {  	[hbm4b:s20+s9] =	stream.strided.scatter [tilespmem:s19], [sflag:$0x3], $0xC800, s10, s9, $0x38;
	[tilespmem:$0x1E800] =	vst v63  }
0xd5: {  	_ =	swait.ge [sflag:s15], $0xC800  }
0xd6: {  	[sflag:s15] =	ssyncset.done $0x0  }
0xd7: {  	s21 =	simm.s32 $0x0;
	[sflag:s15] =	ssyncadd.s32 $0xFFFF3800  }
0xd8: {  	v9 =	vld [tilespmem:s21+$0x19820]  }
0xd9: {  	v10 =	vld [tilespmem:s21+$0x19810]  }
0xda: {  	v11 =	vld [tilespmem:s21+$0x19800]  }
0xdb: {  	v12 =	vld [tilespmem:s21+$0x19830]  }
0xdc: {  	v13 =	vld [tilespmem:s21+$0x19850]  }
0xdd: {  	v14 =	vld [tilespmem:s21+$0x19860];
	_ =	sdelay $0x2  }
0xde: {  	v15 =	vld [tilespmem:s21+$0x19840];
	v9 =	vadd.s32 $0xFFFFFB50, v9  }
0xdf: {  	v10 =	vadd.s32 $0xFFFFFB50, v10;
	v11 =	vadd.s32 $0xFFFFFB50, v11;
	v12 =	vadd.s32 $0xFFFFFB50, v12  }
0xe0: {  	v13 =	vadd.s32 $0xFFFFFB50, v13;
	v14 =	vadd.s32 $0xFFFFFB50, v14;
	vm3 =	vlt.u32 v9, $0x190  }
0xe1: {  	v17 =	vld [tilespmem:s21+$0x19870];
	v9 =	vshll.u32 v9, $0x7;
	vm4 =	vlt.u32 v11, $0x190;
	v11 =	vshll.u32 v11, $0x7  }
0xe2: {  	v16 =	vshll.u32 v10, $0x7;
	vm5 =	vlt.u32 v10, $0x190;
	v11 =	vor.u32 v0, v11  }
0xe3: {  	v10 =	vadd.s32 $0xFFFFFB50, v15;
	vm0 =	vlt.u32 v12, $0x190;
	v16 =	vor.u32 v2, v16  }
0xe4: {  	vm2 =	vlt.u32 v13, $0x190;
	v18 =	vor.u32 v3, v9;
	v9 =	vshll.u32 v12, $0x7  }
0xe5: {  	vm1 =	vlt.u32 v10, $0x190;
	v10 =	vshll.u32 v10, $0x7;
	v9 =	vor.u32 v4, v9  }
0xe6: {  	v15 =	vadd.s32 $0xFFFFFB50, v17;
	v12 =	vshll.u32 v13, $0x7;
	v10 =	vor.u32 v5, v10  }
0xe7: {  	v13 =	vshll.u32 v14, $0x7;
	[tilespmem:v11+s12+$0x0] =	vst.idx.msk vm4, v1;
	v11 =	vor.u32 v6, v12;
	vm4 =	vlt.u32 v14, $0x190  }
0xe8: {  	v14 =	vshll.u32 v15, $0x7;
	v12 =	vor.u32 v7, v13;
	[tilespmem:v16+s12+$0x0] =	vst.idx.msk vm5, v1;
	vm5 =	vlt.u32 v15, $0x190  }
0xe9: {  	s19 =	simm.s32 $0x200;
	v13 =	vor.u32 v8, v14;
	[tilespmem:v18+s12+$0x0] =	vst.idx.msk vm3, v1  }
.LBB2_8:
0xea: {  	p0 =	sne.s32 s19, $0x13E00;
	[tilespmem:v9+s12+$0x0] =	vst.idx.msk vm0, v1;
	s20 =	smov.u32 s19;
	s19 =	sadd.s32 $0x200, s19  }
0xeb: {  	[tilespmem:v10+s12+$0x0] =	vst.idx.msk vm1, v1  }
0xec: {  	s20 =	sshra.s32 s20, $0x2;
	[tilespmem:v11+s12+$0x0] =	vst.idx.msk vm2, v1  }
0xed: {  	[tilespmem:v12+s12+$0x0] =	vst.idx.msk vm4, v1  }
0xee: {  	[tilespmem:v13+s12+$0x0] =	vst.idx.msk vm5, v1  }
0xef: {  	v9 =	vld [tilespmem:s20+$0x19820]  }
0xf0: {  	v10 =	vld [tilespmem:s20+$0x19810]  }
0xf1: {  	v11 =	vld [tilespmem:s20+$0x19800]  }
0xf2: {  	v12 =	vld [tilespmem:s20+$0x19830]  }
0xf3: {  	v13 =	vld [tilespmem:s20+$0x19850]  }
0xf4: {  	v14 =	vld [tilespmem:s20+$0x19860];
	v9 =	vadd.s32 $0xFFFFFB50, v9  }
0xf5: {  	v15 =	vld [tilespmem:s20+$0x19840];
	v10 =	vadd.s32 $0xFFFFFB50, v10;
	vm3 =	vlt.u32 v9, $0x190;
	v9 =	vshll.u32 v9, $0x7  }
0xf6: {  	v11 =	vadd.s32 $0xFFFFFB50, v11;
	v16 =	vshll.u32 v10, $0x7;
	v17 =	vor.u32 v3, v9  }
0xf7: {  	v9 =	vadd.s32 $0xFFFFFB50, v12;
	vm4 =	vlt.u32 v11, $0x190;
	v11 =	vshll.u32 v11, $0x7  }
0xf8: {  	vm5 =	vlt.u32 v10, $0x190;
	v12 =	vld [tilespmem:s20+$0x19870];
	v11 =	vor.u32 v0, v11;
	v10 =	vshll.u32 v9, $0x7  }
0xf9: {  	v16 =	vor.u32 v2, v16;
	v13 =	vadd.s32 $0xFFFFFB50, v13;
	v14 =	vadd.s32 $0xFFFFFB50, v14  }
0xfa: {  	vm0 =	vlt.u32 v9, $0x190;
	v18 =	vshll.u32 v13, $0x7;
	v15 =	vadd.s32 $0xFFFFFB50, v15  }
.Ltmp3:
0xfb: {  	v9 =	vor.u32 v4, v10;
	vm1 =	vlt.u32 v15, $0x190;
	v10 =	vshll.u32 v15, $0x7;
	(pc) =	sbr.rel @p0 .LBB2_8-.Ltmp3, $4  }
0xfc: {  	vm2 =	vlt.u32 v13, $0x190;
	v13 =	vshll.u32 v14, $0x7;
	v10 =	vor.u32 v5, v10  }
0xfd: {  	v15 =	vadd.s32 $0xFFFFFB50, v12;
	[tilespmem:v11+s12+$0x0] =	vst.idx.msk vm4, v1;
	v11 =	vor.u32 v6, v18;
	vm4 =	vlt.u32 v14, $0x190  }
0xfe: {  	v12 =	vor.u32 v7, v13;
	[tilespmem:v16+s12+$0x0] =	vst.idx.msk vm5, v1;
	vm5 =	vlt.u32 v15, $0x190;
	v13 =	vshll.u32 v15, $0x7  }
0xff: {  	[tilespmem:v17+s12+$0x0] =	vst.idx.msk vm3, v1;
	v13 =	vor.u32 v8, v13  }
0x100: {  	_ =	sdelay $0x4  }
0x101: {  	[tilespmem:v9+s12+$0x0] =	vst.idx.msk vm0, v1  }
0x102: {  	[tilespmem:v10+s12+$0x0] =	vst.idx.msk vm1, v1  }
0x103: {  	[tilespmem:v11+s12+$0x0] =	vst.idx.msk vm2, v1  }
0x104: {  	[tilespmem:v12+s12+$0x0] =	vst.idx.msk vm4, v1  }
0x105: {  	s19 =	rddreg [dreg:$0x9];
	[tilespmem:v13+s12+$0x0] =	vst.idx.msk vm5, v1  }
0x106: {  	[tilespmem:s11], [sflag:$0x5] =	stream.strided.gather [hbm4b:s19+s9], $0x5000, s10, s9, $0x38;
	[tilespmem:$0x1E800] =	vst v63  }
0x107: {  	s20 =	rddreg [dreg:$0xa]  }
0x108: {  	[hbm4b:s20+s9] =	stream.strided.scatter [tilespmem:s12], [sflag:$0x4], $0xC800, s10, s9, $0x38;
	[tilespmem:$0x1E800] =	vst v63  }
0x109: {  	_ =	swait.ge [sflag:s16], $0xC800  }
0x10a: {  	[sflag:s16] =	ssyncset.done $0x0  }
0x10b: {  	s21 =	simm.s32 $0x0;
	s20 =	rddreg [dreg:$0xb];
	[sflag:s16] =	ssyncadd.s32 $0xFFFF3800  }
0x10c: {  	[tilespmem:s21], [sflag:$0x1] =	stream.strided.gather [hbm4b:s20+s9], $0xC800, s10, s9, $0x38;
	[tilespmem:$0x1E800] =	vst v63  }
0x10d: {  	_ =	swait.ge [sflag:s17], $0xC800  }
0x10e: {  	[sflag:s17] =	ssyncset.done $0x0  }
0x10f: {  	s20 =	rddreg [dreg:$0xc];
	[sflag:s17] =	ssyncadd.s32 $0xFFFF3800  }
0x110: {  	[tilespmem:s12], [sflag:$0x2] =	stream.strided.gather [hbm4b:s20+s9], $0xC800, s10, s9, $0x38;
	[tilespmem:$0x1E800] =	vst v63  }
0x111: {  	_ =	swait.ge [sflag:s13], $0xC800  }
0x112: {  	[sflag:s13] =	ssyncset.done $0x0  }
0x113: {  	[sflag:s13] =	ssyncadd.s32 $0xFFFF3800  }
0x114: {  	_ =	swait.ge [sflag:s14], $0x5000  }
0x115: {  	[sflag:s14] =	ssyncset.done $0x0  }
0x116: {  	s21 =	simm.s32 $0x0;
	[sflag:s14] =	ssyncadd.s32 $0xFFFFB000  }
0x117: {  	v9 =	vld [tilespmem:s21+$0x19800]  }
0x118: {  	v10 =	vld [tilespmem:s21+$0x19810]  }
0x119: {  	v11 =	vld [tilespmem:s21+$0x19820]  }
0x11a: {  	v61 =	vld [tilespmem:s21+$0x19830]  }
0x11b: {  	v62 =	vld [tilespmem:s21+$0x19840]  }
0x11c: {  	v14 =	vld [tilespmem:s21+$0x19850];
	vm0 =	vlt.u32 v9, $0x190;
	v9 =	vshll.u32 v9, $0x7  }
0x11d: {  	vm1 =	vlt.u32 v10, $0x190;
	v10 =	vshll.u32 v10, $0x7;
	v9 =	vor.u32 v0, v9  }
0x11e: {  	vm2 =	vlt.u32 v11, $0x190;
	v11 =	vshll.u32 v11, $0x7;
	v10 =	vor.u32 v2, v10  }
0x11f: {  	v15 =	vld [tilespmem:s21+$0x19860];
	vm3 =	vlt.u32 v61, $0x190;
	v12 =	vshll.u32 v61, $0x7;
	v11 =	vor.u32 v3, v11  }
0x120: {  	vm14 =	vlt.u32 v62, $0x190;
	v13 =	vshll.u32 v62, $0x7;
	v12 =	vor.u32 v4, v12  }
0x121: {  	v16 =	vld [tilespmem:s21+$0x19870];
	vm15 =	vlt.u32 v14, $0x190;
	v14 =	vshll.u32 v14, $0x7;
	v13 =	vor.u32 v5, v13  }
0x122: {  	[tilespmem:v9+s1+$0x0] =	vst.idx.msk vm0, v1;
	v9 =	vor.u32 v6, v14  }
0x123: {  	[tilespmem:v10+s1+$0x0] =	vst.idx.msk vm1, v1  }
0x124: {  	vm6 =	vlt.u32 v15, $0x190;
	v63 =	vshll.u32 v15, $0x7;
	[tilespmem:v11+s1+$0x0] =	vst.idx.msk vm2, v1  }
0x125: {  	v10 =	vor.u32 v7, v63;
	[tilespmem:v12+s1+$0x0] =	vst.idx.msk vm3, v1  }
0x126: {  	vm0 =	vlt.u32 v16, $0x190;
	v11 =	vshll.u32 v16, $0x7;
	[tilespmem:v13+s1+$0x0] =	vst.idx.msk vm14, v1  }
0x127: {  	[tilespmem:v9+s1+$0x0] =	vst.idx.msk vm15, v1;
	v9 =	vor.u32 v8, v11;
	_ =	sdelay $0x2  }
0x128: {  	s19 =	simm.s32 $0x200;
	s20 =	simm.s32 $0x400;
	[tilespmem:v10+s1+$0x0] =	vst.idx.msk vm6, v1  }
.LBB2_10:
0x129: {  	p0 =	sne.s32 s20, $0x13E00  }
0x12a: {  	s21 =	sshra.s32 s19, $0x2;
	[tilespmem:v9+s1+$0x0] =	vst.idx.msk vm0, v1;
	s19 =	smov.u32 s20;
	s20 =	sadd.s32 $0x200, s20  }
0x12b: {  	v9 =	vld [tilespmem:s21+$0x19800]  }
0x12c: {  	v10 =	vld [tilespmem:s21+$0x19810]  }
0x12d: {  	v11 =	vld [tilespmem:s21+$0x19820]  }
0x12e: {  	v12 =	vld [tilespmem:s21+$0x19830]  }
0x12f: {  	v13 =	vld [tilespmem:s21+$0x19840]  }
0x130: {  	v14 =	vld [tilespmem:s21+$0x19850];
	vm0 =	vlt.u32 v9, $0x190;
	v9 =	vshll.u32 v9, $0x7  }
0x131: {  	v15 =	vld [tilespmem:s21+$0x19860];
	v9 =	vor.u32 v0, v9;
	vm1 =	vlt.u32 v10, $0x190;
	v10 =	vshll.u32 v10, $0x7  }
0x132: {  	v16 =	vld [tilespmem:s21+$0x19870];
	v10 =	vor.u32 v2, v10;
	vm2 =	vlt.u32 v11, $0x190;
	v11 =	vshll.u32 v11, $0x7  }
0x133: {  	v11 =	vor.u32 v3, v11;
	vm3 =	vlt.u32 v12, $0x190;
	v12 =	vshll.u32 v12, $0x7  }
0x134: {  	v12 =	vor.u32 v4, v12;
	vm4 =	vlt.u32 v13, $0x190;
	v13 =	vshll.u32 v13, $0x7  }
0x135: {  	v13 =	vor.u32 v5, v13;
	vm5 =	vlt.u32 v14, $0x190;
	v14 =	vshll.u32 v14, $0x7  }
0x136: {  	[tilespmem:v9+s1+$0x0] =	vst.idx.msk vm0, v1;
	v14 =	vor.u32 v6, v14;
	vm6 =	vlt.u32 v15, $0x190;
	v9 =	vshll.u32 v15, $0x7  }
0x137: {  	[tilespmem:v10+s1+$0x0] =	vst.idx.msk vm1, v1;
	v10 =	vor.u32 v7, v9;
	vm0 =	vlt.u32 v16, $0x190;
	v9 =	vshll.u32 v16, $0x7  }
.Ltmp4:
0x138: {  	[tilespmem:v11+s1+$0x0] =	vst.idx.msk vm2, v1;
	v9 =	vor.u32 v8, v9;
	(pc) =	sbr.rel @p0 .LBB2_10-.Ltmp4, $4  }
0x139: {  	[tilespmem:v12+s1+$0x0] =	vst.idx.msk vm3, v1  }
0x13a: {  	[tilespmem:v13+s1+$0x0] =	vst.idx.msk vm4, v1  }
0x13b: {  	[tilespmem:v14+s1+$0x0] =	vst.idx.msk vm5, v1  }
0x13c: {  	[tilespmem:v10+s1+$0x0] =	vst.idx.msk vm6, v1  }
0x13d: {  	_ =	sdelay $0x4  }
0x13e: {  	s19 =	sshra.s32 s19, $0x2;
	[tilespmem:v9+s1+$0x0] =	vst.idx.msk vm0, v1  }
0x13f: {  	v9 =	vld [tilespmem:s19+$0x19800]  }
0x140: {  	v10 =	vld [tilespmem:s19+$0x19810]  }
0x141: {  	v11 =	vld [tilespmem:s19+$0x19820]  }
0x142: {  	v12 =	vld [tilespmem:s19+$0x19830]  }
0x143: {  	v13 =	vld [tilespmem:s19+$0x19840]  }
0x144: {  	v14 =	vld [tilespmem:s19+$0x19850];
	vm0 =	vlt.u32 v9, $0x190;
	v9 =	vshll.u32 v9, $0x7  }
0x145: {  	v15 =	vld [tilespmem:s19+$0x19860];
	vm1 =	vlt.u32 v10, $0x190;
	v10 =	vshll.u32 v10, $0x7;
	v9 =	vor.u32 v0, v9  }
0x146: {  	v16 =	vld [tilespmem:s19+$0x19870];
	vm2 =	vlt.u32 v11, $0x190;
	v11 =	vshll.u32 v11, $0x7;
	v10 =	vor.u32 v2, v10  }
0x147: {  	vm3 =	vlt.u32 v12, $0x190;
	v12 =	vshll.u32 v12, $0x7;
	v11 =	vor.u32 v3, v11  }
0x148: {  	vm4 =	vlt.u32 v13, $0x190;
	v13 =	vshll.u32 v13, $0x7;
	v12 =	vor.u32 v4, v12  }
0x149: {  	vm5 =	vlt.u32 v14, $0x190;
	v14 =	vshll.u32 v14, $0x7;
	v13 =	vor.u32 v5, v13  }
0x14a: {  	[tilespmem:v9+s1+$0x0] =	vst.idx.msk vm0, v1;
	v9 =	vor.u32 v6, v14;
	vm0 =	vlt.u32 v15, $0x190;
	v14 =	vshll.u32 v15, $0x7  }
0x14b: {  	[tilespmem:v10+s1+$0x0] =	vst.idx.msk vm1, v1;
	v10 =	vor.u32 v7, v14;
	vm1 =	vlt.u32 v16, $0x190;
	v14 =	vshll.u32 v16, $0x7  }
0x14c: {  	[tilespmem:v11+s1+$0x0] =	vst.idx.msk vm2, v1;
	v11 =	vor.u32 v8, v14  }
0x14d: {  	[tilespmem:v12+s1+$0x0] =	vst.idx.msk vm3, v1  }
0x14e: {  	[tilespmem:v13+s1+$0x0] =	vst.idx.msk vm4, v1  }
0x14f: {  	[tilespmem:v9+s1+$0x0] =	vst.idx.msk vm5, v1  }
0x150: {  	[tilespmem:v10+s1+$0x0] =	vst.idx.msk vm0, v1  }
0x151: {  	s21 =	simm.s32 $0x0;
	s20 =	rddreg [dreg:$0xd];
	[tilespmem:v11+s1+$0x0] =	vst.idx.msk vm1, v1  }
0x152: {  	[hbm4b:s20+s9] =	stream.strided.scatter [tilespmem:s21], [sflag:$0x3], $0xC800, s10, s9, $0x38;
	[tilespmem:$0x1E800] =	vst v63  }
0x153: {  	_ =	swait.ge [sflag:s15], $0xC800  }
0x154: {  	[sflag:s15] =	ssyncset.done $0x0  }
0x155: {  	s21 =	simm.s32 $0x0;
	[sflag:s15] =	ssyncadd.s32 $0xFFFF3800  }
0x156: {  	v9 =	vld [tilespmem:s21+$0x19820]  }
0x157: {  	v10 =	vld [tilespmem:s21+$0x19810]  }
0x158: {  	v11 =	vld [tilespmem:s21+$0x19800]  }
0x159: {  	v12 =	vld [tilespmem:s21+$0x19830]  }
0x15a: {  	v13 =	vld [tilespmem:s21+$0x19850]  }
0x15b: {  	v14 =	vld [tilespmem:s21+$0x19860];
	_ =	sdelay $0x2  }
0x15c: {  	v15 =	vld [tilespmem:s21+$0x19840];
	v9 =	vadd.s32 $0xFFFFFE70, v9  }
0x15d: {  	v10 =	vadd.s32 $0xFFFFFE70, v10;
	v11 =	vadd.s32 $0xFFFFFE70, v11;
	v12 =	vadd.s32 $0xFFFFFE70, v12  }
0x15e: {  	v13 =	vadd.s32 $0xFFFFFE70, v13;
	v14 =	vadd.s32 $0xFFFFFE70, v14;
	vm3 =	vlt.u32 v9, $0x190  }
0x15f: {  	v17 =	vld [tilespmem:s21+$0x19870];
	v9 =	vshll.u32 v9, $0x7;
	vm4 =	vlt.u32 v11, $0x190;
	v11 =	vshll.u32 v11, $0x7  }
0x160: {  	v63 =	vshll.u32 v10, $0x7;
	vm5 =	vlt.u32 v10, $0x190;
	v11 =	vor.u32 v0, v11  }
0x161: {  	v10 =	vadd.s32 $0xFFFFFE70, v15;
	vm0 =	vlt.u32 v12, $0x190;
	v16 =	vor.u32 v2, v63  }
0x162: {  	vm2 =	vlt.u32 v13, $0x190;
	v18 =	vor.u32 v3, v9;
	v9 =	vshll.u32 v12, $0x7  }
0x163: {  	vm1 =	vlt.u32 v10, $0x190;
	v10 =	vshll.u32 v10, $0x7;
	v9 =	vor.u32 v4, v9  }
0x164: {  	v15 =	vadd.s32 $0xFFFFFE70, v17;
	v12 =	vshll.u32 v13, $0x7;
	v10 =	vor.u32 v5, v10  }
0x165: {  	v13 =	vshll.u32 v14, $0x7;
	[tilespmem:v11+s12+$0x0] =	vst.idx.msk vm4, v1;
	v11 =	vor.u32 v6, v12;
	vm4 =	vlt.u32 v14, $0x190  }
0x166: {  	v14 =	vshll.u32 v15, $0x7;
	v12 =	vor.u32 v7, v13;
	[tilespmem:v16+s12+$0x0] =	vst.idx.msk vm5, v1;
	vm5 =	vlt.u32 v15, $0x190  }
0x167: {  	s19 =	simm.s32 $0x200;
	v13 =	vor.u32 v8, v14;
	[tilespmem:v18+s12+$0x0] =	vst.idx.msk vm3, v1  }
.LBB2_12:
0x168: {  	p0 =	sne.s32 s19, $0x13E00;
	[tilespmem:v9+s12+$0x0] =	vst.idx.msk vm0, v1;
	s20 =	smov.u32 s19;
	s19 =	sadd.s32 $0x200, s19  }
0x169: {  	[tilespmem:v10+s12+$0x0] =	vst.idx.msk vm1, v1  }
0x16a: {  	s20 =	sshra.s32 s20, $0x2;
	[tilespmem:v11+s12+$0x0] =	vst.idx.msk vm2, v1  }
0x16b: {  	[tilespmem:v12+s12+$0x0] =	vst.idx.msk vm4, v1  }
0x16c: {  	[tilespmem:v13+s12+$0x0] =	vst.idx.msk vm5, v1  }
0x16d: {  	v9 =	vld [tilespmem:s20+$0x19820]  }
0x16e: {  	v10 =	vld [tilespmem:s20+$0x19810]  }
0x16f: {  	v11 =	vld [tilespmem:s20+$0x19800]  }
0x170: {  	v12 =	vld [tilespmem:s20+$0x19830]  }
0x171: {  	v13 =	vld [tilespmem:s20+$0x19850]  }
0x172: {  	v14 =	vld [tilespmem:s20+$0x19860];
	v9 =	vadd.s32 $0xFFFFFE70, v9  }
0x173: {  	v15 =	vld [tilespmem:s20+$0x19840];
	v10 =	vadd.s32 $0xFFFFFE70, v10;
	vm3 =	vlt.u32 v9, $0x190;
	v9 =	vshll.u32 v9, $0x7  }
0x174: {  	v11 =	vadd.s32 $0xFFFFFE70, v11;
	v16 =	vshll.u32 v10, $0x7;
	v17 =	vor.u32 v3, v9  }
0x175: {  	v9 =	vadd.s32 $0xFFFFFE70, v12;
	vm4 =	vlt.u32 v11, $0x190;
	v11 =	vshll.u32 v11, $0x7  }
0x176: {  	vm5 =	vlt.u32 v10, $0x190;
	v12 =	vld [tilespmem:s20+$0x19870];
	v11 =	vor.u32 v0, v11;
	v10 =	vshll.u32 v9, $0x7  }
0x177: {  	v16 =	vor.u32 v2, v16;
	v13 =	vadd.s32 $0xFFFFFE70, v13;
	v14 =	vadd.s32 $0xFFFFFE70, v14  }
0x178: {  	vm0 =	vlt.u32 v9, $0x190;
	v18 =	vshll.u32 v13, $0x7;
	v15 =	vadd.s32 $0xFFFFFE70, v15  }
.Ltmp5:
0x179: {  	v9 =	vor.u32 v4, v10;
	vm1 =	vlt.u32 v15, $0x190;
	v10 =	vshll.u32 v15, $0x7;
	(pc) =	sbr.rel @p0 .LBB2_12-.Ltmp5, $4  }
0x17a: {  	vm2 =	vlt.u32 v13, $0x190;
	v13 =	vshll.u32 v14, $0x7;
	v10 =	vor.u32 v5, v10  }
0x17b: {  	v15 =	vadd.s32 $0xFFFFFE70, v12;
	[tilespmem:v11+s12+$0x0] =	vst.idx.msk vm4, v1;
	v11 =	vor.u32 v6, v18;
	vm4 =	vlt.u32 v14, $0x190  }
0x17c: {  	v12 =	vor.u32 v7, v13;
	[tilespmem:v16+s12+$0x0] =	vst.idx.msk vm5, v1;
	vm5 =	vlt.u32 v15, $0x190;
	v13 =	vshll.u32 v15, $0x7  }
0x17d: {  	[tilespmem:v17+s12+$0x0] =	vst.idx.msk vm3, v1;
	v13 =	vor.u32 v8, v13  }
0x17e: {  	_ =	sdelay $0x4  }
0x17f: {  	[tilespmem:v9+s12+$0x0] =	vst.idx.msk vm0, v1  }
0x180: {  	[tilespmem:v10+s12+$0x0] =	vst.idx.msk vm1, v1  }
0x181: {  	[tilespmem:v11+s12+$0x0] =	vst.idx.msk vm2, v1  }
0x182: {  	[tilespmem:v12+s12+$0x0] =	vst.idx.msk vm4, v1  }
0x183: {  	s19 =	rddreg [dreg:$0xe];
	[tilespmem:v13+s12+$0x0] =	vst.idx.msk vm5, v1  }
0x184: {  	[hbm4b:s19+s9] =	stream.strided.scatter [tilespmem:s12], [sflag:$0x4], $0xC800, s10, s9, $0x38;
	[tilespmem:$0x1E800] =	vst v63  }
0x185: {  	_ =	swait.ge [sflag:s16], $0xC800  }
0x186: {  	[sflag:s16] =	ssyncset.done $0x0  }
0x187: {  	s21 =	simm.s32 $0x0;
	s20 =	rddreg [dreg:$0xf];
	[sflag:s16] =	ssyncadd.s32 $0xFFFF3800  }
0x188: {  	[tilespmem:s21], [sflag:$0x1] =	stream.strided.gather [hbm4b:s20+s9], $0xC800, s10, s9, $0x38;
	[tilespmem:$0x1E800] =	vst v63  }
0x189: {  	_ =	swait.ge [sflag:s17], $0xC800  }
0x18a: {  	[sflag:s17] =	ssyncset.done $0x0  }
0x18b: {  	s20 =	rddreg [dreg:$0x10];
	[sflag:s17] =	ssyncadd.s32 $0xFFFF3800  }
0x18c: {  	[tilespmem:s12], [sflag:$0x2] =	stream.strided.gather [hbm4b:s20+s9], $0xC800, s10, s9, $0x38;
	[tilespmem:$0x1E800] =	vst v63  }
0x18d: {  	_ =	swait.ge [sflag:s13], $0xC800  }
0x18e: {  	[sflag:s13] =	ssyncset.done $0x0  }
0x18f: {  	s21 =	simm.s32 $0x0;
	[sflag:s13] =	ssyncadd.s32 $0xFFFF3800  }
0x190: {  	v9 =	vld [tilespmem:s21+$0x19820]  }
0x191: {  	v10 =	vld [tilespmem:s21+$0x19810]  }
0x192: {  	v11 =	vld [tilespmem:s21+$0x19800]  }
0x193: {  	v12 =	vld [tilespmem:s21+$0x19830]  }
0x194: {  	v13 =	vld [tilespmem:s21+$0x19850]  }
0x195: {  	v14 =	vld [tilespmem:s21+$0x19860];
	_ =	sdelay $0x2  }
0x196: {  	v15 =	vld [tilespmem:s21+$0x19840];
	v9 =	vadd.s32 $0xFFFFFCE0, v9  }
0x197: {  	v10 =	vadd.s32 $0xFFFFFCE0, v10;
	v11 =	vadd.s32 $0xFFFFFCE0, v11;
	v12 =	vadd.s32 $0xFFFFFCE0, v12  }
0x198: {  	v13 =	vadd.s32 $0xFFFFFCE0, v13;
	v14 =	vadd.s32 $0xFFFFFCE0, v14;
	vm3 =	vlt.u32 v9, $0x190  }
0x199: {  	v17 =	vld [tilespmem:s21+$0x19870];
	v9 =	vshll.u32 v9, $0x7;
	vm4 =	vlt.u32 v11, $0x190;
	v11 =	vshll.u32 v11, $0x7  }
0x19a: {  	v16 =	vshll.u32 v10, $0x7;
	vm5 =	vlt.u32 v10, $0x190;
	v11 =	vor.u32 v0, v11  }
0x19b: {  	v10 =	vadd.s32 $0xFFFFFCE0, v15;
	vm0 =	vlt.u32 v12, $0x190;
	v16 =	vor.u32 v2, v16  }
0x19c: {  	vm2 =	vlt.u32 v13, $0x190;
	v18 =	vor.u32 v3, v9;
	v9 =	vshll.u32 v12, $0x7  }
0x19d: {  	vm1 =	vlt.u32 v10, $0x190;
	v10 =	vshll.u32 v10, $0x7;
	v9 =	vor.u32 v4, v9  }
0x19e: {  	v15 =	vadd.s32 $0xFFFFFCE0, v17;
	v12 =	vshll.u32 v13, $0x7;
	v10 =	vor.u32 v5, v10  }
0x19f: {  	v13 =	vshll.u32 v14, $0x7;
	[tilespmem:v11+s1+$0x0] =	vst.idx.msk vm4, v1;
	v11 =	vor.u32 v6, v12;
	vm4 =	vlt.u32 v14, $0x190  }
0x1a0: {  	v14 =	vshll.u32 v15, $0x7;
	v12 =	vor.u32 v7, v13;
	[tilespmem:v16+s1+$0x0] =	vst.idx.msk vm5, v1;
	vm5 =	vlt.u32 v15, $0x190  }
0x1a1: {  	s19 =	simm.s32 $0x200;
	v13 =	vor.u32 v8, v14;
	[tilespmem:v18+s1+$0x0] =	vst.idx.msk vm3, v1  }
.LBB2_14:
0x1a2: {  	p0 =	sne.s32 s19, $0x13E00;
	[tilespmem:v9+s1+$0x0] =	vst.idx.msk vm0, v1;
	s20 =	smov.u32 s19;
	s19 =	sadd.s32 $0x200, s19  }
0x1a3: {  	[tilespmem:v10+s1+$0x0] =	vst.idx.msk vm1, v1  }
0x1a4: {  	s20 =	sshra.s32 s20, $0x2;
	[tilespmem:v11+s1+$0x0] =	vst.idx.msk vm2, v1  }
0x1a5: {  	[tilespmem:v12+s1+$0x0] =	vst.idx.msk vm4, v1  }
0x1a6: {  	[tilespmem:v13+s1+$0x0] =	vst.idx.msk vm5, v1  }
0x1a7: {  	v9 =	vld [tilespmem:s20+$0x19820]  }
0x1a8: {  	v10 =	vld [tilespmem:s20+$0x19810]  }
0x1a9: {  	v11 =	vld [tilespmem:s20+$0x19800]  }
0x1aa: {  	v12 =	vld [tilespmem:s20+$0x19830]  }
0x1ab: {  	v13 =	vld [tilespmem:s20+$0x19850]  }
0x1ac: {  	v14 =	vld [tilespmem:s20+$0x19860];
	v9 =	vadd.s32 $0xFFFFFCE0, v9  }
0x1ad: {  	v15 =	vld [tilespmem:s20+$0x19840];
	v10 =	vadd.s32 $0xFFFFFCE0, v10;
	vm3 =	vlt.u32 v9, $0x190;
	v9 =	vshll.u32 v9, $0x7  }
0x1ae: {  	v11 =	vadd.s32 $0xFFFFFCE0, v11;
	v16 =	vshll.u32 v10, $0x7;
	v17 =	vor.u32 v3, v9  }
0x1af: {  	v9 =	vadd.s32 $0xFFFFFCE0, v12;
	vm4 =	vlt.u32 v11, $0x190;
	v11 =	vshll.u32 v11, $0x7  }
0x1b0: {  	vm5 =	vlt.u32 v10, $0x190;
	v12 =	vld [tilespmem:s20+$0x19870];
	v11 =	vor.u32 v0, v11;
	v10 =	vshll.u32 v9, $0x7  }
0x1b1: {  	v16 =	vor.u32 v2, v16;
	v13 =	vadd.s32 $0xFFFFFCE0, v13;
	v14 =	vadd.s32 $0xFFFFFCE0, v14  }
0x1b2: {  	vm0 =	vlt.u32 v9, $0x190;
	v18 =	vshll.u32 v13, $0x7;
	v15 =	vadd.s32 $0xFFFFFCE0, v15  }
.Ltmp6:
0x1b3: {  	v9 =	vor.u32 v4, v10;
	vm1 =	vlt.u32 v15, $0x190;
	v10 =	vshll.u32 v15, $0x7;
	(pc) =	sbr.rel @p0 .LBB2_14-.Ltmp6, $4  }
0x1b4: {  	vm2 =	vlt.u32 v13, $0x190;
	v13 =	vshll.u32 v14, $0x7;
	v10 =	vor.u32 v5, v10  }
0x1b5: {  	v15 =	vadd.s32 $0xFFFFFCE0, v12;
	[tilespmem:v11+s1+$0x0] =	vst.idx.msk vm4, v1;
	v11 =	vor.u32 v6, v18;
	vm4 =	vlt.u32 v14, $0x190  }
0x1b6: {  	v12 =	vor.u32 v7, v13;
	[tilespmem:v16+s1+$0x0] =	vst.idx.msk vm5, v1;
	vm5 =	vlt.u32 v15, $0x190;
	v13 =	vshll.u32 v15, $0x7  }
0x1b7: {  	[tilespmem:v17+s1+$0x0] =	vst.idx.msk vm3, v1;
	v13 =	vor.u32 v8, v13  }
0x1b8: {  	_ =	sdelay $0x4  }
0x1b9: {  	[tilespmem:v9+s1+$0x0] =	vst.idx.msk vm0, v1  }
0x1ba: {  	[tilespmem:v10+s1+$0x0] =	vst.idx.msk vm1, v1  }
0x1bb: {  	[tilespmem:v11+s1+$0x0] =	vst.idx.msk vm2, v1  }
0x1bc: {  	[tilespmem:v12+s1+$0x0] =	vst.idx.msk vm4, v1  }
0x1bd: {  	s19 =	simm.s32 $0x0;
	s20 =	rddreg [dreg:$0x11];
	[tilespmem:v13+s1+$0x0] =	vst.idx.msk vm5, v1  }
0x1be: {  	[hbm4b:s20+s9] =	stream.strided.scatter [tilespmem:s19], [sflag:$0x3], $0xC800, s10, s9, $0x38;
	[tilespmem:$0x1E800] =	vst v63  }
0x1bf: {  	_ =	swait.ge [sflag:s15], $0xC800  }
0x1c0: {  	[sflag:s15] =	ssyncset.done $0x0  }
0x1c1: {  	s21 =	simm.s32 $0x0;
	[sflag:s15] =	ssyncadd.s32 $0xFFFF3800  }
0x1c2: {  	v9 =	vld [tilespmem:s21+$0x19820]  }
0x1c3: {  	v10 =	vld [tilespmem:s21+$0x19810]  }
0x1c4: {  	v11 =	vld [tilespmem:s21+$0x19800]  }
0x1c5: {  	v12 =	vld [tilespmem:s21+$0x19830]  }
0x1c6: {  	v13 =	vld [tilespmem:s21+$0x19850]  }
0x1c7: {  	v14 =	vld [tilespmem:s21+$0x19860];
	_ =	sdelay $0x2  }
0x1c8: {  	v15 =	vld [tilespmem:s21+$0x19840];
	v9 =	vadd.s32 $0xFFFFFB50, v9  }
0x1c9: {  	v10 =	vadd.s32 $0xFFFFFB50, v10;
	v11 =	vadd.s32 $0xFFFFFB50, v11;
	v12 =	vadd.s32 $0xFFFFFB50, v12  }
0x1ca: {  	v13 =	vadd.s32 $0xFFFFFB50, v13;
	v14 =	vadd.s32 $0xFFFFFB50, v14;
	vm3 =	vlt.u32 v9, $0x190  }
0x1cb: {  	v17 =	vld [tilespmem:s21+$0x19870];
	v9 =	vshll.u32 v9, $0x7;
	vm4 =	vlt.u32 v11, $0x190;
	v11 =	vshll.u32 v11, $0x7  }
0x1cc: {  	v16 =	vshll.u32 v10, $0x7;
	vm5 =	vlt.u32 v10, $0x190;
	v11 =	vor.u32 v0, v11  }
0x1cd: {  	v10 =	vadd.s32 $0xFFFFFB50, v15;
	vm0 =	vlt.u32 v12, $0x190;
	v16 =	vor.u32 v2, v16  }
0x1ce: {  	vm2 =	vlt.u32 v13, $0x190;
	v18 =	vor.u32 v3, v9;
	v9 =	vshll.u32 v12, $0x7  }
0x1cf: {  	vm1 =	vlt.u32 v10, $0x190;
	v10 =	vshll.u32 v10, $0x7;
	v9 =	vor.u32 v4, v9  }
0x1d0: {  	v15 =	vadd.s32 $0xFFFFFB50, v17;
	v12 =	vshll.u32 v13, $0x7;
	v10 =	vor.u32 v5, v10  }
0x1d1: {  	v13 =	vshll.u32 v14, $0x7;
	[tilespmem:v11+s12+$0x0] =	vst.idx.msk vm4, v1;
	v11 =	vor.u32 v6, v12;
	vm4 =	vlt.u32 v14, $0x190  }
0x1d2: {  	v14 =	vshll.u32 v15, $0x7;
	v12 =	vor.u32 v7, v13;
	[tilespmem:v16+s12+$0x0] =	vst.idx.msk vm5, v1;
	vm5 =	vlt.u32 v15, $0x190  }
0x1d3: {  	s19 =	simm.s32 $0x200;
	v13 =	vor.u32 v8, v14;
	[tilespmem:v18+s12+$0x0] =	vst.idx.msk vm3, v1  }
.LBB2_16:
0x1d4: {  	p0 =	sne.s32 s19, $0x13E00;
	[tilespmem:v9+s12+$0x0] =	vst.idx.msk vm0, v1;
	s20 =	smov.u32 s19;
	s19 =	sadd.s32 $0x200, s19  }
0x1d5: {  	[tilespmem:v10+s12+$0x0] =	vst.idx.msk vm1, v1  }
0x1d6: {  	s20 =	sshra.s32 s20, $0x2;
	[tilespmem:v11+s12+$0x0] =	vst.idx.msk vm2, v1  }
0x1d7: {  	[tilespmem:v12+s12+$0x0] =	vst.idx.msk vm4, v1  }
0x1d8: {  	[tilespmem:v13+s12+$0x0] =	vst.idx.msk vm5, v1  }
0x1d9: {  	v9 =	vld [tilespmem:s20+$0x19820]  }
0x1da: {  	v10 =	vld [tilespmem:s20+$0x19810]  }
0x1db: {  	v11 =	vld [tilespmem:s20+$0x19800]  }
0x1dc: {  	v12 =	vld [tilespmem:s20+$0x19830]  }
0x1dd: {  	v13 =	vld [tilespmem:s20+$0x19850]  }
0x1de: {  	v14 =	vld [tilespmem:s20+$0x19860];
	v9 =	vadd.s32 $0xFFFFFB50, v9  }
0x1df: {  	v15 =	vld [tilespmem:s20+$0x19840];
	v10 =	vadd.s32 $0xFFFFFB50, v10;
	vm3 =	vlt.u32 v9, $0x190;
	v9 =	vshll.u32 v9, $0x7  }
0x1e0: {  	v11 =	vadd.s32 $0xFFFFFB50, v11;
	v16 =	vshll.u32 v10, $0x7;
	v17 =	vor.u32 v3, v9  }
0x1e1: {  	v9 =	vadd.s32 $0xFFFFFB50, v12;
	vm4 =	vlt.u32 v11, $0x190;
	v11 =	vshll.u32 v11, $0x7  }
0x1e2: {  	vm5 =	vlt.u32 v10, $0x190;
	v12 =	vld [tilespmem:s20+$0x19870];
	v11 =	vor.u32 v0, v11;
	v10 =	vshll.u32 v9, $0x7  }
0x1e3: {  	v16 =	vor.u32 v2, v16;
	v13 =	vadd.s32 $0xFFFFFB50, v13;
	v14 =	vadd.s32 $0xFFFFFB50, v14  }
0x1e4: {  	vm0 =	vlt.u32 v9, $0x190;
	v18 =	vshll.u32 v13, $0x7;
	v15 =	vadd.s32 $0xFFFFFB50, v15  }
.Ltmp7:
0x1e5: {  	v9 =	vor.u32 v4, v10;
	vm1 =	vlt.u32 v15, $0x190;
	v10 =	vshll.u32 v15, $0x7;
	(pc) =	sbr.rel @p0 .LBB2_16-.Ltmp7, $4  }
0x1e6: {  	vm2 =	vlt.u32 v13, $0x190;
	v13 =	vshll.u32 v14, $0x7;
	v10 =	vor.u32 v5, v10  }
0x1e7: {  	v15 =	vadd.s32 $0xFFFFFB50, v12;
	[tilespmem:v11+s12+$0x0] =	vst.idx.msk vm4, v1;
	v11 =	vor.u32 v6, v18;
	vm4 =	vlt.u32 v14, $0x190  }
0x1e8: {  	v12 =	vor.u32 v7, v13;
	[tilespmem:v16+s12+$0x0] =	vst.idx.msk vm5, v1;
	vm5 =	vlt.u32 v15, $0x190;
	v13 =	vshll.u32 v15, $0x7  }
0x1e9: {  	[tilespmem:v17+s12+$0x0] =	vst.idx.msk vm3, v1;
	v13 =	vor.u32 v8, v13  }
0x1ea: {  	_ =	sdelay $0x4  }
0x1eb: {  	[tilespmem:v9+s12+$0x0] =	vst.idx.msk vm0, v1  }
0x1ec: {  	[tilespmem:v10+s12+$0x0] =	vst.idx.msk vm1, v1  }
0x1ed: {  	[tilespmem:v11+s12+$0x0] =	vst.idx.msk vm2, v1  }
0x1ee: {  	[tilespmem:v12+s12+$0x0] =	vst.idx.msk vm4, v1  }
0x1ef: {  	s19 =	rddreg [dreg:$0x12];
	[tilespmem:v13+s12+$0x0] =	vst.idx.msk vm5, v1  }
0x1f0: {  	[tilespmem:s11], [sflag:$0x5] =	stream.strided.gather [hbm4b:s19+s9], $0x5000, s10, s9, $0x38;
	[tilespmem:$0x1E800] =	vst v63  }
0x1f1: {  	s20 =	rddreg [dreg:$0x13]  }
0x1f2: {  	[hbm4b:s20+s9] =	stream.strided.scatter [tilespmem:s12], [sflag:$0x4], $0xC800, s10, s9, $0x38;
	[tilespmem:$0x1E800] =	vst v63  }
0x1f3: {  	_ =	swait.ge [sflag:s16], $0xC800  }
0x1f4: {  	[sflag:s16] =	ssyncset.done $0x0  }
0x1f5: {  	s21 =	simm.s32 $0x0;
	s20 =	rddreg [dreg:$0x14];
	[sflag:s16] =	ssyncadd.s32 $0xFFFF3800  }
0x1f6: {  	[tilespmem:s21], [sflag:$0x1] =	stream.strided.gather [hbm4b:s20+s9], $0xC800, s10, s9, $0x38;
	[tilespmem:$0x1E800] =	vst v63  }
0x1f7: {  	_ =	swait.ge [sflag:s17], $0xC800  }
0x1f8: {  	[sflag:s17] =	ssyncset.done $0x0  }
0x1f9: {  	s20 =	rddreg [dreg:$0x16];
	[sflag:s17] =	ssyncadd.s32 $0xFFFF3800  }
0x1fa: {  	[tilespmem:s12], [sflag:$0x2] =	stream.strided.gather [hbm4b:s20+s9], $0xC800, s10, s9, $0x38;
	[tilespmem:$0x1E800] =	vst v63  }
0x1fb: {  	_ =	swait.ge [sflag:s13], $0xC800  }
0x1fc: {  	[sflag:s13] =	ssyncset.done $0x0  }
0x1fd: {  	[sflag:s13] =	ssyncadd.s32 $0xFFFF3800  }
0x1fe: {  	_ =	swait.ge [sflag:s14], $0x5000  }
0x1ff: {  	[sflag:s14] =	ssyncset.done $0x0  }
0x200: {  	s21 =	simm.s32 $0x0;
	[sflag:s14] =	ssyncadd.s32 $0xFFFFB000  }
0x201: {  	v9 =	vld [tilespmem:s21+$0x19800]  }
0x202: {  	v10 =	vld [tilespmem:s21+$0x19810]  }
0x203: {  	v11 =	vld [tilespmem:s21+$0x19820]  }
0x204: {  	v61 =	vld [tilespmem:s21+$0x19830]  }
0x205: {  	v62 =	vld [tilespmem:s21+$0x19840]  }
0x206: {  	v14 =	vld [tilespmem:s21+$0x19850];
	vm0 =	vlt.u32 v9, $0x190;
	v9 =	vshll.u32 v9, $0x7  }
0x207: {  	vm1 =	vlt.u32 v10, $0x190;
	v10 =	vshll.u32 v10, $0x7;
	v9 =	vor.u32 v0, v9  }
0x208: {  	vm2 =	vlt.u32 v11, $0x190;
	v11 =	vshll.u32 v11, $0x7;
	v10 =	vor.u32 v2, v10  }
0x209: {  	v15 =	vld [tilespmem:s21+$0x19860];
	vm3 =	vlt.u32 v61, $0x190;
	v12 =	vshll.u32 v61, $0x7;
	v11 =	vor.u32 v3, v11  }
0x20a: {  	vm14 =	vlt.u32 v62, $0x190;
	v13 =	vshll.u32 v62, $0x7;
	v12 =	vor.u32 v4, v12  }
0x20b: {  	v16 =	vld [tilespmem:s21+$0x19870];
	vm15 =	vlt.u32 v14, $0x190;
	v14 =	vshll.u32 v14, $0x7;
	v13 =	vor.u32 v5, v13  }
0x20c: {  	[tilespmem:v9+s1+$0x0] =	vst.idx.msk vm0, v1;
	v9 =	vor.u32 v6, v14  }
0x20d: {  	[tilespmem:v10+s1+$0x0] =	vst.idx.msk vm1, v1  }
0x20e: {  	vm6 =	vlt.u32 v15, $0x190;
	v63 =	vshll.u32 v15, $0x7;
	[tilespmem:v11+s1+$0x0] =	vst.idx.msk vm2, v1  }
0x20f: {  	v10 =	vor.u32 v7, v63;
	[tilespmem:v12+s1+$0x0] =	vst.idx.msk vm3, v1  }
0x210: {  	vm0 =	vlt.u32 v16, $0x190;
	v11 =	vshll.u32 v16, $0x7;
	[tilespmem:v13+s1+$0x0] =	vst.idx.msk vm14, v1  }
0x211: {  	[tilespmem:v9+s1+$0x0] =	vst.idx.msk vm15, v1;
	v9 =	vor.u32 v8, v11;
	_ =	sdelay $0x2  }
0x212: {  	s19 =	simm.s32 $0x200;
	s20 =	simm.s32 $0x400;
	[tilespmem:v10+s1+$0x0] =	vst.idx.msk vm6, v1  }
.LBB2_18:
0x213: {  	p0 =	sne.s32 s20, $0x13E00  }
0x214: {  	s21 =	sshra.s32 s19, $0x2;
	[tilespmem:v9+s1+$0x0] =	vst.idx.msk vm0, v1;
	s19 =	smov.u32 s20;
	s20 =	sadd.s32 $0x200, s20  }
0x215: {  	v9 =	vld [tilespmem:s21+$0x19800]  }
0x216: {  	v10 =	vld [tilespmem:s21+$0x19810]  }
0x217: {  	v11 =	vld [tilespmem:s21+$0x19820]  }
0x218: {  	v12 =	vld [tilespmem:s21+$0x19830]  }
0x219: {  	v13 =	vld [tilespmem:s21+$0x19840]  }
0x21a: {  	v14 =	vld [tilespmem:s21+$0x19850];
	vm0 =	vlt.u32 v9, $0x190;
	v9 =	vshll.u32 v9, $0x7  }
0x21b: {  	v15 =	vld [tilespmem:s21+$0x19860];
	v9 =	vor.u32 v0, v9;
	vm1 =	vlt.u32 v10, $0x190;
	v10 =	vshll.u32 v10, $0x7  }
0x21c: {  	v16 =	vld [tilespmem:s21+$0x19870];
	v10 =	vor.u32 v2, v10;
	vm2 =	vlt.u32 v11, $0x190;
	v11 =	vshll.u32 v11, $0x7  }
0x21d: {  	v11 =	vor.u32 v3, v11;
	vm3 =	vlt.u32 v12, $0x190;
	v12 =	vshll.u32 v12, $0x7  }
0x21e: {  	v12 =	vor.u32 v4, v12;
	vm4 =	vlt.u32 v13, $0x190;
	v13 =	vshll.u32 v13, $0x7  }
0x21f: {  	v13 =	vor.u32 v5, v13;
	vm5 =	vlt.u32 v14, $0x190;
	v14 =	vshll.u32 v14, $0x7  }
0x220: {  	[tilespmem:v9+s1+$0x0] =	vst.idx.msk vm0, v1;
	v14 =	vor.u32 v6, v14;
	vm6 =	vlt.u32 v15, $0x190;
	v9 =	vshll.u32 v15, $0x7  }
0x221: {  	[tilespmem:v10+s1+$0x0] =	vst.idx.msk vm1, v1;
	v10 =	vor.u32 v7, v9;
	vm0 =	vlt.u32 v16, $0x190;
	v9 =	vshll.u32 v16, $0x7  }
.Ltmp8:
0x222: {  	[tilespmem:v11+s1+$0x0] =	vst.idx.msk vm2, v1;
	v9 =	vor.u32 v8, v9;
	(pc) =	sbr.rel @p0 .LBB2_18-.Ltmp8, $4  }
0x223: {  	[tilespmem:v12+s1+$0x0] =	vst.idx.msk vm3, v1  }
0x224: {  	[tilespmem:v13+s1+$0x0] =	vst.idx.msk vm4, v1  }
0x225: {  	[tilespmem:v14+s1+$0x0] =	vst.idx.msk vm5, v1  }
0x226: {  	[tilespmem:v10+s1+$0x0] =	vst.idx.msk vm6, v1  }
0x227: {  	_ =	sdelay $0x4  }
0x228: {  	s19 =	sshra.s32 s19, $0x2;
	[tilespmem:v9+s1+$0x0] =	vst.idx.msk vm0, v1  }
0x229: {  	v9 =	vld [tilespmem:s19+$0x19800]  }
0x22a: {  	v10 =	vld [tilespmem:s19+$0x19810]  }
0x22b: {  	v11 =	vld [tilespmem:s19+$0x19820]  }
0x22c: {  	v12 =	vld [tilespmem:s19+$0x19830]  }
0x22d: {  	v13 =	vld [tilespmem:s19+$0x19840]  }
0x22e: {  	v14 =	vld [tilespmem:s19+$0x19850];
	vm0 =	vlt.u32 v9, $0x190;
	v9 =	vshll.u32 v9, $0x7  }
0x22f: {  	v15 =	vld [tilespmem:s19+$0x19860];
	vm1 =	vlt.u32 v10, $0x190;
	v10 =	vshll.u32 v10, $0x7;
	v9 =	vor.u32 v0, v9  }
0x230: {  	v16 =	vld [tilespmem:s19+$0x19870];
	vm2 =	vlt.u32 v11, $0x190;
	v11 =	vshll.u32 v11, $0x7;
	v10 =	vor.u32 v2, v10  }
0x231: {  	vm3 =	vlt.u32 v12, $0x190;
	v12 =	vshll.u32 v12, $0x7;
	v11 =	vor.u32 v3, v11  }
0x232: {  	vm4 =	vlt.u32 v13, $0x190;
	v13 =	vshll.u32 v13, $0x7;
	v12 =	vor.u32 v4, v12  }
0x233: {  	vm5 =	vlt.u32 v14, $0x190;
	v14 =	vshll.u32 v14, $0x7;
	v13 =	vor.u32 v5, v13  }
0x234: {  	[tilespmem:v9+s1+$0x0] =	vst.idx.msk vm0, v1;
	v9 =	vor.u32 v6, v14;
	vm0 =	vlt.u32 v15, $0x190;
	v14 =	vshll.u32 v15, $0x7  }
0x235: {  	[tilespmem:v10+s1+$0x0] =	vst.idx.msk vm1, v1;
	v10 =	vor.u32 v7, v14;
	vm1 =	vlt.u32 v16, $0x190;
	v14 =	vshll.u32 v16, $0x7  }
0x236: {  	[tilespmem:v11+s1+$0x0] =	vst.idx.msk vm2, v1;
	v11 =	vor.u32 v8, v14  }
0x237: {  	[tilespmem:v12+s1+$0x0] =	vst.idx.msk vm3, v1  }
0x238: {  	[tilespmem:v13+s1+$0x0] =	vst.idx.msk vm4, v1  }
0x239: {  	[tilespmem:v9+s1+$0x0] =	vst.idx.msk vm5, v1  }
0x23a: {  	[tilespmem:v10+s1+$0x0] =	vst.idx.msk vm0, v1  }
0x23b: {  	s21 =	simm.s32 $0x0;
	s20 =	rddreg [dreg:$0x15];
	[tilespmem:v11+s1+$0x0] =	vst.idx.msk vm1, v1  }
0x23c: {  	[hbm4b:s20+s9] =	stream.strided.scatter [tilespmem:s21], [sflag:$0x3], $0xC800, s10, s9, $0x38;
	[tilespmem:$0x1E800] =	vst v63  }
0x23d: {  	_ =	swait.ge [sflag:s15], $0xC800  }
0x23e: {  	[sflag:s15] =	ssyncset.done $0x0  }
0x23f: {  	s21 =	simm.s32 $0x0;
	[sflag:s15] =	ssyncadd.s32 $0xFFFF3800  }
0x240: {  	v9 =	vld [tilespmem:s21+$0x19820]  }
0x241: {  	v10 =	vld [tilespmem:s21+$0x19810]  }
0x242: {  	v11 =	vld [tilespmem:s21+$0x19800]  }
0x243: {  	v12 =	vld [tilespmem:s21+$0x19830]  }
0x244: {  	v13 =	vld [tilespmem:s21+$0x19850]  }
0x245: {  	v14 =	vld [tilespmem:s21+$0x19860];
	_ =	sdelay $0x2  }
0x246: {  	v15 =	vld [tilespmem:s21+$0x19840];
	v9 =	vadd.s32 $0xFFFFFE70, v9  }
0x247: {  	v10 =	vadd.s32 $0xFFFFFE70, v10;
	v11 =	vadd.s32 $0xFFFFFE70, v11;
	v12 =	vadd.s32 $0xFFFFFE70, v12  }
0x248: {  	v13 =	vadd.s32 $0xFFFFFE70, v13;
	v14 =	vadd.s32 $0xFFFFFE70, v14;
	vm3 =	vlt.u32 v9, $0x190  }
0x249: {  	v17 =	vld [tilespmem:s21+$0x19870];
	v9 =	vshll.u32 v9, $0x7;
	vm4 =	vlt.u32 v11, $0x190;
	v11 =	vshll.u32 v11, $0x7  }
0x24a: {  	v63 =	vshll.u32 v10, $0x7;
	vm5 =	vlt.u32 v10, $0x190;
	v11 =	vor.u32 v0, v11  }
0x24b: {  	v10 =	vadd.s32 $0xFFFFFE70, v15;
	vm0 =	vlt.u32 v12, $0x190;
	v16 =	vor.u32 v2, v63  }
0x24c: {  	vm2 =	vlt.u32 v13, $0x190;
	v18 =	vor.u32 v3, v9;
	v9 =	vshll.u32 v12, $0x7  }
0x24d: {  	vm1 =	vlt.u32 v10, $0x190;
	v10 =	vshll.u32 v10, $0x7;
	v9 =	vor.u32 v4, v9  }
0x24e: {  	v15 =	vadd.s32 $0xFFFFFE70, v17;
	v12 =	vshll.u32 v13, $0x7;
	v10 =	vor.u32 v5, v10  }
0x24f: {  	v13 =	vshll.u32 v14, $0x7;
	[tilespmem:v11+s12+$0x0] =	vst.idx.msk vm4, v1;
	v11 =	vor.u32 v6, v12;
	vm4 =	vlt.u32 v14, $0x190  }
0x250: {  	v14 =	vshll.u32 v15, $0x7;
	v12 =	vor.u32 v7, v13;
	[tilespmem:v16+s12+$0x0] =	vst.idx.msk vm5, v1;
	vm5 =	vlt.u32 v15, $0x190  }
0x251: {  	s19 =	simm.s32 $0x200;
	v13 =	vor.u32 v8, v14;
	[tilespmem:v18+s12+$0x0] =	vst.idx.msk vm3, v1  }
.LBB2_20:
0x252: {  	p0 =	sne.s32 s19, $0x13E00;
	[tilespmem:v9+s12+$0x0] =	vst.idx.msk vm0, v1;
	s20 =	smov.u32 s19;
	s19 =	sadd.s32 $0x200, s19  }
0x253: {  	[tilespmem:v10+s12+$0x0] =	vst.idx.msk vm1, v1  }
0x254: {  	s20 =	sshra.s32 s20, $0x2;
	[tilespmem:v11+s12+$0x0] =	vst.idx.msk vm2, v1  }
0x255: {  	[tilespmem:v12+s12+$0x0] =	vst.idx.msk vm4, v1  }
0x256: {  	[tilespmem:v13+s12+$0x0] =	vst.idx.msk vm5, v1  }
0x257: {  	v9 =	vld [tilespmem:s20+$0x19820]  }
0x258: {  	v10 =	vld [tilespmem:s20+$0x19810]  }
0x259: {  	v11 =	vld [tilespmem:s20+$0x19800]  }
0x25a: {  	v12 =	vld [tilespmem:s20+$0x19830]  }
0x25b: {  	v13 =	vld [tilespmem:s20+$0x19850]  }
0x25c: {  	v14 =	vld [tilespmem:s20+$0x19860];
	v9 =	vadd.s32 $0xFFFFFE70, v9  }
0x25d: {  	v15 =	vld [tilespmem:s20+$0x19840];
	v10 =	vadd.s32 $0xFFFFFE70, v10;
	vm3 =	vlt.u32 v9, $0x190;
	v9 =	vshll.u32 v9, $0x7  }
0x25e: {  	v11 =	vadd.s32 $0xFFFFFE70, v11;
	v16 =	vshll.u32 v10, $0x7;
	v17 =	vor.u32 v3, v9  }
0x25f: {  	v9 =	vadd.s32 $0xFFFFFE70, v12;
	vm4 =	vlt.u32 v11, $0x190;
	v11 =	vshll.u32 v11, $0x7  }
0x260: {  	vm5 =	vlt.u32 v10, $0x190;
	v12 =	vld [tilespmem:s20+$0x19870];
	v11 =	vor.u32 v0, v11;
	v10 =	vshll.u32 v9, $0x7  }
0x261: {  	v16 =	vor.u32 v2, v16;
	v13 =	vadd.s32 $0xFFFFFE70, v13;
	v14 =	vadd.s32 $0xFFFFFE70, v14  }
0x262: {  	vm0 =	vlt.u32 v9, $0x190;
	v18 =	vshll.u32 v13, $0x7;
	v15 =	vadd.s32 $0xFFFFFE70, v15  }
.Ltmp9:
0x263: {  	v9 =	vor.u32 v4, v10;
	vm1 =	vlt.u32 v15, $0x190;
	v10 =	vshll.u32 v15, $0x7;
	(pc) =	sbr.rel @p0 .LBB2_20-.Ltmp9, $4  }
0x264: {  	vm2 =	vlt.u32 v13, $0x190;
	v13 =	vshll.u32 v14, $0x7;
	v10 =	vor.u32 v5, v10  }
0x265: {  	v15 =	vadd.s32 $0xFFFFFE70, v12;
	[tilespmem:v11+s12+$0x0] =	vst.idx.msk vm4, v1;
	v11 =	vor.u32 v6, v18;
	vm4 =	vlt.u32 v14, $0x190  }
0x266: {  	v12 =	vor.u32 v7, v13;
	[tilespmem:v16+s12+$0x0] =	vst.idx.msk vm5, v1;
	vm5 =	vlt.u32 v15, $0x190;
	v13 =	vshll.u32 v15, $0x7  }
0x267: {  	[tilespmem:v17+s12+$0x0] =	vst.idx.msk vm3, v1;
	v13 =	vor.u32 v8, v13  }
0x268: {  	_ =	sdelay $0x4  }
0x269: {  	[tilespmem:v9+s12+$0x0] =	vst.idx.msk vm0, v1  }
0x26a: {  	[tilespmem:v10+s12+$0x0] =	vst.idx.msk vm1, v1  }
0x26b: {  	[tilespmem:v11+s12+$0x0] =	vst.idx.msk vm2, v1  }
0x26c: {  	[tilespmem:v12+s12+$0x0] =	vst.idx.msk vm4, v1  }
0x26d: {  	s19 =	rddreg [dreg:$0x17];
	[tilespmem:v13+s12+$0x0] =	vst.idx.msk vm5, v1  }
0x26e: {  	[hbm4b:s19+s9] =	stream.strided.scatter [tilespmem:s12], [sflag:$0x4], $0xC800, s10, s9, $0x38;
	[tilespmem:$0x1E800] =	vst v63  }
0x26f: {  	_ =	swait.ge [sflag:s16], $0xC800  }
0x270: {  	[sflag:s16] =	ssyncset.done $0x0  }
0x271: {  	s20 =	simm.s32 $0x0;
	[sflag:s16] =	ssyncadd.s32 $0xFFFF3800  }
0x272: {  	[tilespmem:s20], [sflag:$0x1] =	stream.strided.gather [hbm4b:s22+s9], $0xC800, s10, s9, $0x38;
	[tilespmem:$0x1E800] =	vst v63  }
0x273: {  	_ =	swait.ge [sflag:s17], $0xC800  }
0x274: {  	[sflag:s17] =	ssyncset.done $0x0  }
0x275: {  	[sflag:s17] =	ssyncadd.s32 $0xFFFF3800  }
0x276: {  	[tilespmem:s12], [sflag:$0x2] =	stream.strided.gather [hbm4b:s26+s9], $0xC800, s10, s9, $0x38;
	[tilespmem:$0x1E800] =	vst v63  }
0x277: {  	_ =	swait.ge [sflag:s13], $0xC800  }
0x278: {  	[sflag:s13] =	ssyncset.done $0x0  }
0x279: {  	s21 =	simm.s32 $0x0;
	[sflag:s13] =	ssyncadd.s32 $0xFFFF3800  }
0x27a: {  	v9 =	vld [tilespmem:s21+$0x19820]  }
0x27b: {  	v10 =	vld [tilespmem:s21+$0x19810]  }
0x27c: {  	v11 =	vld [tilespmem:s21+$0x19800]  }
0x27d: {  	v12 =	vld [tilespmem:s21+$0x19830]  }
0x27e: {  	v13 =	vld [tilespmem:s21+$0x19850]  }
0x27f: {  	v14 =	vld [tilespmem:s21+$0x19860];
	_ =	sdelay $0x2  }
0x280: {  	v15 =	vld [tilespmem:s21+$0x19840];
	v9 =	vadd.s32 $0xFFFFFCE0, v9  }
0x281: {  	v10 =	vadd.s32 $0xFFFFFCE0, v10;
	v11 =	vadd.s32 $0xFFFFFCE0, v11;
	v12 =	vadd.s32 $0xFFFFFCE0, v12  }
0x282: {  	v13 =	vadd.s32 $0xFFFFFCE0, v13;
	v14 =	vadd.s32 $0xFFFFFCE0, v14;
	vm3 =	vlt.u32 v9, $0x190  }
0x283: {  	v17 =	vld [tilespmem:s21+$0x19870];
	v9 =	vshll.u32 v9, $0x7;
	vm4 =	vlt.u32 v11, $0x190;
	v11 =	vshll.u32 v11, $0x7  }
0x284: {  	v16 =	vshll.u32 v10, $0x7;
	vm5 =	vlt.u32 v10, $0x190;
	v11 =	vor.u32 v0, v11  }
0x285: {  	v10 =	vadd.s32 $0xFFFFFCE0, v15;
	vm0 =	vlt.u32 v12, $0x190;
	v16 =	vor.u32 v2, v16  }
0x286: {  	vm2 =	vlt.u32 v13, $0x190;
	v18 =	vor.u32 v3, v9;
	v9 =	vshll.u32 v12, $0x7  }
0x287: {  	vm1 =	vlt.u32 v10, $0x190;
	v10 =	vshll.u32 v10, $0x7;
	v9 =	vor.u32 v4, v9  }
0x288: {  	v15 =	vadd.s32 $0xFFFFFCE0, v17;
	v12 =	vshll.u32 v13, $0x7;
	v10 =	vor.u32 v5, v10  }
0x289: {  	v13 =	vshll.u32 v14, $0x7;
	[tilespmem:v11+s1+$0x0] =	vst.idx.msk vm4, v1;
	v11 =	vor.u32 v6, v12;
	vm4 =	vlt.u32 v14, $0x190  }
0x28a: {  	v14 =	vshll.u32 v15, $0x7;
	v12 =	vor.u32 v7, v13;
	[tilespmem:v16+s1+$0x0] =	vst.idx.msk vm5, v1;
	vm5 =	vlt.u32 v15, $0x190  }
0x28b: {  	s19 =	simm.s32 $0x200;
	v13 =	vor.u32 v8, v14;
	[tilespmem:v18+s1+$0x0] =	vst.idx.msk vm3, v1  }
.LBB2_22:
0x28c: {  	p0 =	sne.s32 s19, $0x13E00;
	[tilespmem:v9+s1+$0x0] =	vst.idx.msk vm0, v1;
	s20 =	smov.u32 s19;
	s19 =	sadd.s32 $0x200, s19  }
0x28d: {  	[tilespmem:v10+s1+$0x0] =	vst.idx.msk vm1, v1  }
0x28e: {  	s20 =	sshra.s32 s20, $0x2;
	[tilespmem:v11+s1+$0x0] =	vst.idx.msk vm2, v1  }
0x28f: {  	[tilespmem:v12+s1+$0x0] =	vst.idx.msk vm4, v1  }
0x290: {  	[tilespmem:v13+s1+$0x0] =	vst.idx.msk vm5, v1  }
0x291: {  	v9 =	vld [tilespmem:s20+$0x19820]  }
0x292: {  	v10 =	vld [tilespmem:s20+$0x19810]  }
0x293: {  	v11 =	vld [tilespmem:s20+$0x19800]  }
0x294: {  	v12 =	vld [tilespmem:s20+$0x19830]  }
0x295: {  	v13 =	vld [tilespmem:s20+$0x19850]  }
0x296: {  	v14 =	vld [tilespmem:s20+$0x19860];
	v9 =	vadd.s32 $0xFFFFFCE0, v9  }
0x297: {  	v15 =	vld [tilespmem:s20+$0x19840];
	v10 =	vadd.s32 $0xFFFFFCE0, v10;
	vm3 =	vlt.u32 v9, $0x190;
	v9 =	vshll.u32 v9, $0x7  }
0x298: {  	v11 =	vadd.s32 $0xFFFFFCE0, v11;
	v16 =	vshll.u32 v10, $0x7;
	v17 =	vor.u32 v3, v9  }
0x299: {  	v9 =	vadd.s32 $0xFFFFFCE0, v12;
	vm4 =	vlt.u32 v11, $0x190;
	v11 =	vshll.u32 v11, $0x7  }
0x29a: {  	vm5 =	vlt.u32 v10, $0x190;
	v12 =	vld [tilespmem:s20+$0x19870];
	v11 =	vor.u32 v0, v11;
	v10 =	vshll.u32 v9, $0x7  }
0x29b: {  	v16 =	vor.u32 v2, v16;
	v13 =	vadd.s32 $0xFFFFFCE0, v13;
	v14 =	vadd.s32 $0xFFFFFCE0, v14  }
0x29c: {  	vm0 =	vlt.u32 v9, $0x190;
	v18 =	vshll.u32 v13, $0x7;
	v15 =	vadd.s32 $0xFFFFFCE0, v15  }
.Ltmp10:
0x29d: {  	v9 =	vor.u32 v4, v10;
	vm1 =	vlt.u32 v15, $0x190;
	v10 =	vshll.u32 v15, $0x7;
	(pc) =	sbr.rel @p0 .LBB2_22-.Ltmp10, $4  }
0x29e: {  	vm2 =	vlt.u32 v13, $0x190;
	v13 =	vshll.u32 v14, $0x7;
	v10 =	vor.u32 v5, v10  }
0x29f: {  	v15 =	vadd.s32 $0xFFFFFCE0, v12;
	[tilespmem:v11+s1+$0x0] =	vst.idx.msk vm4, v1;
	v11 =	vor.u32 v6, v18;
	vm4 =	vlt.u32 v14, $0x190  }
0x2a0: {  	v12 =	vor.u32 v7, v13;
	[tilespmem:v16+s1+$0x0] =	vst.idx.msk vm5, v1;
	vm5 =	vlt.u32 v15, $0x190;
	v13 =	vshll.u32 v15, $0x7  }
0x2a1: {  	[tilespmem:v17+s1+$0x0] =	vst.idx.msk vm3, v1;
	v13 =	vor.u32 v8, v13  }
0x2a2: {  	_ =	sdelay $0x4  }
0x2a3: {  	[tilespmem:v9+s1+$0x0] =	vst.idx.msk vm0, v1  }
0x2a4: {  	[tilespmem:v10+s1+$0x0] =	vst.idx.msk vm1, v1  }
0x2a5: {  	[tilespmem:v11+s1+$0x0] =	vst.idx.msk vm2, v1  }
0x2a6: {  	[tilespmem:v12+s1+$0x0] =	vst.idx.msk vm4, v1  }
0x2a7: {  	s19 =	simm.s32 $0x0;
	[tilespmem:v13+s1+$0x0] =	vst.idx.msk vm5, v1  }
0x2a8: {  	[hbm4b:s23+s9] =	stream.strided.scatter [tilespmem:s19], [sflag:$0x3], $0xC800, s10, s9, $0x38;
	[tilespmem:$0x1E800] =	vst v63  }
0x2a9: {  	_ =	swait.ge [sflag:s15], $0xC800  }
0x2aa: {  	[sflag:s15] =	ssyncset.done $0x0  }
0x2ab: {  	s21 =	simm.s32 $0x0;
	[sflag:s15] =	ssyncadd.s32 $0xFFFF3800  }
0x2ac: {  	v9 =	vld [tilespmem:s21+$0x19820]  }
0x2ad: {  	v10 =	vld [tilespmem:s21+$0x19810]  }
0x2ae: {  	v11 =	vld [tilespmem:s21+$0x19800]  }
0x2af: {  	v12 =	vld [tilespmem:s21+$0x19830]  }
0x2b0: {  	v13 =	vld [tilespmem:s21+$0x19850]  }
0x2b1: {  	v14 =	vld [tilespmem:s21+$0x19860];
	_ =	sdelay $0x2  }
0x2b2: {  	v15 =	vld [tilespmem:s21+$0x19840];
	v9 =	vadd.s32 $0xFFFFFB50, v9  }
0x2b3: {  	v10 =	vadd.s32 $0xFFFFFB50, v10;
	v11 =	vadd.s32 $0xFFFFFB50, v11;
	v12 =	vadd.s32 $0xFFFFFB50, v12  }
0x2b4: {  	v13 =	vadd.s32 $0xFFFFFB50, v13;
	v14 =	vadd.s32 $0xFFFFFB50, v14;
	vm3 =	vlt.u32 v9, $0x190  }
0x2b5: {  	v17 =	vld [tilespmem:s21+$0x19870];
	v9 =	vshll.u32 v9, $0x7;
	vm4 =	vlt.u32 v11, $0x190;
	v11 =	vshll.u32 v11, $0x7  }
0x2b6: {  	v16 =	vshll.u32 v10, $0x7;
	vm5 =	vlt.u32 v10, $0x190;
	v11 =	vor.u32 v0, v11  }
0x2b7: {  	v10 =	vadd.s32 $0xFFFFFB50, v15;
	vm0 =	vlt.u32 v12, $0x190;
	v16 =	vor.u32 v2, v16  }
0x2b8: {  	vm2 =	vlt.u32 v13, $0x190;
	v18 =	vor.u32 v3, v9;
	v9 =	vshll.u32 v12, $0x7  }
0x2b9: {  	vm1 =	vlt.u32 v10, $0x190;
	v10 =	vshll.u32 v10, $0x7;
	v9 =	vor.u32 v4, v9  }
0x2ba: {  	v15 =	vadd.s32 $0xFFFFFB50, v17;
	v12 =	vshll.u32 v13, $0x7;
	v10 =	vor.u32 v5, v10  }
0x2bb: {  	v13 =	vshll.u32 v14, $0x7;
	[tilespmem:v11+s12+$0x0] =	vst.idx.msk vm4, v1;
	v11 =	vor.u32 v6, v12;
	vm4 =	vlt.u32 v14, $0x190  }
0x2bc: {  	v14 =	vshll.u32 v15, $0x7;
	v12 =	vor.u32 v7, v13;
	[tilespmem:v16+s12+$0x0] =	vst.idx.msk vm5, v1;
	vm5 =	vlt.u32 v15, $0x190  }
0x2bd: {  	s19 =	simm.s32 $0x200;
	v13 =	vor.u32 v8, v14;
	[tilespmem:v18+s12+$0x0] =	vst.idx.msk vm3, v1  }
.LBB2_24:
0x2be: {  	p0 =	sne.s32 s19, $0x13E00;
	[tilespmem:v9+s12+$0x0] =	vst.idx.msk vm0, v1;
	s20 =	smov.u32 s19;
	s19 =	sadd.s32 $0x200, s19  }
0x2bf: {  	[tilespmem:v10+s12+$0x0] =	vst.idx.msk vm1, v1  }
0x2c0: {  	s20 =	sshra.s32 s20, $0x2;
	[tilespmem:v11+s12+$0x0] =	vst.idx.msk vm2, v1  }
0x2c1: {  	[tilespmem:v12+s12+$0x0] =	vst.idx.msk vm4, v1  }
0x2c2: {  	[tilespmem:v13+s12+$0x0] =	vst.idx.msk vm5, v1  }
0x2c3: {  	v9 =	vld [tilespmem:s20+$0x19820]  }
0x2c4: {  	v10 =	vld [tilespmem:s20+$0x19810]  }
0x2c5: {  	v11 =	vld [tilespmem:s20+$0x19800]  }
0x2c6: {  	v12 =	vld [tilespmem:s20+$0x19830]  }
0x2c7: {  	v13 =	vld [tilespmem:s20+$0x19850]  }
0x2c8: {  	v14 =	vld [tilespmem:s20+$0x19860];
	v9 =	vadd.s32 $0xFFFFFB50, v9  }
0x2c9: {  	v15 =	vld [tilespmem:s20+$0x19840];
	v10 =	vadd.s32 $0xFFFFFB50, v10;
	vm3 =	vlt.u32 v9, $0x190;
	v9 =	vshll.u32 v9, $0x7  }
0x2ca: {  	v11 =	vadd.s32 $0xFFFFFB50, v11;
	v16 =	vshll.u32 v10, $0x7;
	v17 =	vor.u32 v3, v9  }
0x2cb: {  	v9 =	vadd.s32 $0xFFFFFB50, v12;
	vm4 =	vlt.u32 v11, $0x190;
	v11 =	vshll.u32 v11, $0x7  }
0x2cc: {  	vm5 =	vlt.u32 v10, $0x190;
	v12 =	vld [tilespmem:s20+$0x19870];
	v11 =	vor.u32 v0, v11;
	v10 =	vshll.u32 v9, $0x7  }
0x2cd: {  	v16 =	vor.u32 v2, v16;
	v13 =	vadd.s32 $0xFFFFFB50, v13;
	v14 =	vadd.s32 $0xFFFFFB50, v14  }
0x2ce: {  	vm0 =	vlt.u32 v9, $0x190;
	v18 =	vshll.u32 v13, $0x7;
	v15 =	vadd.s32 $0xFFFFFB50, v15  }
.Ltmp11:
0x2cf: {  	v9 =	vor.u32 v4, v10;
	vm1 =	vlt.u32 v15, $0x190;
	v10 =	vshll.u32 v15, $0x7;
	(pc) =	sbr.rel @p0 .LBB2_24-.Ltmp11, $4  }
0x2d0: {  	vm2 =	vlt.u32 v13, $0x190;
	v13 =	vshll.u32 v14, $0x7;
	v10 =	vor.u32 v5, v10  }
0x2d1: {  	v15 =	vadd.s32 $0xFFFFFB50, v12;
	[tilespmem:v11+s12+$0x0] =	vst.idx.msk vm4, v1;
	v11 =	vor.u32 v6, v18;
	vm4 =	vlt.u32 v14, $0x190  }
0x2d2: {  	v12 =	vor.u32 v7, v13;
	[tilespmem:v16+s12+$0x0] =	vst.idx.msk vm5, v1;
	vm5 =	vlt.u32 v15, $0x190;
	v13 =	vshll.u32 v15, $0x7  }
0x2d3: {  	[tilespmem:v17+s12+$0x0] =	vst.idx.msk vm3, v1;
	v13 =	vor.u32 v8, v13  }
0x2d4: {  	_ =	sdelay $0x4  }
0x2d5: {  	[tilespmem:v9+s12+$0x0] =	vst.idx.msk vm0, v1  }
0x2d6: {  	[tilespmem:v10+s12+$0x0] =	vst.idx.msk vm1, v1  }
0x2d7: {  	[tilespmem:v11+s12+$0x0] =	vst.idx.msk vm2, v1  }
0x2d8: {  	[tilespmem:v12+s12+$0x0] =	vst.idx.msk vm4, v1  }
0x2d9: {  	[tilespmem:v13+s12+$0x0] =	vst.idx.msk vm5, v1  }
0x2da: {  	[tilespmem:s11], [sflag:$0x5] =	stream.strided.gather [hbm4b:s25+s9], $0x5000, s10, s9, $0x38;
	[tilespmem:$0x1E800] =	vst v63  }
0x2db: {  	_ = 	snop  }
0x2dc: {  	[hbm4b:s28+s9] =	stream.strided.scatter [tilespmem:s12], [sflag:$0x4], $0xC800, s10, s9, $0x38;
	[tilespmem:$0x1E800] =	vst v63  }
0x2dd: {  	_ =	swait.ge [sflag:s16], $0xC800  }
0x2de: {  	[sflag:s16] =	ssyncset.done $0x0  }
0x2df: {  	s19 =	simm.s32 $0x0;
	[sflag:s16] =	ssyncadd.s32 $0xFFFF3800  }
0x2e0: {  	[tilespmem:s19], [sflag:$0x1] =	stream.strided.gather [hbm4b:s29+s9], $0xC800, s10, s9, $0x38;
	[tilespmem:$0x1E800] =	vst v63  }
0x2e1: {  	_ =	swait.ge [sflag:s17], $0xC800  }
0x2e2: {  	[sflag:s17] =	ssyncset.done $0x0  }
0x2e3: {  	[sflag:s17] =	ssyncadd.s32 $0xFFFF3800  }
0x2e4: {  	[tilespmem:s12], [sflag:$0x2] =	stream.strided.gather [hbm4b:s2+s9], $0xC800, s10, s9, $0x38;
	[tilespmem:$0x1E800] =	vst v63  }
0x2e5: {  	_ =	swait.ge [sflag:s13], $0xC800  }
0x2e6: {  	[sflag:s13] =	ssyncset.done $0x0  }
0x2e7: {  	[sflag:s13] =	ssyncadd.s32 $0xFFFF3800  }
0x2e8: {  	_ =	swait.ge [sflag:s14], $0x5000  }
0x2e9: {  	[sflag:s14] =	ssyncset.done $0x0  }
0x2ea: {  	s21 =	simm.s32 $0x0;
	[sflag:s14] =	ssyncadd.s32 $0xFFFFB000  }
0x2eb: {  	v9 =	vld [tilespmem:s21+$0x19800]  }
0x2ec: {  	v10 =	vld [tilespmem:s21+$0x19810]  }
0x2ed: {  	v11 =	vld [tilespmem:s21+$0x19820]  }
0x2ee: {  	v61 =	vld [tilespmem:s21+$0x19830]  }
0x2ef: {  	v62 =	vld [tilespmem:s21+$0x19840]  }
0x2f0: {  	v14 =	vld [tilespmem:s21+$0x19850];
	vm0 =	vlt.u32 v9, $0x190;
	v9 =	vshll.u32 v9, $0x7  }
0x2f1: {  	vm1 =	vlt.u32 v10, $0x190;
	v10 =	vshll.u32 v10, $0x7;
	v9 =	vor.u32 v0, v9  }
0x2f2: {  	vm2 =	vlt.u32 v11, $0x190;
	v11 =	vshll.u32 v11, $0x7;
	v10 =	vor.u32 v2, v10  }
0x2f3: {  	v15 =	vld [tilespmem:s21+$0x19860];
	vm3 =	vlt.u32 v61, $0x190;
	v12 =	vshll.u32 v61, $0x7;
	v11 =	vor.u32 v3, v11  }
0x2f4: {  	vm14 =	vlt.u32 v62, $0x190;
	v13 =	vshll.u32 v62, $0x7;
	v12 =	vor.u32 v4, v12  }
0x2f5: {  	v16 =	vld [tilespmem:s21+$0x19870];
	vm15 =	vlt.u32 v14, $0x190;
	v14 =	vshll.u32 v14, $0x7;
	v13 =	vor.u32 v5, v13  }
0x2f6: {  	[tilespmem:v9+s1+$0x0] =	vst.idx.msk vm0, v1;
	v9 =	vor.u32 v6, v14  }
0x2f7: {  	[tilespmem:v10+s1+$0x0] =	vst.idx.msk vm1, v1  }
0x2f8: {  	vm6 =	vlt.u32 v15, $0x190;
	v63 =	vshll.u32 v15, $0x7;
	[tilespmem:v11+s1+$0x0] =	vst.idx.msk vm2, v1  }
0x2f9: {  	v10 =	vor.u32 v7, v63;
	[tilespmem:v12+s1+$0x0] =	vst.idx.msk vm3, v1  }
0x2fa: {  	vm0 =	vlt.u32 v16, $0x190;
	v11 =	vshll.u32 v16, $0x7;
	[tilespmem:v13+s1+$0x0] =	vst.idx.msk vm14, v1  }
0x2fb: {  	[tilespmem:v9+s1+$0x0] =	vst.idx.msk vm15, v1;
	v9 =	vor.u32 v8, v11;
	_ =	sdelay $0x2  }
0x2fc: {  	s20 =	simm.s32 $0x400;
	s19 =	simm.s32 $0x200;
	[tilespmem:v10+s1+$0x0] =	vst.idx.msk vm6, v1  }
.LBB2_26:
0x2fd: {  	p0 =	sne.s32 s20, $0x13E00  }
0x2fe: {  	s21 =	sshra.s32 s19, $0x2;
	[tilespmem:v9+s1+$0x0] =	vst.idx.msk vm0, v1;
	s19 =	smov.u32 s20;
	s20 =	sadd.s32 $0x200, s20  }
0x2ff: {  	v9 =	vld [tilespmem:s21+$0x19800]  }
0x300: {  	v10 =	vld [tilespmem:s21+$0x19810]  }
0x301: {  	v11 =	vld [tilespmem:s21+$0x19820]  }
0x302: {  	v12 =	vld [tilespmem:s21+$0x19830]  }
0x303: {  	v13 =	vld [tilespmem:s21+$0x19840]  }
0x304: {  	v14 =	vld [tilespmem:s21+$0x19850];
	vm0 =	vlt.u32 v9, $0x190;
	v9 =	vshll.u32 v9, $0x7  }
0x305: {  	v15 =	vld [tilespmem:s21+$0x19860];
	v9 =	vor.u32 v0, v9;
	vm1 =	vlt.u32 v10, $0x190;
	v10 =	vshll.u32 v10, $0x7  }
0x306: {  	v16 =	vld [tilespmem:s21+$0x19870];
	v10 =	vor.u32 v2, v10;
	vm2 =	vlt.u32 v11, $0x190;
	v11 =	vshll.u32 v11, $0x7  }
0x307: {  	v11 =	vor.u32 v3, v11;
	vm3 =	vlt.u32 v12, $0x190;
	v12 =	vshll.u32 v12, $0x7  }
0x308: {  	v12 =	vor.u32 v4, v12;
	vm4 =	vlt.u32 v13, $0x190;
	v13 =	vshll.u32 v13, $0x7  }
0x309: {  	v13 =	vor.u32 v5, v13;
	vm5 =	vlt.u32 v14, $0x190;
	v14 =	vshll.u32 v14, $0x7  }
0x30a: {  	[tilespmem:v9+s1+$0x0] =	vst.idx.msk vm0, v1;
	v14 =	vor.u32 v6, v14;
	vm6 =	vlt.u32 v15, $0x190;
	v9 =	vshll.u32 v15, $0x7  }
0x30b: {  	[tilespmem:v10+s1+$0x0] =	vst.idx.msk vm1, v1;
	v10 =	vor.u32 v7, v9;
	vm0 =	vlt.u32 v16, $0x190;
	v9 =	vshll.u32 v16, $0x7  }
.Ltmp12:
0x30c: {  	[tilespmem:v11+s1+$0x0] =	vst.idx.msk vm2, v1;
	v9 =	vor.u32 v8, v9;
	(pc) =	sbr.rel @p0 .LBB2_26-.Ltmp12, $4  }
0x30d: {  	[tilespmem:v12+s1+$0x0] =	vst.idx.msk vm3, v1  }
0x30e: {  	[tilespmem:v13+s1+$0x0] =	vst.idx.msk vm4, v1  }
0x30f: {  	[tilespmem:v14+s1+$0x0] =	vst.idx.msk vm5, v1  }
0x310: {  	[tilespmem:v10+s1+$0x0] =	vst.idx.msk vm6, v1  }
0x311: {  	_ =	sdelay $0x4  }
0x312: {  	s19 =	sshra.s32 s19, $0x2;
	[tilespmem:v9+s1+$0x0] =	vst.idx.msk vm0, v1  }
0x313: {  	v9 =	vld [tilespmem:s19+$0x19800]  }
0x314: {  	v10 =	vld [tilespmem:s19+$0x19810]  }
0x315: {  	v11 =	vld [tilespmem:s19+$0x19820]  }
0x316: {  	v12 =	vld [tilespmem:s19+$0x19830]  }
0x317: {  	v13 =	vld [tilespmem:s19+$0x19840]  }
0x318: {  	v14 =	vld [tilespmem:s19+$0x19850];
	vm0 =	vlt.u32 v9, $0x190;
	v9 =	vshll.u32 v9, $0x7  }
0x319: {  	v15 =	vld [tilespmem:s19+$0x19860];
	vm1 =	vlt.u32 v10, $0x190;
	v10 =	vshll.u32 v10, $0x7;
	v9 =	vor.u32 v0, v9  }
0x31a: {  	v16 =	vld [tilespmem:s19+$0x19870];
	vm2 =	vlt.u32 v11, $0x190;
	v11 =	vshll.u32 v11, $0x7;
	v10 =	vor.u32 v2, v10  }
0x31b: {  	vm3 =	vlt.u32 v12, $0x190;
	v12 =	vshll.u32 v12, $0x7;
	v11 =	vor.u32 v3, v11  }
0x31c: {  	vm4 =	vlt.u32 v13, $0x190;
	v13 =	vshll.u32 v13, $0x7;
	v12 =	vor.u32 v4, v12  }
0x31d: {  	vm5 =	vlt.u32 v14, $0x190;
	v14 =	vshll.u32 v14, $0x7;
	v13 =	vor.u32 v5, v13  }
0x31e: {  	[tilespmem:v9+s1+$0x0] =	vst.idx.msk vm0, v1;
	v9 =	vor.u32 v6, v14;
	vm0 =	vlt.u32 v15, $0x190;
	v14 =	vshll.u32 v15, $0x7  }
0x31f: {  	[tilespmem:v10+s1+$0x0] =	vst.idx.msk vm1, v1;
	v10 =	vor.u32 v7, v14;
	vm1 =	vlt.u32 v16, $0x190;
	v14 =	vshll.u32 v16, $0x7  }
0x320: {  	[tilespmem:v11+s1+$0x0] =	vst.idx.msk vm2, v1;
	v11 =	vor.u32 v8, v14  }
0x321: {  	[tilespmem:v12+s1+$0x0] =	vst.idx.msk vm3, v1  }
0x322: {  	[tilespmem:v13+s1+$0x0] =	vst.idx.msk vm4, v1  }
0x323: {  	[tilespmem:v9+s1+$0x0] =	vst.idx.msk vm5, v1  }
0x324: {  	[tilespmem:v10+s1+$0x0] =	vst.idx.msk vm0, v1  }
0x325: {  	s20 =	simm.s32 $0x0;
	[tilespmem:v11+s1+$0x0] =	vst.idx.msk vm1, v1  }
0x326: {  	[hbm4b:s30+s9] =	stream.strided.scatter [tilespmem:s20], [sflag:$0x3], $0xC800, s10, s9, $0x38;
	[tilespmem:$0x1E800] =	vst v63  }
0x327: {  	_ =	swait.ge [sflag:s15], $0xC800  }
0x328: {  	[sflag:s15] =	ssyncset.done $0x0  }
0x329: {  	s21 =	simm.s32 $0x0;
	[sflag:s15] =	ssyncadd.s32 $0xFFFF3800  }
0x32a: {  	v9 =	vld [tilespmem:s21+$0x19820]  }
0x32b: {  	v10 =	vld [tilespmem:s21+$0x19810]  }
0x32c: {  	v11 =	vld [tilespmem:s21+$0x19800]  }
0x32d: {  	v12 =	vld [tilespmem:s21+$0x19830]  }
0x32e: {  	v13 =	vld [tilespmem:s21+$0x19850]  }
0x32f: {  	v14 =	vld [tilespmem:s21+$0x19860];
	_ =	sdelay $0x2  }
0x330: {  	v15 =	vld [tilespmem:s21+$0x19840];
	v9 =	vadd.s32 $0xFFFFFE70, v9  }
0x331: {  	v10 =	vadd.s32 $0xFFFFFE70, v10;
	v11 =	vadd.s32 $0xFFFFFE70, v11;
	v12 =	vadd.s32 $0xFFFFFE70, v12  }
0x332: {  	v13 =	vadd.s32 $0xFFFFFE70, v13;
	v14 =	vadd.s32 $0xFFFFFE70, v14;
	vm3 =	vlt.u32 v9, $0x190  }
0x333: {  	v17 =	vld [tilespmem:s21+$0x19870];
	v9 =	vshll.u32 v9, $0x7;
	vm4 =	vlt.u32 v11, $0x190;
	v11 =	vshll.u32 v11, $0x7  }
0x334: {  	v63 =	vshll.u32 v10, $0x7;
	vm5 =	vlt.u32 v10, $0x190;
	v11 =	vor.u32 v0, v11  }
0x335: {  	v10 =	vadd.s32 $0xFFFFFE70, v15;
	vm0 =	vlt.u32 v12, $0x190;
	v16 =	vor.u32 v2, v63  }
0x336: {  	vm2 =	vlt.u32 v13, $0x190;
	v18 =	vor.u32 v3, v9;
	v9 =	vshll.u32 v12, $0x7  }
0x337: {  	vm1 =	vlt.u32 v10, $0x190;
	v10 =	vshll.u32 v10, $0x7;
	v9 =	vor.u32 v4, v9  }
0x338: {  	v15 =	vadd.s32 $0xFFFFFE70, v17;
	v12 =	vshll.u32 v13, $0x7;
	v10 =	vor.u32 v5, v10  }
0x339: {  	v13 =	vshll.u32 v14, $0x7;
	[tilespmem:v11+s12+$0x0] =	vst.idx.msk vm4, v1;
	v11 =	vor.u32 v6, v12;
	vm4 =	vlt.u32 v14, $0x190  }
0x33a: {  	v14 =	vshll.u32 v15, $0x7;
	v12 =	vor.u32 v7, v13;
	[tilespmem:v16+s12+$0x0] =	vst.idx.msk vm5, v1;
	vm5 =	vlt.u32 v15, $0x190  }
0x33b: {  	s19 =	simm.s32 $0x200;
	v13 =	vor.u32 v8, v14;
	[tilespmem:v18+s12+$0x0] =	vst.idx.msk vm3, v1  }
.LBB2_28:
0x33c: {  	p0 =	sne.s32 s19, $0x13E00;
	[tilespmem:v9+s12+$0x0] =	vst.idx.msk vm0, v1;
	s20 =	smov.u32 s19;
	s19 =	sadd.s32 $0x200, s19  }
0x33d: {  	[tilespmem:v10+s12+$0x0] =	vst.idx.msk vm1, v1  }
0x33e: {  	s20 =	sshra.s32 s20, $0x2;
	[tilespmem:v11+s12+$0x0] =	vst.idx.msk vm2, v1  }
0x33f: {  	[tilespmem:v12+s12+$0x0] =	vst.idx.msk vm4, v1  }
0x340: {  	[tilespmem:v13+s12+$0x0] =	vst.idx.msk vm5, v1  }
0x341: {  	v9 =	vld [tilespmem:s20+$0x19820]  }
0x342: {  	v10 =	vld [tilespmem:s20+$0x19810]  }
0x343: {  	v11 =	vld [tilespmem:s20+$0x19800]  }
0x344: {  	v12 =	vld [tilespmem:s20+$0x19830]  }
0x345: {  	v13 =	vld [tilespmem:s20+$0x19850]  }
0x346: {  	v14 =	vld [tilespmem:s20+$0x19860];
	v9 =	vadd.s32 $0xFFFFFE70, v9  }
0x347: {  	v15 =	vld [tilespmem:s20+$0x19840];
	v10 =	vadd.s32 $0xFFFFFE70, v10;
	vm3 =	vlt.u32 v9, $0x190;
	v9 =	vshll.u32 v9, $0x7  }
0x348: {  	v11 =	vadd.s32 $0xFFFFFE70, v11;
	v16 =	vshll.u32 v10, $0x7;
	v17 =	vor.u32 v3, v9  }
0x349: {  	v9 =	vadd.s32 $0xFFFFFE70, v12;
	vm4 =	vlt.u32 v11, $0x190;
	v11 =	vshll.u32 v11, $0x7  }
0x34a: {  	vm5 =	vlt.u32 v10, $0x190;
	v12 =	vld [tilespmem:s20+$0x19870];
	v11 =	vor.u32 v0, v11;
	v10 =	vshll.u32 v9, $0x7  }
0x34b: {  	v16 =	vor.u32 v2, v16;
	v13 =	vadd.s32 $0xFFFFFE70, v13;
	v14 =	vadd.s32 $0xFFFFFE70, v14  }
0x34c: {  	vm0 =	vlt.u32 v9, $0x190;
	v18 =	vshll.u32 v13, $0x7;
	v15 =	vadd.s32 $0xFFFFFE70, v15  }
.Ltmp13:
0x34d: {  	v9 =	vor.u32 v4, v10;
	vm1 =	vlt.u32 v15, $0x190;
	v10 =	vshll.u32 v15, $0x7;
	(pc) =	sbr.rel @p0 .LBB2_28-.Ltmp13, $4  }
0x34e: {  	vm2 =	vlt.u32 v13, $0x190;
	v13 =	vshll.u32 v14, $0x7;
	v10 =	vor.u32 v5, v10  }
0x34f: {  	v15 =	vadd.s32 $0xFFFFFE70, v12;
	[tilespmem:v11+s12+$0x0] =	vst.idx.msk vm4, v1;
	v11 =	vor.u32 v6, v18;
	vm4 =	vlt.u32 v14, $0x190  }
0x350: {  	v12 =	vor.u32 v7, v13;
	[tilespmem:v16+s12+$0x0] =	vst.idx.msk vm5, v1;
	vm5 =	vlt.u32 v15, $0x190;
	v13 =	vshll.u32 v15, $0x7  }
0x351: {  	[tilespmem:v17+s12+$0x0] =	vst.idx.msk vm3, v1;
	v13 =	vor.u32 v8, v13  }
0x352: {  	_ =	sdelay $0x4  }
0x353: {  	[tilespmem:v9+s12+$0x0] =	vst.idx.msk vm0, v1  }
0x354: {  	[tilespmem:v10+s12+$0x0] =	vst.idx.msk vm1, v1  }
0x355: {  	[tilespmem:v11+s12+$0x0] =	vst.idx.msk vm2, v1  }
0x356: {  	[tilespmem:v12+s12+$0x0] =	vst.idx.msk vm4, v1  }
0x357: {  	[tilespmem:v13+s12+$0x0] =	vst.idx.msk vm5, v1  }
0x358: {  	[hbm4b:s3+s9] =	stream.strided.scatter [tilespmem:s12], [sflag:$0x4], $0xC800, s10, s9, $0x38;
	[tilespmem:$0x1E800] =	vst v63  }
0x359: {  	_ =	swait.ge [sflag:s16], $0xC800  }
0x35a: {  	[sflag:s16] =	ssyncset.done $0x0  }
0x35b: {  	s19 =	simm.s32 $0x0;
	[sflag:s16] =	ssyncadd.s32 $0xFFFF3800  }
0x35c: {  	[tilespmem:s19], [sflag:$0x1] =	stream.strided.gather [hbm4b:s4+s9], $0xC800, s10, s9, $0x38;
	[tilespmem:$0x1E800] =	vst v63  }
0x35d: {  	_ =	swait.ge [sflag:s17], $0xC800  }
0x35e: {  	[sflag:s17] =	ssyncset.done $0x0  }
0x35f: {  	[sflag:s17] =	ssyncadd.s32 $0xFFFF3800  }
0x360: {  	[tilespmem:s12], [sflag:$0x2] =	stream.strided.gather [hbm4b:s5+s9], $0xC800, s10, s9, $0x38;
	[tilespmem:$0x1E800] =	vst v63  }
0x361: {  	_ =	swait.ge [sflag:s13], $0xC800  }
0x362: {  	[sflag:s13] =	ssyncset.done $0x0  }
0x363: {  	s21 =	simm.s32 $0x0;
	[sflag:s13] =	ssyncadd.s32 $0xFFFF3800  }
0x364: {  	v9 =	vld [tilespmem:s21+$0x19820]  }
0x365: {  	v10 =	vld [tilespmem:s21+$0x19810]  }
0x366: {  	v11 =	vld [tilespmem:s21+$0x19800]  }
0x367: {  	v12 =	vld [tilespmem:s21+$0x19830]  }
0x368: {  	v13 =	vld [tilespmem:s21+$0x19850]  }
0x369: {  	v14 =	vld [tilespmem:s21+$0x19860];
	_ =	sdelay $0x2  }
0x36a: {  	v15 =	vld [tilespmem:s21+$0x19840];
	v9 =	vadd.s32 $0xFFFFFCE0, v9  }
0x36b: {  	v10 =	vadd.s32 $0xFFFFFCE0, v10;
	v11 =	vadd.s32 $0xFFFFFCE0, v11;
	v12 =	vadd.s32 $0xFFFFFCE0, v12  }
0x36c: {  	v13 =	vadd.s32 $0xFFFFFCE0, v13;
	v14 =	vadd.s32 $0xFFFFFCE0, v14;
	vm3 =	vlt.u32 v9, $0x190  }
0x36d: {  	v17 =	vld [tilespmem:s21+$0x19870];
	v9 =	vshll.u32 v9, $0x7;
	vm4 =	vlt.u32 v11, $0x190;
	v11 =	vshll.u32 v11, $0x7  }
0x36e: {  	v16 =	vshll.u32 v10, $0x7;
	vm5 =	vlt.u32 v10, $0x190;
	v11 =	vor.u32 v0, v11  }
0x36f: {  	v10 =	vadd.s32 $0xFFFFFCE0, v15;
	vm0 =	vlt.u32 v12, $0x190;
	v16 =	vor.u32 v2, v16  }
0x370: {  	vm2 =	vlt.u32 v13, $0x190;
	v18 =	vor.u32 v3, v9;
	v9 =	vshll.u32 v12, $0x7  }
0x371: {  	vm1 =	vlt.u32 v10, $0x190;
	v10 =	vshll.u32 v10, $0x7;
	v9 =	vor.u32 v4, v9  }
0x372: {  	v15 =	vadd.s32 $0xFFFFFCE0, v17;
	v12 =	vshll.u32 v13, $0x7;
	v10 =	vor.u32 v5, v10  }
0x373: {  	v13 =	vshll.u32 v14, $0x7;
	[tilespmem:v11+s1+$0x0] =	vst.idx.msk vm4, v1;
	v11 =	vor.u32 v6, v12;
	vm4 =	vlt.u32 v14, $0x190  }
0x374: {  	v14 =	vshll.u32 v15, $0x7;
	v12 =	vor.u32 v7, v13;
	[tilespmem:v16+s1+$0x0] =	vst.idx.msk vm5, v1;
	vm5 =	vlt.u32 v15, $0x190  }
0x375: {  	s19 =	simm.s32 $0x200;
	v13 =	vor.u32 v8, v14;
	[tilespmem:v18+s1+$0x0] =	vst.idx.msk vm3, v1  }
.LBB2_30:
0x376: {  	p0 =	sne.s32 s19, $0x13E00;
	[tilespmem:v9+s1+$0x0] =	vst.idx.msk vm0, v1;
	s20 =	smov.u32 s19;
	s19 =	sadd.s32 $0x200, s19  }
0x377: {  	[tilespmem:v10+s1+$0x0] =	vst.idx.msk vm1, v1  }
0x378: {  	s20 =	sshra.s32 s20, $0x2;
	[tilespmem:v11+s1+$0x0] =	vst.idx.msk vm2, v1  }
0x379: {  	[tilespmem:v12+s1+$0x0] =	vst.idx.msk vm4, v1  }
0x37a: {  	[tilespmem:v13+s1+$0x0] =	vst.idx.msk vm5, v1  }
0x37b: {  	v9 =	vld [tilespmem:s20+$0x19820]  }
0x37c: {  	v10 =	vld [tilespmem:s20+$0x19810]  }
0x37d: {  	v11 =	vld [tilespmem:s20+$0x19800]  }
0x37e: {  	v12 =	vld [tilespmem:s20+$0x19830]  }
0x37f: {  	v13 =	vld [tilespmem:s20+$0x19850]  }
0x380: {  	v14 =	vld [tilespmem:s20+$0x19860];
	v9 =	vadd.s32 $0xFFFFFCE0, v9  }
0x381: {  	v15 =	vld [tilespmem:s20+$0x19840];
	v10 =	vadd.s32 $0xFFFFFCE0, v10;
	vm3 =	vlt.u32 v9, $0x190;
	v9 =	vshll.u32 v9, $0x7  }
0x382: {  	v11 =	vadd.s32 $0xFFFFFCE0, v11;
	v16 =	vshll.u32 v10, $0x7;
	v17 =	vor.u32 v3, v9  }
0x383: {  	v9 =	vadd.s32 $0xFFFFFCE0, v12;
	vm4 =	vlt.u32 v11, $0x190;
	v11 =	vshll.u32 v11, $0x7  }
0x384: {  	vm5 =	vlt.u32 v10, $0x190;
	v12 =	vld [tilespmem:s20+$0x19870];
	v11 =	vor.u32 v0, v11;
	v10 =	vshll.u32 v9, $0x7  }
0x385: {  	v16 =	vor.u32 v2, v16;
	v13 =	vadd.s32 $0xFFFFFCE0, v13;
	v14 =	vadd.s32 $0xFFFFFCE0, v14  }
0x386: {  	vm0 =	vlt.u32 v9, $0x190;
	v18 =	vshll.u32 v13, $0x7;
	v15 =	vadd.s32 $0xFFFFFCE0, v15  }
.Ltmp14:
0x387: {  	v9 =	vor.u32 v4, v10;
	vm1 =	vlt.u32 v15, $0x190;
	v10 =	vshll.u32 v15, $0x7;
	(pc) =	sbr.rel @p0 .LBB2_30-.Ltmp14, $4  }
0x388: {  	vm2 =	vlt.u32 v13, $0x190;
	v13 =	vshll.u32 v14, $0x7;
	v10 =	vor.u32 v5, v10  }
0x389: {  	v15 =	vadd.s32 $0xFFFFFCE0, v12;
	[tilespmem:v11+s1+$0x0] =	vst.idx.msk vm4, v1;
	v11 =	vor.u32 v6, v18;
	vm4 =	vlt.u32 v14, $0x190  }
0x38a: {  	v12 =	vor.u32 v7, v13;
	[tilespmem:v16+s1+$0x0] =	vst.idx.msk vm5, v1;
	vm5 =	vlt.u32 v15, $0x190;
	v13 =	vshll.u32 v15, $0x7  }
0x38b: {  	[tilespmem:v17+s1+$0x0] =	vst.idx.msk vm3, v1;
	v13 =	vor.u32 v8, v13  }
0x38c: {  	_ =	sdelay $0x4  }
0x38d: {  	[tilespmem:v9+s1+$0x0] =	vst.idx.msk vm0, v1  }
0x38e: {  	[tilespmem:v10+s1+$0x0] =	vst.idx.msk vm1, v1  }
0x38f: {  	[tilespmem:v11+s1+$0x0] =	vst.idx.msk vm2, v1  }
0x390: {  	[tilespmem:v12+s1+$0x0] =	vst.idx.msk vm4, v1  }
0x391: {  	s19 =	simm.s32 $0x0;
	[tilespmem:v13+s1+$0x0] =	vst.idx.msk vm5, v1  }
0x392: {  	[hbm4b:s6+s9] =	stream.strided.scatter [tilespmem:s19], [sflag:$0x3], $0xC800, s10, s9, $0x38;
	[tilespmem:$0x1E800] =	vst v63  }
0x393: {  	_ =	swait.ge [sflag:s15], $0xC800  }
0x394: {  	[sflag:s15] =	ssyncset.done $0x0  }
0x395: {  	s21 =	simm.s32 $0x0;
	[sflag:s15] =	ssyncadd.s32 $0xFFFF3800  }
0x396: {  	v9 =	vld [tilespmem:s21+$0x19820]  }
0x397: {  	v10 =	vld [tilespmem:s21+$0x19810]  }
0x398: {  	v11 =	vld [tilespmem:s21+$0x19800]  }
0x399: {  	v12 =	vld [tilespmem:s21+$0x19830]  }
0x39a: {  	v13 =	vld [tilespmem:s21+$0x19850]  }
0x39b: {  	v14 =	vld [tilespmem:s21+$0x19860];
	_ =	sdelay $0x2  }
0x39c: {  	v15 =	vld [tilespmem:s21+$0x19840];
	v9 =	vadd.s32 $0xFFFFFB50, v9  }
0x39d: {  	v10 =	vadd.s32 $0xFFFFFB50, v10;
	v11 =	vadd.s32 $0xFFFFFB50, v11;
	v12 =	vadd.s32 $0xFFFFFB50, v12  }
0x39e: {  	v13 =	vadd.s32 $0xFFFFFB50, v13;
	v14 =	vadd.s32 $0xFFFFFB50, v14;
	vm3 =	vlt.u32 v9, $0x190  }
0x39f: {  	v17 =	vld [tilespmem:s21+$0x19870];
	v9 =	vshll.u32 v9, $0x7;
	vm4 =	vlt.u32 v11, $0x190;
	v11 =	vshll.u32 v11, $0x7  }
0x3a0: {  	v16 =	vshll.u32 v10, $0x7;
	vm5 =	vlt.u32 v10, $0x190;
	v11 =	vor.u32 v0, v11  }
0x3a1: {  	v10 =	vadd.s32 $0xFFFFFB50, v15;
	vm0 =	vlt.u32 v12, $0x190;
	v16 =	vor.u32 v2, v16  }
0x3a2: {  	vm2 =	vlt.u32 v13, $0x190;
	v18 =	vor.u32 v3, v9;
	v9 =	vshll.u32 v12, $0x7  }
0x3a3: {  	vm1 =	vlt.u32 v10, $0x190;
	v10 =	vshll.u32 v10, $0x7;
	v9 =	vor.u32 v4, v9  }
0x3a4: {  	v15 =	vadd.s32 $0xFFFFFB50, v17;
	v12 =	vshll.u32 v13, $0x7;
	v10 =	vor.u32 v5, v10  }
0x3a5: {  	v13 =	vshll.u32 v14, $0x7;
	[tilespmem:v11+s12+$0x0] =	vst.idx.msk vm4, v1;
	v11 =	vor.u32 v6, v12;
	vm4 =	vlt.u32 v14, $0x190  }
0x3a6: {  	v14 =	vshll.u32 v15, $0x7;
	v12 =	vor.u32 v7, v13;
	[tilespmem:v16+s12+$0x0] =	vst.idx.msk vm5, v1;
	vm5 =	vlt.u32 v15, $0x190  }
0x3a7: {  	s19 =	simm.s32 $0x200;
	v13 =	vor.u32 v8, v14;
	[tilespmem:v18+s12+$0x0] =	vst.idx.msk vm3, v1  }
.LBB2_32:
0x3a8: {  	p0 =	sne.s32 s19, $0x13E00;
	[tilespmem:v9+s12+$0x0] =	vst.idx.msk vm0, v1;
	s20 =	smov.u32 s19;
	s19 =	sadd.s32 $0x200, s19  }
0x3a9: {  	[tilespmem:v10+s12+$0x0] =	vst.idx.msk vm1, v1  }
0x3aa: {  	s20 =	sshra.s32 s20, $0x2;
	[tilespmem:v11+s12+$0x0] =	vst.idx.msk vm2, v1  }
0x3ab: {  	[tilespmem:v12+s12+$0x0] =	vst.idx.msk vm4, v1  }
0x3ac: {  	[tilespmem:v13+s12+$0x0] =	vst.idx.msk vm5, v1  }
0x3ad: {  	v9 =	vld [tilespmem:s20+$0x19820]  }
0x3ae: {  	v10 =	vld [tilespmem:s20+$0x19810]  }
0x3af: {  	v11 =	vld [tilespmem:s20+$0x19800]  }
0x3b0: {  	v12 =	vld [tilespmem:s20+$0x19830]  }
0x3b1: {  	v13 =	vld [tilespmem:s20+$0x19850]  }
0x3b2: {  	v14 =	vld [tilespmem:s20+$0x19860];
	v9 =	vadd.s32 $0xFFFFFB50, v9  }
0x3b3: {  	v15 =	vld [tilespmem:s20+$0x19840];
	v10 =	vadd.s32 $0xFFFFFB50, v10;
	vm3 =	vlt.u32 v9, $0x190;
	v9 =	vshll.u32 v9, $0x7  }
0x3b4: {  	v11 =	vadd.s32 $0xFFFFFB50, v11;
	v16 =	vshll.u32 v10, $0x7;
	v17 =	vor.u32 v3, v9  }
0x3b5: {  	v9 =	vadd.s32 $0xFFFFFB50, v12;
	vm4 =	vlt.u32 v11, $0x190;
	v11 =	vshll.u32 v11, $0x7  }
0x3b6: {  	vm5 =	vlt.u32 v10, $0x190;
	v12 =	vld [tilespmem:s20+$0x19870];
	v11 =	vor.u32 v0, v11;
	v10 =	vshll.u32 v9, $0x7  }
0x3b7: {  	v16 =	vor.u32 v2, v16;
	v13 =	vadd.s32 $0xFFFFFB50, v13;
	v14 =	vadd.s32 $0xFFFFFB50, v14  }
0x3b8: {  	vm0 =	vlt.u32 v9, $0x190;
	v18 =	vshll.u32 v13, $0x7;
	v15 =	vadd.s32 $0xFFFFFB50, v15  }
.Ltmp15:
0x3b9: {  	v9 =	vor.u32 v4, v10;
	vm1 =	vlt.u32 v15, $0x190;
	v10 =	vshll.u32 v15, $0x7;
	(pc) =	sbr.rel @p0 .LBB2_32-.Ltmp15, $4  }
0x3ba: {  	vm2 =	vlt.u32 v13, $0x190;
	v13 =	vshll.u32 v14, $0x7;
	v10 =	vor.u32 v5, v10  }
0x3bb: {  	v15 =	vadd.s32 $0xFFFFFB50, v12;
	[tilespmem:v11+s12+$0x0] =	vst.idx.msk vm4, v1;
	v11 =	vor.u32 v6, v18;
	vm4 =	vlt.u32 v14, $0x190  }
0x3bc: {  	v12 =	vor.u32 v7, v13;
	[tilespmem:v16+s12+$0x0] =	vst.idx.msk vm5, v1;
	vm5 =	vlt.u32 v15, $0x190;
	v13 =	vshll.u32 v15, $0x7  }
0x3bd: {  	[tilespmem:v17+s12+$0x0] =	vst.idx.msk vm3, v1;
	v13 =	vor.u32 v8, v13  }
0x3be: {  	_ =	sdelay $0x4  }
0x3bf: {  	[tilespmem:v9+s12+$0x0] =	vst.idx.msk vm0, v1  }
0x3c0: {  	[tilespmem:v10+s12+$0x0] =	vst.idx.msk vm1, v1  }
0x3c1: {  	[tilespmem:v11+s12+$0x0] =	vst.idx.msk vm2, v1  }
0x3c2: {  	[tilespmem:v12+s12+$0x0] =	vst.idx.msk vm4, v1  }
0x3c3: {  	s18 =	sadd.s32 $0x1, s18;
	[tilespmem:v13+s12+$0x0] =	vst.idx.msk vm5, v1  }
0x3c4: {  	[hbm4b:s7+s9] =	stream.strided.scatter [tilespmem:s12], [sflag:$0x4], $0xC800, s10, s9, $0x38;
	[tilespmem:$0x1E800] =	vst v63  }
0x3c5: {  	p0 =	sne.s32 s18, s8;
	_ =	swait.ge [sflag:s16], $0xC800  }
.Ltmp16:
0x3c6: {  	[sflag:s16] =	ssyncset.done $0x0;
	(pc) =	sbr.rel @p0 .LBB2_1-.Ltmp16, $4  }
0x3c7: {  	[sflag:s16] =	ssyncadd.s32 $0xFFFF3800  }
0x3c8: {  	_ =	swait.ge [sflag:s17], $0xC800  }
0x3c9: {  	[sflag:s17] =	ssyncset.done $0x0  }
0x3ca: {  	[sflag:s17] =	ssyncadd.s32 $0xFFFF3800  }
0x3cb: {  	_ =	sfence.sel $0x180000  }
0x3cc: {  	[bflag:$0x0] =	sbarrier.arrive $0xFFFF  }
0x3cd: {  	_ =	strace $0x90000047  }
0x3ce: {  	s0 =	stileid.u32;
	[bflag:$0x2] =	sbarrier.arrive $0xFFFF  }
0x3cf: {  	p0 =	sne.s32 s0, $0x0;
	s0 =	rddreg [dreg:$0x3]  }
0x3d0: {  	s0 =	sadd.s32 @!p0 $0x100000, s0  }
0x3d1: {  	[sflag:s0] =	ssyncadd.tile.s32 @!p0 $0x1;
	_ =	shalt  }
.Lfunc_end2:
_tile_overlayer_lowered:
.L_overlay_start_2:
0x3d2: {  	(tag) =	ssettag $0x2  }
0x3d3: {  	s0 =	rddreg [dreg:$0x0];
	s2 =	stileid.u32  }
0x3d4: {  	s1 =	rddreg [dreg:$0x1];
	p0 =	sne.s32 s2, $0x0  }
0x3d5: {  	s3 =	rddreg [dreg:$0x2];
	[bflag:$0x3] =	sbarrier.arrive $0xFFFF;
	s2 =	simm.s32 @!p0 $0x1C06  }
0x3d6: {  	[timem:s3], [sflag:s2] =	dma.local @!p0 [hbm:s0], s1  }
0x3d7: {  	s0 =	simm.s32 @!p0 $0x6  }
0x3d8: {  	_ =	swait.ge @!p0 [sflag:s0], s1  }
0x3d9: {  	s1 =	ssub.s32 @!p0 $0x0, s1;
	[sflag:s0] =	ssyncset.done @!p0 $0x0  }
0x3da: {  	[sflag:s0] =	ssyncadd.s32 @!p0 s1  }
0x3db: {  	[bflag:$0x3] =	sbarrier.arrive $0xFFFF  }
0x3dc: {  	_ =	shalt  }

</sc_bundles>
